<compile_context>
chip_gen: v7x
topology: tpu7x:2x2x1
jax: 0.10.2.dev20260603
libtpu: 0.0.44.dev20260713+nightly
codegen_flags: <defaults>
</compile_context>

<pallas_src>
import functools

import jax
import jax.numpy as jnp
from jax import lax
from jax.experimental import pallas as pl
from jax.experimental.pallas import tpu as pltpu
from jax.experimental.pallas import tpu_sc as plsc

BATCH = 16384
EMBED = 128
FIELD0 = 100000
NC = 2
NS = 16
NW = NC * NS
BW = BATCH // NW
CH = 128
NCHUNK = BW // CH
NSLOT = 2
LANES = 16
GROUPS = CH // LANES

_mesh = plsc.VectorSubcoreMesh(core_axis_name="c", subcore_axis_name="s")


@functools.partial(
    pl.kernel,
    mesh=_mesh,
    out_type=jax.ShapeDtypeStruct((BATCH,), jnp.float32),
    scratch_types=[
        pltpu.VMEM((BW,), jnp.int32),
        pltpu.VMEM((BW,), jnp.int32),
        pltpu.VMEM((NSLOT * 2 * CH, EMBED), jnp.float32),
        pltpu.VMEM((BW,), jnp.float32),
        pltpu.VMEM((GROUPS * 960,), jnp.float32),
    ] + [pltpu.SemaphoreType.DMA for _ in range(NSLOT)],
)
def _cmf_fwd(iu_hbm, ii_hbm, table_hbm, out_hbm, iu_v, ii_v, rows, ov, shf, *sems):
    wid = lax.axis_index("s") * NC + lax.axis_index("c")
    base = wid * BW
    pltpu.sync_copy(iu_hbm.at[pl.ds(base, BW)], iu_v)
    pltpu.sync_copy(ii_hbm.at[pl.ds(base, BW)], ii_v)

    lanes_iota = lax.iota(jnp.int32, LANES)
    bit_masks = [((lanes_iota >> k) & 1) == 1 for k in range(4)]

    def hshift(x, s, center):
        shf[pl.ds(center, LANES)] = x
        return shf[pl.ds(center - s, LANES)]

    def merge(lo, hi, k, rbase, m):
        hi2 = hi + hshift(hi, 1 << k, rbase + 64 * m + 16)
        lo2 = lo + hshift(lo, -(1 << k), rbase + 64 * m + 40)
        return jnp.where(bit_masks[k], hi2, lo2)

    def fire(c, slot):
        off = slot * 2 * CH
        pltpu.async_copy(
            table_hbm.at[iu_v.at[pl.ds(c * CH, CH)]],
            rows.at[pl.ds(off, CH)], sems[slot])
        pltpu.async_copy(
            table_hbm.at[ii_v.at[pl.ds(c * CH, CH)]],
            rows.at[pl.ds(off + CH, CH)], sems[slot])

    def drain(slot):
        off = slot * 2 * CH
        pltpu.make_async_copy(
            table_hbm.at[pl.ds(0, CH)],
            rows.at[pl.ds(off, CH)], sems[slot]).wait()
        pltpu.make_async_copy(
            table_hbm.at[pl.ds(0, CH)],
            rows.at[pl.ds(off + CH, CH)], sems[slot]).wait()

    fire(0, 0)

    def chunk_body(c, carry):
        slot = c % NSLOT
        off = slot * (2 * CH)

        for s in range(NSLOT):
            @pl.when(slot == s)
            def _(s=s):
                drain(s)

            @pl.when(jnp.logical_and(c + 1 < NCHUNK, slot == s))
            def _(s=s):
                fire(c + 1, (s + 1) % NSLOT)

        @plsc.parallel_loop(0, GROUPS, 1, unroll=2)
        def group(g):
            rbase = g * 960
            vecs = []
            for e in range(LANES):
                bu = off + g * LANES + e
                bv = bu + CH
                acc = rows[bu, pl.ds(0, LANES)] * rows[bv, pl.ds(0, LANES)]
                for dj in range(1, EMBED // LANES):
                    acc = acc + (rows[bu, pl.ds(dj * LANES, LANES)]
                                 * rows[bv, pl.ds(dj * LANES, LANES)])
                vecs.append(acc)
            m = 0
            for k in range(4):
                nxt = []
                for i in range(len(vecs) // 2):
                    nxt.append(merge(vecs[2 * i], vecs[2 * i + 1], k, rbase, m))
                    m += 1
                vecs = nxt
            ov[pl.ds(c * CH + g * LANES, LANES)] = vecs[0]

        return carry

    lax.fori_loop(0, NCHUNK, chunk_body, 0)

    @plsc.parallel_loop(0, BW // LANES, 1, unroll=4)
    def sig(j):
        z = ov[pl.ds(j * LANES, LANES)]
        ov[pl.ds(j * LANES, LANES)] = 1.0 / (1.0 + jnp.exp(-z))
    pltpu.sync_copy(ov, out_hbm.at[pl.ds(base, BW)])


def kernel(x, table):
    x = x.astype(jnp.int32)
    iu = x[:, 0]
    ii = x[:, 1] + jnp.int32(FIELD0)
    return _cmf_fwd(iu, ii, table)

# --- scband reference (transcript-rebuilt; emitter-appended) ---
"""Pipeline reference for scband-cmf-1949915152557 (READ-ONLY COPY).

The authoritative reference and input builder live on the scoring server;
editing this copy changes nothing except your own understanding.
"""

import jax, jax.numpy as jnp
import numpy as np

FIELD_DIMS = [100000, 100000]
EMBED_DIM = 128
BATCH = 16384

def setup_inputs(seed: int = 0) -> dict:
    key = jax.random.key(seed)
    k1, k2 = jax.random.split(key)
    x = jax.random.randint(k1, (BATCH, 2), 0, 100000, dtype=jnp.int64 if jax.config.jax_enable_x64 else jnp.int32)
    table = jax.random.normal(k2, (sum(FIELD_DIMS), EMBED_DIM), dtype=jnp.float32) * 0.01
    return {"x": x, "table": table}

def reference(x, table):
    # FeaturesEmbedding: offsets = cumsum of field_dims (exclusive)
    offsets = jnp.array([0, FIELD_DIMS[0]], dtype=x.dtype)
    idx = x + offsets[None, :]
    embed_x = jnp.take(table, idx, axis=0)  # [B, 2, D]
    user_e = embed_x[:, 0, :]
    item_e = embed_x[:, 1, :]
    # forward_emb: sigmoid(sum(user_e * item_e, dim=1))
    return jax.nn.sigmoid(jnp.sum(user_e * item_e, axis=1))

if __name__ == "__main__":
    import jax
    _d = setup_inputs()
    print(jax.jit(kernel)(*tuple(_d.values())))

</pallas_src>

<mosaic_0001>
#map = affine_map<(d0, d1) -> (0)>
#map1 = affine_map<(d0, d1) -> (0, 0)>
module attributes {stable_mosaic.version = 14 : i64} {
  func.func @_cmf_fwd(%arg0: i32, %arg1: i32, %arg2: memref<16384xi32, #tpu.memory_space<hbm>>, %arg3: memref<16384xi32, #tpu.memory_space<hbm>>, %arg4: memref<200000x128xf32, #tpu.memory_space<hbm>>, %arg5: memref<16384xf32, #tpu.memory_space<hbm>>, %arg6: memref<512xi32, #tpu.memory_space<vmem>>, %arg7: memref<512xi32, #tpu.memory_space<vmem>>, %arg8: memref<512x128xf32, #tpu.memory_space<vmem>>, %arg9: memref<512xf32, #tpu.memory_space<vmem>>, %arg10: memref<7680xf32, #tpu.memory_space<vmem>>, %arg11: memref<!tpu.dma_semaphore, #tpu.memory_space<semaphore_mem>>, %arg12: memref<!tpu.dma_semaphore, #tpu.memory_space<semaphore_mem>>) attributes {dimension_semantics = [#tpu.dimension_semantics<core_parallel>, #tpu.dimension_semantics<subcore_parallel>], iteration_bounds = array<i64: 2, 16>, scalar_prefetch = 0 : i64, scratch_operands = 7 : i64, tpu.core_type = #tpu.core_type<sc_vector_subcore>, window_params = [{transform_indices = #map}, {transform_indices = #map}, {transform_indices = #map1}, {transform_indices = #map}]} {
    %mul3A = arith.constant 2 : i32
    %mul3A_0 = arith.muli %arg1, %mul3A : i32
    %add3A = arith.addi %mul3A_0, %arg0 : i32
    %mul3A_1 = arith.constant 512 : i32
    %mul3A_2 = arith.muli %add3A, %mul3A_1 : i32
    "tpu.region"() ({
      %run_scoped3A = tpu.sem_alloc : memref<!tpu.dma_semaphore, #tpu.memory_space<semaphore_mem>>
      %dma_start3A_58 = tpu.memref_slice %arg2[%mul3A_2] : memref<16384xi32, #tpu.memory_space<hbm>> -> memref<512xi32, #tpu.memory_space<hbm>>
      %dma_start3A_59 = tpu.memref_slice %arg2[%mul3A_2] : memref<16384xi32, #tpu.memory_space<hbm>> -> memref<512xi32, #tpu.memory_space<hbm>>
      tpu.enqueue_dma source(%dma_start3A_59 : memref<512xi32, #tpu.memory_space<hbm>>) target(%arg6 : memref<512xi32, #tpu.memory_space<vmem>>) target_semaphore(%run_scoped3A : memref<!tpu.dma_semaphore, #tpu.memory_space<semaphore_mem>>)
      %dma_wait3A = tpu.memref_slice %arg2[%mul3A_2] : memref<16384xi32, #tpu.memory_space<hbm>> -> memref<512xi32, #tpu.memory_space<hbm>>
      %dma_wait3A_60 = tpu.memref_slice %arg2[%mul3A_2] : memref<16384xi32, #tpu.memory_space<hbm>> -> memref<512xi32, #tpu.memory_space<hbm>>
      tpu.wait_dma2 semaphore(%run_scoped3A : memref<!tpu.dma_semaphore, #tpu.memory_space<semaphore_mem>>) src(%dma_wait3A_60 : memref<512xi32, #tpu.memory_space<hbm>>) dst(%arg6 : memref<512xi32, #tpu.memory_space<vmem>>)
      tpu.yield
    }) : () -> ()
    "tpu.region"() ({
      %run_scoped3A = tpu.sem_alloc : memref<!tpu.dma_semaphore, #tpu.memory_space<semaphore_mem>>
      %dma_start3A_58 = tpu.memref_slice %arg3[%mul3A_2] : memref<16384xi32, #tpu.memory_space<hbm>> -> memref<512xi32, #tpu.memory_space<hbm>>
      %dma_start3A_59 = tpu.memref_slice %arg3[%mul3A_2] : memref<16384xi32, #tpu.memory_space<hbm>> -> memref<512xi32, #tpu.memory_space<hbm>>
      tpu.enqueue_dma source(%dma_start3A_59 : memref<512xi32, #tpu.memory_space<hbm>>) target(%arg7 : memref<512xi32, #tpu.memory_space<vmem>>) target_semaphore(%run_scoped3A : memref<!tpu.dma_semaphore, #tpu.memory_space<semaphore_mem>>)
      %dma_wait3A = tpu.memref_slice %arg3[%mul3A_2] : memref<16384xi32, #tpu.memory_space<hbm>> -> memref<512xi32, #tpu.memory_space<hbm>>
      %dma_wait3A_60 = tpu.memref_slice %arg3[%mul3A_2] : memref<16384xi32, #tpu.memory_space<hbm>> -> memref<512xi32, #tpu.memory_space<hbm>>
      tpu.wait_dma2 semaphore(%run_scoped3A : memref<!tpu.dma_semaphore, #tpu.memory_space<semaphore_mem>>) src(%dma_wait3A_60 : memref<512xi32, #tpu.memory_space<hbm>>) dst(%arg7 : memref<512xi32, #tpu.memory_space<vmem>>)
      tpu.yield
    }) : () -> ()
    %iota3A = tpu.iota {dimensions = array<i32: 0>} : vector<16xi32>
    %shift_right_arithmetic3A = arith.constant 0 : i32
    %shift_right_arithmetic3A_3 = vector.broadcast %shift_right_arithmetic3A : i32 to vector<16xi32>
    %shift_right_arithmetic3A_4 = arith.shrsi %iota3A, %shift_right_arithmetic3A_3 : vector<16xi32>
    %and3A = arith.constant 1 : i32
    %and3A_5 = vector.broadcast %and3A : i32 to vector<16xi32>
    %and3A_6 = arith.andi %shift_right_arithmetic3A_4, %and3A_5 : vector<16xi32>
    %eq3A = arith.constant 1 : i32
    %eq3A_7 = vector.broadcast %eq3A : i32 to vector<16xi32>
    %eq3A_8 = arith.cmpi eq, %and3A_6, %eq3A_7 : vector<16xi32>
    %shift_right_arithmetic3A_9 = arith.constant 1 : i32
    %shift_right_arithmetic3A_10 = vector.broadcast %shift_right_arithmetic3A_9 : i32 to vector<16xi32>
    %shift_right_arithmetic3A_11 = arith.shrsi %iota3A, %shift_right_arithmetic3A_10 : vector<16xi32>
    %and3A_12 = arith.constant 1 : i32
    %and3A_13 = vector.broadcast %and3A_12 : i32 to vector<16xi32>
    %and3A_14 = arith.andi %shift_right_arithmetic3A_11, %and3A_13 : vector<16xi32>
    %eq3A_15 = arith.constant 1 : i32
    %eq3A_16 = vector.broadcast %eq3A_15 : i32 to vector<16xi32>
    %eq3A_17 = arith.cmpi eq, %and3A_14, %eq3A_16 : vector<16xi32>
    %shift_right_arithmetic3A_18 = arith.constant 2 : i32
    %shift_right_arithmetic3A_19 = vector.broadcast %shift_right_arithmetic3A_18 : i32 to vector<16xi32>
    %shift_right_arithmetic3A_20 = arith.shrsi %iota3A, %shift_right_arithmetic3A_19 : vector<16xi32>
    %and3A_21 = arith.constant 1 : i32
    %and3A_22 = vector.broadcast %and3A_21 : i32 to vector<16xi32>
    %and3A_23 = arith.andi %shift_right_arithmetic3A_20, %and3A_22 : vector<16xi32>
    %eq3A_24 = arith.constant 1 : i32
    %eq3A_25 = vector.broadcast %eq3A_24 : i32 to vector<16xi32>
    %eq3A_26 = arith.cmpi eq, %and3A_23, %eq3A_25 : vector<16xi32>
    %shift_right_arithmetic3A_27 = arith.constant 3 : i32
    %shift_right_arithmetic3A_28 = vector.broadcast %shift_right_arithmetic3A_27 : i32 to vector<16xi32>
    %shift_right_arithmetic3A_29 = arith.shrsi %iota3A, %shift_right_arithmetic3A_28 : vector<16xi32>
    %and3A_30 = arith.constant 1 : i32
    %and3A_31 = vector.broadcast %and3A_30 : i32 to vector<16xi32>
    %and3A_32 = arith.andi %shift_right_arithmetic3A_29, %and3A_31 : vector<16xi32>
    %eq3A_33 = arith.constant 1 : i32
    %eq3A_34 = vector.broadcast %eq3A_33 : i32 to vector<16xi32>
    %eq3A_35 = arith.cmpi eq, %and3A_32, %eq3A_34 : vector<16xi32>
    %dma_start3A = arith.constant 0 : i32
    %dma_start3A_36 = arith.constant 0 : i32
    %dma_start3A_37 = tpu.memref_slice %arg8[%dma_start3A, %dma_start3A_36] : memref<512x128xf32, #tpu.memory_space<vmem>> -> memref<128x128xf32, #tpu.memory_space<vmem>>
    %dma_start3A_38 = arith.constant 0 : i32
    %dma_start3A_39 = tpu.memref_slice %arg6[%dma_start3A_38] : memref<512xi32, #tpu.memory_space<vmem>> -> memref<128xi32, #tpu.memory_space<vmem>>
    %dma_start3A_40 = arith.constant 0 : i32
    %dma_start3A_41 = arith.constant 0 : i32
    %dma_start3A_42 = tpu.memref_slice %arg4[%dma_start3A_40, %dma_start3A_41] : memref<200000x128xf32, #tpu.memory_space<hbm>> -> memref<200000x128xf32, #tpu.memory_space<hbm>>
    tpu.enqueue_indirect_dma source(%dma_start3A_42 : memref<200000x128xf32, #tpu.memory_space<hbm>>) target(%dma_start3A_37 : memref<128x128xf32, #tpu.memory_space<vmem>>) offsets(%dma_start3A_39 : memref<128xi32, #tpu.memory_space<vmem>>) semaphore(%arg11 : memref<!tpu.dma_semaphore, #tpu.memory_space<semaphore_mem>>)
    %dma_start3A_43 = arith.constant 128 : i32
    %dma_start3A_44 = arith.constant 0 : i32
    %dma_start3A_45 = tpu.memref_slice %arg8[%dma_start3A_43, %dma_start3A_44] : memref<512x128xf32, #tpu.memory_space<vmem>> -> memref<128x128xf32, #tpu.memory_space<vmem>>
    %dma_start3A_46 = arith.constant 0 : i32
    %dma_start3A_47 = tpu.memref_slice %arg7[%dma_start3A_46] : memref<512xi32, #tpu.memory_space<vmem>> -> memref<128xi32, #tpu.memory_space<vmem>>
    %dma_start3A_48 = arith.constant 0 : i32
    %dma_start3A_49 = arith.constant 0 : i32
    %dma_start3A_50 = tpu.memref_slice %arg4[%dma_start3A_48, %dma_start3A_49] : memref<200000x128xf32, #tpu.memory_space<hbm>> -> memref<200000x128xf32, #tpu.memory_space<hbm>>
    tpu.enqueue_indirect_dma source(%dma_start3A_50 : memref<200000x128xf32, #tpu.memory_space<hbm>>) target(%dma_start3A_45 : memref<128x128xf32, #tpu.memory_space<vmem>>) offsets(%dma_start3A_47 : memref<128xi32, #tpu.memory_space<vmem>>) semaphore(%arg11 : memref<!tpu.dma_semaphore, #tpu.memory_space<semaphore_mem>>)
    %scan3A = arith.constant 0 : i32
    %scan3A_51 = arith.constant 0 : i32
    %scan3A_52 = arith.constant 4 : i32
    %scan3A_53 = arith.addi %scan3A_51, %scan3A_52 : i32
    %scan3A_54 = arith.constant 1 : i32
    scf.for %scan3A_58 = %scan3A_51 to %scan3A_53 step %scan3A_54  : i32 {
      %jit3A = arith.constant 2 : i32
      %eq3A_59 = arith.constant 0 : i32
      %eq3A_60 = arith.cmpi eq, %jit3A, %eq3A_59 : i32
      %jit3A_61 = arith.constant 1 : i32
      %select_n3A = arith.select %eq3A_60, %jit3A_61, %jit3A : i32
      %rem3A = arith.remsi %scan3A_58, %select_n3A : i32
      %ne3A = arith.constant 0 : i32
      %ne3A_62 = arith.cmpi ne, %rem3A, %ne3A : i32
      %lt3A = arith.constant 0 : i32
      %lt3A_63 = arith.cmpi slt, %rem3A, %lt3A : i32
      %lt3A_64 = arith.constant 0 : i32
      %lt3A_65 = arith.cmpi slt, %select_n3A, %lt3A_64 : i32
      %ne3A_66 = arith.xori %lt3A_63, %lt3A_65 : i1
      %and3A_67 = arith.andi %ne3A_66, %ne3A_62 : i1
      %add3A_68 = arith.addi %rem3A, %select_n3A : i32
      %select_n3A_69 = arith.select %and3A_67, %add3A_68, %rem3A : i32
      %mul3A_70 = arith.constant 256 : i32
      %mul3A_71 = arith.muli %select_n3A_69, %mul3A_70 : i32
      %eq3A_72 = arith.constant 0 : i32
      %eq3A_73 = arith.cmpi eq, %select_n3A_69, %eq3A_72 : i32
      %convert_element_type3A = arith.extui %eq3A_73 : i1 to i32
      %cond3A = arith.constant 0 : i32
      %cond3A_74 = arith.cmpi ne, %convert_element_type3A, %cond3A : i32
      scf.if %cond3A_74 {
        %dma_wait3A = arith.constant 0 : i32
        %dma_wait3A_103 = arith.constant 0 : i32
        %dma_wait3A_104 = tpu.memref_slice %arg8[%dma_wait3A, %dma_wait3A_103] : memref<512x128xf32, #tpu.memory_space<vmem>> -> memref<128x128xf32, #tpu.memory_space<vmem>>
        %dma_wait3A_105 = arith.constant 0 : i32
        %dma_wait3A_106 = arith.constant 0 : i32
        %dma_wait3A_107 = tpu.memref_slice %arg4[%dma_wait3A_105, %dma_wait3A_106] : memref<200000x128xf32, #tpu.memory_space<hbm>> -> memref<128x128xf32, #tpu.memory_space<hbm>>
        %dma_wait3A_108 = arith.constant 0 : i32
        %dma_wait3A_109 = arith.constant 0 : i32
        %dma_wait3A_110 = tpu.memref_slice %arg8[%dma_wait3A_108, %dma_wait3A_109] : memref<512x128xf32, #tpu.memory_space<vmem>> -> memref<128x128xf32, #tpu.memory_space<vmem>>
        %dma_wait3A_111 = arith.constant 0 : i32
        %dma_wait3A_112 = arith.constant 0 : i32
        %dma_wait3A_113 = tpu.memref_slice %arg4[%dma_wait3A_111, %dma_wait3A_112] : memref<200000x128xf32, #tpu.memory_space<hbm>> -> memref<128x128xf32, #tpu.memory_space<hbm>>
        tpu.wait_dma2 semaphore(%arg11 : memref<!tpu.dma_semaphore, #tpu.memory_space<semaphore_mem>>) src(%dma_wait3A_113 : memref<128x128xf32, #tpu.memory_space<hbm>>) dst(%dma_wait3A_110 : memref<128x128xf32, #tpu.memory_space<vmem>>)
        %dma_wait3A_114 = arith.constant 128 : i32
        %dma_wait3A_115 = arith.constant 0 : i32
        %dma_wait3A_116 = tpu.memref_slice %arg8[%dma_wait3A_114, %dma_wait3A_115] : memref<512x128xf32, #tpu.memory_space<vmem>> -> memref<128x128xf32, #tpu.memory_space<vmem>>
        %dma_wait3A_117 = arith.constant 0 : i32
        %dma_wait3A_118 = arith.constant 0 : i32
        %dma_wait3A_119 = tpu.memref_slice %arg4[%dma_wait3A_117, %dma_wait3A_118] : memref<200000x128xf32, #tpu.memory_space<hbm>> -> memref<128x128xf32, #tpu.memory_space<hbm>>
        %dma_wait3A_120 = arith.constant 128 : i32
        %dma_wait3A_121 = arith.constant 0 : i32
        %dma_wait3A_122 = tpu.memref_slice %arg8[%dma_wait3A_120, %dma_wait3A_121] : memref<512x128xf32, #tpu.memory_space<vmem>> -> memref<128x128xf32, #tpu.memory_space<vmem>>
        %dma_wait3A_123 = arith.constant 0 : i32
        %dma_wait3A_124 = arith.constant 0 : i32
        %dma_wait3A_125 = tpu.memref_slice %arg4[%dma_wait3A_123, %dma_wait3A_124] : memref<200000x128xf32, #tpu.memory_space<hbm>> -> memref<128x128xf32, #tpu.memory_space<hbm>>
        tpu.wait_dma2 semaphore(%arg11 : memref<!tpu.dma_semaphore, #tpu.memory_space<semaphore_mem>>) src(%dma_wait3A_125 : memref<128x128xf32, #tpu.memory_space<hbm>>) dst(%dma_wait3A_122 : memref<128x128xf32, #tpu.memory_space<vmem>>)
      } else {
      }
      %add3A_75 = arith.constant 1 : i32
      %add3A_76 = arith.addi %scan3A_58, %add3A_75 : i32
      %lt3A_77 = arith.constant 4 : i32
      %lt3A_78 = arith.cmpi slt, %add3A_76, %lt3A_77 : i32
      %eq3A_79 = arith.constant 0 : i32
      %eq3A_80 = arith.cmpi eq, %select_n3A_69, %eq3A_79 : i32
      %and3A_81 = arith.andi %lt3A_78, %eq3A_80 : i1
      %convert_element_type3A_82 = arith.extui %and3A_81 : i1 to i32
      %cond3A_83 = arith.constant 0 : i32
      %cond3A_84 = arith.cmpi ne, %convert_element_type3A_82, %cond3A_83 : i32
      scf.if %cond3A_84 {
        %add3A_103 = arith.constant 1 : i32
        %add3A_104 = arith.addi %scan3A_58, %add3A_103 : i32
        %mul3A_105 = arith.constant 128 : i32
        %mul3A_106 = arith.muli %add3A_104, %mul3A_105 : i32
        %dma_start3A_107 = arith.constant 256 : i32
        %dma_start3A_108 = arith.constant 0 : i32
        %dma_start3A_109 = tpu.memref_slice %arg8[%dma_start3A_107, %dma_start3A_108] : memref<512x128xf32, #tpu.memory_space<vmem>> -> memref<128x128xf32, #tpu.memory_space<vmem>>
        %dma_start3A_110 = tpu.memref_slice %arg6[%mul3A_106] : memref<512xi32, #tpu.memory_space<vmem>> -> memref<128xi32, #tpu.memory_space<vmem>>
        %dma_start3A_111 = arith.constant 0 : i32
        %dma_start3A_112 = arith.constant 0 : i32
        %dma_start3A_113 = tpu.memref_slice %arg4[%dma_start3A_111, %dma_start3A_112] : memref<200000x128xf32, #tpu.memory_space<hbm>> -> memref<200000x128xf32, #tpu.memory_space<hbm>>
        tpu.enqueue_indirect_dma source(%dma_start3A_113 : memref<200000x128xf32, #tpu.memory_space<hbm>>) target(%dma_start3A_109 : memref<128x128xf32, #tpu.memory_space<vmem>>) offsets(%dma_start3A_110 : memref<128xi32, #tpu.memory_space<vmem>>) semaphore(%arg12 : memref<!tpu.dma_semaphore, #tpu.memory_space<semaphore_mem>>)
        %mul3A_114 = arith.constant 128 : i32
        %mul3A_115 = arith.muli %add3A_104, %mul3A_114 : i32
        %dma_start3A_116 = arith.constant 384 : i32
        %dma_start3A_117 = arith.constant 0 : i32
        %dma_start3A_118 = tpu.memref_slice %arg8[%dma_start3A_116, %dma_start3A_117] : memref<512x128xf32, #tpu.memory_space<vmem>> -> memref<128x128xf32, #tpu.memory_space<vmem>>
        %dma_start3A_119 = tpu.memref_slice %arg7[%mul3A_115] : memref<512xi32, #tpu.memory_space<vmem>> -> memref<128xi32, #tpu.memory_space<vmem>>
        %dma_start3A_120 = arith.constant 0 : i32
        %dma_start3A_121 = arith.constant 0 : i32
        %dma_start3A_122 = tpu.memref_slice %arg4[%dma_start3A_120, %dma_start3A_121] : memref<200000x128xf32, #tpu.memory_space<hbm>> -> memref<200000x128xf32, #tpu.memory_space<hbm>>
        tpu.enqueue_indirect_dma source(%dma_start3A_122 : memref<200000x128xf32, #tpu.memory_space<hbm>>) target(%dma_start3A_118 : memref<128x128xf32, #tpu.memory_space<vmem>>) offsets(%dma_start3A_119 : memref<128xi32, #tpu.memory_space<vmem>>) semaphore(%arg12 : memref<!tpu.dma_semaphore, #tpu.memory_space<semaphore_mem>>)
      } else {
      }
      %eq3A_85 = arith.constant 1 : i32
      %eq3A_86 = arith.cmpi eq, %select_n3A_69, %eq3A_85 : i32
      %convert_element_type3A_87 = arith.extui %eq3A_86 : i1 to i32
      %cond3A_88 = arith.constant 0 : i32
      %cond3A_89 = arith.cmpi ne, %convert_element_type3A_87, %cond3A_88 : i32
      scf.if %cond3A_89 {
        %dma_wait3A = arith.constant 256 : i32
        %dma_wait3A_103 = arith.constant 0 : i32
        %dma_wait3A_104 = tpu.memref_slice %arg8[%dma_wait3A, %dma_wait3A_103] : memref<512x128xf32, #tpu.memory_space<vmem>> -> memref<128x128xf32, #tpu.memory_space<vmem>>
        %dma_wait3A_105 = arith.constant 0 : i32
        %dma_wait3A_106 = arith.constant 0 : i32
        %dma_wait3A_107 = tpu.memref_slice %arg4[%dma_wait3A_105, %dma_wait3A_106] : memref<200000x128xf32, #tpu.memory_space<hbm>> -> memref<128x128xf32, #tpu.memory_space<hbm>>
        %dma_wait3A_108 = arith.constant 256 : i32
        %dma_wait3A_109 = arith.constant 0 : i32
        %dma_wait3A_110 = tpu.memref_slice %arg8[%dma_wait3A_108, %dma_wait3A_109] : memref<512x128xf32, #tpu.memory_space<vmem>> -> memref<128x128xf32, #tpu.memory_space<vmem>>
        %dma_wait3A_111 = arith.constant 0 : i32
        %dma_wait3A_112 = arith.constant 0 : i32
        %dma_wait3A_113 = tpu.memref_slice %arg4[%dma_wait3A_111, %dma_wait3A_112] : memref<200000x128xf32, #tpu.memory_space<hbm>> -> memref<128x128xf32, #tpu.memory_space<hbm>>
        tpu.wait_dma2 semaphore(%arg12 : memref<!tpu.dma_semaphore, #tpu.memory_space<semaphore_mem>>) src(%dma_wait3A_113 : memref<128x128xf32, #tpu.memory_space<hbm>>) dst(%dma_wait3A_110 : memref<128x128xf32, #tpu.memory_space<vmem>>)
        %dma_wait3A_114 = arith.constant 384 : i32
        %dma_wait3A_115 = arith.constant 0 : i32
        %dma_wait3A_116 = tpu.memref_slice %arg8[%dma_wait3A_114, %dma_wait3A_115] : memref<512x128xf32, #tpu.memory_space<vmem>> -> memref<128x128xf32, #tpu.memory_space<vmem>>
        %dma_wait3A_117 = arith.constant 0 : i32
        %dma_wait3A_118 = arith.constant 0 : i32
        %dma_wait3A_119 = tpu.memref_slice %arg4[%dma_wait3A_117, %dma_wait3A_118] : memref<200000x128xf32, #tpu.memory_space<hbm>> -> memref<128x128xf32, #tpu.memory_space<hbm>>
        %dma_wait3A_120 = arith.constant 384 : i32
        %dma_wait3A_121 = arith.constant 0 : i32
        %dma_wait3A_122 = tpu.memref_slice %arg8[%dma_wait3A_120, %dma_wait3A_121] : memref<512x128xf32, #tpu.memory_space<vmem>> -> memref<128x128xf32, #tpu.memory_space<vmem>>
        %dma_wait3A_123 = arith.constant 0 : i32
        %dma_wait3A_124 = arith.constant 0 : i32
        %dma_wait3A_125 = tpu.memref_slice %arg4[%dma_wait3A_123, %dma_wait3A_124] : memref<200000x128xf32, #tpu.memory_space<hbm>> -> memref<128x128xf32, #tpu.memory_space<hbm>>
        tpu.wait_dma2 semaphore(%arg12 : memref<!tpu.dma_semaphore, #tpu.memory_space<semaphore_mem>>) src(%dma_wait3A_125 : memref<128x128xf32, #tpu.memory_space<hbm>>) dst(%dma_wait3A_122 : memref<128x128xf32, #tpu.memory_space<vmem>>)
      } else {
      }
      %add3A_90 = arith.constant 1 : i32
      %add3A_91 = arith.addi %scan3A_58, %add3A_90 : i32
      %lt3A_92 = arith.constant 4 : i32
      %lt3A_93 = arith.cmpi slt, %add3A_91, %lt3A_92 : i32
      %eq3A_94 = arith.constant 1 : i32
      %eq3A_95 = arith.cmpi eq, %select_n3A_69, %eq3A_94 : i32
      %and3A_96 = arith.andi %lt3A_93, %eq3A_95 : i1
      %convert_element_type3A_97 = arith.extui %and3A_96 : i1 to i32
      %cond3A_98 = arith.constant 0 : i32
      %cond3A_99 = arith.cmpi ne, %convert_element_type3A_97, %cond3A_98 : i32
      scf.if %cond3A_99 {
        %add3A_103 = arith.constant 1 : i32
        %add3A_104 = arith.addi %scan3A_58, %add3A_103 : i32
        %mul3A_105 = arith.constant 128 : i32
        %mul3A_106 = arith.muli %add3A_104, %mul3A_105 : i32
        %dma_start3A_107 = arith.constant 0 : i32
        %dma_start3A_108 = arith.constant 0 : i32
        %dma_start3A_109 = tpu.memref_slice %arg8[%dma_start3A_107, %dma_start3A_108] : memref<512x128xf32, #tpu.memory_space<vmem>> -> memref<128x128xf32, #tpu.memory_space<vmem>>
        %dma_start3A_110 = tpu.memref_slice %arg6[%mul3A_106] : memref<512xi32, #tpu.memory_space<vmem>> -> memref<128xi32, #tpu.memory_space<vmem>>
        %dma_start3A_111 = arith.constant 0 : i32
        %dma_start3A_112 = arith.constant 0 : i32
        %dma_start3A_113 = tpu.memref_slice %arg4[%dma_start3A_111, %dma_start3A_112] : memref<200000x128xf32, #tpu.memory_space<hbm>> -> memref<200000x128xf32, #tpu.memory_space<hbm>>
        tpu.enqueue_indirect_dma source(%dma_start3A_113 : memref<200000x128xf32, #tpu.memory_space<hbm>>) target(%dma_start3A_109 : memref<128x128xf32, #tpu.memory_space<vmem>>) offsets(%dma_start3A_110 : memref<128xi32, #tpu.memory_space<vmem>>) semaphore(%arg11 : memref<!tpu.dma_semaphore, #tpu.memory_space<semaphore_mem>>)
        %mul3A_114 = arith.constant 128 : i32
        %mul3A_115 = arith.muli %add3A_104, %mul3A_114 : i32
        %dma_start3A_116 = arith.constant 128 : i32
        %dma_start3A_117 = arith.constant 0 : i32
        %dma_start3A_118 = tpu.memref_slice %arg8[%dma_start3A_116, %dma_start3A_117] : memref<512x128xf32, #tpu.memory_space<vmem>> -> memref<128x128xf32, #tpu.memory_space<vmem>>
        %dma_start3A_119 = tpu.memref_slice %arg7[%mul3A_115] : memref<512xi32, #tpu.memory_space<vmem>> -> memref<128xi32, #tpu.memory_space<vmem>>
        %dma_start3A_120 = arith.constant 0 : i32
        %dma_start3A_121 = arith.constant 0 : i32
        %dma_start3A_122 = tpu.memref_slice %arg4[%dma_start3A_120, %dma_start3A_121] : memref<200000x128xf32, #tpu.memory_space<hbm>> -> memref<200000x128xf32, #tpu.memory_space<hbm>>
        tpu.enqueue_indirect_dma source(%dma_start3A_122 : memref<200000x128xf32, #tpu.memory_space<hbm>>) target(%dma_start3A_118 : memref<128x128xf32, #tpu.memory_space<vmem>>) offsets(%dma_start3A_119 : memref<128xi32, #tpu.memory_space<vmem>>) semaphore(%arg11 : memref<!tpu.dma_semaphore, #tpu.memory_space<semaphore_mem>>)
      } else {
      }
      %parallel_loop3A_100 = arith.constant 0 : i32
      %parallel_loop3A_101 = arith.constant 8 : i32
      %parallel_loop3A_102 = arith.constant 1 : i32
      scf.for %parallel_loop3A_103 = %parallel_loop3A_100 to %parallel_loop3A_101 step %parallel_loop3A_102  : i32 {
        %parallel_loop3A_104 = arith.constant 960 : i32
        %parallel_loop3A_105 = arith.muli %parallel_loop3A_103, %parallel_loop3A_104 : i32
        %parallel_loop3A_106 = arith.constant 16 : i32
        %parallel_loop3A_107 = arith.muli %parallel_loop3A_103, %parallel_loop3A_106 : i32
        %parallel_loop3A_108 = arith.addi %mul3A_71, %parallel_loop3A_107 : i32
        %parallel_loop3A_109 = arith.constant 0 : i32
        %parallel_loop3A_110 = arith.addi %parallel_loop3A_108, %parallel_loop3A_109 : i32
        %parallel_loop3A_111 = arith.constant 128 : i32
        %parallel_loop3A_112 = arith.addi %parallel_loop3A_110, %parallel_loop3A_111 : i32
        %parallel_loop3A_113 = arith.index_cast %parallel_loop3A_110 : i32 to index
        %parallel_loop3A_114 = arith.constant 0 : index
        %parallel_loop3A_115 = tpu.vector_load %arg8[%parallel_loop3A_113, %parallel_loop3A_114] {strides = array<i32>} : memref<512x128xf32, #tpu.memory_space<vmem>>, vector<1x16xf32>,
        %parallel_loop3A_116 = vector.shape_cast %parallel_loop3A_115 : vector<1x16xf32> to vector<16xf32>
        %parallel_loop3A_117 = arith.index_cast %parallel_loop3A_112 : i32 to index
        %parallel_loop3A_118 = arith.constant 0 : index
        %parallel_loop3A_119 = tpu.vector_load %arg8[%parallel_loop3A_117, %parallel_loop3A_118] {strides = array<i32>} : memref<512x128xf32, #tpu.memory_space<vmem>>, vector<1x16xf32>,
        %parallel_loop3A_120 = vector.shape_cast %parallel_loop3A_119 : vector<1x16xf32> to vector<16xf32>
        %parallel_loop3A_121 = arith.mulf %parallel_loop3A_116, %parallel_loop3A_120 : vector<16xf32>
        %parallel_loop3A_122 = arith.index_cast %parallel_loop3A_110 : i32 to index
        %parallel_loop3A_123 = arith.constant 16 : index
        %parallel_loop3A_124 = tpu.vector_load %arg8[%parallel_loop3A_122, %parallel_loop3A_123] {strides = array<i32>} : memref<512x128xf32, #tpu.memory_space<vmem>>, vector<1x16xf32>,
        %parallel_loop3A_125 = vector.shape_cast %parallel_loop3A_124 : vector<1x16xf32> to vector<16xf32>
        %parallel_loop3A_126 = arith.index_cast %parallel_loop3A_112 : i32 to index
        %parallel_loop3A_127 = arith.constant 16 : index
        %parallel_loop3A_128 = tpu.vector_load %arg8[%parallel_loop3A_126, %parallel_loop3A_127] {strides = array<i32>} : memref<512x128xf32, #tpu.memory_space<vmem>>, vector<1x16xf32>,
        %parallel_loop3A_129 = vector.shape_cast %parallel_loop3A_128 : vector<1x16xf32> to vector<16xf32>
        %parallel_loop3A_130 = arith.mulf %parallel_loop3A_125, %parallel_loop3A_129 : vector<16xf32>
        %parallel_loop3A_131 = arith.addf %parallel_loop3A_121, %parallel_loop3A_130 : vector<16xf32>
        %parallel_loop3A_132 = arith.index_cast %parallel_loop3A_110 : i32 to index
        %parallel_loop3A_133 = arith.constant 32 : index
        %parallel_loop3A_134 = tpu.vector_load %arg8[%parallel_loop3A_132, %parallel_loop3A_133] {strides = array<i32>} : memref<512x128xf32, #tpu.memory_space<vmem>>, vector<1x16xf32>,
        %parallel_loop3A_135 = vector.shape_cast %parallel_loop3A_134 : vector<1x16xf32> to vector<16xf32>
        %parallel_loop3A_136 = arith.index_cast %parallel_loop3A_112 : i32 to index
        %parallel_loop3A_137 = arith.constant 32 : index
        %parallel_loop3A_138 = tpu.vector_load %arg8[%parallel_loop3A_136, %parallel_loop3A_137] {strides = array<i32>} : memref<512x128xf32, #tpu.memory_space<vmem>>, vector<1x16xf32>,
        %parallel_loop3A_139 = vector.shape_cast %parallel_loop3A_138 : vector<1x16xf32> to vector<16xf32>
        %parallel_loop3A_140 = arith.mulf %parallel_loop3A_135, %parallel_loop3A_139 : vector<16xf32>
        %parallel_loop3A_141 = arith.addf %parallel_loop3A_131, %parallel_loop3A_140 : vector<16xf32>
        %parallel_loop3A_142 = arith.index_cast %parallel_loop3A_110 : i32 to index
        %parallel_loop3A_143 = arith.constant 48 : index
        %parallel_loop3A_144 = tpu.vector_load %arg8[%parallel_loop3A_142, %parallel_loop3A_143] {strides = array<i32>} : memref<512x128xf32, #tpu.memory_space<vmem>>, vector<1x16xf32>,
        %parallel_loop3A_145 = vector.shape_cast %parallel_loop3A_144 : vector<1x16xf32> to vector<16xf32>
        %parallel_loop3A_146 = arith.index_cast %parallel_loop3A_112 : i32 to index
        %parallel_loop3A_147 = arith.constant 48 : index
        %parallel_loop3A_148 = tpu.vector_load %arg8[%parallel_loop3A_146, %parallel_loop3A_147] {strides = array<i32>} : memref<512x128xf32, #tpu.memory_space<vmem>>, vector<1x16xf32>,
        %parallel_loop3A_149 = vector.shape_cast %parallel_loop3A_148 : vector<1x16xf32> to vector<16xf32>
        %parallel_loop3A_150 = arith.mulf %parallel_loop3A_145, %parallel_loop3A_149 : vector<16xf32>
        %parallel_loop3A_151 = arith.addf %parallel_loop3A_141, %parallel_loop3A_150 : vector<16xf32>
        %parallel_loop3A_152 = arith.index_cast %parallel_loop3A_110 : i32 to index
        %parallel_loop3A_153 = arith.constant 64 : index
        %parallel_loop3A_154 = tpu.vector_load %arg8[%parallel_loop3A_152, %parallel_loop3A_153] {strides = array<i32>} : memref<512x128xf32, #tpu.memory_space<vmem>>, vector<1x16xf32>,
        %parallel_loop3A_155 = vector.shape_cast %parallel_loop3A_154 : vector<1x16xf32> to vector<16xf32>
        %parallel_loop3A_156 = arith.index_cast %parallel_loop3A_112 : i32 to index
        %parallel_loop3A_157 = arith.constant 64 : index
        %parallel_loop3A_158 = tpu.vector_load %arg8[%parallel_loop3A_156, %parallel_loop3A_157] {strides = array<i32>} : memref<512x128xf32, #tpu.memory_space<vmem>>, vector<1x16xf32>,
        %parallel_loop3A_159 = vector.shape_cast %parallel_loop3A_158 : vector<1x16xf32> to vector<16xf32>
        %parallel_loop3A_160 = arith.mulf %parallel_loop3A_155, %parallel_loop3A_159 : vector<16xf32>
        %parallel_loop3A_161 = arith.addf %parallel_loop3A_151, %parallel_loop3A_160 : vector<16xf32>
        %parallel_loop3A_162 = arith.index_cast %parallel_loop3A_110 : i32 to index
        %parallel_loop3A_163 = arith.constant 80 : index
        %parallel_loop3A_164 = tpu.vector_load %arg8[%parallel_loop3A_162, %parallel_loop3A_163] {strides = array<i32>} : memref<512x128xf32, #tpu.memory_space<vmem>>, vector<1x16xf32>,
        %parallel_loop3A_165 = vector.shape_cast %parallel_loop3A_164 : vector<1x16xf32> to vector<16xf32>
        %parallel_loop3A_166 = arith.index_cast %parallel_loop3A_112 : i32 to index
        %parallel_loop3A_167 = arith.constant 80 : index
        %parallel_loop3A_168 = tpu.vector_load %arg8[%parallel_loop3A_166, %parallel_loop3A_167] {strides = array<i32>} : memref<512x128xf32, #tpu.memory_space<vmem>>, vector<1x16xf32>,
        %parallel_loop3A_169 = vector.shape_cast %parallel_loop3A_168 : vector<1x16xf32> to vector<16xf32>
        %parallel_loop3A_170 = arith.mulf %parallel_loop3A_165, %parallel_loop3A_169 : vector<16xf32>
        %parallel_loop3A_171 = arith.addf %parallel_loop3A_161, %parallel_loop3A_170 : vector<16xf32>
        %parallel_loop3A_172 = arith.index_cast %parallel_loop3A_110 : i32 to index
        %parallel_loop3A_173 = arith.constant 96 : index
        %parallel_loop3A_174 = tpu.vector_load %arg8[%parallel_loop3A_172, %parallel_loop3A_173] {strides = array<i32>} : memref<512x128xf32, #tpu.memory_space<vmem>>, vector<1x16xf32>,
        %parallel_loop3A_175 = vector.shape_cast %parallel_loop3A_174 : vector<1x16xf32> to vector<16xf32>
        %parallel_loop3A_176 = arith.index_cast %parallel_loop3A_112 : i32 to index
        %parallel_loop3A_177 = arith.constant 96 : index
        %parallel_loop3A_178 = tpu.vector_load %arg8[%parallel_loop3A_176, %parallel_loop3A_177] {strides = array<i32>} : memref<512x128xf32, #tpu.memory_space<vmem>>, vector<1x16xf32>,
        %parallel_loop3A_179 = vector.shape_cast %parallel_loop3A_178 : vector<1x16xf32> to vector<16xf32>
        %parallel_loop3A_180 = arith.mulf %parallel_loop3A_175, %parallel_loop3A_179 : vector<16xf32>
        %parallel_loop3A_181 = arith.addf %parallel_loop3A_171, %parallel_loop3A_180 : vector<16xf32>
        %parallel_loop3A_182 = arith.index_cast %parallel_loop3A_110 : i32 to index
        %parallel_loop3A_183 = arith.constant 112 : index
        %parallel_loop3A_184 = tpu.vector_load %arg8[%parallel_loop3A_182, %parallel_loop3A_183] {strides = array<i32>} : memref<512x128xf32, #tpu.memory_space<vmem>>, vector<1x16xf32>,
        %parallel_loop3A_185 = vector.shape_cast %parallel_loop3A_184 : vector<1x16xf32> to vector<16xf32>
        %parallel_loop3A_186 = arith.index_cast %parallel_loop3A_112 : i32 to index
        %parallel_loop3A_187 = arith.constant 112 : index
        %parallel_loop3A_188 = tpu.vector_load %arg8[%parallel_loop3A_186, %parallel_loop3A_187] {strides = array<i32>} : memref<512x128xf32, #tpu.memory_space<vmem>>, vector<1x16xf32>,
        %parallel_loop3A_189 = vector.shape_cast %parallel_loop3A_188 : vector<1x16xf32> to vector<16xf32>
        %parallel_loop3A_190 = arith.mulf %parallel_loop3A_185, %parallel_loop3A_189 : vector<16xf32>
        %parallel_loop3A_191 = arith.addf %parallel_loop3A_181, %parallel_loop3A_190 : vector<16xf32>
        %parallel_loop3A_192 = arith.constant 16 : i32
        %parallel_loop3A_193 = arith.muli %parallel_loop3A_103, %parallel_loop3A_192 : i32
        %parallel_loop3A_194 = arith.addi %mul3A_71, %parallel_loop3A_193 : i32
        %parallel_loop3A_195 = arith.constant 1 : i32
        %parallel_loop3A_196 = arith.addi %parallel_loop3A_194, %parallel_loop3A_195 : i32
        %parallel_loop3A_197 = arith.constant 128 : i32
        %parallel_loop3A_198 = arith.addi %parallel_loop3A_196, %parallel_loop3A_197 : i32
        %parallel_loop3A_199 = arith.index_cast %parallel_loop3A_196 : i32 to index
        %parallel_loop3A_200 = arith.constant 0 : index
        %parallel_loop3A_201 = tpu.vector_load %arg8[%parallel_loop3A_199, %parallel_loop3A_200] {strides = array<i32>} : memref<512x128xf32, #tpu.memory_space<vmem>>, vector<1x16xf32>,
        %parallel_loop3A_202 = vector.shape_cast %parallel_loop3A_201 : vector<1x16xf32> to vector<16xf32>
        %parallel_loop3A_203 = arith.index_cast %parallel_loop3A_198 : i32 to index
        %parallel_loop3A_204 = arith.constant 0 : index
        %parallel_loop3A_205 = tpu.vector_load %arg8[%parallel_loop3A_203, %parallel_loop3A_204] {strides = array<i32>} : memref<512x128xf32, #tpu.memory_space<vmem>>, vector<1x16xf32>,
        %parallel_loop3A_206 = vector.shape_cast %parallel_loop3A_205 : vector<1x16xf32> to vector<16xf32>
        %parallel_loop3A_207 = arith.mulf %parallel_loop3A_202, %parallel_loop3A_206 : vector<16xf32>
        %parallel_loop3A_208 = arith.index_cast %parallel_loop3A_196 : i32 to index
        %parallel_loop3A_209 = arith.constant 16 : index
        %parallel_loop3A_210 = tpu.vector_load %arg8[%parallel_loop3A_208, %parallel_loop3A_209] {strides = array<i32>} : memref<512x128xf32, #tpu.memory_space<vmem>>, vector<1x16xf32>,
        %parallel_loop3A_211 = vector.shape_cast %parallel_loop3A_210 : vector<1x16xf32> to vector<16xf32>
        %parallel_loop3A_212 = arith.index_cast %parallel_loop3A_198 : i32 to index
        %parallel_loop3A_213 = arith.constant 16 : index
        %parallel_loop3A_214 = tpu.vector_load %arg8[%parallel_loop3A_212, %parallel_loop3A_213] {strides = array<i32>} : memref<512x128xf32, #tpu.memory_space<vmem>>, vector<1x16xf32>,
        %parallel_loop3A_215 = vector.shape_cast %parallel_loop3A_214 : vector<1x16xf32> to vector<16xf32>
        %parallel_loop3A_216 = arith.mulf %parallel_loop3A_211, %parallel_loop3A_215 : vector<16xf32>
        %parallel_loop3A_217 = arith.addf %parallel_loop3A_207, %parallel_loop3A_216 : vector<16xf32>
        %parallel_loop3A_218 = arith.index_cast %parallel_loop3A_196 : i32 to index
        %parallel_loop3A_219 = arith.constant 32 : index
        %parallel_loop3A_220 = tpu.vector_load %arg8[%parallel_loop3A_218, %parallel_loop3A_219] {strides = array<i32>} : memref<512x128xf32, #tpu.memory_space<vmem>>, vector<1x16xf32>,
        %parallel_loop3A_221 = vector.shape_cast %parallel_loop3A_220 : vector<1x16xf32> to vector<16xf32>
        %parallel_loop3A_222 = arith.index_cast %parallel_loop3A_198 : i32 to index
        %parallel_loop3A_223 = arith.constant 32 : index
        %parallel_loop3A_224 = tpu.vector_load %arg8[%parallel_loop3A_222, %parallel_loop3A_223] {strides = array<i32>} : memref<512x128xf32, #tpu.memory_space<vmem>>, vector<1x16xf32>,
        %parallel_loop3A_225 = vector.shape_cast %parallel_loop3A_224 : vector<1x16xf32> to vector<16xf32>
        %parallel_loop3A_226 = arith.mulf %parallel_loop3A_221, %parallel_loop3A_225 : vector<16xf32>
        %parallel_loop3A_227 = arith.addf %parallel_loop3A_217, %parallel_loop3A_226 : vector<16xf32>
        %parallel_loop3A_228 = arith.index_cast %parallel_loop3A_196 : i32 to index
        %parallel_loop3A_229 = arith.constant 48 : index
        %parallel_loop3A_230 = tpu.vector_load %arg8[%parallel_loop3A_228, %parallel_loop3A_229] {strides = array<i32>} : memref<512x128xf32, #tpu.memory_space<vmem>>, vector<1x16xf32>,
        %parallel_loop3A_231 = vector.shape_cast %parallel_loop3A_230 : vector<1x16xf32> to vector<16xf32>
        %parallel_loop3A_232 = arith.index_cast %parallel_loop3A_198 : i32 to index
        %parallel_loop3A_233 = arith.constant 48 : index
        %parallel_loop3A_234 = tpu.vector_load %arg8[%parallel_loop3A_232, %parallel_loop3A_233] {strides = array<i32>} : memref<512x128xf32, #tpu.memory_space<vmem>>, vector<1x16xf32>,
        %parallel_loop3A_235 = vector.shape_cast %parallel_loop3A_234 : vector<1x16xf32> to vector<16xf32>
        %parallel_loop3A_236 = arith.mulf %parallel_loop3A_231, %parallel_loop3A_235 : vector<16xf32>
        %parallel_loop3A_237 = arith.addf %parallel_loop3A_227, %parallel_loop3A_236 : vector<16xf32>
        %parallel_loop3A_238 = arith.index_cast %parallel_loop3A_196 : i32 to index
        %parallel_loop3A_239 = arith.constant 64 : index
        %parallel_loop3A_240 = tpu.vector_load %arg8[%parallel_loop3A_238, %parallel_loop3A_239] {strides = array<i32>} : memref<512x128xf32, #tpu.memory_space<vmem>>, vector<1x16xf32>,
        %parallel_loop3A_241 = vector.shape_cast %parallel_loop3A_240 : vector<1x16xf32> to vector<16xf32>
        %parallel_loop3A_242 = arith.index_cast %parallel_loop3A_198 : i32 to index
        %parallel_loop3A_243 = arith.constant 64 : index
        %parallel_loop3A_244 = tpu.vector_load %arg8[%parallel_loop3A_242, %parallel_loop3A_243] {strides = array<i32>} : memref<512x128xf32, #tpu.memory_space<vmem>>, vector<1x16xf32>,
        %parallel_loop3A_245 = vector.shape_cast %parallel_loop3A_244 : vector<1x16xf32> to vector<16xf32>
        %parallel_loop3A_246 = arith.mulf %parallel_loop3A_241, %parallel_loop3A_245 : vector<16xf32>
        %parallel_loop3A_247 = arith.addf %parallel_loop3A_237, %parallel_loop3A_246 : vector<16xf32>
        %parallel_loop3A_248 = arith.index_cast %parallel_loop3A_196 : i32 to index
        %parallel_loop3A_249 = arith.constant 80 : index
        %parallel_loop3A_250 = tpu.vector_load %arg8[%parallel_loop3A_248, %parallel_loop3A_249] {strides = array<i32>} : memref<512x128xf32, #tpu.memory_space<vmem>>, vector<1x16xf32>,
        %parallel_loop3A_251 = vector.shape_cast %parallel_loop3A_250 : vector<1x16xf32> to vector<16xf32>
        %parallel_loop3A_252 = arith.index_cast %parallel_loop3A_198 : i32 to index
        %parallel_loop3A_253 = arith.constant 80 : index
        %parallel_loop3A_254 = tpu.vector_load %arg8[%parallel_loop3A_252, %parallel_loop3A_253] {strides = array<i32>} : memref<512x128xf32, #tpu.memory_space<vmem>>, vector<1x16xf32>,
        %parallel_loop3A_255 = vector.shape_cast %parallel_loop3A_254 : vector<1x16xf32> to vector<16xf32>
        %parallel_loop3A_256 = arith.mulf %parallel_loop3A_251, %parallel_loop3A_255 : vector<16xf32>
        %parallel_loop3A_257 = arith.addf %parallel_loop3A_247, %parallel_loop3A_256 : vector<16xf32>
        %parallel_loop3A_258 = arith.index_cast %parallel_loop3A_196 : i32 to index
        %parallel_loop3A_259 = arith.constant 96 : index
        %parallel_loop3A_260 = tpu.vector_load %arg8[%parallel_loop3A_258, %parallel_loop3A_259] {strides = array<i32>} : memref<512x128xf32, #tpu.memory_space<vmem>>, vector<1x16xf32>,
        %parallel_loop3A_261 = vector.shape_cast %parallel_loop3A_260 : vector<1x16xf32> to vector<16xf32>
        %parallel_loop3A_262 = arith.index_cast %parallel_loop3A_198 : i32 to index
        %parallel_loop3A_263 = arith.constant 96 : index
        %parallel_loop3A_264 = tpu.vector_load %arg8[%parallel_loop3A_262, %parallel_loop3A_263] {strides = array<i32>} : memref<512x128xf32, #tpu.memory_space<vmem>>, vector<1x16xf32>,
        %parallel_loop3A_265 = vector.shape_cast %parallel_loop3A_264 : vector<1x16xf32> to vector<16xf32>
        %parallel_loop3A_266 = arith.mulf %parallel_loop3A_261, %parallel_loop3A_265 : vector<16xf32>
        %parallel_loop3A_267 = arith.addf %parallel_loop3A_257, %parallel_loop3A_266 : vector<16xf32>
        %parallel_loop3A_268 = arith.index_cast %parallel_loop3A_196 : i32 to index
        %parallel_loop3A_269 = arith.constant 112 : index
        %parallel_loop3A_270 = tpu.vector_load %arg8[%parallel_loop3A_268, %parallel_loop3A_269] {strides = array<i32>} : memref<512x128xf32, #tpu.memory_space<vmem>>, vector<1x16xf32>,
        %parallel_loop3A_271 = vector.shape_cast %parallel_loop3A_270 : vector<1x16xf32> to vector<16xf32>
        %parallel_loop3A_272 = arith.index_cast %parallel_loop3A_198 : i32 to index
        %parallel_loop3A_273 = arith.constant 112 : index
        %parallel_loop3A_274 = tpu.vector_load %arg8[%parallel_loop3A_272, %parallel_loop3A_273] {strides = array<i32>} : memref<512x128xf32, #tpu.memory_space<vmem>>, vector<1x16xf32>,
        %parallel_loop3A_275 = vector.shape_cast %parallel_loop3A_274 : vector<1x16xf32> to vector<16xf32>
        %parallel_loop3A_276 = arith.mulf %parallel_loop3A_271, %parallel_loop3A_275 : vector<16xf32>
        %parallel_loop3A_277 = arith.addf %parallel_loop3A_267, %parallel_loop3A_276 : vector<16xf32>
        %parallel_loop3A_278 = arith.constant 16 : i32
        %parallel_loop3A_279 = arith.muli %parallel_loop3A_103, %parallel_loop3A_278 : i32
        %parallel_loop3A_280 = arith.addi %mul3A_71, %parallel_loop3A_279 : i32
        %parallel_loop3A_281 = arith.constant 2 : i32
        %parallel_loop3A_282 = arith.addi %parallel_loop3A_280, %parallel_loop3A_281 : i32
        %parallel_loop3A_283 = arith.constant 128 : i32
        %parallel_loop3A_284 = arith.addi %parallel_loop3A_282, %parallel_loop3A_283 : i32
        %parallel_loop3A_285 = arith.index_cast %parallel_loop3A_282 : i32 to index
        %parallel_loop3A_286 = arith.constant 0 : index
        %parallel_loop3A_287 = tpu.vector_load %arg8[%parallel_loop3A_285, %parallel_loop3A_286] {strides = array<i32>} : memref<512x128xf32, #tpu.memory_space<vmem>>, vector<1x16xf32>,
        %parallel_loop3A_288 = vector.shape_cast %parallel_loop3A_287 : vector<1x16xf32> to vector<16xf32>
        %parallel_loop3A_289 = arith.index_cast %parallel_loop3A_284 : i32 to index
        %parallel_loop3A_290 = arith.constant 0 : index
        %parallel_loop3A_291 = tpu.vector_load %arg8[%parallel_loop3A_289, %parallel_loop3A_290] {strides = array<i32>} : memref<512x128xf32, #tpu.memory_space<vmem>>, vector<1x16xf32>,
        %parallel_loop3A_292 = vector.shape_cast %parallel_loop3A_291 : vector<1x16xf32> to vector<16xf32>
        %parallel_loop3A_293 = arith.mulf %parallel_loop3A_288, %parallel_loop3A_292 : vector<16xf32>
        %parallel_loop3A_294 = arith.index_cast %parallel_loop3A_282 : i32 to index
        %parallel_loop3A_295 = arith.constant 16 : index
        %parallel_loop3A_296 = tpu.vector_load %arg8[%parallel_loop3A_294, %parallel_loop3A_295] {strides = array<i32>} : memref<512x128xf32, #tpu.memory_space<vmem>>, vector<1x16xf32>,
        %parallel_loop3A_297 = vector.shape_cast %parallel_loop3A_296 : vector<1x16xf32> to vector<16xf32>
        %parallel_loop3A_298 = arith.index_cast %parallel_loop3A_284 : i32 to index
        %parallel_loop3A_299 = arith.constant 16 : index
        %parallel_loop3A_300 = tpu.vector_load %arg8[%parallel_loop3A_298, %parallel_loop3A_299] {strides = array<i32>} : memref<512x128xf32, #tpu.memory_space<vmem>>, vector<1x16xf32>,
        %parallel_loop3A_301 = vector.shape_cast %parallel_loop3A_300 : vector<1x16xf32> to vector<16xf32>
        %parallel_loop3A_302 = arith.mulf %parallel_loop3A_297, %parallel_loop3A_301 : vector<16xf32>
        %parallel_loop3A_303 = arith.addf %parallel_loop3A_293, %parallel_loop3A_302 : vector<16xf32>
        %parallel_loop3A_304 = arith.index_cast %parallel_loop3A_282 : i32 to index
        %parallel_loop3A_305 = arith.constant 32 : index
        %parallel_loop3A_306 = tpu.vector_load %arg8[%parallel_loop3A_304, %parallel_loop3A_305] {strides = array<i32>} : memref<512x128xf32, #tpu.memory_space<vmem>>, vector<1x16xf32>,
        %parallel_loop3A_307 = vector.shape_cast %parallel_loop3A_306 : vector<1x16xf32> to vector<16xf32>
        %parallel_loop3A_308 = arith.index_cast %parallel_loop3A_284 : i32 to index
        %parallel_loop3A_309 = arith.constant 32 : index
        %parallel_loop3A_310 = tpu.vector_load %arg8[%parallel_loop3A_308, %parallel_loop3A_309] {strides = array<i32>} : memref<512x128xf32, #tpu.memory_space<vmem>>, vector<1x16xf32>,
        %parallel_loop3A_311 = vector.shape_cast %parallel_loop3A_310 : vector<1x16xf32> to vector<16xf32>
        %parallel_loop3A_312 = arith.mulf %parallel_loop3A_307, %parallel_loop3A_311 : vector<16xf32>
        %parallel_loop3A_313 = arith.addf %parallel_loop3A_303, %parallel_loop3A_312 : vector<16xf32>
        %parallel_loop3A_314 = arith.index_cast %parallel_loop3A_282 : i32 to index
        %parallel_loop3A_315 = arith.constant 48 : index
        %parallel_loop3A_316 = tpu.vector_load %arg8[%parallel_loop3A_314, %parallel_loop3A_315] {strides = array<i32>} : memref<512x128xf32, #tpu.memory_space<vmem>>, vector<1x16xf32>,
        %parallel_loop3A_317 = vector.shape_cast %parallel_loop3A_316 : vector<1x16xf32> to vector<16xf32>
        %parallel_loop3A_318 = arith.index_cast %parallel_loop3A_284 : i32 to index
        %parallel_loop3A_319 = arith.constant 48 : index
        %parallel_loop3A_320 = tpu.vector_load %arg8[%parallel_loop3A_318, %parallel_loop3A_319] {strides = array<i32>} : memref<512x128xf32, #tpu.memory_space<vmem>>, vector<1x16xf32>,
        %parallel_loop3A_321 = vector.shape_cast %parallel_loop3A_320 : vector<1x16xf32> to vector<16xf32>
        %parallel_loop3A_322 = arith.mulf %parallel_loop3A_317, %parallel_loop3A_321 : vector<16xf32>
        %parallel_loop3A_323 = arith.addf %parallel_loop3A_313, %parallel_loop3A_322 : vector<16xf32>
        %parallel_loop3A_324 = arith.index_cast %parallel_loop3A_282 : i32 to index
        %parallel_loop3A_325 = arith.constant 64 : index
        %parallel_loop3A_326 = tpu.vector_load %arg8[%parallel_loop3A_324, %parallel_loop3A_325] {strides = array<i32>} : memref<512x128xf32, #tpu.memory_space<vmem>>, vector<1x16xf32>,
        %parallel_loop3A_327 = vector.shape_cast %parallel_loop3A_326 : vector<1x16xf32> to vector<16xf32>
        %parallel_loop3A_328 = arith.index_cast %parallel_loop3A_284 : i32 to index
        %parallel_loop3A_329 = arith.constant 64 : index
        %parallel_loop3A_330 = tpu.vector_load %arg8[%parallel_loop3A_328, %parallel_loop3A_329] {strides = array<i32>} : memref<512x128xf32, #tpu.memory_space<vmem>>, vector<1x16xf32>,
        %parallel_loop3A_331 = vector.shape_cast %parallel_loop3A_330 : vector<1x16xf32> to vector<16xf32>
        %parallel_loop3A_332 = arith.mulf %parallel_loop3A_327, %parallel_loop3A_331 : vector<16xf32>
        %parallel_loop3A_333 = arith.addf %parallel_loop3A_323, %parallel_loop3A_332 : vector<16xf32>
        %parallel_loop3A_334 = arith.index_cast %parallel_loop3A_282 : i32 to index
        %parallel_loop3A_335 = arith.constant 80 : index
        %parallel_loop3A_336 = tpu.vector_load %arg8[%parallel_loop3A_334, %parallel_loop3A_335] {strides = array<i32>} : memref<512x128xf32, #tpu.memory_space<vmem>>, vector<1x16xf32>,
        %parallel_loop3A_337 = vector.shape_cast %parallel_loop3A_336 : vector<1x16xf32> to vector<16xf32>
        %parallel_loop3A_338 = arith.index_cast %parallel_loop3A_284 : i32 to index
        %parallel_loop3A_339 = arith.constant 80 : index
        %parallel_loop3A_340 = tpu.vector_load %arg8[%parallel_loop3A_338, %parallel_loop3A_339] {strides = array<i32>} : memref<512x128xf32, #tpu.memory_space<vmem>>, vector<1x16xf32>,
        %parallel_loop3A_341 = vector.shape_cast %parallel_loop3A_340 : vector<1x16xf32> to vector<16xf32>
        %parallel_loop3A_342 = arith.mulf %parallel_loop3A_337, %parallel_loop3A_341 : vector<16xf32>
        %parallel_loop3A_343 = arith.addf %parallel_loop3A_333, %parallel_loop3A_342 : vector<16xf32>
        %parallel_loop3A_344 = arith.index_cast %parallel_loop3A_282 : i32 to index
        %parallel_loop3A_345 = arith.constant 96 : index
        %parallel_loop3A_346 = tpu.vector_load %arg8[%parallel_loop3A_344, %parallel_loop3A_345] {strides = array<i32>} : memref<512x128xf32, #tpu.memory_space<vmem>>, vector<1x16xf32>,
        %parallel_loop3A_347 = vector.shape_cast %parallel_loop3A_346 : vector<1x16xf32> to vector<16xf32>
        %parallel_loop3A_348 = arith.index_cast %parallel_loop3A_284 : i32 to index
        %parallel_loop3A_349 = arith.constant 96 : index
        %parallel_loop3A_350 = tpu.vector_load %arg8[%parallel_loop3A_348, %parallel_loop3A_349] {strides = array<i32>} : memref<512x128xf32, #tpu.memory_space<vmem>>, vector<1x16xf32>,
        %parallel_loop3A_351 = vector.shape_cast %parallel_loop3A_350 : vector<1x16xf32> to vector<16xf32>
        %parallel_loop3A_352 = arith.mulf %parallel_loop3A_347, %parallel_loop3A_351 : vector<16xf32>
        %parallel_loop3A_353 = arith.addf %parallel_loop3A_343, %parallel_loop3A_352 : vector<16xf32>
        %parallel_loop3A_354 = arith.index_cast %parallel_loop3A_282 : i32 to index
        %parallel_loop3A_355 = arith.constant 112 : index
        %parallel_loop3A_356 = tpu.vector_load %arg8[%parallel_loop3A_354, %parallel_loop3A_355] {strides = array<i32>} : memref<512x128xf32, #tpu.memory_space<vmem>>, vector<1x16xf32>,
        %parallel_loop3A_357 = vector.shape_cast %parallel_loop3A_356 : vector<1x16xf32> to vector<16xf32>
        %parallel_loop3A_358 = arith.index_cast %parallel_loop3A_284 : i32 to index
        %parallel_loop3A_359 = arith.constant 112 : index
        %parallel_loop3A_360 = tpu.vector_load %arg8[%parallel_loop3A_358, %parallel_loop3A_359] {strides = array<i32>} : memref<512x128xf32, #tpu.memory_space<vmem>>, vector<1x16xf32>,
        %parallel_loop3A_361 = vector.shape_cast %parallel_loop3A_360 : vector<1x16xf32> to vector<16xf32>
        %parallel_loop3A_362 = arith.mulf %parallel_loop3A_357, %parallel_loop3A_361 : vector<16xf32>
        %parallel_loop3A_363 = arith.addf %parallel_loop3A_353, %parallel_loop3A_362 : vector<16xf32>
        %parallel_loop3A_364 = arith.constant 16 : i32
        %parallel_loop3A_365 = arith.muli %parallel_loop3A_103, %parallel_loop3A_364 : i32
        %parallel_loop3A_366 = arith.addi %mul3A_71, %parallel_loop3A_365 : i32
        %parallel_loop3A_367 = arith.constant 3 : i32
        %parallel_loop3A_368 = arith.addi %parallel_loop3A_366, %parallel_loop3A_367 : i32
        %parallel_loop3A_369 = arith.constant 128 : i32
        %parallel_loop3A_370 = arith.addi %parallel_loop3A_368, %parallel_loop3A_369 : i32
        %parallel_loop3A_371 = arith.index_cast %parallel_loop3A_368 : i32 to index
        %parallel_loop3A_372 = arith.constant 0 : index
        %parallel_loop3A_373 = tpu.vector_load %arg8[%parallel_loop3A_371, %parallel_loop3A_372] {strides = array<i32>} : memref<512x128xf32, #tpu.memory_space<vmem>>, vector<1x16xf32>,
        %parallel_loop3A_374 = vector.shape_cast %parallel_loop3A_373 : vector<1x16xf32> to vector<16xf32>
        %parallel_loop3A_375 = arith.index_cast %parallel_loop3A_370 : i32 to index
        %parallel_loop3A_376 = arith.constant 0 : index
        %parallel_loop3A_377 = tpu.vector_load %arg8[%parallel_loop3A_375, %parallel_loop3A_376] {strides = array<i32>} : memref<512x128xf32, #tpu.memory_space<vmem>>, vector<1x16xf32>,
        %parallel_loop3A_378 = vector.shape_cast %parallel_loop3A_377 : vector<1x16xf32> to vector<16xf32>
        %parallel_loop3A_379 = arith.mulf %parallel_loop3A_374, %parallel_loop3A_378 : vector<16xf32>
        %parallel_loop3A_380 = arith.index_cast %parallel_loop3A_368 : i32 to index
        %parallel_loop3A_381 = arith.constant 16 : index
        %parallel_loop3A_382 = tpu.vector_load %arg8[%parallel_loop3A_380, %parallel_loop3A_381] {strides = array<i32>} : memref<512x128xf32, #tpu.memory_space<vmem>>, vector<1x16xf32>,
        %parallel_loop3A_383 = vector.shape_cast %parallel_loop3A_382 : vector<1x16xf32> to vector<16xf32>
        %parallel_loop3A_384 = arith.index_cast %parallel_loop3A_370 : i32 to index
        %parallel_loop3A_385 = arith.constant 16 : index
        %parallel_loop3A_386 = tpu.vector_load %arg8[%parallel_loop3A_384, %parallel_loop3A_385] {strides = array<i32>} : memref<512x128xf32, #tpu.memory_space<vmem>>, vector<1x16xf32>,
        %parallel_loop3A_387 = vector.shape_cast %parallel_loop3A_386 : vector<1x16xf32> to vector<16xf32>
        %parallel_loop3A_388 = arith.mulf %parallel_loop3A_383, %parallel_loop3A_387 : vector<16xf32>
        %parallel_loop3A_389 = arith.addf %parallel_loop3A_379, %parallel_loop3A_388 : vector<16xf32>
        %parallel_loop3A_390 = arith.index_cast %parallel_loop3A_368 : i32 to index
        %parallel_loop3A_391 = arith.constant 32 : index
        %parallel_loop3A_392 = tpu.vector_load %arg8[%parallel_loop3A_390, %parallel_loop3A_391] {strides = array<i32>} : memref<512x128xf32, #tpu.memory_space<vmem>>, vector<1x16xf32>,
        %parallel_loop3A_393 = vector.shape_cast %parallel_loop3A_392 : vector<1x16xf32> to vector<16xf32>
        %parallel_loop3A_394 = arith.index_cast %parallel_loop3A_370 : i32 to index
        %parallel_loop3A_395 = arith.constant 32 : index
        %parallel_loop3A_396 = tpu.vector_load %arg8[%parallel_loop3A_394, %parallel_loop3A_395] {strides = array<i32>} : memref<512x128xf32, #tpu.memory_space<vmem>>, vector<1x16xf32>,
        %parallel_loop3A_397 = vector.shape_cast %parallel_loop3A_396 : vector<1x16xf32> to vector<16xf32>
        %parallel_loop3A_398 = arith.mulf %parallel_loop3A_393, %parallel_loop3A_397 : vector<16xf32>
        %parallel_loop3A_399 = arith.addf %parallel_loop3A_389, %parallel_loop3A_398 : vector<16xf32>
        %parallel_loop3A_400 = arith.index_cast %parallel_loop3A_368 : i32 to index
        %parallel_loop3A_401 = arith.constant 48 : index
        %parallel_loop3A_402 = tpu.vector_load %arg8[%parallel_loop3A_400, %parallel_loop3A_401] {strides = array<i32>} : memref<512x128xf32, #tpu.memory_space<vmem>>, vector<1x16xf32>,
        %parallel_loop3A_403 = vector.shape_cast %parallel_loop3A_402 : vector<1x16xf32> to vector<16xf32>
        %parallel_loop3A_404 = arith.index_cast %parallel_loop3A_370 : i32 to index
        %parallel_loop3A_405 = arith.constant 48 : index
        %parallel_loop3A_406 = tpu.vector_load %arg8[%parallel_loop3A_404, %parallel_loop3A_405] {strides = array<i32>} : memref<512x128xf32, #tpu.memory_space<vmem>>, vector<1x16xf32>,
        %parallel_loop3A_407 = vector.shape_cast %parallel_loop3A_406 : vector<1x16xf32> to vector<16xf32>
        %parallel_loop3A_408 = arith.mulf %parallel_loop3A_403, %parallel_loop3A_407 : vector<16xf32>
        %parallel_loop3A_409 = arith.addf %parallel_loop3A_399, %parallel_loop3A_408 : vector<16xf32>
        %parallel_loop3A_410 = arith.index_cast %parallel_loop3A_368 : i32 to index
        %parallel_loop3A_411 = arith.constant 64 : index
        %parallel_loop3A_412 = tpu.vector_load %arg8[%parallel_loop3A_410, %parallel_loop3A_411] {strides = array<i32>} : memref<512x128xf32, #tpu.memory_space<vmem>>, vector<1x16xf32>,
        %parallel_loop3A_413 = vector.shape_cast %parallel_loop3A_412 : vector<1x16xf32> to vector<16xf32>
        %parallel_loop3A_414 = arith.index_cast %parallel_loop3A_370 : i32 to index
        %parallel_loop3A_415 = arith.constant 64 : index
        %parallel_loop3A_416 = tpu.vector_load %arg8[%parallel_loop3A_414, %parallel_loop3A_415] {strides = array<i32>} : memref<512x128xf32, #tpu.memory_space<vmem>>, vector<1x16xf32>,
        %parallel_loop3A_417 = vector.shape_cast %parallel_loop3A_416 : vector<1x16xf32> to vector<16xf32>
        %parallel_loop3A_418 = arith.mulf %parallel_loop3A_413, %parallel_loop3A_417 : vector<16xf32>
        %parallel_loop3A_419 = arith.addf %parallel_loop3A_409, %parallel_loop3A_418 : vector<16xf32>
        %parallel_loop3A_420 = arith.index_cast %parallel_loop3A_368 : i32 to index
        %parallel_loop3A_421 = arith.constant 80 : index
        %parallel_loop3A_422 = tpu.vector_load %arg8[%parallel_loop3A_420, %parallel_loop3A_421] {strides = array<i32>} : memref<512x128xf32, #tpu.memory_space<vmem>>, vector<1x16xf32>,
        %parallel_loop3A_423 = vector.shape_cast %parallel_loop3A_422 : vector<1x16xf32> to vector<16xf32>
        %parallel_loop3A_424 = arith.index_cast %parallel_loop3A_370 : i32 to index
        %parallel_loop3A_425 = arith.constant 80 : index
        %parallel_loop3A_426 = tpu.vector_load %arg8[%parallel_loop3A_424, %parallel_loop3A_425] {strides = array<i32>} : memref<512x128xf32, #tpu.memory_space<vmem>>, vector<1x16xf32>,
        %parallel_loop3A_427 = vector.shape_cast %parallel_loop3A_426 : vector<1x16xf32> to vector<16xf32>
        %parallel_loop3A_428 = arith.mulf %parallel_loop3A_423, %parallel_loop3A_427 : vector<16xf32>
        %parallel_loop3A_429 = arith.addf %parallel_loop3A_419, %parallel_loop3A_428 : vector<16xf32>
        %parallel_loop3A_430 = arith.index_cast %parallel_loop3A_368 : i32 to index
        %parallel_loop3A_431 = arith.constant 96 : index
        %parallel_loop3A_432 = tpu.vector_load %arg8[%parallel_loop3A_430, %parallel_loop3A_431] {strides = array<i32>} : memref<512x128xf32, #tpu.memory_space<vmem>>, vector<1x16xf32>,
        %parallel_loop3A_433 = vector.shape_cast %parallel_loop3A_432 : vector<1x16xf32> to vector<16xf32>
        %parallel_loop3A_434 = arith.index_cast %parallel_loop3A_370 : i32 to index
        %parallel_loop3A_435 = arith.constant 96 : index
        %parallel_loop3A_436 = tpu.vector_load %arg8[%parallel_loop3A_434, %parallel_loop3A_435] {strides = array<i32>} : memref<512x128xf32, #tpu.memory_space<vmem>>, vector<1x16xf32>,
        %parallel_loop3A_437 = vector.shape_cast %parallel_loop3A_436 : vector<1x16xf32> to vector<16xf32>
        %parallel_loop3A_438 = arith.mulf %parallel_loop3A_433, %parallel_loop3A_437 : vector<16xf32>
        %parallel_loop3A_439 = arith.addf %parallel_loop3A_429, %parallel_loop3A_438 : vector<16xf32>
        %parallel_loop3A_440 = arith.index_cast %parallel_loop3A_368 : i32 to index
        %parallel_loop3A_441 = arith.constant 112 : index
        %parallel_loop3A_442 = tpu.vector_load %arg8[%parallel_loop3A_440, %parallel_loop3A_441] {strides = array<i32>} : memref<512x128xf32, #tpu.memory_space<vmem>>, vector<1x16xf32>,
        %parallel_loop3A_443 = vector.shape_cast %parallel_loop3A_442 : vector<1x16xf32> to vector<16xf32>
        %parallel_loop3A_444 = arith.index_cast %parallel_loop3A_370 : i32 to index
        %parallel_loop3A_445 = arith.constant 112 : index
        %parallel_loop3A_446 = tpu.vector_load %arg8[%parallel_loop3A_444, %parallel_loop3A_445] {strides = array<i32>} : memref<512x128xf32, #tpu.memory_space<vmem>>, vector<1x16xf32>,
        %parallel_loop3A_447 = vector.shape_cast %parallel_loop3A_446 : vector<1x16xf32> to vector<16xf32>
        %parallel_loop3A_448 = arith.mulf %parallel_loop3A_443, %parallel_loop3A_447 : vector<16xf32>
        %parallel_loop3A_449 = arith.addf %parallel_loop3A_439, %parallel_loop3A_448 : vector<16xf32>
        %parallel_loop3A_450 = arith.constant 16 : i32
        %parallel_loop3A_451 = arith.muli %parallel_loop3A_103, %parallel_loop3A_450 : i32
        %parallel_loop3A_452 = arith.addi %mul3A_71, %parallel_loop3A_451 : i32
        %parallel_loop3A_453 = arith.constant 4 : i32
        %parallel_loop3A_454 = arith.addi %parallel_loop3A_452, %parallel_loop3A_453 : i32
        %parallel_loop3A_455 = arith.constant 128 : i32
        %parallel_loop3A_456 = arith.addi %parallel_loop3A_454, %parallel_loop3A_455 : i32
        %parallel_loop3A_457 = arith.index_cast %parallel_loop3A_454 : i32 to index
        %parallel_loop3A_458 = arith.constant 0 : index
        %parallel_loop3A_459 = tpu.vector_load %arg8[%parallel_loop3A_457, %parallel_loop3A_458] {strides = array<i32>} : memref<512x128xf32, #tpu.memory_space<vmem>>, vector<1x16xf32>,
        %parallel_loop3A_460 = vector.shape_cast %parallel_loop3A_459 : vector<1x16xf32> to vector<16xf32>
        %parallel_loop3A_461 = arith.index_cast %parallel_loop3A_456 : i32 to index
        %parallel_loop3A_462 = arith.constant 0 : index
        %parallel_loop3A_463 = tpu.vector_load %arg8[%parallel_loop3A_461, %parallel_loop3A_462] {strides = array<i32>} : memref<512x128xf32, #tpu.memory_space<vmem>>, vector<1x16xf32>,
        %parallel_loop3A_464 = vector.shape_cast %parallel_loop3A_463 : vector<1x16xf32> to vector<16xf32>
        %parallel_loop3A_465 = arith.mulf %parallel_loop3A_460, %parallel_loop3A_464 : vector<16xf32>
        %parallel_loop3A_466 = arith.index_cast %parallel_loop3A_454 : i32 to index
        %parallel_loop3A_467 = arith.constant 16 : index
        %parallel_loop3A_468 = tpu.vector_load %arg8[%parallel_loop3A_466, %parallel_loop3A_467] {strides = array<i32>} : memref<512x128xf32, #tpu.memory_space<vmem>>, vector<1x16xf32>,
        %parallel_loop3A_469 = vector.shape_cast %parallel_loop3A_468 : vector<1x16xf32> to vector<16xf32>
        %parallel_loop3A_470 = arith.index_cast %parallel_loop3A_456 : i32 to index
        %parallel_loop3A_471 = arith.constant 16 : index
        %parallel_loop3A_472 = tpu.vector_load %arg8[%parallel_loop3A_470, %parallel_loop3A_471] {strides = array<i32>} : memref<512x128xf32, #tpu.memory_space<vmem>>, vector<1x16xf32>,
        %parallel_loop3A_473 = vector.shape_cast %parallel_loop3A_472 : vector<1x16xf32> to vector<16xf32>
        %parallel_loop3A_474 = arith.mulf %parallel_loop3A_469, %parallel_loop3A_473 : vector<16xf32>
        %parallel_loop3A_475 = arith.addf %parallel_loop3A_465, %parallel_loop3A_474 : vector<16xf32>
        %parallel_loop3A_476 = arith.index_cast %parallel_loop3A_454 : i32 to index
        %parallel_loop3A_477 = arith.constant 32 : index
        %parallel_loop3A_478 = tpu.vector_load %arg8[%parallel_loop3A_476, %parallel_loop3A_477] {strides = array<i32>} : memref<512x128xf32, #tpu.memory_space<vmem>>, vector<1x16xf32>,
        %parallel_loop3A_479 = vector.shape_cast %parallel_loop3A_478 : vector<1x16xf32> to vector<16xf32>
        %parallel_loop3A_480 = arith.index_cast %parallel_loop3A_456 : i32 to index
        %parallel_loop3A_481 = arith.constant 32 : index
        %parallel_loop3A_482 = tpu.vector_load %arg8[%parallel_loop3A_480, %parallel_loop3A_481] {strides = array<i32>} : memref<512x128xf32, #tpu.memory_space<vmem>>, vector<1x16xf32>,
        %parallel_loop3A_483 = vector.shape_cast %parallel_loop3A_482 : vector<1x16xf32> to vector<16xf32>
        %parallel_loop3A_484 = arith.mulf %parallel_loop3A_479, %parallel_loop3A_483 : vector<16xf32>
        %parallel_loop3A_485 = arith.addf %parallel_loop3A_475, %parallel_loop3A_484 : vector<16xf32>
        %parallel_loop3A_486 = arith.index_cast %parallel_loop3A_454 : i32 to index
        %parallel_loop3A_487 = arith.constant 48 : index
        %parallel_loop3A_488 = tpu.vector_load %arg8[%parallel_loop3A_486, %parallel_loop3A_487] {strides = array<i32>} : memref<512x128xf32, #tpu.memory_space<vmem>>, vector<1x16xf32>,
        %parallel_loop3A_489 = vector.shape_cast %parallel_loop3A_488 : vector<1x16xf32> to vector<16xf32>
        %parallel_loop3A_490 = arith.index_cast %parallel_loop3A_456 : i32 to index
        %parallel_loop3A_491 = arith.constant 48 : index
        %parallel_loop3A_492 = tpu.vector_load %arg8[%parallel_loop3A_490, %parallel_loop3A_491] {strides = array<i32>} : memref<512x128xf32, #tpu.memory_space<vmem>>, vector<1x16xf32>,
        %parallel_loop3A_493 = vector.shape_cast %parallel_loop3A_492 : vector<1x16xf32> to vector<16xf32>
        %parallel_loop3A_494 = arith.mulf %parallel_loop3A_489, %parallel_loop3A_493 : vector<16xf32>
        %parallel_loop3A_495 = arith.addf %parallel_loop3A_485, %parallel_loop3A_494 : vector<16xf32>
        %parallel_loop3A_496 = arith.index_cast %parallel_loop3A_454 : i32 to index
        %parallel_loop3A_497 = arith.constant 64 : index
        %parallel_loop3A_498 = tpu.vector_load %arg8[%parallel_loop3A_496, %parallel_loop3A_497] {strides = array<i32>} : memref<512x128xf32, #tpu.memory_space<vmem>>, vector<1x16xf32>,
        %parallel_loop3A_499 = vector.shape_cast %parallel_loop3A_498 : vector<1x16xf32> to vector<16xf32>
        %parallel_loop3A_500 = arith.index_cast %parallel_loop3A_456 : i32 to index
        %parallel_loop3A_501 = arith.constant 64 : index
        %parallel_loop3A_502 = tpu.vector_load %arg8[%parallel_loop3A_500, %parallel_loop3A_501] {strides = array<i32>} : memref<512x128xf32, #tpu.memory_space<vmem>>, vector<1x16xf32>,
        %parallel_loop3A_503 = vector.shape_cast %parallel_loop3A_502 : vector<1x16xf32> to vector<16xf32>
        %parallel_loop3A_504 = arith.mulf %parallel_loop3A_499, %parallel_loop3A_503 : vector<16xf32>
        %parallel_loop3A_505 = arith.addf %parallel_loop3A_495, %parallel_loop3A_504 : vector<16xf32>
        %parallel_loop3A_506 = arith.index_cast %parallel_loop3A_454 : i32 to index
        %parallel_loop3A_507 = arith.constant 80 : index
        %parallel_loop3A_508 = tpu.vector_load %arg8[%parallel_loop3A_506, %parallel_loop3A_507] {strides = array<i32>} : memref<512x128xf32, #tpu.memory_space<vmem>>, vector<1x16xf32>,
        %parallel_loop3A_509 = vector.shape_cast %parallel_loop3A_508 : vector<1x16xf32> to vector<16xf32>
        %parallel_loop3A_510 = arith.index_cast %parallel_loop3A_456 : i32 to index
        %parallel_loop3A_511 = arith.constant 80 : index
        %parallel_loop3A_512 = tpu.vector_load %arg8[%parallel_loop3A_510, %parallel_loop3A_511] {strides = array<i32>} : memref<512x128xf32, #tpu.memory_space<vmem>>, vector<1x16xf32>,
        %parallel_loop3A_513 = vector.shape_cast %parallel_loop3A_512 : vector<1x16xf32> to vector<16xf32>
        %parallel_loop3A_514 = arith.mulf %parallel_loop3A_509, %parallel_loop3A_513 : vector<16xf32>
        %parallel_loop3A_515 = arith.addf %parallel_loop3A_505, %parallel_loop3A_514 : vector<16xf32>
        %parallel_loop3A_516 = arith.index_cast %parallel_loop3A_454 : i32 to index
        %parallel_loop3A_517 = arith.constant 96 : index
        %parallel_loop3A_518 = tpu.vector_load %arg8[%parallel_loop3A_516, %parallel_loop3A_517] {strides = array<i32>} : memref<512x128xf32, #tpu.memory_space<vmem>>, vector<1x16xf32>,
        %parallel_loop3A_519 = vector.shape_cast %parallel_loop3A_518 : vector<1x16xf32> to vector<16xf32>
        %parallel_loop3A_520 = arith.index_cast %parallel_loop3A_456 : i32 to index
        %parallel_loop3A_521 = arith.constant 96 : index
        %parallel_loop3A_522 = tpu.vector_load %arg8[%parallel_loop3A_520, %parallel_loop3A_521] {strides = array<i32>} : memref<512x128xf32, #tpu.memory_space<vmem>>, vector<1x16xf32>,
        %parallel_loop3A_523 = vector.shape_cast %parallel_loop3A_522 : vector<1x16xf32> to vector<16xf32>
        %parallel_loop3A_524 = arith.mulf %parallel_loop3A_519, %parallel_loop3A_523 : vector<16xf32>
        %parallel_loop3A_525 = arith.addf %parallel_loop3A_515, %parallel_loop3A_524 : vector<16xf32>
        %parallel_loop3A_526 = arith.index_cast %parallel_loop3A_454 : i32 to index
        %parallel_loop3A_527 = arith.constant 112 : index
        %parallel_loop3A_528 = tpu.vector_load %arg8[%parallel_loop3A_526, %parallel_loop3A_527] {strides = array<i32>} : memref<512x128xf32, #tpu.memory_space<vmem>>, vector<1x16xf32>,
        %parallel_loop3A_529 = vector.shape_cast %parallel_loop3A_528 : vector<1x16xf32> to vector<16xf32>
        %parallel_loop3A_530 = arith.index_cast %parallel_loop3A_456 : i32 to index
        %parallel_loop3A_531 = arith.constant 112 : index
        %parallel_loop3A_532 = tpu.vector_load %arg8[%parallel_loop3A_530, %parallel_loop3A_531] {strides = array<i32>} : memref<512x128xf32, #tpu.memory_space<vmem>>, vector<1x16xf32>,
        %parallel_loop3A_533 = vector.shape_cast %parallel_loop3A_532 : vector<1x16xf32> to vector<16xf32>
        %parallel_loop3A_534 = arith.mulf %parallel_loop3A_529, %parallel_loop3A_533 : vector<16xf32>
        %parallel_loop3A_535 = arith.addf %parallel_loop3A_525, %parallel_loop3A_534 : vector<16xf32>
        %parallel_loop3A_536 = arith.constant 16 : i32
        %parallel_loop3A_537 = arith.muli %parallel_loop3A_103, %parallel_loop3A_536 : i32
        %parallel_loop3A_538 = arith.addi %mul3A_71, %parallel_loop3A_537 : i32
        %parallel_loop3A_539 = arith.constant 5 : i32
        %parallel_loop3A_540 = arith.addi %parallel_loop3A_538, %parallel_loop3A_539 : i32
        %parallel_loop3A_541 = arith.constant 128 : i32
        %parallel_loop3A_542 = arith.addi %parallel_loop3A_540, %parallel_loop3A_541 : i32
        %parallel_loop3A_543 = arith.index_cast %parallel_loop3A_540 : i32 to index
        %parallel_loop3A_544 = arith.constant 0 : index
        %parallel_loop3A_545 = tpu.vector_load %arg8[%parallel_loop3A_543, %parallel_loop3A_544] {strides = array<i32>} : memref<512x128xf32, #tpu.memory_space<vmem>>, vector<1x16xf32>,
        %parallel_loop3A_546 = vector.shape_cast %parallel_loop3A_545 : vector<1x16xf32> to vector<16xf32>
        %parallel_loop3A_547 = arith.index_cast %parallel_loop3A_542 : i32 to index
        %parallel_loop3A_548 = arith.constant 0 : index
        %parallel_loop3A_549 = tpu.vector_load %arg8[%parallel_loop3A_547, %parallel_loop3A_548] {strides = array<i32>} : memref<512x128xf32, #tpu.memory_space<vmem>>, vector<1x16xf32>,
        %parallel_loop3A_550 = vector.shape_cast %parallel_loop3A_549 : vector<1x16xf32> to vector<16xf32>
        %parallel_loop3A_551 = arith.mulf %parallel_loop3A_546, %parallel_loop3A_550 : vector<16xf32>
        %parallel_loop3A_552 = arith.index_cast %parallel_loop3A_540 : i32 to index
        %parallel_loop3A_553 = arith.constant 16 : index
        %parallel_loop3A_554 = tpu.vector_load %arg8[%parallel_loop3A_552, %parallel_loop3A_553] {strides = array<i32>} : memref<512x128xf32, #tpu.memory_space<vmem>>, vector<1x16xf32>,
        %parallel_loop3A_555 = vector.shape_cast %parallel_loop3A_554 : vector<1x16xf32> to vector<16xf32>
        %parallel_loop3A_556 = arith.index_cast %parallel_loop3A_542 : i32 to index
        %parallel_loop3A_557 = arith.constant 16 : index
        %parallel_loop3A_558 = tpu.vector_load %arg8[%parallel_loop3A_556, %parallel_loop3A_557] {strides = array<i32>} : memref<512x128xf32, #tpu.memory_space<vmem>>, vector<1x16xf32>,
        %parallel_loop3A_559 = vector.shape_cast %parallel_loop3A_558 : vector<1x16xf32> to vector<16xf32>
        %parallel_loop3A_560 = arith.mulf %parallel_loop3A_555, %parallel_loop3A_559 : vector<16xf32>
        %parallel_loop3A_561 = arith.addf %parallel_loop3A_551, %parallel_loop3A_560 : vector<16xf32>
        %parallel_loop3A_562 = arith.index_cast %parallel_loop3A_540 : i32 to index
        %parallel_loop3A_563 = arith.constant 32 : index
        %parallel_loop3A_564 = tpu.vector_load %arg8[%parallel_loop3A_562, %parallel_loop3A_563] {strides = array<i32>} : memref<512x128xf32, #tpu.memory_space<vmem>>, vector<1x16xf32>,
        %parallel_loop3A_565 = vector.shape_cast %parallel_loop3A_564 : vector<1x16xf32> to vector<16xf32>
        %parallel_loop3A_566 = arith.index_cast %parallel_loop3A_542 : i32 to index
        %parallel_loop3A_567 = arith.constant 32 : index
        %parallel_loop3A_568 = tpu.vector_load %arg8[%parallel_loop3A_566, %parallel_loop3A_567] {strides = array<i32>} : memref<512x128xf32, #tpu.memory_space<vmem>>, vector<1x16xf32>,
        %parallel_loop3A_569 = vector.shape_cast %parallel_loop3A_568 : vector<1x16xf32> to vector<16xf32>
        %parallel_loop3A_570 = arith.mulf %parallel_loop3A_565, %parallel_loop3A_569 : vector<16xf32>
        %parallel_loop3A_571 = arith.addf %parallel_loop3A_561, %parallel_loop3A_570 : vector<16xf32>
        %parallel_loop3A_572 = arith.index_cast %parallel_loop3A_540 : i32 to index
        %parallel_loop3A_573 = arith.constant 48 : index
        %parallel_loop3A_574 = tpu.vector_load %arg8[%parallel_loop3A_572, %parallel_loop3A_573] {strides = array<i32>} : memref<512x128xf32, #tpu.memory_space<vmem>>, vector<1x16xf32>,
        %parallel_loop3A_575 = vector.shape_cast %parallel_loop3A_574 : vector<1x16xf32> to vector<16xf32>
        %parallel_loop3A_576 = arith.index_cast %parallel_loop3A_542 : i32 to index
        %parallel_loop3A_577 = arith.constant 48 : index
        %parallel_loop3A_578 = tpu.vector_load %arg8[%parallel_loop3A_576, %parallel_loop3A_577] {strides = array<i32>} : memref<512x128xf32, #tpu.memory_space<vmem>>, vector<1x16xf32>,
        %parallel_loop3A_579 = vector.shape_cast %parallel_loop3A_578 : vector<1x16xf32> to vector<16xf32>
        %parallel_loop3A_580 = arith.mulf %parallel_loop3A_575, %parallel_loop3A_579 : vector<16xf32>
        %parallel_loop3A_581 = arith.addf %parallel_loop3A_571, %parallel_loop3A_580 : vector<16xf32>
        %parallel_loop3A_582 = arith.index_cast %parallel_loop3A_540 : i32 to index
        %parallel_loop3A_583 = arith.constant 64 : index
        %parallel_loop3A_584 = tpu.vector_load %arg8[%parallel_loop3A_582, %parallel_loop3A_583] {strides = array<i32>} : memref<512x128xf32, #tpu.memory_space<vmem>>, vector<1x16xf32>,
        %parallel_loop3A_585 = vector.shape_cast %parallel_loop3A_584 : vector<1x16xf32> to vector<16xf32>
        %parallel_loop3A_586 = arith.index_cast %parallel_loop3A_542 : i32 to index
        %parallel_loop3A_587 = arith.constant 64 : index
        %parallel_loop3A_588 = tpu.vector_load %arg8[%parallel_loop3A_586, %parallel_loop3A_587] {strides = array<i32>} : memref<512x128xf32, #tpu.memory_space<vmem>>, vector<1x16xf32>,
        %parallel_loop3A_589 = vector.shape_cast %parallel_loop3A_588 : vector<1x16xf32> to vector<16xf32>
        %parallel_loop3A_590 = arith.mulf %parallel_loop3A_585, %parallel_loop3A_589 : vector<16xf32>
        %parallel_loop3A_591 = arith.addf %parallel_loop3A_581, %parallel_loop3A_590 : vector<16xf32>
        %parallel_loop3A_592 = arith.index_cast %parallel_loop3A_540 : i32 to index
        %parallel_loop3A_593 = arith.constant 80 : index
        %parallel_loop3A_594 = tpu.vector_load %arg8[%parallel_loop3A_592, %parallel_loop3A_593] {strides = array<i32>} : memref<512x128xf32, #tpu.memory_space<vmem>>, vector<1x16xf32>,
        %parallel_loop3A_595 = vector.shape_cast %parallel_loop3A_594 : vector<1x16xf32> to vector<16xf32>
        %parallel_loop3A_596 = arith.index_cast %parallel_loop3A_542 : i32 to index
        %parallel_loop3A_597 = arith.constant 80 : index
        %parallel_loop3A_598 = tpu.vector_load %arg8[%parallel_loop3A_596, %parallel_loop3A_597] {strides = array<i32>} : memref<512x128xf32, #tpu.memory_space<vmem>>, vector<1x16xf32>,
        %parallel_loop3A_599 = vector.shape_cast %parallel_loop3A_598 : vector<1x16xf32> to vector<16xf32>
        %parallel_loop3A_600 = arith.mulf %parallel_loop3A_595, %parallel_loop3A_599 : vector<16xf32>
        %parallel_loop3A_601 = arith.addf %parallel_loop3A_591, %parallel_loop3A_600 : vector<16xf32>
        %parallel_loop3A_602 = arith.index_cast %parallel_loop3A_540 : i32 to index
        %parallel_loop3A_603 = arith.constant 96 : index
        %parallel_loop3A_604 = tpu.vector_load %arg8[%parallel_loop3A_602, %parallel_loop3A_603] {strides = array<i32>} : memref<512x128xf32, #tpu.memory_space<vmem>>, vector<1x16xf32>,
        %parallel_loop3A_605 = vector.shape_cast %parallel_loop3A_604 : vector<1x16xf32> to vector<16xf32>
        %parallel_loop3A_606 = arith.index_cast %parallel_loop3A_542 : i32 to index
        %parallel_loop3A_607 = arith.constant 96 : index
        %parallel_loop3A_608 = tpu.vector_load %arg8[%parallel_loop3A_606, %parallel_loop3A_607] {strides = array<i32>} : memref<512x128xf32, #tpu.memory_space<vmem>>, vector<1x16xf32>,
        %parallel_loop3A_609 = vector.shape_cast %parallel_loop3A_608 : vector<1x16xf32> to vector<16xf32>
        %parallel_loop3A_610 = arith.mulf %parallel_loop3A_605, %parallel_loop3A_609 : vector<16xf32>
        %parallel_loop3A_611 = arith.addf %parallel_loop3A_601, %parallel_loop3A_610 : vector<16xf32>
        %parallel_loop3A_612 = arith.index_cast %parallel_loop3A_540 : i32 to index
        %parallel_loop3A_613 = arith.constant 112 : index
        %parallel_loop3A_614 = tpu.vector_load %arg8[%parallel_loop3A_612, %parallel_loop3A_613] {strides = array<i32>} : memref<512x128xf32, #tpu.memory_space<vmem>>, vector<1x16xf32>,
        %parallel_loop3A_615 = vector.shape_cast %parallel_loop3A_614 : vector<1x16xf32> to vector<16xf32>
        %parallel_loop3A_616 = arith.index_cast %parallel_loop3A_542 : i32 to index
        %parallel_loop3A_617 = arith.constant 112 : index
        %parallel_loop3A_618 = tpu.vector_load %arg8[%parallel_loop3A_616, %parallel_loop3A_617] {strides = array<i32>} : memref<512x128xf32, #tpu.memory_space<vmem>>, vector<1x16xf32>,
        %parallel_loop3A_619 = vector.shape_cast %parallel_loop3A_618 : vector<1x16xf32> to vector<16xf32>
        %parallel_loop3A_620 = arith.mulf %parallel_loop3A_615, %parallel_loop3A_619 : vector<16xf32>
        %parallel_loop3A_621 = arith.addf %parallel_loop3A_611, %parallel_loop3A_620 : vector<16xf32>
        %parallel_loop3A_622 = arith.constant 16 : i32
        %parallel_loop3A_623 = arith.muli %parallel_loop3A_103, %parallel_loop3A_622 : i32
        %parallel_loop3A_624 = arith.addi %mul3A_71, %parallel_loop3A_623 : i32
        %parallel_loop3A_625 = arith.constant 6 : i32
        %parallel_loop3A_626 = arith.addi %parallel_loop3A_624, %parallel_loop3A_625 : i32
        %parallel_loop3A_627 = arith.constant 128 : i32
        %parallel_loop3A_628 = arith.addi %parallel_loop3A_626, %parallel_loop3A_627 : i32
        %parallel_loop3A_629 = arith.index_cast %parallel_loop3A_626 : i32 to index
        %parallel_loop3A_630 = arith.constant 0 : index
        %parallel_loop3A_631 = tpu.vector_load %arg8[%parallel_loop3A_629, %parallel_loop3A_630] {strides = array<i32>} : memref<512x128xf32, #tpu.memory_space<vmem>>, vector<1x16xf32>,
        %parallel_loop3A_632 = vector.shape_cast %parallel_loop3A_631 : vector<1x16xf32> to vector<16xf32>
        %parallel_loop3A_633 = arith.index_cast %parallel_loop3A_628 : i32 to index
        %parallel_loop3A_634 = arith.constant 0 : index
        %parallel_loop3A_635 = tpu.vector_load %arg8[%parallel_loop3A_633, %parallel_loop3A_634] {strides = array<i32>} : memref<512x128xf32, #tpu.memory_space<vmem>>, vector<1x16xf32>,
        %parallel_loop3A_636 = vector.shape_cast %parallel_loop3A_635 : vector<1x16xf32> to vector<16xf32>
        %parallel_loop3A_637 = arith.mulf %parallel_loop3A_632, %parallel_loop3A_636 : vector<16xf32>
        %parallel_loop3A_638 = arith.index_cast %parallel_loop3A_626 : i32 to index
        %parallel_loop3A_639 = arith.constant 16 : index
        %parallel_loop3A_640 = tpu.vector_load %arg8[%parallel_loop3A_638, %parallel_loop3A_639] {strides = array<i32>} : memref<512x128xf32, #tpu.memory_space<vmem>>, vector<1x16xf32>,
        %parallel_loop3A_641 = vector.shape_cast %parallel_loop3A_640 : vector<1x16xf32> to vector<16xf32>
        %parallel_loop3A_642 = arith.index_cast %parallel_loop3A_628 : i32 to index
        %parallel_loop3A_643 = arith.constant 16 : index
        %parallel_loop3A_644 = tpu.vector_load %arg8[%parallel_loop3A_642, %parallel_loop3A_643] {strides = array<i32>} : memref<512x128xf32, #tpu.memory_space<vmem>>, vector<1x16xf32>,
        %parallel_loop3A_645 = vector.shape_cast %parallel_loop3A_644 : vector<1x16xf32> to vector<16xf32>
        %parallel_loop3A_646 = arith.mulf %parallel_loop3A_641, %parallel_loop3A_645 : vector<16xf32>
        %parallel_loop3A_647 = arith.addf %parallel_loop3A_637, %parallel_loop3A_646 : vector<16xf32>
        %parallel_loop3A_648 = arith.index_cast %parallel_loop3A_626 : i32 to index
        %parallel_loop3A_649 = arith.constant 32 : index
        %parallel_loop3A_650 = tpu.vector_load %arg8[%parallel_loop3A_648, %parallel_loop3A_649] {strides = array<i32>} : memref<512x128xf32, #tpu.memory_space<vmem>>, vector<1x16xf32>,
        %parallel_loop3A_651 = vector.shape_cast %parallel_loop3A_650 : vector<1x16xf32> to vector<16xf32>
        %parallel_loop3A_652 = arith.index_cast %parallel_loop3A_628 : i32 to index
        %parallel_loop3A_653 = arith.constant 32 : index
        %parallel_loop3A_654 = tpu.vector_load %arg8[%parallel_loop3A_652, %parallel_loop3A_653] {strides = array<i32>} : memref<512x128xf32, #tpu.memory_space<vmem>>, vector<1x16xf32>,
        %parallel_loop3A_655 = vector.shape_cast %parallel_loop3A_654 : vector<1x16xf32> to vector<16xf32>
        %parallel_loop3A_656 = arith.mulf %parallel_loop3A_651, %parallel_loop3A_655 : vector<16xf32>
        %parallel_loop3A_657 = arith.addf %parallel_loop3A_647, %parallel_loop3A_656 : vector<16xf32>
        %parallel_loop3A_658 = arith.index_cast %parallel_loop3A_626 : i32 to index
        %parallel_loop3A_659 = arith.constant 48 : index
        %parallel_loop3A_660 = tpu.vector_load %arg8[%parallel_loop3A_658, %parallel_loop3A_659] {strides = array<i32>} : memref<512x128xf32, #tpu.memory_space<vmem>>, vector<1x16xf32>,
        %parallel_loop3A_661 = vector.shape_cast %parallel_loop3A_660 : vector<1x16xf32> to vector<16xf32>
        %parallel_loop3A_662 = arith.index_cast %parallel_loop3A_628 : i32 to index
        %parallel_loop3A_663 = arith.constant 48 : index
        %parallel_loop3A_664 = tpu.vector_load %arg8[%parallel_loop3A_662, %parallel_loop3A_663] {strides = array<i32>} : memref<512x128xf32, #tpu.memory_space<vmem>>, vector<1x16xf32>,
        %parallel_loop3A_665 = vector.shape_cast %parallel_loop3A_664 : vector<1x16xf32> to vector<16xf32>
        %parallel_loop3A_666 = arith.mulf %parallel_loop3A_661, %parallel_loop3A_665 : vector<16xf32>
        %parallel_loop3A_667 = arith.addf %parallel_loop3A_657, %parallel_loop3A_666 : vector<16xf32>
        %parallel_loop3A_668 = arith.index_cast %parallel_loop3A_626 : i32 to index
        %parallel_loop3A_669 = arith.constant 64 : index
        %parallel_loop3A_670 = tpu.vector_load %arg8[%parallel_loop3A_668, %parallel_loop3A_669] {strides = array<i32>} : memref<512x128xf32, #tpu.memory_space<vmem>>, vector<1x16xf32>,
        %parallel_loop3A_671 = vector.shape_cast %parallel_loop3A_670 : vector<1x16xf32> to vector<16xf32>
        %parallel_loop3A_672 = arith.index_cast %parallel_loop3A_628 : i32 to index
        %parallel_loop3A_673 = arith.constant 64 : index
        %parallel_loop3A_674 = tpu.vector_load %arg8[%parallel_loop3A_672, %parallel_loop3A_673] {strides = array<i32>} : memref<512x128xf32, #tpu.memory_space<vmem>>, vector<1x16xf32>,
        %parallel_loop3A_675 = vector.shape_cast %parallel_loop3A_674 : vector<1x16xf32> to vector<16xf32>
        %parallel_loop3A_676 = arith.mulf %parallel_loop3A_671, %parallel_loop3A_675 : vector<16xf32>
        %parallel_loop3A_677 = arith.addf %parallel_loop3A_667, %parallel_loop3A_676 : vector<16xf32>
        %parallel_loop3A_678 = arith.index_cast %parallel_loop3A_626 : i32 to index
        %parallel_loop3A_679 = arith.constant 80 : index
        %parallel_loop3A_680 = tpu.vector_load %arg8[%parallel_loop3A_678, %parallel_loop3A_679] {strides = array<i32>} : memref<512x128xf32, #tpu.memory_space<vmem>>, vector<1x16xf32>,
        %parallel_loop3A_681 = vector.shape_cast %parallel_loop3A_680 : vector<1x16xf32> to vector<16xf32>
        %parallel_loop3A_682 = arith.index_cast %parallel_loop3A_628 : i32 to index
        %parallel_loop3A_683 = arith.constant 80 : index
        %parallel_loop3A_684 = tpu.vector_load %arg8[%parallel_loop3A_682, %parallel_loop3A_683] {strides = array<i32>} : memref<512x128xf32, #tpu.memory_space<vmem>>, vector<1x16xf32>,
        %parallel_loop3A_685 = vector.shape_cast %parallel_loop3A_684 : vector<1x16xf32> to vector<16xf32>
        %parallel_loop3A_686 = arith.mulf %parallel_loop3A_681, %parallel_loop3A_685 : vector<16xf32>
        %parallel_loop3A_687 = arith.addf %parallel_loop3A_677, %parallel_loop3A_686 : vector<16xf32>
        %parallel_loop3A_688 = arith.index_cast %parallel_loop3A_626 : i32 to index
        %parallel_loop3A_689 = arith.constant 96 : index
        %parallel_loop3A_690 = tpu.vector_load %arg8[%parallel_loop3A_688, %parallel_loop3A_689] {strides = array<i32>} : memref<512x128xf32, #tpu.memory_space<vmem>>, vector<1x16xf32>,
        %parallel_loop3A_691 = vector.shape_cast %parallel_loop3A_690 : vector<1x16xf32> to vector<16xf32>
        %parallel_loop3A_692 = arith.index_cast %parallel_loop3A_628 : i32 to index
        %parallel_loop3A_693 = arith.constant 96 : index
        %parallel_loop3A_694 = tpu.vector_load %arg8[%parallel_loop3A_692, %parallel_loop3A_693] {strides = array<i32>} : memref<512x128xf32, #tpu.memory_space<vmem>>, vector<1x16xf32>,
        %parallel_loop3A_695 = vector.shape_cast %parallel_loop3A_694 : vector<1x16xf32> to vector<16xf32>
        %parallel_loop3A_696 = arith.mulf %parallel_loop3A_691, %parallel_loop3A_695 : vector<16xf32>
        %parallel_loop3A_697 = arith.addf %parallel_loop3A_687, %parallel_loop3A_696 : vector<16xf32>
        %parallel_loop3A_698 = arith.index_cast %parallel_loop3A_626 : i32 to index
        %parallel_loop3A_699 = arith.constant 112 : index
        %parallel_loop3A_700 = tpu.vector_load %arg8[%parallel_loop3A_698, %parallel_loop3A_699] {strides = array<i32>} : memref<512x128xf32, #tpu.memory_space<vmem>>, vector<1x16xf32>,
        %parallel_loop3A_701 = vector.shape_cast %parallel_loop3A_700 : vector<1x16xf32> to vector<16xf32>
        %parallel_loop3A_702 = arith.index_cast %parallel_loop3A_628 : i32 to index
        %parallel_loop3A_703 = arith.constant 112 : index
        %parallel_loop3A_704 = tpu.vector_load %arg8[%parallel_loop3A_702, %parallel_loop3A_703] {strides = array<i32>} : memref<512x128xf32, #tpu.memory_space<vmem>>, vector<1x16xf32>,
        %parallel_loop3A_705 = vector.shape_cast %parallel_loop3A_704 : vector<1x16xf32> to vector<16xf32>
        %parallel_loop3A_706 = arith.mulf %parallel_loop3A_701, %parallel_loop3A_705 : vector<16xf32>
        %parallel_loop3A_707 = arith.addf %parallel_loop3A_697, %parallel_loop3A_706 : vector<16xf32>
        %parallel_loop3A_708 = arith.constant 16 : i32
        %parallel_loop3A_709 = arith.muli %parallel_loop3A_103, %parallel_loop3A_708 : i32
        %parallel_loop3A_710 = arith.addi %mul3A_71, %parallel_loop3A_709 : i32
        %parallel_loop3A_711 = arith.constant 7 : i32
        %parallel_loop3A_712 = arith.addi %parallel_loop3A_710, %parallel_loop3A_711 : i32
        %parallel_loop3A_713 = arith.constant 128 : i32
        %parallel_loop3A_714 = arith.addi %parallel_loop3A_712, %parallel_loop3A_713 : i32
        %parallel_loop3A_715 = arith.index_cast %parallel_loop3A_712 : i32 to index
        %parallel_loop3A_716 = arith.constant 0 : index
        %parallel_loop3A_717 = tpu.vector_load %arg8[%parallel_loop3A_715, %parallel_loop3A_716] {strides = array<i32>} : memref<512x128xf32, #tpu.memory_space<vmem>>, vector<1x16xf32>,
        %parallel_loop3A_718 = vector.shape_cast %parallel_loop3A_717 : vector<1x16xf32> to vector<16xf32>
        %parallel_loop3A_719 = arith.index_cast %parallel_loop3A_714 : i32 to index
        %parallel_loop3A_720 = arith.constant 0 : index
        %parallel_loop3A_721 = tpu.vector_load %arg8[%parallel_loop3A_719, %parallel_loop3A_720] {strides = array<i32>} : memref<512x128xf32, #tpu.memory_space<vmem>>, vector<1x16xf32>,
        %parallel_loop3A_722 = vector.shape_cast %parallel_loop3A_721 : vector<1x16xf32> to vector<16xf32>
        %parallel_loop3A_723 = arith.mulf %parallel_loop3A_718, %parallel_loop3A_722 : vector<16xf32>
        %parallel_loop3A_724 = arith.index_cast %parallel_loop3A_712 : i32 to index
        %parallel_loop3A_725 = arith.constant 16 : index
        %parallel_loop3A_726 = tpu.vector_load %arg8[%parallel_loop3A_724, %parallel_loop3A_725] {strides = array<i32>} : memref<512x128xf32, #tpu.memory_space<vmem>>, vector<1x16xf32>,
        %parallel_loop3A_727 = vector.shape_cast %parallel_loop3A_726 : vector<1x16xf32> to vector<16xf32>
        %parallel_loop3A_728 = arith.index_cast %parallel_loop3A_714 : i32 to index
        %parallel_loop3A_729 = arith.constant 16 : index
        %parallel_loop3A_730 = tpu.vector_load %arg8[%parallel_loop3A_728, %parallel_loop3A_729] {strides = array<i32>} : memref<512x128xf32, #tpu.memory_space<vmem>>, vector<1x16xf32>,
        %parallel_loop3A_731 = vector.shape_cast %parallel_loop3A_730 : vector<1x16xf32> to vector<16xf32>
        %parallel_loop3A_732 = arith.mulf %parallel_loop3A_727, %parallel_loop3A_731 : vector<16xf32>
        %parallel_loop3A_733 = arith.addf %parallel_loop3A_723, %parallel_loop3A_732 : vector<16xf32>
        %parallel_loop3A_734 = arith.index_cast %parallel_loop3A_712 : i32 to index
        %parallel_loop3A_735 = arith.constant 32 : index
        %parallel_loop3A_736 = tpu.vector_load %arg8[%parallel_loop3A_734, %parallel_loop3A_735] {strides = array<i32>} : memref<512x128xf32, #tpu.memory_space<vmem>>, vector<1x16xf32>,
        %parallel_loop3A_737 = vector.shape_cast %parallel_loop3A_736 : vector<1x16xf32> to vector<16xf32>
        %parallel_loop3A_738 = arith.index_cast %parallel_loop3A_714 : i32 to index
        %parallel_loop3A_739 = arith.constant 32 : index
        %parallel_loop3A_740 = tpu.vector_load %arg8[%parallel_loop3A_738, %parallel_loop3A_739] {strides = array<i32>} : memref<512x128xf32, #tpu.memory_space<vmem>>, vector<1x16xf32>,
        %parallel_loop3A_741 = vector.shape_cast %parallel_loop3A_740 : vector<1x16xf32> to vector<16xf32>
        %parallel_loop3A_742 = arith.mulf %parallel_loop3A_737, %parallel_loop3A_741 : vector<16xf32>
        %parallel_loop3A_743 = arith.addf %parallel_loop3A_733, %parallel_loop3A_742 : vector<16xf32>
        %parallel_loop3A_744 = arith.index_cast %parallel_loop3A_712 : i32 to index
        %parallel_loop3A_745 = arith.constant 48 : index
        %parallel_loop3A_746 = tpu.vector_load %arg8[%parallel_loop3A_744, %parallel_loop3A_745] {strides = array<i32>} : memref<512x128xf32, #tpu.memory_space<vmem>>, vector<1x16xf32>,
        %parallel_loop3A_747 = vector.shape_cast %parallel_loop3A_746 : vector<1x16xf32> to vector<16xf32>
        %parallel_loop3A_748 = arith.index_cast %parallel_loop3A_714 : i32 to index
        %parallel_loop3A_749 = arith.constant 48 : index
        %parallel_loop3A_750 = tpu.vector_load %arg8[%parallel_loop3A_748, %parallel_loop3A_749] {strides = array<i32>} : memref<512x128xf32, #tpu.memory_space<vmem>>, vector<1x16xf32>,
        %parallel_loop3A_751 = vector.shape_cast %parallel_loop3A_750 : vector<1x16xf32> to vector<16xf32>
        %parallel_loop3A_752 = arith.mulf %parallel_loop3A_747, %parallel_loop3A_751 : vector<16xf32>
        %parallel_loop3A_753 = arith.addf %parallel_loop3A_743, %parallel_loop3A_752 : vector<16xf32>
        %parallel_loop3A_754 = arith.index_cast %parallel_loop3A_712 : i32 to index
        %parallel_loop3A_755 = arith.constant 64 : index
        %parallel_loop3A_756 = tpu.vector_load %arg8[%parallel_loop3A_754, %parallel_loop3A_755] {strides = array<i32>} : memref<512x128xf32, #tpu.memory_space<vmem>>, vector<1x16xf32>,
        %parallel_loop3A_757 = vector.shape_cast %parallel_loop3A_756 : vector<1x16xf32> to vector<16xf32>
        %parallel_loop3A_758 = arith.index_cast %parallel_loop3A_714 : i32 to index
        %parallel_loop3A_759 = arith.constant 64 : index
        %parallel_loop3A_760 = tpu.vector_load %arg8[%parallel_loop3A_758, %parallel_loop3A_759] {strides = array<i32>} : memref<512x128xf32, #tpu.memory_space<vmem>>, vector<1x16xf32>,
        %parallel_loop3A_761 = vector.shape_cast %parallel_loop3A_760 : vector<1x16xf32> to vector<16xf32>
        %parallel_loop3A_762 = arith.mulf %parallel_loop3A_757, %parallel_loop3A_761 : vector<16xf32>
        %parallel_loop3A_763 = arith.addf %parallel_loop3A_753, %parallel_loop3A_762 : vector<16xf32>
        %parallel_loop3A_764 = arith.index_cast %parallel_loop3A_712 : i32 to index
        %parallel_loop3A_765 = arith.constant 80 : index
        %parallel_loop3A_766 = tpu.vector_load %arg8[%parallel_loop3A_764, %parallel_loop3A_765] {strides = array<i32>} : memref<512x128xf32, #tpu.memory_space<vmem>>, vector<1x16xf32>,
        %parallel_loop3A_767 = vector.shape_cast %parallel_loop3A_766 : vector<1x16xf32> to vector<16xf32>
        %parallel_loop3A_768 = arith.index_cast %parallel_loop3A_714 : i32 to index
        %parallel_loop3A_769 = arith.constant 80 : index
        %parallel_loop3A_770 = tpu.vector_load %arg8[%parallel_loop3A_768, %parallel_loop3A_769] {strides = array<i32>} : memref<512x128xf32, #tpu.memory_space<vmem>>, vector<1x16xf32>,
        %parallel_loop3A_771 = vector.shape_cast %parallel_loop3A_770 : vector<1x16xf32> to vector<16xf32>
        %parallel_loop3A_772 = arith.mulf %parallel_loop3A_767, %parallel_loop3A_771 : vector<16xf32>
        %parallel_loop3A_773 = arith.addf %parallel_loop3A_763, %parallel_loop3A_772 : vector<16xf32>
        %parallel_loop3A_774 = arith.index_cast %parallel_loop3A_712 : i32 to index
        %parallel_loop3A_775 = arith.constant 96 : index
        %parallel_loop3A_776 = tpu.vector_load %arg8[%parallel_loop3A_774, %parallel_loop3A_775] {strides = array<i32>} : memref<512x128xf32, #tpu.memory_space<vmem>>, vector<1x16xf32>,
        %parallel_loop3A_777 = vector.shape_cast %parallel_loop3A_776 : vector<1x16xf32> to vector<16xf32>
        %parallel_loop3A_778 = arith.index_cast %parallel_loop3A_714 : i32 to index
        %parallel_loop3A_779 = arith.constant 96 : index
        %parallel_loop3A_780 = tpu.vector_load %arg8[%parallel_loop3A_778, %parallel_loop3A_779] {strides = array<i32>} : memref<512x128xf32, #tpu.memory_space<vmem>>, vector<1x16xf32>,
        %parallel_loop3A_781 = vector.shape_cast %parallel_loop3A_780 : vector<1x16xf32> to vector<16xf32>
        %parallel_loop3A_782 = arith.mulf %parallel_loop3A_777, %parallel_loop3A_781 : vector<16xf32>
        %parallel_loop3A_783 = arith.addf %parallel_loop3A_773, %parallel_loop3A_782 : vector<16xf32>
        %parallel_loop3A_784 = arith.index_cast %parallel_loop3A_712 : i32 to index
        %parallel_loop3A_785 = arith.constant 112 : index
        %parallel_loop3A_786 = tpu.vector_load %arg8[%parallel_loop3A_784, %parallel_loop3A_785] {strides = array<i32>} : memref<512x128xf32, #tpu.memory_space<vmem>>, vector<1x16xf32>,
        %parallel_loop3A_787 = vector.shape_cast %parallel_loop3A_786 : vector<1x16xf32> to vector<16xf32>
        %parallel_loop3A_788 = arith.index_cast %parallel_loop3A_714 : i32 to index
        %parallel_loop3A_789 = arith.constant 112 : index
        %parallel_loop3A_790 = tpu.vector_load %arg8[%parallel_loop3A_788, %parallel_loop3A_789] {strides = array<i32>} : memref<512x128xf32, #tpu.memory_space<vmem>>, vector<1x16xf32>,
        %parallel_loop3A_791 = vector.shape_cast %parallel_loop3A_790 : vector<1x16xf32> to vector<16xf32>
        %parallel_loop3A_792 = arith.mulf %parallel_loop3A_787, %parallel_loop3A_791 : vector<16xf32>
        %parallel_loop3A_793 = arith.addf %parallel_loop3A_783, %parallel_loop3A_792 : vector<16xf32>
        %parallel_loop3A_794 = arith.constant 16 : i32
        %parallel_loop3A_795 = arith.muli %parallel_loop3A_103, %parallel_loop3A_794 : i32
        %parallel_loop3A_796 = arith.addi %mul3A_71, %parallel_loop3A_795 : i32
        %parallel_loop3A_797 = arith.constant 8 : i32
        %parallel_loop3A_798 = arith.addi %parallel_loop3A_796, %parallel_loop3A_797 : i32
        %parallel_loop3A_799 = arith.constant 128 : i32
        %parallel_loop3A_800 = arith.addi %parallel_loop3A_798, %parallel_loop3A_799 : i32
        %parallel_loop3A_801 = arith.index_cast %parallel_loop3A_798 : i32 to index
        %parallel_loop3A_802 = arith.constant 0 : index
        %parallel_loop3A_803 = tpu.vector_load %arg8[%parallel_loop3A_801, %parallel_loop3A_802] {strides = array<i32>} : memref<512x128xf32, #tpu.memory_space<vmem>>, vector<1x16xf32>,
        %parallel_loop3A_804 = vector.shape_cast %parallel_loop3A_803 : vector<1x16xf32> to vector<16xf32>
        %parallel_loop3A_805 = arith.index_cast %parallel_loop3A_800 : i32 to index
        %parallel_loop3A_806 = arith.constant 0 : index
        %parallel_loop3A_807 = tpu.vector_load %arg8[%parallel_loop3A_805, %parallel_loop3A_806] {strides = array<i32>} : memref<512x128xf32, #tpu.memory_space<vmem>>, vector<1x16xf32>,
        %parallel_loop3A_808 = vector.shape_cast %parallel_loop3A_807 : vector<1x16xf32> to vector<16xf32>
        %parallel_loop3A_809 = arith.mulf %parallel_loop3A_804, %parallel_loop3A_808 : vector<16xf32>
        %parallel_loop3A_810 = arith.index_cast %parallel_loop3A_798 : i32 to index
        %parallel_loop3A_811 = arith.constant 16 : index
        %parallel_loop3A_812 = tpu.vector_load %arg8[%parallel_loop3A_810, %parallel_loop3A_811] {strides = array<i32>} : memref<512x128xf32, #tpu.memory_space<vmem>>, vector<1x16xf32>,
        %parallel_loop3A_813 = vector.shape_cast %parallel_loop3A_812 : vector<1x16xf32> to vector<16xf32>
        %parallel_loop3A_814 = arith.index_cast %parallel_loop3A_800 : i32 to index
        %parallel_loop3A_815 = arith.constant 16 : index
        %parallel_loop3A_816 = tpu.vector_load %arg8[%parallel_loop3A_814, %parallel_loop3A_815] {strides = array<i32>} : memref<512x128xf32, #tpu.memory_space<vmem>>, vector<1x16xf32>,
        %parallel_loop3A_817 = vector.shape_cast %parallel_loop3A_816 : vector<1x16xf32> to vector<16xf32>
        %parallel_loop3A_818 = arith.mulf %parallel_loop3A_813, %parallel_loop3A_817 : vector<16xf32>
        %parallel_loop3A_819 = arith.addf %parallel_loop3A_809, %parallel_loop3A_818 : vector<16xf32>
        %parallel_loop3A_820 = arith.index_cast %parallel_loop3A_798 : i32 to index
        %parallel_loop3A_821 = arith.constant 32 : index
        %parallel_loop3A_822 = tpu.vector_load %arg8[%parallel_loop3A_820, %parallel_loop3A_821] {strides = array<i32>} : memref<512x128xf32, #tpu.memory_space<vmem>>, vector<1x16xf32>,
        %parallel_loop3A_823 = vector.shape_cast %parallel_loop3A_822 : vector<1x16xf32> to vector<16xf32>
        %parallel_loop3A_824 = arith.index_cast %parallel_loop3A_800 : i32 to index
        %parallel_loop3A_825 = arith.constant 32 : index
        %parallel_loop3A_826 = tpu.vector_load %arg8[%parallel_loop3A_824, %parallel_loop3A_825] {strides = array<i32>} : memref<512x128xf32, #tpu.memory_space<vmem>>, vector<1x16xf32>,
        %parallel_loop3A_827 = vector.shape_cast %parallel_loop3A_826 : vector<1x16xf32> to vector<16xf32>
        %parallel_loop3A_828 = arith.mulf %parallel_loop3A_823, %parallel_loop3A_827 : vector<16xf32>
        %parallel_loop3A_829 = arith.addf %parallel_loop3A_819, %parallel_loop3A_828 : vector<16xf32>
        %parallel_loop3A_830 = arith.index_cast %parallel_loop3A_798 : i32 to index
        %parallel_loop3A_831 = arith.constant 48 : index
        %parallel_loop3A_832 = tpu.vector_load %arg8[%parallel_loop3A_830, %parallel_loop3A_831] {strides = array<i32>} : memref<512x128xf32, #tpu.memory_space<vmem>>, vector<1x16xf32>,
        %parallel_loop3A_833 = vector.shape_cast %parallel_loop3A_832 : vector<1x16xf32> to vector<16xf32>
        %parallel_loop3A_834 = arith.index_cast %parallel_loop3A_800 : i32 to index
        %parallel_loop3A_835 = arith.constant 48 : index
        %parallel_loop3A_836 = tpu.vector_load %arg8[%parallel_loop3A_834, %parallel_loop3A_835] {strides = array<i32>} : memref<512x128xf32, #tpu.memory_space<vmem>>, vector<1x16xf32>,
        %parallel_loop3A_837 = vector.shape_cast %parallel_loop3A_836 : vector<1x16xf32> to vector<16xf32>
        %parallel_loop3A_838 = arith.mulf %parallel_loop3A_833, %parallel_loop3A_837 : vector<16xf32>
        %parallel_loop3A_839 = arith.addf %parallel_loop3A_829, %parallel_loop3A_838 : vector<16xf32>
        %parallel_loop3A_840 = arith.index_cast %parallel_loop3A_798 : i32 to index
        %parallel_loop3A_841 = arith.constant 64 : index
        %parallel_loop3A_842 = tpu.vector_load %arg8[%parallel_loop3A_840, %parallel_loop3A_841] {strides = array<i32>} : memref<512x128xf32, #tpu.memory_space<vmem>>, vector<1x16xf32>,
        %parallel_loop3A_843 = vector.shape_cast %parallel_loop3A_842 : vector<1x16xf32> to vector<16xf32>
        %parallel_loop3A_844 = arith.index_cast %parallel_loop3A_800 : i32 to index
        %parallel_loop3A_845 = arith.constant 64 : index
        %parallel_loop3A_846 = tpu.vector_load %arg8[%parallel_loop3A_844, %parallel_loop3A_845] {strides = array<i32>} : memref<512x128xf32, #tpu.memory_space<vmem>>, vector<1x16xf32>,
        %parallel_loop3A_847 = vector.shape_cast %parallel_loop3A_846 : vector<1x16xf32> to vector<16xf32>
        %parallel_loop3A_848 = arith.mulf %parallel_loop3A_843, %parallel_loop3A_847 : vector<16xf32>
        %parallel_loop3A_849 = arith.addf %parallel_loop3A_839, %parallel_loop3A_848 : vector<16xf32>
        %parallel_loop3A_850 = arith.index_cast %parallel_loop3A_798 : i32 to index
        %parallel_loop3A_851 = arith.constant 80 : index
        %parallel_loop3A_852 = tpu.vector_load %arg8[%parallel_loop3A_850, %parallel_loop3A_851] {strides = array<i32>} : memref<512x128xf32, #tpu.memory_space<vmem>>, vector<1x16xf32>,
        %parallel_loop3A_853 = vector.shape_cast %parallel_loop3A_852 : vector<1x16xf32> to vector<16xf32>
        %parallel_loop3A_854 = arith.index_cast %parallel_loop3A_800 : i32 to index
        %parallel_loop3A_855 = arith.constant 80 : index
        %parallel_loop3A_856 = tpu.vector_load %arg8[%parallel_loop3A_854, %parallel_loop3A_855] {strides = array<i32>} : memref<512x128xf32, #tpu.memory_space<vmem>>, vector<1x16xf32>,
        %parallel_loop3A_857 = vector.shape_cast %parallel_loop3A_856 : vector<1x16xf32> to vector<16xf32>
        %parallel_loop3A_858 = arith.mulf %parallel_loop3A_853, %parallel_loop3A_857 : vector<16xf32>
        %parallel_loop3A_859 = arith.addf %parallel_loop3A_849, %parallel_loop3A_858 : vector<16xf32>
        %parallel_loop3A_860 = arith.index_cast %parallel_loop3A_798 : i32 to index
        %parallel_loop3A_861 = arith.constant 96 : index
        %parallel_loop3A_862 = tpu.vector_load %arg8[%parallel_loop3A_860, %parallel_loop3A_861] {strides = array<i32>} : memref<512x128xf32, #tpu.memory_space<vmem>>, vector<1x16xf32>,
        %parallel_loop3A_863 = vector.shape_cast %parallel_loop3A_862 : vector<1x16xf32> to vector<16xf32>
        %parallel_loop3A_864 = arith.index_cast %parallel_loop3A_800 : i32 to index
        %parallel_loop3A_865 = arith.constant 96 : index
        %parallel_loop3A_866 = tpu.vector_load %arg8[%parallel_loop3A_864, %parallel_loop3A_865] {strides = array<i32>} : memref<512x128xf32, #tpu.memory_space<vmem>>, vector<1x16xf32>,
        %parallel_loop3A_867 = vector.shape_cast %parallel_loop3A_866 : vector<1x16xf32> to vector<16xf32>
        %parallel_loop3A_868 = arith.mulf %parallel_loop3A_863, %parallel_loop3A_867 : vector<16xf32>
        %parallel_loop3A_869 = arith.addf %parallel_loop3A_859, %parallel_loop3A_868 : vector<16xf32>
        %parallel_loop3A_870 = arith.index_cast %parallel_loop3A_798 : i32 to index
        %parallel_loop3A_871 = arith.constant 112 : index
        %parallel_loop3A_872 = tpu.vector_load %arg8[%parallel_loop3A_870, %parallel_loop3A_871] {strides = array<i32>} : memref<512x128xf32, #tpu.memory_space<vmem>>, vector<1x16xf32>,
        %parallel_loop3A_873 = vector.shape_cast %parallel_loop3A_872 : vector<1x16xf32> to vector<16xf32>
        %parallel_loop3A_874 = arith.index_cast %parallel_loop3A_800 : i32 to index
        %parallel_loop3A_875 = arith.constant 112 : index
        %parallel_loop3A_876 = tpu.vector_load %arg8[%parallel_loop3A_874, %parallel_loop3A_875] {strides = array<i32>} : memref<512x128xf32, #tpu.memory_space<vmem>>, vector<1x16xf32>,
        %parallel_loop3A_877 = vector.shape_cast %parallel_loop3A_876 : vector<1x16xf32> to vector<16xf32>
        %parallel_loop3A_878 = arith.mulf %parallel_loop3A_873, %parallel_loop3A_877 : vector<16xf32>
        %parallel_loop3A_879 = arith.addf %parallel_loop3A_869, %parallel_loop3A_878 : vector<16xf32>
        %parallel_loop3A_880 = arith.constant 16 : i32
        %parallel_loop3A_881 = arith.muli %parallel_loop3A_103, %parallel_loop3A_880 : i32
        %parallel_loop3A_882 = arith.addi %mul3A_71, %parallel_loop3A_881 : i32
        %parallel_loop3A_883 = arith.constant 9 : i32
        %parallel_loop3A_884 = arith.addi %parallel_loop3A_882, %parallel_loop3A_883 : i32
        %parallel_loop3A_885 = arith.constant 128 : i32
        %parallel_loop3A_886 = arith.addi %parallel_loop3A_884, %parallel_loop3A_885 : i32
        %parallel_loop3A_887 = arith.index_cast %parallel_loop3A_884 : i32 to index
        %parallel_loop3A_888 = arith.constant 0 : index
        %parallel_loop3A_889 = tpu.vector_load %arg8[%parallel_loop3A_887, %parallel_loop3A_888] {strides = array<i32>} : memref<512x128xf32, #tpu.memory_space<vmem>>, vector<1x16xf32>,
        %parallel_loop3A_890 = vector.shape_cast %parallel_loop3A_889 : vector<1x16xf32> to vector<16xf32>
        %parallel_loop3A_891 = arith.index_cast %parallel_loop3A_886 : i32 to index
        %parallel_loop3A_892 = arith.constant 0 : index
        %parallel_loop3A_893 = tpu.vector_load %arg8[%parallel_loop3A_891, %parallel_loop3A_892] {strides = array<i32>} : memref<512x128xf32, #tpu.memory_space<vmem>>, vector<1x16xf32>,
        %parallel_loop3A_894 = vector.shape_cast %parallel_loop3A_893 : vector<1x16xf32> to vector<16xf32>
        %parallel_loop3A_895 = arith.mulf %parallel_loop3A_890, %parallel_loop3A_894 : vector<16xf32>
        %parallel_loop3A_896 = arith.index_cast %parallel_loop3A_884 : i32 to index
        %parallel_loop3A_897 = arith.constant 16 : index
        %parallel_loop3A_898 = tpu.vector_load %arg8[%parallel_loop3A_896, %parallel_loop3A_897] {strides = array<i32>} : memref<512x128xf32, #tpu.memory_space<vmem>>, vector<1x16xf32>,
        %parallel_loop3A_899 = vector.shape_cast %parallel_loop3A_898 : vector<1x16xf32> to vector<16xf32>
        %parallel_loop3A_900 = arith.index_cast %parallel_loop3A_886 : i32 to index
        %parallel_loop3A_901 = arith.constant 16 : index
        %parallel_loop3A_902 = tpu.vector_load %arg8[%parallel_loop3A_900, %parallel_loop3A_901] {strides = array<i32>} : memref<512x128xf32, #tpu.memory_space<vmem>>, vector<1x16xf32>,
        %parallel_loop3A_903 = vector.shape_cast %parallel_loop3A_902 : vector<1x16xf32> to vector<16xf32>
        %parallel_loop3A_904 = arith.mulf %parallel_loop3A_899, %parallel_loop3A_903 : vector<16xf32>
        %parallel_loop3A_905 = arith.addf %parallel_loop3A_895, %parallel_loop3A_904 : vector<16xf32>
        %parallel_loop3A_906 = arith.index_cast %parallel_loop3A_884 : i32 to index
        %parallel_loop3A_907 = arith.constant 32 : index
        %parallel_loop3A_908 = tpu.vector_load %arg8[%parallel_loop3A_906, %parallel_loop3A_907] {strides = array<i32>} : memref<512x128xf32, #tpu.memory_space<vmem>>, vector<1x16xf32>,
        %parallel_loop3A_909 = vector.shape_cast %parallel_loop3A_908 : vector<1x16xf32> to vector<16xf32>
        %parallel_loop3A_910 = arith.index_cast %parallel_loop3A_886 : i32 to index
        %parallel_loop3A_911 = arith.constant 32 : index
        %parallel_loop3A_912 = tpu.vector_load %arg8[%parallel_loop3A_910, %parallel_loop3A_911] {strides = array<i32>} : memref<512x128xf32, #tpu.memory_space<vmem>>, vector<1x16xf32>,
        %parallel_loop3A_913 = vector.shape_cast %parallel_loop3A_912 : vector<1x16xf32> to vector<16xf32>
        %parallel_loop3A_914 = arith.mulf %parallel_loop3A_909, %parallel_loop3A_913 : vector<16xf32>
        %parallel_loop3A_915 = arith.addf %parallel_loop3A_905, %parallel_loop3A_914 : vector<16xf32>
        %parallel_loop3A_916 = arith.index_cast %parallel_loop3A_884 : i32 to index
        %parallel_loop3A_917 = arith.constant 48 : index
        %parallel_loop3A_918 = tpu.vector_load %arg8[%parallel_loop3A_916, %parallel_loop3A_917] {strides = array<i32>} : memref<512x128xf32, #tpu.memory_space<vmem>>, vector<1x16xf32>,
        %parallel_loop3A_919 = vector.shape_cast %parallel_loop3A_918 : vector<1x16xf32> to vector<16xf32>
        %parallel_loop3A_920 = arith.index_cast %parallel_loop3A_886 : i32 to index
        %parallel_loop3A_921 = arith.constant 48 : index
        %parallel_loop3A_922 = tpu.vector_load %arg8[%parallel_loop3A_920, %parallel_loop3A_921] {strides = array<i32>} : memref<512x128xf32, #tpu.memory_space<vmem>>, vector<1x16xf32>,
        %parallel_loop3A_923 = vector.shape_cast %parallel_loop3A_922 : vector<1x16xf32> to vector<16xf32>
        %parallel_loop3A_924 = arith.mulf %parallel_loop3A_919, %parallel_loop3A_923 : vector<16xf32>
        %parallel_loop3A_925 = arith.addf %parallel_loop3A_915, %parallel_loop3A_924 : vector<16xf32>
        %parallel_loop3A_926 = arith.index_cast %parallel_loop3A_884 : i32 to index
        %parallel_loop3A_927 = arith.constant 64 : index
        %parallel_loop3A_928 = tpu.vector_load %arg8[%parallel_loop3A_926, %parallel_loop3A_927] {strides = array<i32>} : memref<512x128xf32, #tpu.memory_space<vmem>>, vector<1x16xf32>,
        %parallel_loop3A_929 = vector.shape_cast %parallel_loop3A_928 : vector<1x16xf32> to vector<16xf32>
        %parallel_loop3A_930 = arith.index_cast %parallel_loop3A_886 : i32 to index
        %parallel_loop3A_931 = arith.constant 64 : index
        %parallel_loop3A_932 = tpu.vector_load %arg8[%parallel_loop3A_930, %parallel_loop3A_931] {strides = array<i32>} : memref<512x128xf32, #tpu.memory_space<vmem>>, vector<1x16xf32>,
        %parallel_loop3A_933 = vector.shape_cast %parallel_loop3A_932 : vector<1x16xf32> to vector<16xf32>
        %parallel_loop3A_934 = arith.mulf %parallel_loop3A_929, %parallel_loop3A_933 : vector<16xf32>
        %parallel_loop3A_935 = arith.addf %parallel_loop3A_925, %parallel_loop3A_934 : vector<16xf32>
        %parallel_loop3A_936 = arith.index_cast %parallel_loop3A_884 : i32 to index
        %parallel_loop3A_937 = arith.constant 80 : index
        %parallel_loop3A_938 = tpu.vector_load %arg8[%parallel_loop3A_936, %parallel_loop3A_937] {strides = array<i32>} : memref<512x128xf32, #tpu.memory_space<vmem>>, vector<1x16xf32>,
        %parallel_loop3A_939 = vector.shape_cast %parallel_loop3A_938 : vector<1x16xf32> to vector<16xf32>
        %parallel_loop3A_940 = arith.index_cast %parallel_loop3A_886 : i32 to index
        %parallel_loop3A_941 = arith.constant 80 : index
        %parallel_loop3A_942 = tpu.vector_load %arg8[%parallel_loop3A_940, %parallel_loop3A_941] {strides = array<i32>} : memref<512x128xf32, #tpu.memory_space<vmem>>, vector<1x16xf32>,
        %parallel_loop3A_943 = vector.shape_cast %parallel_loop3A_942 : vector<1x16xf32> to vector<16xf32>
        %parallel_loop3A_944 = arith.mulf %parallel_loop3A_939, %parallel_loop3A_943 : vector<16xf32>
        %parallel_loop3A_945 = arith.addf %parallel_loop3A_935, %parallel_loop3A_944 : vector<16xf32>
        %parallel_loop3A_946 = arith.index_cast %parallel_loop3A_884 : i32 to index
        %parallel_loop3A_947 = arith.constant 96 : index
        %parallel_loop3A_948 = tpu.vector_load %arg8[%parallel_loop3A_946, %parallel_loop3A_947] {strides = array<i32>} : memref<512x128xf32, #tpu.memory_space<vmem>>, vector<1x16xf32>,
        %parallel_loop3A_949 = vector.shape_cast %parallel_loop3A_948 : vector<1x16xf32> to vector<16xf32>
        %parallel_loop3A_950 = arith.index_cast %parallel_loop3A_886 : i32 to index
        %parallel_loop3A_951 = arith.constant 96 : index
        %parallel_loop3A_952 = tpu.vector_load %arg8[%parallel_loop3A_950, %parallel_loop3A_951] {strides = array<i32>} : memref<512x128xf32, #tpu.memory_space<vmem>>, vector<1x16xf32>,
        %parallel_loop3A_953 = vector.shape_cast %parallel_loop3A_952 : vector<1x16xf32> to vector<16xf32>
        %parallel_loop3A_954 = arith.mulf %parallel_loop3A_949, %parallel_loop3A_953 : vector<16xf32>
        %parallel_loop3A_955 = arith.addf %parallel_loop3A_945, %parallel_loop3A_954 : vector<16xf32>
        %parallel_loop3A_956 = arith.index_cast %parallel_loop3A_884 : i32 to index
        %parallel_loop3A_957 = arith.constant 112 : index
        %parallel_loop3A_958 = tpu.vector_load %arg8[%parallel_loop3A_956, %parallel_loop3A_957] {strides = array<i32>} : memref<512x128xf32, #tpu.memory_space<vmem>>, vector<1x16xf32>,
        %parallel_loop3A_959 = vector.shape_cast %parallel_loop3A_958 : vector<1x16xf32> to vector<16xf32>
        %parallel_loop3A_960 = arith.index_cast %parallel_loop3A_886 : i32 to index
        %parallel_loop3A_961 = arith.constant 112 : index
        %parallel_loop3A_962 = tpu.vector_load %arg8[%parallel_loop3A_960, %parallel_loop3A_961] {strides = array<i32>} : memref<512x128xf32, #tpu.memory_space<vmem>>, vector<1x16xf32>,
        %parallel_loop3A_963 = vector.shape_cast %parallel_loop3A_962 : vector<1x16xf32> to vector<16xf32>
        %parallel_loop3A_964 = arith.mulf %parallel_loop3A_959, %parallel_loop3A_963 : vector<16xf32>
        %parallel_loop3A_965 = arith.addf %parallel_loop3A_955, %parallel_loop3A_964 : vector<16xf32>
        %parallel_loop3A_966 = arith.constant 16 : i32
        %parallel_loop3A_967 = arith.muli %parallel_loop3A_103, %parallel_loop3A_966 : i32
        %parallel_loop3A_968 = arith.addi %mul3A_71, %parallel_loop3A_967 : i32
        %parallel_loop3A_969 = arith.constant 10 : i32
        %parallel_loop3A_970 = arith.addi %parallel_loop3A_968, %parallel_loop3A_969 : i32
        %parallel_loop3A_971 = arith.constant 128 : i32
        %parallel_loop3A_972 = arith.addi %parallel_loop3A_970, %parallel_loop3A_971 : i32
        %parallel_loop3A_973 = arith.index_cast %parallel_loop3A_970 : i32 to index
        %parallel_loop3A_974 = arith.constant 0 : index
        %parallel_loop3A_975 = tpu.vector_load %arg8[%parallel_loop3A_973, %parallel_loop3A_974] {strides = array<i32>} : memref<512x128xf32, #tpu.memory_space<vmem>>, vector<1x16xf32>,
        %parallel_loop3A_976 = vector.shape_cast %parallel_loop3A_975 : vector<1x16xf32> to vector<16xf32>
        %parallel_loop3A_977 = arith.index_cast %parallel_loop3A_972 : i32 to index
        %parallel_loop3A_978 = arith.constant 0 : index
        %parallel_loop3A_979 = tpu.vector_load %arg8[%parallel_loop3A_977, %parallel_loop3A_978] {strides = array<i32>} : memref<512x128xf32, #tpu.memory_space<vmem>>, vector<1x16xf32>,
        %parallel_loop3A_980 = vector.shape_cast %parallel_loop3A_979 : vector<1x16xf32> to vector<16xf32>
        %parallel_loop3A_981 = arith.mulf %parallel_loop3A_976, %parallel_loop3A_980 : vector<16xf32>
        %parallel_loop3A_982 = arith.index_cast %parallel_loop3A_970 : i32 to index
        %parallel_loop3A_983 = arith.constant 16 : index
        %parallel_loop3A_984 = tpu.vector_load %arg8[%parallel_loop3A_982, %parallel_loop3A_983] {strides = array<i32>} : memref<512x128xf32, #tpu.memory_space<vmem>>, vector<1x16xf32>,
        %parallel_loop3A_985 = vector.shape_cast %parallel_loop3A_984 : vector<1x16xf32> to vector<16xf32>
        %parallel_loop3A_986 = arith.index_cast %parallel_loop3A_972 : i32 to index
        %parallel_loop3A_987 = arith.constant 16 : index
        %parallel_loop3A_988 = tpu.vector_load %arg8[%parallel_loop3A_986, %parallel_loop3A_987] {strides = array<i32>} : memref<512x128xf32, #tpu.memory_space<vmem>>, vector<1x16xf32>,
        %parallel_loop3A_989 = vector.shape_cast %parallel_loop3A_988 : vector<1x16xf32> to vector<16xf32>
        %parallel_loop3A_990 = arith.mulf %parallel_loop3A_985, %parallel_loop3A_989 : vector<16xf32>
        %parallel_loop3A_991 = arith.addf %parallel_loop3A_981, %parallel_loop3A_990 : vector<16xf32>
        %parallel_loop3A_992 = arith.index_cast %parallel_loop3A_970 : i32 to index
        %parallel_loop3A_993 = arith.constant 32 : index
        %parallel_loop3A_994 = tpu.vector_load %arg8[%parallel_loop3A_992, %parallel_loop3A_993] {strides = array<i32>} : memref<512x128xf32, #tpu.memory_space<vmem>>, vector<1x16xf32>,
        %parallel_loop3A_995 = vector.shape_cast %parallel_loop3A_994 : vector<1x16xf32> to vector<16xf32>
        %parallel_loop3A_996 = arith.index_cast %parallel_loop3A_972 : i32 to index
        %parallel_loop3A_997 = arith.constant 32 : index
        %parallel_loop3A_998 = tpu.vector_load %arg8[%parallel_loop3A_996, %parallel_loop3A_997] {strides = array<i32>} : memref<512x128xf32, #tpu.memory_space<vmem>>, vector<1x16xf32>,
        %parallel_loop3A_999 = vector.shape_cast %parallel_loop3A_998 : vector<1x16xf32> to vector<16xf32>
        %parallel_loop3A_1000 = arith.mulf %parallel_loop3A_995, %parallel_loop3A_999 : vector<16xf32>
        %parallel_loop3A_1001 = arith.addf %parallel_loop3A_991, %parallel_loop3A_1000 : vector<16xf32>
        %parallel_loop3A_1002 = arith.index_cast %parallel_loop3A_970 : i32 to index
        %parallel_loop3A_1003 = arith.constant 48 : index
        %parallel_loop3A_1004 = tpu.vector_load %arg8[%parallel_loop3A_1002, %parallel_loop3A_1003] {strides = array<i32>} : memref<512x128xf32, #tpu.memory_space<vmem>>, vector<1x16xf32>,
        %parallel_loop3A_1005 = vector.shape_cast %parallel_loop3A_1004 : vector<1x16xf32> to vector<16xf32>
        %parallel_loop3A_1006 = arith.index_cast %parallel_loop3A_972 : i32 to index
        %parallel_loop3A_1007 = arith.constant 48 : index
        %parallel_loop3A_1008 = tpu.vector_load %arg8[%parallel_loop3A_1006, %parallel_loop3A_1007] {strides = array<i32>} : memref<512x128xf32, #tpu.memory_space<vmem>>, vector<1x16xf32>,
        %parallel_loop3A_1009 = vector.shape_cast %parallel_loop3A_1008 : vector<1x16xf32> to vector<16xf32>
        %parallel_loop3A_1010 = arith.mulf %parallel_loop3A_1005, %parallel_loop3A_1009 : vector<16xf32>
        %parallel_loop3A_1011 = arith.addf %parallel_loop3A_1001, %parallel_loop3A_1010 : vector<16xf32>
        %parallel_loop3A_1012 = arith.index_cast %parallel_loop3A_970 : i32 to index
        %parallel_loop3A_1013 = arith.constant 64 : index
        %parallel_loop3A_1014 = tpu.vector_load %arg8[%parallel_loop3A_1012, %parallel_loop3A_1013] {strides = array<i32>} : memref<512x128xf32, #tpu.memory_space<vmem>>, vector<1x16xf32>,
        %parallel_loop3A_1015 = vector.shape_cast %parallel_loop3A_1014 : vector<1x16xf32> to vector<16xf32>
        %parallel_loop3A_1016 = arith.index_cast %parallel_loop3A_972 : i32 to index
        %parallel_loop3A_1017 = arith.constant 64 : index
        %parallel_loop3A_1018 = tpu.vector_load %arg8[%parallel_loop3A_1016, %parallel_loop3A_1017] {strides = array<i32>} : memref<512x128xf32, #tpu.memory_space<vmem>>, vector<1x16xf32>,
        %parallel_loop3A_1019 = vector.shape_cast %parallel_loop3A_1018 : vector<1x16xf32> to vector<16xf32>
        %parallel_loop3A_1020 = arith.mulf %parallel_loop3A_1015, %parallel_loop3A_1019 : vector<16xf32>
        %parallel_loop3A_1021 = arith.addf %parallel_loop3A_1011, %parallel_loop3A_1020 : vector<16xf32>
        %parallel_loop3A_1022 = arith.index_cast %parallel_loop3A_970 : i32 to index
        %parallel_loop3A_1023 = arith.constant 80 : index
        %parallel_loop3A_1024 = tpu.vector_load %arg8[%parallel_loop3A_1022, %parallel_loop3A_1023] {strides = array<i32>} : memref<512x128xf32, #tpu.memory_space<vmem>>, vector<1x16xf32>,
        %parallel_loop3A_1025 = vector.shape_cast %parallel_loop3A_1024 : vector<1x16xf32> to vector<16xf32>
        %parallel_loop3A_1026 = arith.index_cast %parallel_loop3A_972 : i32 to index
        %parallel_loop3A_1027 = arith.constant 80 : index
        %parallel_loop3A_1028 = tpu.vector_load %arg8[%parallel_loop3A_1026, %parallel_loop3A_1027] {strides = array<i32>} : memref<512x128xf32, #tpu.memory_space<vmem>>, vector<1x16xf32>,
        %parallel_loop3A_1029 = vector.shape_cast %parallel_loop3A_1028 : vector<1x16xf32> to vector<16xf32>
        %parallel_loop3A_1030 = arith.mulf %parallel_loop3A_1025, %parallel_loop3A_1029 : vector<16xf32>
        %parallel_loop3A_1031 = arith.addf %parallel_loop3A_1021, %parallel_loop3A_1030 : vector<16xf32>
        %parallel_loop3A_1032 = arith.index_cast %parallel_loop3A_970 : i32 to index
        %parallel_loop3A_1033 = arith.constant 96 : index
        %parallel_loop3A_1034 = tpu.vector_load %arg8[%parallel_loop3A_1032, %parallel_loop3A_1033] {strides = array<i32>} : memref<512x128xf32, #tpu.memory_space<vmem>>, vector<1x16xf32>,
        %parallel_loop3A_1035 = vector.shape_cast %parallel_loop3A_1034 : vector<1x16xf32> to vector<16xf32>
        %parallel_loop3A_1036 = arith.index_cast %parallel_loop3A_972 : i32 to index
        %parallel_loop3A_1037 = arith.constant 96 : index
        %parallel_loop3A_1038 = tpu.vector_load %arg8[%parallel_loop3A_1036, %parallel_loop3A_1037] {strides = array<i32>} : memref<512x128xf32, #tpu.memory_space<vmem>>, vector<1x16xf32>,
        %parallel_loop3A_1039 = vector.shape_cast %parallel_loop3A_1038 : vector<1x16xf32> to vector<16xf32>
        %parallel_loop3A_1040 = arith.mulf %parallel_loop3A_1035, %parallel_loop3A_1039 : vector<16xf32>
        %parallel_loop3A_1041 = arith.addf %parallel_loop3A_1031, %parallel_loop3A_1040 : vector<16xf32>
        %parallel_loop3A_1042 = arith.index_cast %parallel_loop3A_970 : i32 to index
        %parallel_loop3A_1043 = arith.constant 112 : index
        %parallel_loop3A_1044 = tpu.vector_load %arg8[%parallel_loop3A_1042, %parallel_loop3A_1043] {strides = array<i32>} : memref<512x128xf32, #tpu.memory_space<vmem>>, vector<1x16xf32>,
        %parallel_loop3A_1045 = vector.shape_cast %parallel_loop3A_1044 : vector<1x16xf32> to vector<16xf32>
        %parallel_loop3A_1046 = arith.index_cast %parallel_loop3A_972 : i32 to index
        %parallel_loop3A_1047 = arith.constant 112 : index
        %parallel_loop3A_1048 = tpu.vector_load %arg8[%parallel_loop3A_1046, %parallel_loop3A_1047] {strides = array<i32>} : memref<512x128xf32, #tpu.memory_space<vmem>>, vector<1x16xf32>,
        %parallel_loop3A_1049 = vector.shape_cast %parallel_loop3A_1048 : vector<1x16xf32> to vector<16xf32>
        %parallel_loop3A_1050 = arith.mulf %parallel_loop3A_1045, %parallel_loop3A_1049 : vector<16xf32>
        %parallel_loop3A_1051 = arith.addf %parallel_loop3A_1041, %parallel_loop3A_1050 : vector<16xf32>
        %parallel_loop3A_1052 = arith.constant 16 : i32
        %parallel_loop3A_1053 = arith.muli %parallel_loop3A_103, %parallel_loop3A_1052 : i32
        %parallel_loop3A_1054 = arith.addi %mul3A_71, %parallel_loop3A_1053 : i32
        %parallel_loop3A_1055 = arith.constant 11 : i32
        %parallel_loop3A_1056 = arith.addi %parallel_loop3A_1054, %parallel_loop3A_1055 : i32
        %parallel_loop3A_1057 = arith.constant 128 : i32
        %parallel_loop3A_1058 = arith.addi %parallel_loop3A_1056, %parallel_loop3A_1057 : i32
        %parallel_loop3A_1059 = arith.index_cast %parallel_loop3A_1056 : i32 to index
        %parallel_loop3A_1060 = arith.constant 0 : index
        %parallel_loop3A_1061 = tpu.vector_load %arg8[%parallel_loop3A_1059, %parallel_loop3A_1060] {strides = array<i32>} : memref<512x128xf32, #tpu.memory_space<vmem>>, vector<1x16xf32>,
        %parallel_loop3A_1062 = vector.shape_cast %parallel_loop3A_1061 : vector<1x16xf32> to vector<16xf32>
        %parallel_loop3A_1063 = arith.index_cast %parallel_loop3A_1058 : i32 to index
        %parallel_loop3A_1064 = arith.constant 0 : index
        %parallel_loop3A_1065 = tpu.vector_load %arg8[%parallel_loop3A_1063, %parallel_loop3A_1064] {strides = array<i32>} : memref<512x128xf32, #tpu.memory_space<vmem>>, vector<1x16xf32>,
        %parallel_loop3A_1066 = vector.shape_cast %parallel_loop3A_1065 : vector<1x16xf32> to vector<16xf32>
        %parallel_loop3A_1067 = arith.mulf %parallel_loop3A_1062, %parallel_loop3A_1066 : vector<16xf32>
        %parallel_loop3A_1068 = arith.index_cast %parallel_loop3A_1056 : i32 to index
        %parallel_loop3A_1069 = arith.constant 16 : index
        %parallel_loop3A_1070 = tpu.vector_load %arg8[%parallel_loop3A_1068, %parallel_loop3A_1069] {strides = array<i32>} : memref<512x128xf32, #tpu.memory_space<vmem>>, vector<1x16xf32>,
        %parallel_loop3A_1071 = vector.shape_cast %parallel_loop3A_1070 : vector<1x16xf32> to vector<16xf32>
        %parallel_loop3A_1072 = arith.index_cast %parallel_loop3A_1058 : i32 to index
        %parallel_loop3A_1073 = arith.constant 16 : index
        %parallel_loop3A_1074 = tpu.vector_load %arg8[%parallel_loop3A_1072, %parallel_loop3A_1073] {strides = array<i32>} : memref<512x128xf32, #tpu.memory_space<vmem>>, vector<1x16xf32>,
        %parallel_loop3A_1075 = vector.shape_cast %parallel_loop3A_1074 : vector<1x16xf32> to vector<16xf32>
        %parallel_loop3A_1076 = arith.mulf %parallel_loop3A_1071, %parallel_loop3A_1075 : vector<16xf32>
        %parallel_loop3A_1077 = arith.addf %parallel_loop3A_1067, %parallel_loop3A_1076 : vector<16xf32>
        %parallel_loop3A_1078 = arith.index_cast %parallel_loop3A_1056 : i32 to index
        %parallel_loop3A_1079 = arith.constant 32 : index
        %parallel_loop3A_1080 = tpu.vector_load %arg8[%parallel_loop3A_1078, %parallel_loop3A_1079] {strides = array<i32>} : memref<512x128xf32, #tpu.memory_space<vmem>>, vector<1x16xf32>,
        %parallel_loop3A_1081 = vector.shape_cast %parallel_loop3A_1080 : vector<1x16xf32> to vector<16xf32>
        %parallel_loop3A_1082 = arith.index_cast %parallel_loop3A_1058 : i32 to index
        %parallel_loop3A_1083 = arith.constant 32 : index
        %parallel_loop3A_1084 = tpu.vector_load %arg8[%parallel_loop3A_1082, %parallel_loop3A_1083] {strides = array<i32>} : memref<512x128xf32, #tpu.memory_space<vmem>>, vector<1x16xf32>,
        %parallel_loop3A_1085 = vector.shape_cast %parallel_loop3A_1084 : vector<1x16xf32> to vector<16xf32>
        %parallel_loop3A_1086 = arith.mulf %parallel_loop3A_1081, %parallel_loop3A_1085 : vector<16xf32>
        %parallel_loop3A_1087 = arith.addf %parallel_loop3A_1077, %parallel_loop3A_1086 : vector<16xf32>
        %parallel_loop3A_1088 = arith.index_cast %parallel_loop3A_1056 : i32 to index
        %parallel_loop3A_1089 = arith.constant 48 : index
        %parallel_loop3A_1090 = tpu.vector_load %arg8[%parallel_loop3A_1088, %parallel_loop3A_1089] {strides = array<i32>} : memref<512x128xf32, #tpu.memory_space<vmem>>, vector<1x16xf32>,
        %parallel_loop3A_1091 = vector.shape_cast %parallel_loop3A_1090 : vector<1x16xf32> to vector<16xf32>
        %parallel_loop3A_1092 = arith.index_cast %parallel_loop3A_1058 : i32 to index
        %parallel_loop3A_1093 = arith.constant 48 : index
        %parallel_loop3A_1094 = tpu.vector_load %arg8[%parallel_loop3A_1092, %parallel_loop3A_1093] {strides = array<i32>} : memref<512x128xf32, #tpu.memory_space<vmem>>, vector<1x16xf32>,
        %parallel_loop3A_1095 = vector.shape_cast %parallel_loop3A_1094 : vector<1x16xf32> to vector<16xf32>
        %parallel_loop3A_1096 = arith.mulf %parallel_loop3A_1091, %parallel_loop3A_1095 : vector<16xf32>
        %parallel_loop3A_1097 = arith.addf %parallel_loop3A_1087, %parallel_loop3A_1096 : vector<16xf32>
        %parallel_loop3A_1098 = arith.index_cast %parallel_loop3A_1056 : i32 to index
        %parallel_loop3A_1099 = arith.constant 64 : index
        %parallel_loop3A_1100 = tpu.vector_load %arg8[%parallel_loop3A_1098, %parallel_loop3A_1099] {strides = array<i32>} : memref<512x128xf32, #tpu.memory_space<vmem>>, vector<1x16xf32>,
        %parallel_loop3A_1101 = vector.shape_cast %parallel_loop3A_1100 : vector<1x16xf32> to vector<16xf32>
        %parallel_loop3A_1102 = arith.index_cast %parallel_loop3A_1058 : i32 to index
        %parallel_loop3A_1103 = arith.constant 64 : index
        %parallel_loop3A_1104 = tpu.vector_load %arg8[%parallel_loop3A_1102, %parallel_loop3A_1103] {strides = array<i32>} : memref<512x128xf32, #tpu.memory_space<vmem>>, vector<1x16xf32>,
        %parallel_loop3A_1105 = vector.shape_cast %parallel_loop3A_1104 : vector<1x16xf32> to vector<16xf32>
        %parallel_loop3A_1106 = arith.mulf %parallel_loop3A_1101, %parallel_loop3A_1105 : vector<16xf32>
        %parallel_loop3A_1107 = arith.addf %parallel_loop3A_1097, %parallel_loop3A_1106 : vector<16xf32>
        %parallel_loop3A_1108 = arith.index_cast %parallel_loop3A_1056 : i32 to index
        %parallel_loop3A_1109 = arith.constant 80 : index
        %parallel_loop3A_1110 = tpu.vector_load %arg8[%parallel_loop3A_1108, %parallel_loop3A_1109] {strides = array<i32>} : memref<512x128xf32, #tpu.memory_space<vmem>>, vector<1x16xf32>,
        %parallel_loop3A_1111 = vector.shape_cast %parallel_loop3A_1110 : vector<1x16xf32> to vector<16xf32>
        %parallel_loop3A_1112 = arith.index_cast %parallel_loop3A_1058 : i32 to index
        %parallel_loop3A_1113 = arith.constant 80 : index
        %parallel_loop3A_1114 = tpu.vector_load %arg8[%parallel_loop3A_1112, %parallel_loop3A_1113] {strides = array<i32>} : memref<512x128xf32, #tpu.memory_space<vmem>>, vector<1x16xf32>,
        %parallel_loop3A_1115 = vector.shape_cast %parallel_loop3A_1114 : vector<1x16xf32> to vector<16xf32>
        %parallel_loop3A_1116 = arith.mulf %parallel_loop3A_1111, %parallel_loop3A_1115 : vector<16xf32>
        %parallel_loop3A_1117 = arith.addf %parallel_loop3A_1107, %parallel_loop3A_1116 : vector<16xf32>
        %parallel_loop3A_1118 = arith.index_cast %parallel_loop3A_1056 : i32 to index
        %parallel_loop3A_1119 = arith.constant 96 : index
        %parallel_loop3A_1120 = tpu.vector_load %arg8[%parallel_loop3A_1118, %parallel_loop3A_1119] {strides = array<i32>} : memref<512x128xf32, #tpu.memory_space<vmem>>, vector<1x16xf32>,
        %parallel_loop3A_1121 = vector.shape_cast %parallel_loop3A_1120 : vector<1x16xf32> to vector<16xf32>
        %parallel_loop3A_1122 = arith.index_cast %parallel_loop3A_1058 : i32 to index
        %parallel_loop3A_1123 = arith.constant 96 : index
        %parallel_loop3A_1124 = tpu.vector_load %arg8[%parallel_loop3A_1122, %parallel_loop3A_1123] {strides = array<i32>} : memref<512x128xf32, #tpu.memory_space<vmem>>, vector<1x16xf32>,
        %parallel_loop3A_1125 = vector.shape_cast %parallel_loop3A_1124 : vector<1x16xf32> to vector<16xf32>
        %parallel_loop3A_1126 = arith.mulf %parallel_loop3A_1121, %parallel_loop3A_1125 : vector<16xf32>
        %parallel_loop3A_1127 = arith.addf %parallel_loop3A_1117, %parallel_loop3A_1126 : vector<16xf32>
        %parallel_loop3A_1128 = arith.index_cast %parallel_loop3A_1056 : i32 to index
        %parallel_loop3A_1129 = arith.constant 112 : index
        %parallel_loop3A_1130 = tpu.vector_load %arg8[%parallel_loop3A_1128, %parallel_loop3A_1129] {strides = array<i32>} : memref<512x128xf32, #tpu.memory_space<vmem>>, vector<1x16xf32>,
        %parallel_loop3A_1131 = vector.shape_cast %parallel_loop3A_1130 : vector<1x16xf32> to vector<16xf32>
        %parallel_loop3A_1132 = arith.index_cast %parallel_loop3A_1058 : i32 to index
        %parallel_loop3A_1133 = arith.constant 112 : index
        %parallel_loop3A_1134 = tpu.vector_load %arg8[%parallel_loop3A_1132, %parallel_loop3A_1133] {strides = array<i32>} : memref<512x128xf32, #tpu.memory_space<vmem>>, vector<1x16xf32>,
        %parallel_loop3A_1135 = vector.shape_cast %parallel_loop3A_1134 : vector<1x16xf32> to vector<16xf32>
        %parallel_loop3A_1136 = arith.mulf %parallel_loop3A_1131, %parallel_loop3A_1135 : vector<16xf32>
        %parallel_loop3A_1137 = arith.addf %parallel_loop3A_1127, %parallel_loop3A_1136 : vector<16xf32>
        %parallel_loop3A_1138 = arith.constant 16 : i32
        %parallel_loop3A_1139 = arith.muli %parallel_loop3A_103, %parallel_loop3A_1138 : i32
        %parallel_loop3A_1140 = arith.addi %mul3A_71, %parallel_loop3A_1139 : i32
        %parallel_loop3A_1141 = arith.constant 12 : i32
        %parallel_loop3A_1142 = arith.addi %parallel_loop3A_1140, %parallel_loop3A_1141 : i32
        %parallel_loop3A_1143 = arith.constant 128 : i32
        %parallel_loop3A_1144 = arith.addi %parallel_loop3A_1142, %parallel_loop3A_1143 : i32
        %parallel_loop3A_1145 = arith.index_cast %parallel_loop3A_1142 : i32 to index
        %parallel_loop3A_1146 = arith.constant 0 : index
        %parallel_loop3A_1147 = tpu.vector_load %arg8[%parallel_loop3A_1145, %parallel_loop3A_1146] {strides = array<i32>} : memref<512x128xf32, #tpu.memory_space<vmem>>, vector<1x16xf32>,
        %parallel_loop3A_1148 = vector.shape_cast %parallel_loop3A_1147 : vector<1x16xf32> to vector<16xf32>
        %parallel_loop3A_1149 = arith.index_cast %parallel_loop3A_1144 : i32 to index
        %parallel_loop3A_1150 = arith.constant 0 : index
        %parallel_loop3A_1151 = tpu.vector_load %arg8[%parallel_loop3A_1149, %parallel_loop3A_1150] {strides = array<i32>} : memref<512x128xf32, #tpu.memory_space<vmem>>, vector<1x16xf32>,
        %parallel_loop3A_1152 = vector.shape_cast %parallel_loop3A_1151 : vector<1x16xf32> to vector<16xf32>
        %parallel_loop3A_1153 = arith.mulf %parallel_loop3A_1148, %parallel_loop3A_1152 : vector<16xf32>
        %parallel_loop3A_1154 = arith.index_cast %parallel_loop3A_1142 : i32 to index
        %parallel_loop3A_1155 = arith.constant 16 : index
        %parallel_loop3A_1156 = tpu.vector_load %arg8[%parallel_loop3A_1154, %parallel_loop3A_1155] {strides = array<i32>} : memref<512x128xf32, #tpu.memory_space<vmem>>, vector<1x16xf32>,
        %parallel_loop3A_1157 = vector.shape_cast %parallel_loop3A_1156 : vector<1x16xf32> to vector<16xf32>
        %parallel_loop3A_1158 = arith.index_cast %parallel_loop3A_1144 : i32 to index
        %parallel_loop3A_1159 = arith.constant 16 : index
        %parallel_loop3A_1160 = tpu.vector_load %arg8[%parallel_loop3A_1158, %parallel_loop3A_1159] {strides = array<i32>} : memref<512x128xf32, #tpu.memory_space<vmem>>, vector<1x16xf32>,
        %parallel_loop3A_1161 = vector.shape_cast %parallel_loop3A_1160 : vector<1x16xf32> to vector<16xf32>
        %parallel_loop3A_1162 = arith.mulf %parallel_loop3A_1157, %parallel_loop3A_1161 : vector<16xf32>
        %parallel_loop3A_1163 = arith.addf %parallel_loop3A_1153, %parallel_loop3A_1162 : vector<16xf32>
        %parallel_loop3A_1164 = arith.index_cast %parallel_loop3A_1142 : i32 to index
        %parallel_loop3A_1165 = arith.constant 32 : index
        %parallel_loop3A_1166 = tpu.vector_load %arg8[%parallel_loop3A_1164, %parallel_loop3A_1165] {strides = array<i32>} : memref<512x128xf32, #tpu.memory_space<vmem>>, vector<1x16xf32>,
        %parallel_loop3A_1167 = vector.shape_cast %parallel_loop3A_1166 : vector<1x16xf32> to vector<16xf32>
        %parallel_loop3A_1168 = arith.index_cast %parallel_loop3A_1144 : i32 to index
        %parallel_loop3A_1169 = arith.constant 32 : index
        %parallel_loop3A_1170 = tpu.vector_load %arg8[%parallel_loop3A_1168, %parallel_loop3A_1169] {strides = array<i32>} : memref<512x128xf32, #tpu.memory_space<vmem>>, vector<1x16xf32>,
        %parallel_loop3A_1171 = vector.shape_cast %parallel_loop3A_1170 : vector<1x16xf32> to vector<16xf32>
        %parallel_loop3A_1172 = arith.mulf %parallel_loop3A_1167, %parallel_loop3A_1171 : vector<16xf32>
        %parallel_loop3A_1173 = arith.addf %parallel_loop3A_1163, %parallel_loop3A_1172 : vector<16xf32>
        %parallel_loop3A_1174 = arith.index_cast %parallel_loop3A_1142 : i32 to index
        %parallel_loop3A_1175 = arith.constant 48 : index
        %parallel_loop3A_1176 = tpu.vector_load %arg8[%parallel_loop3A_1174, %parallel_loop3A_1175] {strides = array<i32>} : memref<512x128xf32, #tpu.memory_space<vmem>>, vector<1x16xf32>,
        %parallel_loop3A_1177 = vector.shape_cast %parallel_loop3A_1176 : vector<1x16xf32> to vector<16xf32>
        %parallel_loop3A_1178 = arith.index_cast %parallel_loop3A_1144 : i32 to index
        %parallel_loop3A_1179 = arith.constant 48 : index
        %parallel_loop3A_1180 = tpu.vector_load %arg8[%parallel_loop3A_1178, %parallel_loop3A_1179] {strides = array<i32>} : memref<512x128xf32, #tpu.memory_space<vmem>>, vector<1x16xf32>,
        %parallel_loop3A_1181 = vector.shape_cast %parallel_loop3A_1180 : vector<1x16xf32> to vector<16xf32>
        %parallel_loop3A_1182 = arith.mulf %parallel_loop3A_1177, %parallel_loop3A_1181 : vector<16xf32>
        %parallel_loop3A_1183 = arith.addf %parallel_loop3A_1173, %parallel_loop3A_1182 : vector<16xf32>
        %parallel_loop3A_1184 = arith.index_cast %parallel_loop3A_1142 : i32 to index
        %parallel_loop3A_1185 = arith.constant 64 : index
        %parallel_loop3A_1186 = tpu.vector_load %arg8[%parallel_loop3A_1184, %parallel_loop3A_1185] {strides = array<i32>} : memref<512x128xf32, #tpu.memory_space<vmem>>, vector<1x16xf32>,
        %parallel_loop3A_1187 = vector.shape_cast %parallel_loop3A_1186 : vector<1x16xf32> to vector<16xf32>
        %parallel_loop3A_1188 = arith.index_cast %parallel_loop3A_1144 : i32 to index
        %parallel_loop3A_1189 = arith.constant 64 : index
        %parallel_loop3A_1190 = tpu.vector_load %arg8[%parallel_loop3A_1188, %parallel_loop3A_1189] {strides = array<i32>} : memref<512x128xf32, #tpu.memory_space<vmem>>, vector<1x16xf32>,
        %parallel_loop3A_1191 = vector.shape_cast %parallel_loop3A_1190 : vector<1x16xf32> to vector<16xf32>
        %parallel_loop3A_1192 = arith.mulf %parallel_loop3A_1187, %parallel_loop3A_1191 : vector<16xf32>
        %parallel_loop3A_1193 = arith.addf %parallel_loop3A_1183, %parallel_loop3A_1192 : vector<16xf32>
        %parallel_loop3A_1194 = arith.index_cast %parallel_loop3A_1142 : i32 to index
        %parallel_loop3A_1195 = arith.constant 80 : index
        %parallel_loop3A_1196 = tpu.vector_load %arg8[%parallel_loop3A_1194, %parallel_loop3A_1195] {strides = array<i32>} : memref<512x128xf32, #tpu.memory_space<vmem>>, vector<1x16xf32>,
        %parallel_loop3A_1197 = vector.shape_cast %parallel_loop3A_1196 : vector<1x16xf32> to vector<16xf32>
        %parallel_loop3A_1198 = arith.index_cast %parallel_loop3A_1144 : i32 to index
        %parallel_loop3A_1199 = arith.constant 80 : index
        %parallel_loop3A_1200 = tpu.vector_load %arg8[%parallel_loop3A_1198, %parallel_loop3A_1199] {strides = array<i32>} : memref<512x128xf32, #tpu.memory_space<vmem>>, vector<1x16xf32>,
        %parallel_loop3A_1201 = vector.shape_cast %parallel_loop3A_1200 : vector<1x16xf32> to vector<16xf32>
        %parallel_loop3A_1202 = arith.mulf %parallel_loop3A_1197, %parallel_loop3A_1201 : vector<16xf32>
        %parallel_loop3A_1203 = arith.addf %parallel_loop3A_1193, %parallel_loop3A_1202 : vector<16xf32>
        %parallel_loop3A_1204 = arith.index_cast %parallel_loop3A_1142 : i32 to index
        %parallel_loop3A_1205 = arith.constant 96 : index
        %parallel_loop3A_1206 = tpu.vector_load %arg8[%parallel_loop3A_1204, %parallel_loop3A_1205] {strides = array<i32>} : memref<512x128xf32, #tpu.memory_space<vmem>>, vector<1x16xf32>,
        %parallel_loop3A_1207 = vector.shape_cast %parallel_loop3A_1206 : vector<1x16xf32> to vector<16xf32>
        %parallel_loop3A_1208 = arith.index_cast %parallel_loop3A_1144 : i32 to index
        %parallel_loop3A_1209 = arith.constant 96 : index
        %parallel_loop3A_1210 = tpu.vector_load %arg8[%parallel_loop3A_1208, %parallel_loop3A_1209] {strides = array<i32>} : memref<512x128xf32, #tpu.memory_space<vmem>>, vector<1x16xf32>,
        %parallel_loop3A_1211 = vector.shape_cast %parallel_loop3A_1210 : vector<1x16xf32> to vector<16xf32>
        %parallel_loop3A_1212 = arith.mulf %parallel_loop3A_1207, %parallel_loop3A_1211 : vector<16xf32>
        %parallel_loop3A_1213 = arith.addf %parallel_loop3A_1203, %parallel_loop3A_1212 : vector<16xf32>
        %parallel_loop3A_1214 = arith.index_cast %parallel_loop3A_1142 : i32 to index
        %parallel_loop3A_1215 = arith.constant 112 : index
        %parallel_loop3A_1216 = tpu.vector_load %arg8[%parallel_loop3A_1214, %parallel_loop3A_1215] {strides = array<i32>} : memref<512x128xf32, #tpu.memory_space<vmem>>, vector<1x16xf32>,
        %parallel_loop3A_1217 = vector.shape_cast %parallel_loop3A_1216 : vector<1x16xf32> to vector<16xf32>
        %parallel_loop3A_1218 = arith.index_cast %parallel_loop3A_1144 : i32 to index
        %parallel_loop3A_1219 = arith.constant 112 : index
        %parallel_loop3A_1220 = tpu.vector_load %arg8[%parallel_loop3A_1218, %parallel_loop3A_1219] {strides = array<i32>} : memref<512x128xf32, #tpu.memory_space<vmem>>, vector<1x16xf32>,
        %parallel_loop3A_1221 = vector.shape_cast %parallel_loop3A_1220 : vector<1x16xf32> to vector<16xf32>
        %parallel_loop3A_1222 = arith.mulf %parallel_loop3A_1217, %parallel_loop3A_1221 : vector<16xf32>
        %parallel_loop3A_1223 = arith.addf %parallel_loop3A_1213, %parallel_loop3A_1222 : vector<16xf32>
        %parallel_loop3A_1224 = arith.constant 16 : i32
        %parallel_loop3A_1225 = arith.muli %parallel_loop3A_103, %parallel_loop3A_1224 : i32
        %parallel_loop3A_1226 = arith.addi %mul3A_71, %parallel_loop3A_1225 : i32
        %parallel_loop3A_1227 = arith.constant 13 : i32
        %parallel_loop3A_1228 = arith.addi %parallel_loop3A_1226, %parallel_loop3A_1227 : i32
        %parallel_loop3A_1229 = arith.constant 128 : i32
        %parallel_loop3A_1230 = arith.addi %parallel_loop3A_1228, %parallel_loop3A_1229 : i32
        %parallel_loop3A_1231 = arith.index_cast %parallel_loop3A_1228 : i32 to index
        %parallel_loop3A_1232 = arith.constant 0 : index
        %parallel_loop3A_1233 = tpu.vector_load %arg8[%parallel_loop3A_1231, %parallel_loop3A_1232] {strides = array<i32>} : memref<512x128xf32, #tpu.memory_space<vmem>>, vector<1x16xf32>,
        %parallel_loop3A_1234 = vector.shape_cast %parallel_loop3A_1233 : vector<1x16xf32> to vector<16xf32>
        %parallel_loop3A_1235 = arith.index_cast %parallel_loop3A_1230 : i32 to index
        %parallel_loop3A_1236 = arith.constant 0 : index
        %parallel_loop3A_1237 = tpu.vector_load %arg8[%parallel_loop3A_1235, %parallel_loop3A_1236] {strides = array<i32>} : memref<512x128xf32, #tpu.memory_space<vmem>>, vector<1x16xf32>,
        %parallel_loop3A_1238 = vector.shape_cast %parallel_loop3A_1237 : vector<1x16xf32> to vector<16xf32>
        %parallel_loop3A_1239 = arith.mulf %parallel_loop3A_1234, %parallel_loop3A_1238 : vector<16xf32>
        %parallel_loop3A_1240 = arith.index_cast %parallel_loop3A_1228 : i32 to index
        %parallel_loop3A_1241 = arith.constant 16 : index
        %parallel_loop3A_1242 = tpu.vector_load %arg8[%parallel_loop3A_1240, %parallel_loop3A_1241] {strides = array<i32>} : memref<512x128xf32, #tpu.memory_space<vmem>>, vector<1x16xf32>,
        %parallel_loop3A_1243 = vector.shape_cast %parallel_loop3A_1242 : vector<1x16xf32> to vector<16xf32>
        %parallel_loop3A_1244 = arith.index_cast %parallel_loop3A_1230 : i32 to index
        %parallel_loop3A_1245 = arith.constant 16 : index
        %parallel_loop3A_1246 = tpu.vector_load %arg8[%parallel_loop3A_1244, %parallel_loop3A_1245] {strides = array<i32>} : memref<512x128xf32, #tpu.memory_space<vmem>>, vector<1x16xf32>,
        %parallel_loop3A_1247 = vector.shape_cast %parallel_loop3A_1246 : vector<1x16xf32> to vector<16xf32>
        %parallel_loop3A_1248 = arith.mulf %parallel_loop3A_1243, %parallel_loop3A_1247 : vector<16xf32>
        %parallel_loop3A_1249 = arith.addf %parallel_loop3A_1239, %parallel_loop3A_1248 : vector<16xf32>
        %parallel_loop3A_1250 = arith.index_cast %parallel_loop3A_1228 : i32 to index
        %parallel_loop3A_1251 = arith.constant 32 : index
        %parallel_loop3A_1252 = tpu.vector_load %arg8[%parallel_loop3A_1250, %parallel_loop3A_1251] {strides = array<i32>} : memref<512x128xf32, #tpu.memory_space<vmem>>, vector<1x16xf32>,
        %parallel_loop3A_1253 = vector.shape_cast %parallel_loop3A_1252 : vector<1x16xf32> to vector<16xf32>
        %parallel_loop3A_1254 = arith.index_cast %parallel_loop3A_1230 : i32 to index
        %parallel_loop3A_1255 = arith.constant 32 : index
        %parallel_loop3A_1256 = tpu.vector_load %arg8[%parallel_loop3A_1254, %parallel_loop3A_1255] {strides = array<i32>} : memref<512x128xf32, #tpu.memory_space<vmem>>, vector<1x16xf32>,
        %parallel_loop3A_1257 = vector.shape_cast %parallel_loop3A_1256 : vector<1x16xf32> to vector<16xf32>
        %parallel_loop3A_1258 = arith.mulf %parallel_loop3A_1253, %parallel_loop3A_1257 : vector<16xf32>
        %parallel_loop3A_1259 = arith.addf %parallel_loop3A_1249, %parallel_loop3A_1258 : vector<16xf32>
        %parallel_loop3A_1260 = arith.index_cast %parallel_loop3A_1228 : i32 to index
        %parallel_loop3A_1261 = arith.constant 48 : index
        %parallel_loop3A_1262 = tpu.vector_load %arg8[%parallel_loop3A_1260, %parallel_loop3A_1261] {strides = array<i32>} : memref<512x128xf32, #tpu.memory_space<vmem>>, vector<1x16xf32>,
        %parallel_loop3A_1263 = vector.shape_cast %parallel_loop3A_1262 : vector<1x16xf32> to vector<16xf32>
        %parallel_loop3A_1264 = arith.index_cast %parallel_loop3A_1230 : i32 to index
        %parallel_loop3A_1265 = arith.constant 48 : index
        %parallel_loop3A_1266 = tpu.vector_load %arg8[%parallel_loop3A_1264, %parallel_loop3A_1265] {strides = array<i32>} : memref<512x128xf32, #tpu.memory_space<vmem>>, vector<1x16xf32>,
        %parallel_loop3A_1267 = vector.shape_cast %parallel_loop3A_1266 : vector<1x16xf32> to vector<16xf32>
        %parallel_loop3A_1268 = arith.mulf %parallel_loop3A_1263, %parallel_loop3A_1267 : vector<16xf32>
        %parallel_loop3A_1269 = arith.addf %parallel_loop3A_1259, %parallel_loop3A_1268 : vector<16xf32>
        %parallel_loop3A_1270 = arith.index_cast %parallel_loop3A_1228 : i32 to index
        %parallel_loop3A_1271 = arith.constant 64 : index
        %parallel_loop3A_1272 = tpu.vector_load %arg8[%parallel_loop3A_1270, %parallel_loop3A_1271] {strides = array<i32>} : memref<512x128xf32, #tpu.memory_space<vmem>>, vector<1x16xf32>,
        %parallel_loop3A_1273 = vector.shape_cast %parallel_loop3A_1272 : vector<1x16xf32> to vector<16xf32>
        %parallel_loop3A_1274 = arith.index_cast %parallel_loop3A_1230 : i32 to index
        %parallel_loop3A_1275 = arith.constant 64 : index
        %parallel_loop3A_1276 = tpu.vector_load %arg8[%parallel_loop3A_1274, %parallel_loop3A_1275] {strides = array<i32>} : memref<512x128xf32, #tpu.memory_space<vmem>>, vector<1x16xf32>,
        %parallel_loop3A_1277 = vector.shape_cast %parallel_loop3A_1276 : vector<1x16xf32> to vector<16xf32>
        %parallel_loop3A_1278 = arith.mulf %parallel_loop3A_1273, %parallel_loop3A_1277 : vector<16xf32>
        %parallel_loop3A_1279 = arith.addf %parallel_loop3A_1269, %parallel_loop3A_1278 : vector<16xf32>
        %parallel_loop3A_1280 = arith.index_cast %parallel_loop3A_1228 : i32 to index
        %parallel_loop3A_1281 = arith.constant 80 : index
        %parallel_loop3A_1282 = tpu.vector_load %arg8[%parallel_loop3A_1280, %parallel_loop3A_1281] {strides = array<i32>} : memref<512x128xf32, #tpu.memory_space<vmem>>, vector<1x16xf32>,
        %parallel_loop3A_1283 = vector.shape_cast %parallel_loop3A_1282 : vector<1x16xf32> to vector<16xf32>
        %parallel_loop3A_1284 = arith.index_cast %parallel_loop3A_1230 : i32 to index
        %parallel_loop3A_1285 = arith.constant 80 : index
        %parallel_loop3A_1286 = tpu.vector_load %arg8[%parallel_loop3A_1284, %parallel_loop3A_1285] {strides = array<i32>} : memref<512x128xf32, #tpu.memory_space<vmem>>, vector<1x16xf32>,
        %parallel_loop3A_1287 = vector.shape_cast %parallel_loop3A_1286 : vector<1x16xf32> to vector<16xf32>
        %parallel_loop3A_1288 = arith.mulf %parallel_loop3A_1283, %parallel_loop3A_1287 : vector<16xf32>
        %parallel_loop3A_1289 = arith.addf %parallel_loop3A_1279, %parallel_loop3A_1288 : vector<16xf32>
        %parallel_loop3A_1290 = arith.index_cast %parallel_loop3A_1228 : i32 to index
        %parallel_loop3A_1291 = arith.constant 96 : index
        %parallel_loop3A_1292 = tpu.vector_load %arg8[%parallel_loop3A_1290, %parallel_loop3A_1291] {strides = array<i32>} : memref<512x128xf32, #tpu.memory_space<vmem>>, vector<1x16xf32>,
        %parallel_loop3A_1293 = vector.shape_cast %parallel_loop3A_1292 : vector<1x16xf32> to vector<16xf32>
        %parallel_loop3A_1294 = arith.index_cast %parallel_loop3A_1230 : i32 to index
        %parallel_loop3A_1295 = arith.constant 96 : index
        %parallel_loop3A_1296 = tpu.vector_load %arg8[%parallel_loop3A_1294, %parallel_loop3A_1295] {strides = array<i32>} : memref<512x128xf32, #tpu.memory_space<vmem>>, vector<1x16xf32>,
        %parallel_loop3A_1297 = vector.shape_cast %parallel_loop3A_1296 : vector<1x16xf32> to vector<16xf32>
        %parallel_loop3A_1298 = arith.mulf %parallel_loop3A_1293, %parallel_loop3A_1297 : vector<16xf32>
        %parallel_loop3A_1299 = arith.addf %parallel_loop3A_1289, %parallel_loop3A_1298 : vector<16xf32>
        %parallel_loop3A_1300 = arith.index_cast %parallel_loop3A_1228 : i32 to index
        %parallel_loop3A_1301 = arith.constant 112 : index
        %parallel_loop3A_1302 = tpu.vector_load %arg8[%parallel_loop3A_1300, %parallel_loop3A_1301] {strides = array<i32>} : memref<512x128xf32, #tpu.memory_space<vmem>>, vector<1x16xf32>,
        %parallel_loop3A_1303 = vector.shape_cast %parallel_loop3A_1302 : vector<1x16xf32> to vector<16xf32>
        %parallel_loop3A_1304 = arith.index_cast %parallel_loop3A_1230 : i32 to index
        %parallel_loop3A_1305 = arith.constant 112 : index
        %parallel_loop3A_1306 = tpu.vector_load %arg8[%parallel_loop3A_1304, %parallel_loop3A_1305] {strides = array<i32>} : memref<512x128xf32, #tpu.memory_space<vmem>>, vector<1x16xf32>,
        %parallel_loop3A_1307 = vector.shape_cast %parallel_loop3A_1306 : vector<1x16xf32> to vector<16xf32>
        %parallel_loop3A_1308 = arith.mulf %parallel_loop3A_1303, %parallel_loop3A_1307 : vector<16xf32>
        %parallel_loop3A_1309 = arith.addf %parallel_loop3A_1299, %parallel_loop3A_1308 : vector<16xf32>
        %parallel_loop3A_1310 = arith.constant 16 : i32
        %parallel_loop3A_1311 = arith.muli %parallel_loop3A_103, %parallel_loop3A_1310 : i32
        %parallel_loop3A_1312 = arith.addi %mul3A_71, %parallel_loop3A_1311 : i32
        %parallel_loop3A_1313 = arith.constant 14 : i32
        %parallel_loop3A_1314 = arith.addi %parallel_loop3A_1312, %parallel_loop3A_1313 : i32
        %parallel_loop3A_1315 = arith.constant 128 : i32
        %parallel_loop3A_1316 = arith.addi %parallel_loop3A_1314, %parallel_loop3A_1315 : i32
        %parallel_loop3A_1317 = arith.index_cast %parallel_loop3A_1314 : i32 to index
        %parallel_loop3A_1318 = arith.constant 0 : index
        %parallel_loop3A_1319 = tpu.vector_load %arg8[%parallel_loop3A_1317, %parallel_loop3A_1318] {strides = array<i32>} : memref<512x128xf32, #tpu.memory_space<vmem>>, vector<1x16xf32>,
        %parallel_loop3A_1320 = vector.shape_cast %parallel_loop3A_1319 : vector<1x16xf32> to vector<16xf32>
        %parallel_loop3A_1321 = arith.index_cast %parallel_loop3A_1316 : i32 to index
        %parallel_loop3A_1322 = arith.constant 0 : index
        %parallel_loop3A_1323 = tpu.vector_load %arg8[%parallel_loop3A_1321, %parallel_loop3A_1322] {strides = array<i32>} : memref<512x128xf32, #tpu.memory_space<vmem>>, vector<1x16xf32>,
        %parallel_loop3A_1324 = vector.shape_cast %parallel_loop3A_1323 : vector<1x16xf32> to vector<16xf32>
        %parallel_loop3A_1325 = arith.mulf %parallel_loop3A_1320, %parallel_loop3A_1324 : vector<16xf32>
        %parallel_loop3A_1326 = arith.index_cast %parallel_loop3A_1314 : i32 to index
        %parallel_loop3A_1327 = arith.constant 16 : index
        %parallel_loop3A_1328 = tpu.vector_load %arg8[%parallel_loop3A_1326, %parallel_loop3A_1327] {strides = array<i32>} : memref<512x128xf32, #tpu.memory_space<vmem>>, vector<1x16xf32>,
        %parallel_loop3A_1329 = vector.shape_cast %parallel_loop3A_1328 : vector<1x16xf32> to vector<16xf32>
        %parallel_loop3A_1330 = arith.index_cast %parallel_loop3A_1316 : i32 to index
        %parallel_loop3A_1331 = arith.constant 16 : index
        %parallel_loop3A_1332 = tpu.vector_load %arg8[%parallel_loop3A_1330, %parallel_loop3A_1331] {strides = array<i32>} : memref<512x128xf32, #tpu.memory_space<vmem>>, vector<1x16xf32>,
        %parallel_loop3A_1333 = vector.shape_cast %parallel_loop3A_1332 : vector<1x16xf32> to vector<16xf32>
        %parallel_loop3A_1334 = arith.mulf %parallel_loop3A_1329, %parallel_loop3A_1333 : vector<16xf32>
        %parallel_loop3A_1335 = arith.addf %parallel_loop3A_1325, %parallel_loop3A_1334 : vector<16xf32>
        %parallel_loop3A_1336 = arith.index_cast %parallel_loop3A_1314 : i32 to index
        %parallel_loop3A_1337 = arith.constant 32 : index
        %parallel_loop3A_1338 = tpu.vector_load %arg8[%parallel_loop3A_1336, %parallel_loop3A_1337] {strides = array<i32>} : memref<512x128xf32, #tpu.memory_space<vmem>>, vector<1x16xf32>,
        %parallel_loop3A_1339 = vector.shape_cast %parallel_loop3A_1338 : vector<1x16xf32> to vector<16xf32>
        %parallel_loop3A_1340 = arith.index_cast %parallel_loop3A_1316 : i32 to index
        %parallel_loop3A_1341 = arith.constant 32 : index
        %parallel_loop3A_1342 = tpu.vector_load %arg8[%parallel_loop3A_1340, %parallel_loop3A_1341] {strides = array<i32>} : memref<512x128xf32, #tpu.memory_space<vmem>>, vector<1x16xf32>,
        %parallel_loop3A_1343 = vector.shape_cast %parallel_loop3A_1342 : vector<1x16xf32> to vector<16xf32>
        %parallel_loop3A_1344 = arith.mulf %parallel_loop3A_1339, %parallel_loop3A_1343 : vector<16xf32>
        %parallel_loop3A_1345 = arith.addf %parallel_loop3A_1335, %parallel_loop3A_1344 : vector<16xf32>
        %parallel_loop3A_1346 = arith.index_cast %parallel_loop3A_1314 : i32 to index
        %parallel_loop3A_1347 = arith.constant 48 : index
        %parallel_loop3A_1348 = tpu.vector_load %arg8[%parallel_loop3A_1346, %parallel_loop3A_1347] {strides = array<i32>} : memref<512x128xf32, #tpu.memory_space<vmem>>, vector<1x16xf32>,
        %parallel_loop3A_1349 = vector.shape_cast %parallel_loop3A_1348 : vector<1x16xf32> to vector<16xf32>
        %parallel_loop3A_1350 = arith.index_cast %parallel_loop3A_1316 : i32 to index
        %parallel_loop3A_1351 = arith.constant 48 : index
        %parallel_loop3A_1352 = tpu.vector_load %arg8[%parallel_loop3A_1350, %parallel_loop3A_1351] {strides = array<i32>} : memref<512x128xf32, #tpu.memory_space<vmem>>, vector<1x16xf32>,
        %parallel_loop3A_1353 = vector.shape_cast %parallel_loop3A_1352 : vector<1x16xf32> to vector<16xf32>
        %parallel_loop3A_1354 = arith.mulf %parallel_loop3A_1349, %parallel_loop3A_1353 : vector<16xf32>
        %parallel_loop3A_1355 = arith.addf %parallel_loop3A_1345, %parallel_loop3A_1354 : vector<16xf32>
        %parallel_loop3A_1356 = arith.index_cast %parallel_loop3A_1314 : i32 to index
        %parallel_loop3A_1357 = arith.constant 64 : index
        %parallel_loop3A_1358 = tpu.vector_load %arg8[%parallel_loop3A_1356, %parallel_loop3A_1357] {strides = array<i32>} : memref<512x128xf32, #tpu.memory_space<vmem>>, vector<1x16xf32>,
        %parallel_loop3A_1359 = vector.shape_cast %parallel_loop3A_1358 : vector<1x16xf32> to vector<16xf32>
        %parallel_loop3A_1360 = arith.index_cast %parallel_loop3A_1316 : i32 to index
        %parallel_loop3A_1361 = arith.constant 64 : index
        %parallel_loop3A_1362 = tpu.vector_load %arg8[%parallel_loop3A_1360, %parallel_loop3A_1361] {strides = array<i32>} : memref<512x128xf32, #tpu.memory_space<vmem>>, vector<1x16xf32>,
        %parallel_loop3A_1363 = vector.shape_cast %parallel_loop3A_1362 : vector<1x16xf32> to vector<16xf32>
        %parallel_loop3A_1364 = arith.mulf %parallel_loop3A_1359, %parallel_loop3A_1363 : vector<16xf32>
        %parallel_loop3A_1365 = arith.addf %parallel_loop3A_1355, %parallel_loop3A_1364 : vector<16xf32>
        %parallel_loop3A_1366 = arith.index_cast %parallel_loop3A_1314 : i32 to index
        %parallel_loop3A_1367 = arith.constant 80 : index
        %parallel_loop3A_1368 = tpu.vector_load %arg8[%parallel_loop3A_1366, %parallel_loop3A_1367] {strides = array<i32>} : memref<512x128xf32, #tpu.memory_space<vmem>>, vector<1x16xf32>,
        %parallel_loop3A_1369 = vector.shape_cast %parallel_loop3A_1368 : vector<1x16xf32> to vector<16xf32>
        %parallel_loop3A_1370 = arith.index_cast %parallel_loop3A_1316 : i32 to index
        %parallel_loop3A_1371 = arith.constant 80 : index
        %parallel_loop3A_1372 = tpu.vector_load %arg8[%parallel_loop3A_1370, %parallel_loop3A_1371] {strides = array<i32>} : memref<512x128xf32, #tpu.memory_space<vmem>>, vector<1x16xf32>,
        %parallel_loop3A_1373 = vector.shape_cast %parallel_loop3A_1372 : vector<1x16xf32> to vector<16xf32>
        %parallel_loop3A_1374 = arith.mulf %parallel_loop3A_1369, %parallel_loop3A_1373 : vector<16xf32>
        %parallel_loop3A_1375 = arith.addf %parallel_loop3A_1365, %parallel_loop3A_1374 : vector<16xf32>
        %parallel_loop3A_1376 = arith.index_cast %parallel_loop3A_1314 : i32 to index
        %parallel_loop3A_1377 = arith.constant 96 : index
        %parallel_loop3A_1378 = tpu.vector_load %arg8[%parallel_loop3A_1376, %parallel_loop3A_1377] {strides = array<i32>} : memref<512x128xf32, #tpu.memory_space<vmem>>, vector<1x16xf32>,
        %parallel_loop3A_1379 = vector.shape_cast %parallel_loop3A_1378 : vector<1x16xf32> to vector<16xf32>
        %parallel_loop3A_1380 = arith.index_cast %parallel_loop3A_1316 : i32 to index
        %parallel_loop3A_1381 = arith.constant 96 : index
        %parallel_loop3A_1382 = tpu.vector_load %arg8[%parallel_loop3A_1380, %parallel_loop3A_1381] {strides = array<i32>} : memref<512x128xf32, #tpu.memory_space<vmem>>, vector<1x16xf32>,
        %parallel_loop3A_1383 = vector.shape_cast %parallel_loop3A_1382 : vector<1x16xf32> to vector<16xf32>
        %parallel_loop3A_1384 = arith.mulf %parallel_loop3A_1379, %parallel_loop3A_1383 : vector<16xf32>
        %parallel_loop3A_1385 = arith.addf %parallel_loop3A_1375, %parallel_loop3A_1384 : vector<16xf32>
        %parallel_loop3A_1386 = arith.index_cast %parallel_loop3A_1314 : i32 to index
        %parallel_loop3A_1387 = arith.constant 112 : index
        %parallel_loop3A_1388 = tpu.vector_load %arg8[%parallel_loop3A_1386, %parallel_loop3A_1387] {strides = array<i32>} : memref<512x128xf32, #tpu.memory_space<vmem>>, vector<1x16xf32>,
        %parallel_loop3A_1389 = vector.shape_cast %parallel_loop3A_1388 : vector<1x16xf32> to vector<16xf32>
        %parallel_loop3A_1390 = arith.index_cast %parallel_loop3A_1316 : i32 to index
        %parallel_loop3A_1391 = arith.constant 112 : index
        %parallel_loop3A_1392 = tpu.vector_load %arg8[%parallel_loop3A_1390, %parallel_loop3A_1391] {strides = array<i32>} : memref<512x128xf32, #tpu.memory_space<vmem>>, vector<1x16xf32>,
        %parallel_loop3A_1393 = vector.shape_cast %parallel_loop3A_1392 : vector<1x16xf32> to vector<16xf32>
        %parallel_loop3A_1394 = arith.mulf %parallel_loop3A_1389, %parallel_loop3A_1393 : vector<16xf32>
        %parallel_loop3A_1395 = arith.addf %parallel_loop3A_1385, %parallel_loop3A_1394 : vector<16xf32>
        %parallel_loop3A_1396 = arith.constant 16 : i32
        %parallel_loop3A_1397 = arith.muli %parallel_loop3A_103, %parallel_loop3A_1396 : i32
        %parallel_loop3A_1398 = arith.addi %mul3A_71, %parallel_loop3A_1397 : i32
        %parallel_loop3A_1399 = arith.constant 15 : i32
        %parallel_loop3A_1400 = arith.addi %parallel_loop3A_1398, %parallel_loop3A_1399 : i32
        %parallel_loop3A_1401 = arith.constant 128 : i32
        %parallel_loop3A_1402 = arith.addi %parallel_loop3A_1400, %parallel_loop3A_1401 : i32
        %parallel_loop3A_1403 = arith.index_cast %parallel_loop3A_1400 : i32 to index
        %parallel_loop3A_1404 = arith.constant 0 : index
        %parallel_loop3A_1405 = tpu.vector_load %arg8[%parallel_loop3A_1403, %parallel_loop3A_1404] {strides = array<i32>} : memref<512x128xf32, #tpu.memory_space<vmem>>, vector<1x16xf32>,
        %parallel_loop3A_1406 = vector.shape_cast %parallel_loop3A_1405 : vector<1x16xf32> to vector<16xf32>
        %parallel_loop3A_1407 = arith.index_cast %parallel_loop3A_1402 : i32 to index
        %parallel_loop3A_1408 = arith.constant 0 : index
        %parallel_loop3A_1409 = tpu.vector_load %arg8[%parallel_loop3A_1407, %parallel_loop3A_1408] {strides = array<i32>} : memref<512x128xf32, #tpu.memory_space<vmem>>, vector<1x16xf32>,
        %parallel_loop3A_1410 = vector.shape_cast %parallel_loop3A_1409 : vector<1x16xf32> to vector<16xf32>
        %parallel_loop3A_1411 = arith.mulf %parallel_loop3A_1406, %parallel_loop3A_1410 : vector<16xf32>
        %parallel_loop3A_1412 = arith.index_cast %parallel_loop3A_1400 : i32 to index
        %parallel_loop3A_1413 = arith.constant 16 : index
        %parallel_loop3A_1414 = tpu.vector_load %arg8[%parallel_loop3A_1412, %parallel_loop3A_1413] {strides = array<i32>} : memref<512x128xf32, #tpu.memory_space<vmem>>, vector<1x16xf32>,
        %parallel_loop3A_1415 = vector.shape_cast %parallel_loop3A_1414 : vector<1x16xf32> to vector<16xf32>
        %parallel_loop3A_1416 = arith.index_cast %parallel_loop3A_1402 : i32 to index
        %parallel_loop3A_1417 = arith.constant 16 : index
        %parallel_loop3A_1418 = tpu.vector_load %arg8[%parallel_loop3A_1416, %parallel_loop3A_1417] {strides = array<i32>} : memref<512x128xf32, #tpu.memory_space<vmem>>, vector<1x16xf32>,
        %parallel_loop3A_1419 = vector.shape_cast %parallel_loop3A_1418 : vector<1x16xf32> to vector<16xf32>
        %parallel_loop3A_1420 = arith.mulf %parallel_loop3A_1415, %parallel_loop3A_1419 : vector<16xf32>
        %parallel_loop3A_1421 = arith.addf %parallel_loop3A_1411, %parallel_loop3A_1420 : vector<16xf32>
        %parallel_loop3A_1422 = arith.index_cast %parallel_loop3A_1400 : i32 to index
        %parallel_loop3A_1423 = arith.constant 32 : index
        %parallel_loop3A_1424 = tpu.vector_load %arg8[%parallel_loop3A_1422, %parallel_loop3A_1423] {strides = array<i32>} : memref<512x128xf32, #tpu.memory_space<vmem>>, vector<1x16xf32>,
        %parallel_loop3A_1425 = vector.shape_cast %parallel_loop3A_1424 : vector<1x16xf32> to vector<16xf32>
        %parallel_loop3A_1426 = arith.index_cast %parallel_loop3A_1402 : i32 to index
        %parallel_loop3A_1427 = arith.constant 32 : index
        %parallel_loop3A_1428 = tpu.vector_load %arg8[%parallel_loop3A_1426, %parallel_loop3A_1427] {strides = array<i32>} : memref<512x128xf32, #tpu.memory_space<vmem>>, vector<1x16xf32>,
        %parallel_loop3A_1429 = vector.shape_cast %parallel_loop3A_1428 : vector<1x16xf32> to vector<16xf32>
        %parallel_loop3A_1430 = arith.mulf %parallel_loop3A_1425, %parallel_loop3A_1429 : vector<16xf32>
        %parallel_loop3A_1431 = arith.addf %parallel_loop3A_1421, %parallel_loop3A_1430 : vector<16xf32>
        %parallel_loop3A_1432 = arith.index_cast %parallel_loop3A_1400 : i32 to index
        %parallel_loop3A_1433 = arith.constant 48 : index
        %parallel_loop3A_1434 = tpu.vector_load %arg8[%parallel_loop3A_1432, %parallel_loop3A_1433] {strides = array<i32>} : memref<512x128xf32, #tpu.memory_space<vmem>>, vector<1x16xf32>,
        %parallel_loop3A_1435 = vector.shape_cast %parallel_loop3A_1434 : vector<1x16xf32> to vector<16xf32>
        %parallel_loop3A_1436 = arith.index_cast %parallel_loop3A_1402 : i32 to index
        %parallel_loop3A_1437 = arith.constant 48 : index
        %parallel_loop3A_1438 = tpu.vector_load %arg8[%parallel_loop3A_1436, %parallel_loop3A_1437] {strides = array<i32>} : memref<512x128xf32, #tpu.memory_space<vmem>>, vector<1x16xf32>,
        %parallel_loop3A_1439 = vector.shape_cast %parallel_loop3A_1438 : vector<1x16xf32> to vector<16xf32>
        %parallel_loop3A_1440 = arith.mulf %parallel_loop3A_1435, %parallel_loop3A_1439 : vector<16xf32>
        %parallel_loop3A_1441 = arith.addf %parallel_loop3A_1431, %parallel_loop3A_1440 : vector<16xf32>
        %parallel_loop3A_1442 = arith.index_cast %parallel_loop3A_1400 : i32 to index
        %parallel_loop3A_1443 = arith.constant 64 : index
        %parallel_loop3A_1444 = tpu.vector_load %arg8[%parallel_loop3A_1442, %parallel_loop3A_1443] {strides = array<i32>} : memref<512x128xf32, #tpu.memory_space<vmem>>, vector<1x16xf32>,
        %parallel_loop3A_1445 = vector.shape_cast %parallel_loop3A_1444 : vector<1x16xf32> to vector<16xf32>
        %parallel_loop3A_1446 = arith.index_cast %parallel_loop3A_1402 : i32 to index
        %parallel_loop3A_1447 = arith.constant 64 : index
        %parallel_loop3A_1448 = tpu.vector_load %arg8[%parallel_loop3A_1446, %parallel_loop3A_1447] {strides = array<i32>} : memref<512x128xf32, #tpu.memory_space<vmem>>, vector<1x16xf32>,
        %parallel_loop3A_1449 = vector.shape_cast %parallel_loop3A_1448 : vector<1x16xf32> to vector<16xf32>
        %parallel_loop3A_1450 = arith.mulf %parallel_loop3A_1445, %parallel_loop3A_1449 : vector<16xf32>
        %parallel_loop3A_1451 = arith.addf %parallel_loop3A_1441, %parallel_loop3A_1450 : vector<16xf32>
        %parallel_loop3A_1452 = arith.index_cast %parallel_loop3A_1400 : i32 to index
        %parallel_loop3A_1453 = arith.constant 80 : index
        %parallel_loop3A_1454 = tpu.vector_load %arg8[%parallel_loop3A_1452, %parallel_loop3A_1453] {strides = array<i32>} : memref<512x128xf32, #tpu.memory_space<vmem>>, vector<1x16xf32>,
        %parallel_loop3A_1455 = vector.shape_cast %parallel_loop3A_1454 : vector<1x16xf32> to vector<16xf32>
        %parallel_loop3A_1456 = arith.index_cast %parallel_loop3A_1402 : i32 to index
        %parallel_loop3A_1457 = arith.constant 80 : index
        %parallel_loop3A_1458 = tpu.vector_load %arg8[%parallel_loop3A_1456, %parallel_loop3A_1457] {strides = array<i32>} : memref<512x128xf32, #tpu.memory_space<vmem>>, vector<1x16xf32>,
        %parallel_loop3A_1459 = vector.shape_cast %parallel_loop3A_1458 : vector<1x16xf32> to vector<16xf32>
        %parallel_loop3A_1460 = arith.mulf %parallel_loop3A_1455, %parallel_loop3A_1459 : vector<16xf32>
        %parallel_loop3A_1461 = arith.addf %parallel_loop3A_1451, %parallel_loop3A_1460 : vector<16xf32>
        %parallel_loop3A_1462 = arith.index_cast %parallel_loop3A_1400 : i32 to index
        %parallel_loop3A_1463 = arith.constant 96 : index
        %parallel_loop3A_1464 = tpu.vector_load %arg8[%parallel_loop3A_1462, %parallel_loop3A_1463] {strides = array<i32>} : memref<512x128xf32, #tpu.memory_space<vmem>>, vector<1x16xf32>,
        %parallel_loop3A_1465 = vector.shape_cast %parallel_loop3A_1464 : vector<1x16xf32> to vector<16xf32>
        %parallel_loop3A_1466 = arith.index_cast %parallel_loop3A_1402 : i32 to index
        %parallel_loop3A_1467 = arith.constant 96 : index
        %parallel_loop3A_1468 = tpu.vector_load %arg8[%parallel_loop3A_1466, %parallel_loop3A_1467] {strides = array<i32>} : memref<512x128xf32, #tpu.memory_space<vmem>>, vector<1x16xf32>,
        %parallel_loop3A_1469 = vector.shape_cast %parallel_loop3A_1468 : vector<1x16xf32> to vector<16xf32>
        %parallel_loop3A_1470 = arith.mulf %parallel_loop3A_1465, %parallel_loop3A_1469 : vector<16xf32>
        %parallel_loop3A_1471 = arith.addf %parallel_loop3A_1461, %parallel_loop3A_1470 : vector<16xf32>
        %parallel_loop3A_1472 = arith.index_cast %parallel_loop3A_1400 : i32 to index
        %parallel_loop3A_1473 = arith.constant 112 : index
        %parallel_loop3A_1474 = tpu.vector_load %arg8[%parallel_loop3A_1472, %parallel_loop3A_1473] {strides = array<i32>} : memref<512x128xf32, #tpu.memory_space<vmem>>, vector<1x16xf32>,
        %parallel_loop3A_1475 = vector.shape_cast %parallel_loop3A_1474 : vector<1x16xf32> to vector<16xf32>
        %parallel_loop3A_1476 = arith.index_cast %parallel_loop3A_1402 : i32 to index
        %parallel_loop3A_1477 = arith.constant 112 : index
        %parallel_loop3A_1478 = tpu.vector_load %arg8[%parallel_loop3A_1476, %parallel_loop3A_1477] {strides = array<i32>} : memref<512x128xf32, #tpu.memory_space<vmem>>, vector<1x16xf32>,
        %parallel_loop3A_1479 = vector.shape_cast %parallel_loop3A_1478 : vector<1x16xf32> to vector<16xf32>
        %parallel_loop3A_1480 = arith.mulf %parallel_loop3A_1475, %parallel_loop3A_1479 : vector<16xf32>
        %parallel_loop3A_1481 = arith.addf %parallel_loop3A_1471, %parallel_loop3A_1480 : vector<16xf32>
        %parallel_loop3A_1482 = arith.constant 0 : i32
        %parallel_loop3A_1483 = arith.addi %parallel_loop3A_105, %parallel_loop3A_1482 : i32
        %parallel_loop3A_1484 = arith.constant 16 : i32
        %parallel_loop3A_1485 = arith.addi %parallel_loop3A_1483, %parallel_loop3A_1484 : i32
        %parallel_loop3A_1486 = arith.index_cast %parallel_loop3A_1485 : i32 to index
        %parallel_loop3A_1487 = tpu.vector_load %arg10[%parallel_loop3A_1486] {strides = array<i32>} : memref<7680xf32, #tpu.memory_space<vmem>>, vector<16xf32>,
        %parallel_loop3A_1488 = vector.shape_cast %parallel_loop3A_1487 : vector<16xf32> to vector<16xf32>
        %parallel_loop3A_1489 = vector.shape_cast %parallel_loop3A_277 : vector<16xf32> to vector<16xf32>
        tpu.vector_store %arg10[%parallel_loop3A_1486], %parallel_loop3A_1489 {strides = array<i32>} : memref<7680xf32, #tpu.memory_space<vmem>>, vector<16xf32>,
        %parallel_loop3A_1490 = arith.constant 1 : i32
        %parallel_loop3A_1491 = arith.subi %parallel_loop3A_1485, %parallel_loop3A_1490 : i32
        %parallel_loop3A_1492 = arith.index_cast %parallel_loop3A_1491 : i32 to index
        %parallel_loop3A_1493 = tpu.vector_load %arg10[%parallel_loop3A_1492] {strides = array<i32>} : memref<7680xf32, #tpu.memory_space<vmem>>, vector<16xf32>,
        %parallel_loop3A_1494 = vector.shape_cast %parallel_loop3A_1493 : vector<16xf32> to vector<16xf32>
        %parallel_loop3A_1495 = arith.addf %parallel_loop3A_277, %parallel_loop3A_1494 : vector<16xf32>
        %parallel_loop3A_1496 = arith.constant 0 : i32
        %parallel_loop3A_1497 = arith.addi %parallel_loop3A_105, %parallel_loop3A_1496 : i32
        %parallel_loop3A_1498 = arith.constant 40 : i32
        %parallel_loop3A_1499 = arith.addi %parallel_loop3A_1497, %parallel_loop3A_1498 : i32
        %parallel_loop3A_1500 = arith.index_cast %parallel_loop3A_1499 : i32 to index
        %parallel_loop3A_1501 = tpu.vector_load %arg10[%parallel_loop3A_1500] {strides = array<i32>} : memref<7680xf32, #tpu.memory_space<vmem>>, vector<16xf32>,
        %parallel_loop3A_1502 = vector.shape_cast %parallel_loop3A_1501 : vector<16xf32> to vector<16xf32>
        %parallel_loop3A_1503 = vector.shape_cast %parallel_loop3A_191 : vector<16xf32> to vector<16xf32>
        tpu.vector_store %arg10[%parallel_loop3A_1500], %parallel_loop3A_1503 {strides = array<i32>} : memref<7680xf32, #tpu.memory_space<vmem>>, vector<16xf32>,
        %parallel_loop3A_1504 = arith.constant -1 : i32
        %parallel_loop3A_1505 = arith.subi %parallel_loop3A_1499, %parallel_loop3A_1504 : i32
        %parallel_loop3A_1506 = arith.index_cast %parallel_loop3A_1505 : i32 to index
        %parallel_loop3A_1507 = tpu.vector_load %arg10[%parallel_loop3A_1506] {strides = array<i32>} : memref<7680xf32, #tpu.memory_space<vmem>>, vector<16xf32>,
        %parallel_loop3A_1508 = vector.shape_cast %parallel_loop3A_1507 : vector<16xf32> to vector<16xf32>
        %parallel_loop3A_1509 = arith.addf %parallel_loop3A_191, %parallel_loop3A_1508 : vector<16xf32>
        %parallel_loop3A_1510 = arith.select %eq3A_8, %parallel_loop3A_1495, %parallel_loop3A_1509 : vector<16xi1>, vector<16xf32>
        %parallel_loop3A_1511 = arith.constant 64 : i32
        %parallel_loop3A_1512 = arith.addi %parallel_loop3A_105, %parallel_loop3A_1511 : i32
        %parallel_loop3A_1513 = arith.constant 16 : i32
        %parallel_loop3A_1514 = arith.addi %parallel_loop3A_1512, %parallel_loop3A_1513 : i32
        %parallel_loop3A_1515 = arith.index_cast %parallel_loop3A_1514 : i32 to index
        %parallel_loop3A_1516 = tpu.vector_load %arg10[%parallel_loop3A_1515] {strides = array<i32>} : memref<7680xf32, #tpu.memory_space<vmem>>, vector<16xf32>,
        %parallel_loop3A_1517 = vector.shape_cast %parallel_loop3A_1516 : vector<16xf32> to vector<16xf32>
        %parallel_loop3A_1518 = vector.shape_cast %parallel_loop3A_449 : vector<16xf32> to vector<16xf32>
        tpu.vector_store %arg10[%parallel_loop3A_1515], %parallel_loop3A_1518 {strides = array<i32>} : memref<7680xf32, #tpu.memory_space<vmem>>, vector<16xf32>,
        %parallel_loop3A_1519 = arith.constant 1 : i32
        %parallel_loop3A_1520 = arith.subi %parallel_loop3A_1514, %parallel_loop3A_1519 : i32
        %parallel_loop3A_1521 = arith.index_cast %parallel_loop3A_1520 : i32 to index
        %parallel_loop3A_1522 = tpu.vector_load %arg10[%parallel_loop3A_1521] {strides = array<i32>} : memref<7680xf32, #tpu.memory_space<vmem>>, vector<16xf32>,
        %parallel_loop3A_1523 = vector.shape_cast %parallel_loop3A_1522 : vector<16xf32> to vector<16xf32>
        %parallel_loop3A_1524 = arith.addf %parallel_loop3A_449, %parallel_loop3A_1523 : vector<16xf32>
        %parallel_loop3A_1525 = arith.constant 64 : i32
        %parallel_loop3A_1526 = arith.addi %parallel_loop3A_105, %parallel_loop3A_1525 : i32
        %parallel_loop3A_1527 = arith.constant 40 : i32
        %parallel_loop3A_1528 = arith.addi %parallel_loop3A_1526, %parallel_loop3A_1527 : i32
        %parallel_loop3A_1529 = arith.index_cast %parallel_loop3A_1528 : i32 to index
        %parallel_loop3A_1530 = tpu.vector_load %arg10[%parallel_loop3A_1529] {strides = array<i32>} : memref<7680xf32, #tpu.memory_space<vmem>>, vector<16xf32>,
        %parallel_loop3A_1531 = vector.shape_cast %parallel_loop3A_1530 : vector<16xf32> to vector<16xf32>
        %parallel_loop3A_1532 = vector.shape_cast %parallel_loop3A_363 : vector<16xf32> to vector<16xf32>
        tpu.vector_store %arg10[%parallel_loop3A_1529], %parallel_loop3A_1532 {strides = array<i32>} : memref<7680xf32, #tpu.memory_space<vmem>>, vector<16xf32>,
        %parallel_loop3A_1533 = arith.constant -1 : i32
        %parallel_loop3A_1534 = arith.subi %parallel_loop3A_1528, %parallel_loop3A_1533 : i32
        %parallel_loop3A_1535 = arith.index_cast %parallel_loop3A_1534 : i32 to index
        %parallel_loop3A_1536 = tpu.vector_load %arg10[%parallel_loop3A_1535] {strides = array<i32>} : memref<7680xf32, #tpu.memory_space<vmem>>, vector<16xf32>,
        %parallel_loop3A_1537 = vector.shape_cast %parallel_loop3A_1536 : vector<16xf32> to vector<16xf32>
        %parallel_loop3A_1538 = arith.addf %parallel_loop3A_363, %parallel_loop3A_1537 : vector<16xf32>
        %parallel_loop3A_1539 = arith.select %eq3A_8, %parallel_loop3A_1524, %parallel_loop3A_1538 : vector<16xi1>, vector<16xf32>
        %parallel_loop3A_1540 = arith.constant 128 : i32
        %parallel_loop3A_1541 = arith.addi %parallel_loop3A_105, %parallel_loop3A_1540 : i32
        %parallel_loop3A_1542 = arith.constant 16 : i32
        %parallel_loop3A_1543 = arith.addi %parallel_loop3A_1541, %parallel_loop3A_1542 : i32
        %parallel_loop3A_1544 = arith.index_cast %parallel_loop3A_1543 : i32 to index
        %parallel_loop3A_1545 = tpu.vector_load %arg10[%parallel_loop3A_1544] {strides = array<i32>} : memref<7680xf32, #tpu.memory_space<vmem>>, vector<16xf32>,
        %parallel_loop3A_1546 = vector.shape_cast %parallel_loop3A_1545 : vector<16xf32> to vector<16xf32>
        %parallel_loop3A_1547 = vector.shape_cast %parallel_loop3A_621 : vector<16xf32> to vector<16xf32>
        tpu.vector_store %arg10[%parallel_loop3A_1544], %parallel_loop3A_1547 {strides = array<i32>} : memref<7680xf32, #tpu.memory_space<vmem>>, vector<16xf32>,
        %parallel_loop3A_1548 = arith.constant 1 : i32
        %parallel_loop3A_1549 = arith.subi %parallel_loop3A_1543, %parallel_loop3A_1548 : i32
        %parallel_loop3A_1550 = arith.index_cast %parallel_loop3A_1549 : i32 to index
        %parallel_loop3A_1551 = tpu.vector_load %arg10[%parallel_loop3A_1550] {strides = array<i32>} : memref<7680xf32, #tpu.memory_space<vmem>>, vector<16xf32>,
        %parallel_loop3A_1552 = vector.shape_cast %parallel_loop3A_1551 : vector<16xf32> to vector<16xf32>
        %parallel_loop3A_1553 = arith.addf %parallel_loop3A_621, %parallel_loop3A_1552 : vector<16xf32>
        %parallel_loop3A_1554 = arith.constant 128 : i32
        %parallel_loop3A_1555 = arith.addi %parallel_loop3A_105, %parallel_loop3A_1554 : i32
        %parallel_loop3A_1556 = arith.constant 40 : i32
        %parallel_loop3A_1557 = arith.addi %parallel_loop3A_1555, %parallel_loop3A_1556 : i32
        %parallel_loop3A_1558 = arith.index_cast %parallel_loop3A_1557 : i32 to index
        %parallel_loop3A_1559 = tpu.vector_load %arg10[%parallel_loop3A_1558] {strides = array<i32>} : memref<7680xf32, #tpu.memory_space<vmem>>, vector<16xf32>,
        %parallel_loop3A_1560 = vector.shape_cast %parallel_loop3A_1559 : vector<16xf32> to vector<16xf32>
        %parallel_loop3A_1561 = vector.shape_cast %parallel_loop3A_535 : vector<16xf32> to vector<16xf32>
        tpu.vector_store %arg10[%parallel_loop3A_1558], %parallel_loop3A_1561 {strides = array<i32>} : memref<7680xf32, #tpu.memory_space<vmem>>, vector<16xf32>,
        %parallel_loop3A_1562 = arith.constant -1 : i32
        %parallel_loop3A_1563 = arith.subi %parallel_loop3A_1557, %parallel_loop3A_1562 : i32
        %parallel_loop3A_1564 = arith.index_cast %parallel_loop3A_1563 : i32 to index
        %parallel_loop3A_1565 = tpu.vector_load %arg10[%parallel_loop3A_1564] {strides = array<i32>} : memref<7680xf32, #tpu.memory_space<vmem>>, vector<16xf32>,
        %parallel_loop3A_1566 = vector.shape_cast %parallel_loop3A_1565 : vector<16xf32> to vector<16xf32>
        %parallel_loop3A_1567 = arith.addf %parallel_loop3A_535, %parallel_loop3A_1566 : vector<16xf32>
        %parallel_loop3A_1568 = arith.select %eq3A_8, %parallel_loop3A_1553, %parallel_loop3A_1567 : vector<16xi1>, vector<16xf32>
        %parallel_loop3A_1569 = arith.constant 192 : i32
        %parallel_loop3A_1570 = arith.addi %parallel_loop3A_105, %parallel_loop3A_1569 : i32
        %parallel_loop3A_1571 = arith.constant 16 : i32
        %parallel_loop3A_1572 = arith.addi %parallel_loop3A_1570, %parallel_loop3A_1571 : i32
        %parallel_loop3A_1573 = arith.index_cast %parallel_loop3A_1572 : i32 to index
        %parallel_loop3A_1574 = tpu.vector_load %arg10[%parallel_loop3A_1573] {strides = array<i32>} : memref<7680xf32, #tpu.memory_space<vmem>>, vector<16xf32>,
        %parallel_loop3A_1575 = vector.shape_cast %parallel_loop3A_1574 : vector<16xf32> to vector<16xf32>
        %parallel_loop3A_1576 = vector.shape_cast %parallel_loop3A_793 : vector<16xf32> to vector<16xf32>
        tpu.vector_store %arg10[%parallel_loop3A_1573], %parallel_loop3A_1576 {strides = array<i32>} : memref<7680xf32, #tpu.memory_space<vmem>>, vector<16xf32>,
        %parallel_loop3A_1577 = arith.constant 1 : i32
        %parallel_loop3A_1578 = arith.subi %parallel_loop3A_1572, %parallel_loop3A_1577 : i32
        %parallel_loop3A_1579 = arith.index_cast %parallel_loop3A_1578 : i32 to index
        %parallel_loop3A_1580 = tpu.vector_load %arg10[%parallel_loop3A_1579] {strides = array<i32>} : memref<7680xf32, #tpu.memory_space<vmem>>, vector<16xf32>,
        %parallel_loop3A_1581 = vector.shape_cast %parallel_loop3A_1580 : vector<16xf32> to vector<16xf32>
        %parallel_loop3A_1582 = arith.addf %parallel_loop3A_793, %parallel_loop3A_1581 : vector<16xf32>
        %parallel_loop3A_1583 = arith.constant 192 : i32
        %parallel_loop3A_1584 = arith.addi %parallel_loop3A_105, %parallel_loop3A_1583 : i32
        %parallel_loop3A_1585 = arith.constant 40 : i32
        %parallel_loop3A_1586 = arith.addi %parallel_loop3A_1584, %parallel_loop3A_1585 : i32
        %parallel_loop3A_1587 = arith.index_cast %parallel_loop3A_1586 : i32 to index
        %parallel_loop3A_1588 = tpu.vector_load %arg10[%parallel_loop3A_1587] {strides = array<i32>} : memref<7680xf32, #tpu.memory_space<vmem>>, vector<16xf32>,
        %parallel_loop3A_1589 = vector.shape_cast %parallel_loop3A_1588 : vector<16xf32> to vector<16xf32>
        %parallel_loop3A_1590 = vector.shape_cast %parallel_loop3A_707 : vector<16xf32> to vector<16xf32>
        tpu.vector_store %arg10[%parallel_loop3A_1587], %parallel_loop3A_1590 {strides = array<i32>} : memref<7680xf32, #tpu.memory_space<vmem>>, vector<16xf32>,
        %parallel_loop3A_1591 = arith.constant -1 : i32
        %parallel_loop3A_1592 = arith.subi %parallel_loop3A_1586, %parallel_loop3A_1591 : i32
        %parallel_loop3A_1593 = arith.index_cast %parallel_loop3A_1592 : i32 to index
        %parallel_loop3A_1594 = tpu.vector_load %arg10[%parallel_loop3A_1593] {strides = array<i32>} : memref<7680xf32, #tpu.memory_space<vmem>>, vector<16xf32>,
        %parallel_loop3A_1595 = vector.shape_cast %parallel_loop3A_1594 : vector<16xf32> to vector<16xf32>
        %parallel_loop3A_1596 = arith.addf %parallel_loop3A_707, %parallel_loop3A_1595 : vector<16xf32>
        %parallel_loop3A_1597 = arith.select %eq3A_8, %parallel_loop3A_1582, %parallel_loop3A_1596 : vector<16xi1>, vector<16xf32>
        %parallel_loop3A_1598 = arith.constant 256 : i32
        %parallel_loop3A_1599 = arith.addi %parallel_loop3A_105, %parallel_loop3A_1598 : i32
        %parallel_loop3A_1600 = arith.constant 16 : i32
        %parallel_loop3A_1601 = arith.addi %parallel_loop3A_1599, %parallel_loop3A_1600 : i32
        %parallel_loop3A_1602 = arith.index_cast %parallel_loop3A_1601 : i32 to index
        %parallel_loop3A_1603 = tpu.vector_load %arg10[%parallel_loop3A_1602] {strides = array<i32>} : memref<7680xf32, #tpu.memory_space<vmem>>, vector<16xf32>,
        %parallel_loop3A_1604 = vector.shape_cast %parallel_loop3A_1603 : vector<16xf32> to vector<16xf32>
        %parallel_loop3A_1605 = vector.shape_cast %parallel_loop3A_965 : vector<16xf32> to vector<16xf32>
        tpu.vector_store %arg10[%parallel_loop3A_1602], %parallel_loop3A_1605 {strides = array<i32>} : memref<7680xf32, #tpu.memory_space<vmem>>, vector<16xf32>,
        %parallel_loop3A_1606 = arith.constant 1 : i32
        %parallel_loop3A_1607 = arith.subi %parallel_loop3A_1601, %parallel_loop3A_1606 : i32
        %parallel_loop3A_1608 = arith.index_cast %parallel_loop3A_1607 : i32 to index
        %parallel_loop3A_1609 = tpu.vector_load %arg10[%parallel_loop3A_1608] {strides = array<i32>} : memref<7680xf32, #tpu.memory_space<vmem>>, vector<16xf32>,
        %parallel_loop3A_1610 = vector.shape_cast %parallel_loop3A_1609 : vector<16xf32> to vector<16xf32>
        %parallel_loop3A_1611 = arith.addf %parallel_loop3A_965, %parallel_loop3A_1610 : vector<16xf32>
        %parallel_loop3A_1612 = arith.constant 256 : i32
        %parallel_loop3A_1613 = arith.addi %parallel_loop3A_105, %parallel_loop3A_1612 : i32
        %parallel_loop3A_1614 = arith.constant 40 : i32
        %parallel_loop3A_1615 = arith.addi %parallel_loop3A_1613, %parallel_loop3A_1614 : i32
        %parallel_loop3A_1616 = arith.index_cast %parallel_loop3A_1615 : i32 to index
        %parallel_loop3A_1617 = tpu.vector_load %arg10[%parallel_loop3A_1616] {strides = array<i32>} : memref<7680xf32, #tpu.memory_space<vmem>>, vector<16xf32>,
        %parallel_loop3A_1618 = vector.shape_cast %parallel_loop3A_1617 : vector<16xf32> to vector<16xf32>
        %parallel_loop3A_1619 = vector.shape_cast %parallel_loop3A_879 : vector<16xf32> to vector<16xf32>
        tpu.vector_store %arg10[%parallel_loop3A_1616], %parallel_loop3A_1619 {strides = array<i32>} : memref<7680xf32, #tpu.memory_space<vmem>>, vector<16xf32>,
        %parallel_loop3A_1620 = arith.constant -1 : i32
        %parallel_loop3A_1621 = arith.subi %parallel_loop3A_1615, %parallel_loop3A_1620 : i32
        %parallel_loop3A_1622 = arith.index_cast %parallel_loop3A_1621 : i32 to index
        %parallel_loop3A_1623 = tpu.vector_load %arg10[%parallel_loop3A_1622] {strides = array<i32>} : memref<7680xf32, #tpu.memory_space<vmem>>, vector<16xf32>,
        %parallel_loop3A_1624 = vector.shape_cast %parallel_loop3A_1623 : vector<16xf32> to vector<16xf32>
        %parallel_loop3A_1625 = arith.addf %parallel_loop3A_879, %parallel_loop3A_1624 : vector<16xf32>
        %parallel_loop3A_1626 = arith.select %eq3A_8, %parallel_loop3A_1611, %parallel_loop3A_1625 : vector<16xi1>, vector<16xf32>
        %parallel_loop3A_1627 = arith.constant 320 : i32
        %parallel_loop3A_1628 = arith.addi %parallel_loop3A_105, %parallel_loop3A_1627 : i32
        %parallel_loop3A_1629 = arith.constant 16 : i32
        %parallel_loop3A_1630 = arith.addi %parallel_loop3A_1628, %parallel_loop3A_1629 : i32
        %parallel_loop3A_1631 = arith.index_cast %parallel_loop3A_1630 : i32 to index
        %parallel_loop3A_1632 = tpu.vector_load %arg10[%parallel_loop3A_1631] {strides = array<i32>} : memref<7680xf32, #tpu.memory_space<vmem>>, vector<16xf32>,
        %parallel_loop3A_1633 = vector.shape_cast %parallel_loop3A_1632 : vector<16xf32> to vector<16xf32>
        %parallel_loop3A_1634 = vector.shape_cast %parallel_loop3A_1137 : vector<16xf32> to vector<16xf32>
        tpu.vector_store %arg10[%parallel_loop3A_1631], %parallel_loop3A_1634 {strides = array<i32>} : memref<7680xf32, #tpu.memory_space<vmem>>, vector<16xf32>,
        %parallel_loop3A_1635 = arith.constant 1 : i32
        %parallel_loop3A_1636 = arith.subi %parallel_loop3A_1630, %parallel_loop3A_1635 : i32
        %parallel_loop3A_1637 = arith.index_cast %parallel_loop3A_1636 : i32 to index
        %parallel_loop3A_1638 = tpu.vector_load %arg10[%parallel_loop3A_1637] {strides = array<i32>} : memref<7680xf32, #tpu.memory_space<vmem>>, vector<16xf32>,
        %parallel_loop3A_1639 = vector.shape_cast %parallel_loop3A_1638 : vector<16xf32> to vector<16xf32>
        %parallel_loop3A_1640 = arith.addf %parallel_loop3A_1137, %parallel_loop3A_1639 : vector<16xf32>
        %parallel_loop3A_1641 = arith.constant 320 : i32
        %parallel_loop3A_1642 = arith.addi %parallel_loop3A_105, %parallel_loop3A_1641 : i32
        %parallel_loop3A_1643 = arith.constant 40 : i32
        %parallel_loop3A_1644 = arith.addi %parallel_loop3A_1642, %parallel_loop3A_1643 : i32
        %parallel_loop3A_1645 = arith.index_cast %parallel_loop3A_1644 : i32 to index
        %parallel_loop3A_1646 = tpu.vector_load %arg10[%parallel_loop3A_1645] {strides = array<i32>} : memref<7680xf32, #tpu.memory_space<vmem>>, vector<16xf32>,
        %parallel_loop3A_1647 = vector.shape_cast %parallel_loop3A_1646 : vector<16xf32> to vector<16xf32>
        %parallel_loop3A_1648 = vector.shape_cast %parallel_loop3A_1051 : vector<16xf32> to vector<16xf32>
        tpu.vector_store %arg10[%parallel_loop3A_1645], %parallel_loop3A_1648 {strides = array<i32>} : memref<7680xf32, #tpu.memory_space<vmem>>, vector<16xf32>,
        %parallel_loop3A_1649 = arith.constant -1 : i32
        %parallel_loop3A_1650 = arith.subi %parallel_loop3A_1644, %parallel_loop3A_1649 : i32
        %parallel_loop3A_1651 = arith.index_cast %parallel_loop3A_1650 : i32 to index
        %parallel_loop3A_1652 = tpu.vector_load %arg10[%parallel_loop3A_1651] {strides = array<i32>} : memref<7680xf32, #tpu.memory_space<vmem>>, vector<16xf32>,
        %parallel_loop3A_1653 = vector.shape_cast %parallel_loop3A_1652 : vector<16xf32> to vector<16xf32>
        %parallel_loop3A_1654 = arith.addf %parallel_loop3A_1051, %parallel_loop3A_1653 : vector<16xf32>
        %parallel_loop3A_1655 = arith.select %eq3A_8, %parallel_loop3A_1640, %parallel_loop3A_1654 : vector<16xi1>, vector<16xf32>
        %parallel_loop3A_1656 = arith.constant 384 : i32
        %parallel_loop3A_1657 = arith.addi %parallel_loop3A_105, %parallel_loop3A_1656 : i32
        %parallel_loop3A_1658 = arith.constant 16 : i32
        %parallel_loop3A_1659 = arith.addi %parallel_loop3A_1657, %parallel_loop3A_1658 : i32
        %parallel_loop3A_1660 = arith.index_cast %parallel_loop3A_1659 : i32 to index
        %parallel_loop3A_1661 = tpu.vector_load %arg10[%parallel_loop3A_1660] {strides = array<i32>} : memref<7680xf32, #tpu.memory_space<vmem>>, vector<16xf32>,
        %parallel_loop3A_1662 = vector.shape_cast %parallel_loop3A_1661 : vector<16xf32> to vector<16xf32>
        %parallel_loop3A_1663 = vector.shape_cast %parallel_loop3A_1309 : vector<16xf32> to vector<16xf32>
        tpu.vector_store %arg10[%parallel_loop3A_1660], %parallel_loop3A_1663 {strides = array<i32>} : memref<7680xf32, #tpu.memory_space<vmem>>, vector<16xf32>,
        %parallel_loop3A_1664 = arith.constant 1 : i32
        %parallel_loop3A_1665 = arith.subi %parallel_loop3A_1659, %parallel_loop3A_1664 : i32
        %parallel_loop3A_1666 = arith.index_cast %parallel_loop3A_1665 : i32 to index
        %parallel_loop3A_1667 = tpu.vector_load %arg10[%parallel_loop3A_1666] {strides = array<i32>} : memref<7680xf32, #tpu.memory_space<vmem>>, vector<16xf32>,
        %parallel_loop3A_1668 = vector.shape_cast %parallel_loop3A_1667 : vector<16xf32> to vector<16xf32>
        %parallel_loop3A_1669 = arith.addf %parallel_loop3A_1309, %parallel_loop3A_1668 : vector<16xf32>
        %parallel_loop3A_1670 = arith.constant 384 : i32
        %parallel_loop3A_1671 = arith.addi %parallel_loop3A_105, %parallel_loop3A_1670 : i32
        %parallel_loop3A_1672 = arith.constant 40 : i32
        %parallel_loop3A_1673 = arith.addi %parallel_loop3A_1671, %parallel_loop3A_1672 : i32
        %parallel_loop3A_1674 = arith.index_cast %parallel_loop3A_1673 : i32 to index
        %parallel_loop3A_1675 = tpu.vector_load %arg10[%parallel_loop3A_1674] {strides = array<i32>} : memref<7680xf32, #tpu.memory_space<vmem>>, vector<16xf32>,
        %parallel_loop3A_1676 = vector.shape_cast %parallel_loop3A_1675 : vector<16xf32> to vector<16xf32>
        %parallel_loop3A_1677 = vector.shape_cast %parallel_loop3A_1223 : vector<16xf32> to vector<16xf32>
        tpu.vector_store %arg10[%parallel_loop3A_1674], %parallel_loop3A_1677 {strides = array<i32>} : memref<7680xf32, #tpu.memory_space<vmem>>, vector<16xf32>,
        %parallel_loop3A_1678 = arith.constant -1 : i32
        %parallel_loop3A_1679 = arith.subi %parallel_loop3A_1673, %parallel_loop3A_1678 : i32
        %parallel_loop3A_1680 = arith.index_cast %parallel_loop3A_1679 : i32 to index
        %parallel_loop3A_1681 = tpu.vector_load %arg10[%parallel_loop3A_1680] {strides = array<i32>} : memref<7680xf32, #tpu.memory_space<vmem>>, vector<16xf32>,
        %parallel_loop3A_1682 = vector.shape_cast %parallel_loop3A_1681 : vector<16xf32> to vector<16xf32>
        %parallel_loop3A_1683 = arith.addf %parallel_loop3A_1223, %parallel_loop3A_1682 : vector<16xf32>
        %parallel_loop3A_1684 = arith.select %eq3A_8, %parallel_loop3A_1669, %parallel_loop3A_1683 : vector<16xi1>, vector<16xf32>
        %parallel_loop3A_1685 = arith.constant 448 : i32
        %parallel_loop3A_1686 = arith.addi %parallel_loop3A_105, %parallel_loop3A_1685 : i32
        %parallel_loop3A_1687 = arith.constant 16 : i32
        %parallel_loop3A_1688 = arith.addi %parallel_loop3A_1686, %parallel_loop3A_1687 : i32
        %parallel_loop3A_1689 = arith.index_cast %parallel_loop3A_1688 : i32 to index
        %parallel_loop3A_1690 = tpu.vector_load %arg10[%parallel_loop3A_1689] {strides = array<i32>} : memref<7680xf32, #tpu.memory_space<vmem>>, vector<16xf32>,
        %parallel_loop3A_1691 = vector.shape_cast %parallel_loop3A_1690 : vector<16xf32> to vector<16xf32>
        %parallel_loop3A_1692 = vector.shape_cast %parallel_loop3A_1481 : vector<16xf32> to vector<16xf32>
        tpu.vector_store %arg10[%parallel_loop3A_1689], %parallel_loop3A_1692 {strides = array<i32>} : memref<7680xf32, #tpu.memory_space<vmem>>, vector<16xf32>,
        %parallel_loop3A_1693 = arith.constant 1 : i32
        %parallel_loop3A_1694 = arith.subi %parallel_loop3A_1688, %parallel_loop3A_1693 : i32
        %parallel_loop3A_1695 = arith.index_cast %parallel_loop3A_1694 : i32 to index
        %parallel_loop3A_1696 = tpu.vector_load %arg10[%parallel_loop3A_1695] {strides = array<i32>} : memref<7680xf32, #tpu.memory_space<vmem>>, vector<16xf32>,
        %parallel_loop3A_1697 = vector.shape_cast %parallel_loop3A_1696 : vector<16xf32> to vector<16xf32>
        %parallel_loop3A_1698 = arith.addf %parallel_loop3A_1481, %parallel_loop3A_1697 : vector<16xf32>
        %parallel_loop3A_1699 = arith.constant 448 : i32
        %parallel_loop3A_1700 = arith.addi %parallel_loop3A_105, %parallel_loop3A_1699 : i32
        %parallel_loop3A_1701 = arith.constant 40 : i32
        %parallel_loop3A_1702 = arith.addi %parallel_loop3A_1700, %parallel_loop3A_1701 : i32
        %parallel_loop3A_1703 = arith.index_cast %parallel_loop3A_1702 : i32 to index
        %parallel_loop3A_1704 = tpu.vector_load %arg10[%parallel_loop3A_1703] {strides = array<i32>} : memref<7680xf32, #tpu.memory_space<vmem>>, vector<16xf32>,
        %parallel_loop3A_1705 = vector.shape_cast %parallel_loop3A_1704 : vector<16xf32> to vector<16xf32>
        %parallel_loop3A_1706 = vector.shape_cast %parallel_loop3A_1395 : vector<16xf32> to vector<16xf32>
        tpu.vector_store %arg10[%parallel_loop3A_1703], %parallel_loop3A_1706 {strides = array<i32>} : memref<7680xf32, #tpu.memory_space<vmem>>, vector<16xf32>,
        %parallel_loop3A_1707 = arith.constant -1 : i32
        %parallel_loop3A_1708 = arith.subi %parallel_loop3A_1702, %parallel_loop3A_1707 : i32
        %parallel_loop3A_1709 = arith.index_cast %parallel_loop3A_1708 : i32 to index
        %parallel_loop3A_1710 = tpu.vector_load %arg10[%parallel_loop3A_1709] {strides = array<i32>} : memref<7680xf32, #tpu.memory_space<vmem>>, vector<16xf32>,
        %parallel_loop3A_1711 = vector.shape_cast %parallel_loop3A_1710 : vector<16xf32> to vector<16xf32>
        %parallel_loop3A_1712 = arith.addf %parallel_loop3A_1395, %parallel_loop3A_1711 : vector<16xf32>
        %parallel_loop3A_1713 = arith.select %eq3A_8, %parallel_loop3A_1698, %parallel_loop3A_1712 : vector<16xi1>, vector<16xf32>
        %parallel_loop3A_1714 = arith.constant 512 : i32
        %parallel_loop3A_1715 = arith.addi %parallel_loop3A_105, %parallel_loop3A_1714 : i32
        %parallel_loop3A_1716 = arith.constant 16 : i32
        %parallel_loop3A_1717 = arith.addi %parallel_loop3A_1715, %parallel_loop3A_1716 : i32
        %parallel_loop3A_1718 = arith.index_cast %parallel_loop3A_1717 : i32 to index
        %parallel_loop3A_1719 = tpu.vector_load %arg10[%parallel_loop3A_1718] {strides = array<i32>} : memref<7680xf32, #tpu.memory_space<vmem>>, vector<16xf32>,
        %parallel_loop3A_1720 = vector.shape_cast %parallel_loop3A_1719 : vector<16xf32> to vector<16xf32>
        %parallel_loop3A_1721 = vector.shape_cast %parallel_loop3A_1539 : vector<16xf32> to vector<16xf32>
        tpu.vector_store %arg10[%parallel_loop3A_1718], %parallel_loop3A_1721 {strides = array<i32>} : memref<7680xf32, #tpu.memory_space<vmem>>, vector<16xf32>,
        %parallel_loop3A_1722 = arith.constant 2 : i32
        %parallel_loop3A_1723 = arith.subi %parallel_loop3A_1717, %parallel_loop3A_1722 : i32
        %parallel_loop3A_1724 = arith.index_cast %parallel_loop3A_1723 : i32 to index
        %parallel_loop3A_1725 = tpu.vector_load %arg10[%parallel_loop3A_1724] {strides = array<i32>} : memref<7680xf32, #tpu.memory_space<vmem>>, vector<16xf32>,
        %parallel_loop3A_1726 = vector.shape_cast %parallel_loop3A_1725 : vector<16xf32> to vector<16xf32>
        %parallel_loop3A_1727 = arith.addf %parallel_loop3A_1539, %parallel_loop3A_1726 : vector<16xf32>
        %parallel_loop3A_1728 = arith.constant 512 : i32
        %parallel_loop3A_1729 = arith.addi %parallel_loop3A_105, %parallel_loop3A_1728 : i32
        %parallel_loop3A_1730 = arith.constant 40 : i32
        %parallel_loop3A_1731 = arith.addi %parallel_loop3A_1729, %parallel_loop3A_1730 : i32
        %parallel_loop3A_1732 = arith.index_cast %parallel_loop3A_1731 : i32 to index
        %parallel_loop3A_1733 = tpu.vector_load %arg10[%parallel_loop3A_1732] {strides = array<i32>} : memref<7680xf32, #tpu.memory_space<vmem>>, vector<16xf32>,
        %parallel_loop3A_1734 = vector.shape_cast %parallel_loop3A_1733 : vector<16xf32> to vector<16xf32>
        %parallel_loop3A_1735 = vector.shape_cast %parallel_loop3A_1510 : vector<16xf32> to vector<16xf32>
        tpu.vector_store %arg10[%parallel_loop3A_1732], %parallel_loop3A_1735 {strides = array<i32>} : memref<7680xf32, #tpu.memory_space<vmem>>, vector<16xf32>,
        %parallel_loop3A_1736 = arith.constant -2 : i32
        %parallel_loop3A_1737 = arith.subi %parallel_loop3A_1731, %parallel_loop3A_1736 : i32
        %parallel_loop3A_1738 = arith.index_cast %parallel_loop3A_1737 : i32 to index
        %parallel_loop3A_1739 = tpu.vector_load %arg10[%parallel_loop3A_1738] {strides = array<i32>} : memref<7680xf32, #tpu.memory_space<vmem>>, vector<16xf32>,
        %parallel_loop3A_1740 = vector.shape_cast %parallel_loop3A_1739 : vector<16xf32> to vector<16xf32>
        %parallel_loop3A_1741 = arith.addf %parallel_loop3A_1510, %parallel_loop3A_1740 : vector<16xf32>
        %parallel_loop3A_1742 = arith.select %eq3A_17, %parallel_loop3A_1727, %parallel_loop3A_1741 : vector<16xi1>, vector<16xf32>
        %parallel_loop3A_1743 = arith.constant 576 : i32
        %parallel_loop3A_1744 = arith.addi %parallel_loop3A_105, %parallel_loop3A_1743 : i32
        %parallel_loop3A_1745 = arith.constant 16 : i32
        %parallel_loop3A_1746 = arith.addi %parallel_loop3A_1744, %parallel_loop3A_1745 : i32
        %parallel_loop3A_1747 = arith.index_cast %parallel_loop3A_1746 : i32 to index
        %parallel_loop3A_1748 = tpu.vector_load %arg10[%parallel_loop3A_1747] {strides = array<i32>} : memref<7680xf32, #tpu.memory_space<vmem>>, vector<16xf32>,
        %parallel_loop3A_1749 = vector.shape_cast %parallel_loop3A_1748 : vector<16xf32> to vector<16xf32>
        %parallel_loop3A_1750 = vector.shape_cast %parallel_loop3A_1597 : vector<16xf32> to vector<16xf32>
        tpu.vector_store %arg10[%parallel_loop3A_1747], %parallel_loop3A_1750 {strides = array<i32>} : memref<7680xf32, #tpu.memory_space<vmem>>, vector<16xf32>,
        %parallel_loop3A_1751 = arith.constant 2 : i32
        %parallel_loop3A_1752 = arith.subi %parallel_loop3A_1746, %parallel_loop3A_1751 : i32
        %parallel_loop3A_1753 = arith.index_cast %parallel_loop3A_1752 : i32 to index
        %parallel_loop3A_1754 = tpu.vector_load %arg10[%parallel_loop3A_1753] {strides = array<i32>} : memref<7680xf32, #tpu.memory_space<vmem>>, vector<16xf32>,
        %parallel_loop3A_1755 = vector.shape_cast %parallel_loop3A_1754 : vector<16xf32> to vector<16xf32>
        %parallel_loop3A_1756 = arith.addf %parallel_loop3A_1597, %parallel_loop3A_1755 : vector<16xf32>
        %parallel_loop3A_1757 = arith.constant 576 : i32
        %parallel_loop3A_1758 = arith.addi %parallel_loop3A_105, %parallel_loop3A_1757 : i32
        %parallel_loop3A_1759 = arith.constant 40 : i32
        %parallel_loop3A_1760 = arith.addi %parallel_loop3A_1758, %parallel_loop3A_1759 : i32
        %parallel_loop3A_1761 = arith.index_cast %parallel_loop3A_1760 : i32 to index
        %parallel_loop3A_1762 = tpu.vector_load %arg10[%parallel_loop3A_1761] {strides = array<i32>} : memref<7680xf32, #tpu.memory_space<vmem>>, vector<16xf32>,
        %parallel_loop3A_1763 = vector.shape_cast %parallel_loop3A_1762 : vector<16xf32> to vector<16xf32>
        %parallel_loop3A_1764 = vector.shape_cast %parallel_loop3A_1568 : vector<16xf32> to vector<16xf32>
        tpu.vector_store %arg10[%parallel_loop3A_1761], %parallel_loop3A_1764 {strides = array<i32>} : memref<7680xf32, #tpu.memory_space<vmem>>, vector<16xf32>,
        %parallel_loop3A_1765 = arith.constant -2 : i32
        %parallel_loop3A_1766 = arith.subi %parallel_loop3A_1760, %parallel_loop3A_1765 : i32
        %parallel_loop3A_1767 = arith.index_cast %parallel_loop3A_1766 : i32 to index
        %parallel_loop3A_1768 = tpu.vector_load %arg10[%parallel_loop3A_1767] {strides = array<i32>} : memref<7680xf32, #tpu.memory_space<vmem>>, vector<16xf32>,
        %parallel_loop3A_1769 = vector.shape_cast %parallel_loop3A_1768 : vector<16xf32> to vector<16xf32>
        %parallel_loop3A_1770 = arith.addf %parallel_loop3A_1568, %parallel_loop3A_1769 : vector<16xf32>
        %parallel_loop3A_1771 = arith.select %eq3A_17, %parallel_loop3A_1756, %parallel_loop3A_1770 : vector<16xi1>, vector<16xf32>
        %parallel_loop3A_1772 = arith.constant 640 : i32
        %parallel_loop3A_1773 = arith.addi %parallel_loop3A_105, %parallel_loop3A_1772 : i32
        %parallel_loop3A_1774 = arith.constant 16 : i32
        %parallel_loop3A_1775 = arith.addi %parallel_loop3A_1773, %parallel_loop3A_1774 : i32
        %parallel_loop3A_1776 = arith.index_cast %parallel_loop3A_1775 : i32 to index
        %parallel_loop3A_1777 = tpu.vector_load %arg10[%parallel_loop3A_1776] {strides = array<i32>} : memref<7680xf32, #tpu.memory_space<vmem>>, vector<16xf32>,
        %parallel_loop3A_1778 = vector.shape_cast %parallel_loop3A_1777 : vector<16xf32> to vector<16xf32>
        %parallel_loop3A_1779 = vector.shape_cast %parallel_loop3A_1655 : vector<16xf32> to vector<16xf32>
        tpu.vector_store %arg10[%parallel_loop3A_1776], %parallel_loop3A_1779 {strides = array<i32>} : memref<7680xf32, #tpu.memory_space<vmem>>, vector<16xf32>,
        %parallel_loop3A_1780 = arith.constant 2 : i32
        %parallel_loop3A_1781 = arith.subi %parallel_loop3A_1775, %parallel_loop3A_1780 : i32
        %parallel_loop3A_1782 = arith.index_cast %parallel_loop3A_1781 : i32 to index
        %parallel_loop3A_1783 = tpu.vector_load %arg10[%parallel_loop3A_1782] {strides = array<i32>} : memref<7680xf32, #tpu.memory_space<vmem>>, vector<16xf32>,
        %parallel_loop3A_1784 = vector.shape_cast %parallel_loop3A_1783 : vector<16xf32> to vector<16xf32>
        %parallel_loop3A_1785 = arith.addf %parallel_loop3A_1655, %parallel_loop3A_1784 : vector<16xf32>
        %parallel_loop3A_1786 = arith.constant 640 : i32
        %parallel_loop3A_1787 = arith.addi %parallel_loop3A_105, %parallel_loop3A_1786 : i32
        %parallel_loop3A_1788 = arith.constant 40 : i32
        %parallel_loop3A_1789 = arith.addi %parallel_loop3A_1787, %parallel_loop3A_1788 : i32
        %parallel_loop3A_1790 = arith.index_cast %parallel_loop3A_1789 : i32 to index
        %parallel_loop3A_1791 = tpu.vector_load %arg10[%parallel_loop3A_1790] {strides = array<i32>} : memref<7680xf32, #tpu.memory_space<vmem>>, vector<16xf32>,
        %parallel_loop3A_1792 = vector.shape_cast %parallel_loop3A_1791 : vector<16xf32> to vector<16xf32>
        %parallel_loop3A_1793 = vector.shape_cast %parallel_loop3A_1626 : vector<16xf32> to vector<16xf32>
        tpu.vector_store %arg10[%parallel_loop3A_1790], %parallel_loop3A_1793 {strides = array<i32>} : memref<7680xf32, #tpu.memory_space<vmem>>, vector<16xf32>,
        %parallel_loop3A_1794 = arith.constant -2 : i32
        %parallel_loop3A_1795 = arith.subi %parallel_loop3A_1789, %parallel_loop3A_1794 : i32
        %parallel_loop3A_1796 = arith.index_cast %parallel_loop3A_1795 : i32 to index
        %parallel_loop3A_1797 = tpu.vector_load %arg10[%parallel_loop3A_1796] {strides = array<i32>} : memref<7680xf32, #tpu.memory_space<vmem>>, vector<16xf32>,
        %parallel_loop3A_1798 = vector.shape_cast %parallel_loop3A_1797 : vector<16xf32> to vector<16xf32>
        %parallel_loop3A_1799 = arith.addf %parallel_loop3A_1626, %parallel_loop3A_1798 : vector<16xf32>
        %parallel_loop3A_1800 = arith.select %eq3A_17, %parallel_loop3A_1785, %parallel_loop3A_1799 : vector<16xi1>, vector<16xf32>
        %parallel_loop3A_1801 = arith.constant 704 : i32
        %parallel_loop3A_1802 = arith.addi %parallel_loop3A_105, %parallel_loop3A_1801 : i32
        %parallel_loop3A_1803 = arith.constant 16 : i32
        %parallel_loop3A_1804 = arith.addi %parallel_loop3A_1802, %parallel_loop3A_1803 : i32
        %parallel_loop3A_1805 = arith.index_cast %parallel_loop3A_1804 : i32 to index
        %parallel_loop3A_1806 = tpu.vector_load %arg10[%parallel_loop3A_1805] {strides = array<i32>} : memref<7680xf32, #tpu.memory_space<vmem>>, vector<16xf32>,
        %parallel_loop3A_1807 = vector.shape_cast %parallel_loop3A_1806 : vector<16xf32> to vector<16xf32>
        %parallel_loop3A_1808 = vector.shape_cast %parallel_loop3A_1713 : vector<16xf32> to vector<16xf32>
        tpu.vector_store %arg10[%parallel_loop3A_1805], %parallel_loop3A_1808 {strides = array<i32>} : memref<7680xf32, #tpu.memory_space<vmem>>, vector<16xf32>,
        %parallel_loop3A_1809 = arith.constant 2 : i32
        %parallel_loop3A_1810 = arith.subi %parallel_loop3A_1804, %parallel_loop3A_1809 : i32
        %parallel_loop3A_1811 = arith.index_cast %parallel_loop3A_1810 : i32 to index
        %parallel_loop3A_1812 = tpu.vector_load %arg10[%parallel_loop3A_1811] {strides = array<i32>} : memref<7680xf32, #tpu.memory_space<vmem>>, vector<16xf32>,
        %parallel_loop3A_1813 = vector.shape_cast %parallel_loop3A_1812 : vector<16xf32> to vector<16xf32>
        %parallel_loop3A_1814 = arith.addf %parallel_loop3A_1713, %parallel_loop3A_1813 : vector<16xf32>
        %parallel_loop3A_1815 = arith.constant 704 : i32
        %parallel_loop3A_1816 = arith.addi %parallel_loop3A_105, %parallel_loop3A_1815 : i32
        %parallel_loop3A_1817 = arith.constant 40 : i32
        %parallel_loop3A_1818 = arith.addi %parallel_loop3A_1816, %parallel_loop3A_1817 : i32
        %parallel_loop3A_1819 = arith.index_cast %parallel_loop3A_1818 : i32 to index
        %parallel_loop3A_1820 = tpu.vector_load %arg10[%parallel_loop3A_1819] {strides = array<i32>} : memref<7680xf32, #tpu.memory_space<vmem>>, vector<16xf32>,
        %parallel_loop3A_1821 = vector.shape_cast %parallel_loop3A_1820 : vector<16xf32> to vector<16xf32>
        %parallel_loop3A_1822 = vector.shape_cast %parallel_loop3A_1684 : vector<16xf32> to vector<16xf32>
        tpu.vector_store %arg10[%parallel_loop3A_1819], %parallel_loop3A_1822 {strides = array<i32>} : memref<7680xf32, #tpu.memory_space<vmem>>, vector<16xf32>,
        %parallel_loop3A_1823 = arith.constant -2 : i32
        %parallel_loop3A_1824 = arith.subi %parallel_loop3A_1818, %parallel_loop3A_1823 : i32
        %parallel_loop3A_1825 = arith.index_cast %parallel_loop3A_1824 : i32 to index
        %parallel_loop3A_1826 = tpu.vector_load %arg10[%parallel_loop3A_1825] {strides = array<i32>} : memref<7680xf32, #tpu.memory_space<vmem>>, vector<16xf32>,
        %parallel_loop3A_1827 = vector.shape_cast %parallel_loop3A_1826 : vector<16xf32> to vector<16xf32>
        %parallel_loop3A_1828 = arith.addf %parallel_loop3A_1684, %parallel_loop3A_1827 : vector<16xf32>
        %parallel_loop3A_1829 = arith.select %eq3A_17, %parallel_loop3A_1814, %parallel_loop3A_1828 : vector<16xi1>, vector<16xf32>
        %parallel_loop3A_1830 = arith.constant 768 : i32
        %parallel_loop3A_1831 = arith.addi %parallel_loop3A_105, %parallel_loop3A_1830 : i32
        %parallel_loop3A_1832 = arith.constant 16 : i32
        %parallel_loop3A_1833 = arith.addi %parallel_loop3A_1831, %parallel_loop3A_1832 : i32
        %parallel_loop3A_1834 = arith.index_cast %parallel_loop3A_1833 : i32 to index
        %parallel_loop3A_1835 = tpu.vector_load %arg10[%parallel_loop3A_1834] {strides = array<i32>} : memref<7680xf32, #tpu.memory_space<vmem>>, vector<16xf32>,
        %parallel_loop3A_1836 = vector.shape_cast %parallel_loop3A_1835 : vector<16xf32> to vector<16xf32>
        %parallel_loop3A_1837 = vector.shape_cast %parallel_loop3A_1771 : vector<16xf32> to vector<16xf32>
        tpu.vector_store %arg10[%parallel_loop3A_1834], %parallel_loop3A_1837 {strides = array<i32>} : memref<7680xf32, #tpu.memory_space<vmem>>, vector<16xf32>,
        %parallel_loop3A_1838 = arith.constant 4 : i32
        %parallel_loop3A_1839 = arith.subi %parallel_loop3A_1833, %parallel_loop3A_1838 : i32
        %parallel_loop3A_1840 = arith.index_cast %parallel_loop3A_1839 : i32 to index
        %parallel_loop3A_1841 = tpu.vector_load %arg10[%parallel_loop3A_1840] {strides = array<i32>} : memref<7680xf32, #tpu.memory_space<vmem>>, vector<16xf32>,
        %parallel_loop3A_1842 = vector.shape_cast %parallel_loop3A_1841 : vector<16xf32> to vector<16xf32>
        %parallel_loop3A_1843 = arith.addf %parallel_loop3A_1771, %parallel_loop3A_1842 : vector<16xf32>
        %parallel_loop3A_1844 = arith.constant 768 : i32
        %parallel_loop3A_1845 = arith.addi %parallel_loop3A_105, %parallel_loop3A_1844 : i32
        %parallel_loop3A_1846 = arith.constant 40 : i32
        %parallel_loop3A_1847 = arith.addi %parallel_loop3A_1845, %parallel_loop3A_1846 : i32
        %parallel_loop3A_1848 = arith.index_cast %parallel_loop3A_1847 : i32 to index
        %parallel_loop3A_1849 = tpu.vector_load %arg10[%parallel_loop3A_1848] {strides = array<i32>} : memref<7680xf32, #tpu.memory_space<vmem>>, vector<16xf32>,
        %parallel_loop3A_1850 = vector.shape_cast %parallel_loop3A_1849 : vector<16xf32> to vector<16xf32>
        %parallel_loop3A_1851 = vector.shape_cast %parallel_loop3A_1742 : vector<16xf32> to vector<16xf32>
        tpu.vector_store %arg10[%parallel_loop3A_1848], %parallel_loop3A_1851 {strides = array<i32>} : memref<7680xf32, #tpu.memory_space<vmem>>, vector<16xf32>,
        %parallel_loop3A_1852 = arith.constant -4 : i32
        %parallel_loop3A_1853 = arith.subi %parallel_loop3A_1847, %parallel_loop3A_1852 : i32
        %parallel_loop3A_1854 = arith.index_cast %parallel_loop3A_1853 : i32 to index
        %parallel_loop3A_1855 = tpu.vector_load %arg10[%parallel_loop3A_1854] {strides = array<i32>} : memref<7680xf32, #tpu.memory_space<vmem>>, vector<16xf32>,
        %parallel_loop3A_1856 = vector.shape_cast %parallel_loop3A_1855 : vector<16xf32> to vector<16xf32>
        %parallel_loop3A_1857 = arith.addf %parallel_loop3A_1742, %parallel_loop3A_1856 : vector<16xf32>
        %parallel_loop3A_1858 = arith.select %eq3A_26, %parallel_loop3A_1843, %parallel_loop3A_1857 : vector<16xi1>, vector<16xf32>
        %parallel_loop3A_1859 = arith.constant 832 : i32
        %parallel_loop3A_1860 = arith.addi %parallel_loop3A_105, %parallel_loop3A_1859 : i32
        %parallel_loop3A_1861 = arith.constant 16 : i32
        %parallel_loop3A_1862 = arith.addi %parallel_loop3A_1860, %parallel_loop3A_1861 : i32
        %parallel_loop3A_1863 = arith.index_cast %parallel_loop3A_1862 : i32 to index
        %parallel_loop3A_1864 = tpu.vector_load %arg10[%parallel_loop3A_1863] {strides = array<i32>} : memref<7680xf32, #tpu.memory_space<vmem>>, vector<16xf32>,
        %parallel_loop3A_1865 = vector.shape_cast %parallel_loop3A_1864 : vector<16xf32> to vector<16xf32>
        %parallel_loop3A_1866 = vector.shape_cast %parallel_loop3A_1829 : vector<16xf32> to vector<16xf32>
        tpu.vector_store %arg10[%parallel_loop3A_1863], %parallel_loop3A_1866 {strides = array<i32>} : memref<7680xf32, #tpu.memory_space<vmem>>, vector<16xf32>,
        %parallel_loop3A_1867 = arith.constant 4 : i32
        %parallel_loop3A_1868 = arith.subi %parallel_loop3A_1862, %parallel_loop3A_1867 : i32
        %parallel_loop3A_1869 = arith.index_cast %parallel_loop3A_1868 : i32 to index
        %parallel_loop3A_1870 = tpu.vector_load %arg10[%parallel_loop3A_1869] {strides = array<i32>} : memref<7680xf32, #tpu.memory_space<vmem>>, vector<16xf32>,
        %parallel_loop3A_1871 = vector.shape_cast %parallel_loop3A_1870 : vector<16xf32> to vector<16xf32>
        %parallel_loop3A_1872 = arith.addf %parallel_loop3A_1829, %parallel_loop3A_1871 : vector<16xf32>
        %parallel_loop3A_1873 = arith.constant 832 : i32
        %parallel_loop3A_1874 = arith.addi %parallel_loop3A_105, %parallel_loop3A_1873 : i32
        %parallel_loop3A_1875 = arith.constant 40 : i32
        %parallel_loop3A_1876 = arith.addi %parallel_loop3A_1874, %parallel_loop3A_1875 : i32
        %parallel_loop3A_1877 = arith.index_cast %parallel_loop3A_1876 : i32 to index
        %parallel_loop3A_1878 = tpu.vector_load %arg10[%parallel_loop3A_1877] {strides = array<i32>} : memref<7680xf32, #tpu.memory_space<vmem>>, vector<16xf32>,
        %parallel_loop3A_1879 = vector.shape_cast %parallel_loop3A_1878 : vector<16xf32> to vector<16xf32>
        %parallel_loop3A_1880 = vector.shape_cast %parallel_loop3A_1800 : vector<16xf32> to vector<16xf32>
        tpu.vector_store %arg10[%parallel_loop3A_1877], %parallel_loop3A_1880 {strides = array<i32>} : memref<7680xf32, #tpu.memory_space<vmem>>, vector<16xf32>,
        %parallel_loop3A_1881 = arith.constant -4 : i32
        %parallel_loop3A_1882 = arith.subi %parallel_loop3A_1876, %parallel_loop3A_1881 : i32
        %parallel_loop3A_1883 = arith.index_cast %parallel_loop3A_1882 : i32 to index
        %parallel_loop3A_1884 = tpu.vector_load %arg10[%parallel_loop3A_1883] {strides = array<i32>} : memref<7680xf32, #tpu.memory_space<vmem>>, vector<16xf32>,
        %parallel_loop3A_1885 = vector.shape_cast %parallel_loop3A_1884 : vector<16xf32> to vector<16xf32>
        %parallel_loop3A_1886 = arith.addf %parallel_loop3A_1800, %parallel_loop3A_1885 : vector<16xf32>
        %parallel_loop3A_1887 = arith.select %eq3A_26, %parallel_loop3A_1872, %parallel_loop3A_1886 : vector<16xi1>, vector<16xf32>
        %parallel_loop3A_1888 = arith.constant 896 : i32
        %parallel_loop3A_1889 = arith.addi %parallel_loop3A_105, %parallel_loop3A_1888 : i32
        %parallel_loop3A_1890 = arith.constant 16 : i32
        %parallel_loop3A_1891 = arith.addi %parallel_loop3A_1889, %parallel_loop3A_1890 : i32
        %parallel_loop3A_1892 = arith.index_cast %parallel_loop3A_1891 : i32 to index
        %parallel_loop3A_1893 = tpu.vector_load %arg10[%parallel_loop3A_1892] {strides = array<i32>} : memref<7680xf32, #tpu.memory_space<vmem>>, vector<16xf32>,
        %parallel_loop3A_1894 = vector.shape_cast %parallel_loop3A_1893 : vector<16xf32> to vector<16xf32>
        %parallel_loop3A_1895 = vector.shape_cast %parallel_loop3A_1887 : vector<16xf32> to vector<16xf32>
        tpu.vector_store %arg10[%parallel_loop3A_1892], %parallel_loop3A_1895 {strides = array<i32>} : memref<7680xf32, #tpu.memory_space<vmem>>, vector<16xf32>,
        %parallel_loop3A_1896 = arith.constant 8 : i32
        %parallel_loop3A_1897 = arith.subi %parallel_loop3A_1891, %parallel_loop3A_1896 : i32
        %parallel_loop3A_1898 = arith.index_cast %parallel_loop3A_1897 : i32 to index
        %parallel_loop3A_1899 = tpu.vector_load %arg10[%parallel_loop3A_1898] {strides = array<i32>} : memref<7680xf32, #tpu.memory_space<vmem>>, vector<16xf32>,
        %parallel_loop3A_1900 = vector.shape_cast %parallel_loop3A_1899 : vector<16xf32> to vector<16xf32>
        %parallel_loop3A_1901 = arith.addf %parallel_loop3A_1887, %parallel_loop3A_1900 : vector<16xf32>
        %parallel_loop3A_1902 = arith.constant 896 : i32
        %parallel_loop3A_1903 = arith.addi %parallel_loop3A_105, %parallel_loop3A_1902 : i32
        %parallel_loop3A_1904 = arith.constant 40 : i32
        %parallel_loop3A_1905 = arith.addi %parallel_loop3A_1903, %parallel_loop3A_1904 : i32
        %parallel_loop3A_1906 = arith.index_cast %parallel_loop3A_1905 : i32 to index
        %parallel_loop3A_1907 = tpu.vector_load %arg10[%parallel_loop3A_1906] {strides = array<i32>} : memref<7680xf32, #tpu.memory_space<vmem>>, vector<16xf32>,
        %parallel_loop3A_1908 = vector.shape_cast %parallel_loop3A_1907 : vector<16xf32> to vector<16xf32>
        %parallel_loop3A_1909 = vector.shape_cast %parallel_loop3A_1858 : vector<16xf32> to vector<16xf32>
        tpu.vector_store %arg10[%parallel_loop3A_1906], %parallel_loop3A_1909 {strides = array<i32>} : memref<7680xf32, #tpu.memory_space<vmem>>, vector<16xf32>,
        %parallel_loop3A_1910 = arith.constant -8 : i32
        %parallel_loop3A_1911 = arith.subi %parallel_loop3A_1905, %parallel_loop3A_1910 : i32
        %parallel_loop3A_1912 = arith.index_cast %parallel_loop3A_1911 : i32 to index
        %parallel_loop3A_1913 = tpu.vector_load %arg10[%parallel_loop3A_1912] {strides = array<i32>} : memref<7680xf32, #tpu.memory_space<vmem>>, vector<16xf32>,
        %parallel_loop3A_1914 = vector.shape_cast %parallel_loop3A_1913 : vector<16xf32> to vector<16xf32>
        %parallel_loop3A_1915 = arith.addf %parallel_loop3A_1858, %parallel_loop3A_1914 : vector<16xf32>
        %parallel_loop3A_1916 = arith.select %eq3A_35, %parallel_loop3A_1901, %parallel_loop3A_1915 : vector<16xi1>, vector<16xf32>
        %parallel_loop3A_1917 = arith.constant 128 : i32
        %parallel_loop3A_1918 = arith.muli %scan3A_58, %parallel_loop3A_1917 : i32
        %parallel_loop3A_1919 = arith.constant 16 : i32
        %parallel_loop3A_1920 = arith.muli %parallel_loop3A_103, %parallel_loop3A_1919 : i32
        %parallel_loop3A_1921 = arith.addi %parallel_loop3A_1918, %parallel_loop3A_1920 : i32
        %parallel_loop3A_1922 = arith.index_cast %parallel_loop3A_1921 : i32 to index
        %parallel_loop3A_1923 = tpu.vector_load %arg9[%parallel_loop3A_1922] {strides = array<i32>} : memref<512xf32, #tpu.memory_space<vmem>>, vector<16xf32>,
        %parallel_loop3A_1924 = vector.shape_cast %parallel_loop3A_1923 : vector<16xf32> to vector<16xf32>
        %parallel_loop3A_1925 = vector.shape_cast %parallel_loop3A_1916 : vector<16xf32> to vector<16xf32>
        tpu.vector_store %arg9[%parallel_loop3A_1922], %parallel_loop3A_1925 {strides = array<i32>} : memref<512xf32, #tpu.memory_space<vmem>>, vector<16xf32>,
      } {sc.loop_unroll_factor = 2 : i64, sc.parallel_access}
    }
    %scan3A_55 = arith.constant 4 : i32
    %parallel_loop3A = arith.constant 0 : i32
    %parallel_loop3A_56 = arith.constant 32 : i32
    %parallel_loop3A_57 = arith.constant 1 : i32
    scf.for %parallel_loop3A_58 = %parallel_loop3A to %parallel_loop3A_56 step %parallel_loop3A_57  : i32 {
      %parallel_loop3A_59 = arith.constant 16 : i32
      %parallel_loop3A_60 = arith.muli %parallel_loop3A_58, %parallel_loop3A_59 : i32
      %parallel_loop3A_61 = arith.index_cast %parallel_loop3A_60 : i32 to index
      %parallel_loop3A_62 = tpu.vector_load %arg9[%parallel_loop3A_61] {strides = array<i32>} : memref<512xf32, #tpu.memory_space<vmem>>, vector<16xf32>,
      %parallel_loop3A_63 = vector.shape_cast %parallel_loop3A_62 : vector<16xf32> to vector<16xf32>
      %parallel_loop3A_64 = arith.constant 0.000000e+00 : f32
      %parallel_loop3A_65 = vector.broadcast %parallel_loop3A_64 : f32 to vector<16xf32>
      %parallel_loop3A_66 = arith.subf %parallel_loop3A_65, %parallel_loop3A_63 : vector<16xf32>
      %parallel_loop3A_67 = math.exp %parallel_loop3A_66 : vector<16xf32>
      %parallel_loop3A_68 = arith.constant 1.000000e+00 : f32
      %parallel_loop3A_69 = vector.broadcast %parallel_loop3A_68 : f32 to vector<16xf32>
      %parallel_loop3A_70 = arith.addf %parallel_loop3A_69, %parallel_loop3A_67 : vector<16xf32>
      %parallel_loop3A_71 = arith.constant 1.000000e+00 : f32
      %parallel_loop3A_72 = vector.broadcast %parallel_loop3A_71 : f32 to vector<16xf32>
      %parallel_loop3A_73 = arith.divf %parallel_loop3A_72, %parallel_loop3A_70 : vector<16xf32>
      %parallel_loop3A_74 = arith.constant 16 : i32
      %parallel_loop3A_75 = arith.muli %parallel_loop3A_58, %parallel_loop3A_74 : i32
      %parallel_loop3A_76 = arith.index_cast %parallel_loop3A_75 : i32 to index
      %parallel_loop3A_77 = tpu.vector_load %arg9[%parallel_loop3A_76] {strides = array<i32>} : memref<512xf32, #tpu.memory_space<vmem>>, vector<16xf32>,
      %parallel_loop3A_78 = vector.shape_cast %parallel_loop3A_77 : vector<16xf32> to vector<16xf32>
      %parallel_loop3A_79 = vector.shape_cast %parallel_loop3A_73 : vector<16xf32> to vector<16xf32>
      tpu.vector_store %arg9[%parallel_loop3A_76], %parallel_loop3A_79 {strides = array<i32>} : memref<512xf32, #tpu.memory_space<vmem>>, vector<16xf32>,
    } {sc.loop_unroll_factor = 4 : i64, sc.parallel_access}
    "tpu.region"() ({
      %run_scoped3A = tpu.sem_alloc : memref<!tpu.dma_semaphore, #tpu.memory_space<semaphore_mem>>
      %dma_start3A_58 = tpu.memref_slice %arg5[%mul3A_2] : memref<16384xf32, #tpu.memory_space<hbm>> -> memref<512xf32, #tpu.memory_space<hbm>>
      %dma_start3A_59 = tpu.memref_slice %arg5[%mul3A_2] : memref<16384xf32, #tpu.memory_space<hbm>> -> memref<512xf32, #tpu.memory_space<hbm>>
      tpu.enqueue_dma source(%arg9 : memref<512xf32, #tpu.memory_space<vmem>>) target(%dma_start3A_59 : memref<512xf32, #tpu.memory_space<hbm>>) target_semaphore(%run_scoped3A : memref<!tpu.dma_semaphore, #tpu.memory_space<semaphore_mem>>)
      %dma_wait3A = tpu.memref_slice %arg5[%mul3A_2] : memref<16384xf32, #tpu.memory_space<hbm>> -> memref<512xf32, #tpu.memory_space<hbm>>
      %dma_wait3A_60 = tpu.memref_slice %arg5[%mul3A_2] : memref<16384xf32, #tpu.memory_space<hbm>> -> memref<512xf32, #tpu.memory_space<hbm>>
      tpu.wait_dma2 semaphore(%run_scoped3A : memref<!tpu.dma_semaphore, #tpu.memory_space<semaphore_mem>>) src(%arg9 : memref<512xf32, #tpu.memory_space<vmem>>) dst(%dma_wait3A_60 : memref<512xf32, #tpu.memory_space<hbm>>)
      tpu.yield
    }) : () -> ()
    return
  }
}

</mosaic_0001>

<sc_bundles>
// kernel: kernel.3.cloned.1.call-start
scs
__scs_entry_jumppad:
0x0: {  	(pc) =	sbr.rel $0x88, $3  }
0x1: {  	(tag) =	ssettag $0x0;
	lr =	simm.s32 $0x1  }
0x2: {  	[smem:$0x3F9F] =	sst lr;
	_ =	strace $0xD0000000  }
0x3: {  	_ = 	snop  }
0x4: {  	_ = 	snop  }
0x5: {  	_ = 	snop  }
0x6: {  	_ = 	snop  }
0x7: {  	_ = 	snop  }
__scs_overlays_trampoline_lowered:
0x8: {  	[smem:$0x3FAE] =	sst s0  }
0x9: {  	[smem:$0x3FAF] =	sst s1  }
0xa: {  	[smem:$0x3FB0] =	sst s2  }
0xb: {  	[smem:$0x3FB1] =	sst s3  }
0xc: {  	[smem:$0x3FB2] =	sst s4  }
0xd: {  	[smem:$0x3FB3] =	sst s5  }
0xe: {  	[smem:$0x3FB4] =	sst s6  }
0xf: {  	[smem:$0x3FB5] =	sst s7  }
0x10: {  	[smem:$0x3FB6] =	sst s8  }
0x11: {  	[smem:$0x3FB7] =	sst s9;
	s0 =	simm.s32 @!p0 $0x0  }
0x12: {  	s1 =	sld [smem:$0x3F9D];
	s0 =	simm.s32 @p0 $0x1  }
0x13: {  	[smem:$0x3FB8] =	sst s0;
	s0 =	simm.s32 @!p1 $0x0  }
0x14: {  	s2 =	sld [smem:$0x3F9C];
	s0 =	simm.s32 @p1 $0x1  }
0x15: {  	[smem:$0x3FB9] =	sst s0;
	s0 =	simm.s32 @!p2 $0x0  }
0x16: {  	s3 =	sld [smem:$0x3FDB];
	s0 =	simm.s32 @p2 $0x1  }
0x17: {  	s4 =	simm.s32 $0x1BF5;
	[smem:$0x3FBB] =	sst s0  }
0x18: {  	s0 =	sld [smem:$0x3F9E];
	_ =	swait.ge [sflag:s4], $0x0  }
0x19: {  	s7 =	sld [smem:$0x3F9F]  }
0x1a: {  	s8 =	sadd.s32 $0xFFFFE003, lr  }
0x1b: {  	s9 =	sadd.s32 $0xFFFFFEF7, lr;
	s5 =	simm.s32 $0xFFFFFFFF;
	p2 =	slt.u32 s8, $0xFFFFF086  }
0x1c: {  	p1 =	slt.u32 s9, $0xF7A;
	s5 =	simm.s32 @!p2 $0x0  }
0x1d: {  	s5 =	simm.s32 @p1 $0x1;
	p0 =	seq.s32 s7, s2  }
0x1e: {  	s7 =	smul.u32 @!p0 $0xF7A, s2;
	p2 =	seq.s32 @!p0 s5, $0x0  }
0x1f: {  	s9 =	smul.u32 $0xF7A, s1;
	s8 =	simm.s32 @!p0 $0x1BF5;
	p2 =	por !p2, p0  }
0x20: {  	[sflag:s8] =	ssyncset.s32 @!p0 $0xFFFFF086;
	s6 =	sadd.s32 @!p0 s3, s7;
	s7 =	simm.s32 @!p0 $0x108  }
0x21: {  	s3 =	sadd.s32 s3, s9;
	s6 =	sadd.s32 @!p0 $0x88, s6;
	s7 =	simm.s32 @p2 $0x1082  }
0x22: {  	[simem:s7], [sflag:s8] =	dma.local @!p0 [hbm:s6], $0xF7A  }
0x23: {  	s9 =	sor.u32 $0xD0000000, s2;
	s6 =	simm.s32 $0x108;
	_ =	swait.ge @!p0 [sflag:s8], $0x0  }
0x24: {  	s3 =	sadd.s32 $0x88, s3;
	s6 =	simm.s32 @!p1 $0x1082;
	[sflag:s4] =	ssyncset.s32 $0xFFFFF086  }
0x25: {  	[simem:s6], [sflag:s4] =	dma.local [hbm:s3], $0xF7A  }
0x26: {  	[smem:$0x3F9F] =	sst s1;
	(tag) =	ssettag s2;
	_ =	strace s9  }
0x27: {  	s1 =	sld [smem:$0x3FAF]  }
0x28: {  	s2 =	sld [smem:$0x3FB0]  }
0x29: {  	s4 =	sld [smem:$0x3FB2]  }
0x2a: {  	p0 =	seq.s32 s5, $0x0;
	s5 =	sld [smem:$0x3FB3]  }
0x2b: {  	s6 =	sld [smem:$0x3FB4]  }
0x2c: {  	s7 =	sld [smem:$0x3FB5]  }
0x2d: {  	s3 =	simm.s32 $0x108;
	s8 =	sld [smem:$0x3FB6]  }
0x2e: {  	s3 =	simm.s32 @!p0 $0x1082;
	s9 =	sld [smem:$0x3FB7]  }
0x2f: {  	lr =	sadd.s32 s0, s3;
	s0 =	sld [smem:$0x3FAE]  }
0x30: {  	s3 =	sld [smem:$0x3FB1]  }
0x31: {  	[smem:$0x3FBA] =	sst s10  }
0x32: {  	s10 =	sld [smem:$0x3FB8];
	_ =	sdelay $0x3  }
0x33: {  	p0 =	seq.s32 s10, $0x1;
	s10 =	sld [smem:$0x3FBA];
	_ =	sdelay $0x3  }
0x34: {  	[smem:$0x3FBA] =	sst s10  }
0x35: {  	s10 =	sld [smem:$0x3FB9];
	_ =	sdelay $0x3  }
0x36: {  	p1 =	seq.s32 s10, $0x1;
	s10 =	sld [smem:$0x3FBA];
	_ =	sdelay $0x3  }
0x37: {  	[smem:$0x3FBA] =	sst s10  }
0x38: {  	s10 =	sld [smem:$0x3FBB]  }
0x39: {  	_ = 	snop;
	(pc) =	sbr.ind lr, $3  }
0x3a: {  	_ = 	snop  }
0x3b: {  	_ = 	snop  }
0x3c: {  	p2 =	seq.s32 s10, $0x1;
	s10 =	sld [smem:$0x3FBA]  }
0x3d: {  	_ =	shalt  }
0x3e: {  	_ =	shalt  }
0x3f: {  	_ =	shalt  }
0x40: {  	_ =	shalt  }
0x41: {  	_ =	shalt  }
0x42: {  	_ =	shalt  }
0x43: {  	_ =	shalt  }
0x44: {  	_ =	shalt  }
0x45: {  	_ =	shalt  }
0x46: {  	_ =	shalt  }
0x47: {  	_ =	shalt  }
0x48: {  	_ =	shalt  }
0x49: {  	_ =	shalt  }
0x4a: {  	_ =	shalt  }
0x4b: {  	_ =	shalt  }
0x4c: {  	_ =	shalt  }
0x4d: {  	_ =	shalt  }
0x4e: {  	_ =	shalt  }
0x4f: {  	_ =	shalt  }
0x50: {  	_ =	shalt  }
0x51: {  	_ =	shalt  }
0x52: {  	_ =	shalt  }
0x53: {  	_ =	shalt  }
0x54: {  	_ =	shalt  }
0x55: {  	_ =	shalt  }
0x56: {  	_ =	shalt  }
0x57: {  	_ =	shalt  }
0x58: {  	_ =	shalt  }
0x59: {  	_ =	shalt  }
0x5a: {  	_ =	shalt  }
0x5b: {  	_ =	shalt  }
0x5c: {  	_ =	shalt  }
0x5d: {  	_ =	shalt  }
0x5e: {  	_ =	shalt  }
0x5f: {  	_ =	shalt  }
0x60: {  	_ =	shalt  }
0x61: {  	_ =	shalt  }
0x62: {  	_ =	shalt  }
0x63: {  	_ =	shalt  }
0x64: {  	_ =	shalt  }
0x65: {  	_ =	shalt  }
0x66: {  	_ =	shalt  }
0x67: {  	_ =	shalt  }
0x68: {  	_ =	shalt  }
0x69: {  	_ =	shalt  }
0x6a: {  	_ =	shalt  }
0x6b: {  	_ =	shalt  }
0x6c: {  	_ =	shalt  }
0x6d: {  	_ =	shalt  }
0x6e: {  	_ =	shalt  }
0x6f: {  	_ =	shalt  }
0x70: {  	_ =	shalt  }
0x71: {  	_ =	shalt  }
0x72: {  	_ =	shalt  }
0x73: {  	_ =	shalt  }
0x74: {  	_ =	shalt  }
0x75: {  	_ =	shalt  }
0x76: {  	_ =	shalt  }
0x77: {  	_ =	shalt  }
0x78: {  	_ =	shalt  }
0x79: {  	_ =	shalt  }
0x7a: {  	_ =	shalt  }
0x7b: {  	_ =	shalt  }
0x7c: {  	_ =	shalt  }
0x7d: {  	_ =	shalt  }
0x7e: {  	_ =	shalt  }
0x7f: {  	_ =	shalt  }
0x80: {  	_ =	shalt  }
0x81: {  	_ =	shalt  }
0x82: {  	_ =	shalt  }
0x83: {  	_ =	shalt  }
0x84: {  	_ =	shalt  }
0x85: {  	_ =	shalt  }
0x86: {  	_ =	shalt  }
0x87: {  	_ =	shalt  }
.Lfunc_end0:
.L_simem_size_0:
called_computation_lowered:
.L_overlay_start_0:
0x88: {  	s2 =	sld [smem:$0x3FD9]  }
0x89: {  	s3 =	sld [smem:$0x3FFE];
	_ =	sdelay $0x1  }
0x8a: {  	s1 =	srdreg.scid  }
0x8b: {  	s0 =	sand.u32 $0x1, s1  }
0x8c: {  	s17 =	sshll.u32 s0, $0xA;
	s2 =	sadd.s32 s3, s2  }
0x8d: {  	s2 =	sadd.s32 s2, s17  }
0x8e: {  	[smem:$0x3FC6] =	sst s2  }
0x8f: {  	_ = 	snop  }
0x90: {  	s2 =	sld [smem:$0x3FC8]  }
0x91: {  	s18 =	sld [smem:$0x3FD0];
	(tm) =	ssettm $0x1  }
0x92: {  	s4 =	sld [smem:$0x3FFB];
	_ =	sdelay $0x3  }
0x93: {  	_ =	strace s4  }
0x94: {  	s4 =	sld [smem:$0x3FFC];
	_ =	sdelay $0x3  }
0x95: {  	_ =	strace s4  }
0x96: {  	s4 =	sld [smem:$0x3FFD];
	_ =	sdelay $0x3  }
0x97: {  	_ =	strace s4  }
0x98: {  	_ =	strace $0x8FFFFFFF  }
0x99: {  	s19 =	sld [smem:$0x3FDB];
	_ =	sdelay $0x1  }
0x9a: {  	s5 =	simm.s32 $_scs_section_size  }
0x9b: {  	s6 =	simm.s32 $_size__tile_overlayer_lowered;
	s7 =	simm.s32 $_tile_overlayer_lowered  }
0x9c: {  	s22 =	simm.s32 $0x1BFF;
	s21 =	sshll.u32 s7, $0x1;
	s4 =	sadd.s32 s5, s19  }
0x9d: {  	s8 =	simm.s32 $0x0;
	s20 =	sshll.u32 s6, $0x1;
	s6 =	sadd.s32 s21, s4  }
0x9e: {  	[timem:s8], [sflag:s22] =	dma.local [hbm:s6], s20  }
0x9f: {  	_ =	swait.ge [sflag:s22], s20  }
0xa0: {  	s5 =	ssub.s32 $0x0, s20;
	[sflag:s22] =	ssyncset.done $0x0  }
0xa1: {  	[sflag:s22] =	ssyncadd.s32 s5;
	_ =	sdelay $0x1  }
0xa2: {  	s23 =	simm.s32 $0x1B8B  }
0xa3: {  	_ =	swait.ge [sflag:s23], $0x1  }
0xa4: {  	[sflag:s23] =	ssyncset.done $0x0  }
0xa5: {  	s25 =	simm.s32 $0x1B8E;
	s24 =	sld [smem:$0x3FFE];
	[sflag:s23] =	ssyncadd.s32 $0xFFFFFFFF  }
0xa6: {  	s26 =	simm.s32 $execute0_lowered;
	[smem:$0x3FD2] =	sst s25  }
0xa7: {  	s6 =	sshll.u32 s26, $0x1;
	_ =	strace $0x80000046;
	[dreg:$0x1] =	wrdreg $0xFFFFFFFF  }
0xa8: {  	s28 =	simm.s32 $_size_execute0_lowered;
	s4 =	sadd.s32 s4, s6;
	[dreg:$0x0] =	wrdreg $0x0  }
0xa9: {  	s6 =	sshll.u32 s28, $0x1;
	[dreg:$0x2] =	wrdreg s4  }
0xaa: {  	[dreg:$0x3] =	wrdreg s6  }
0xab: {  	[dreg:$0x4] =	wrdreg $0xC0  }
0xac: {  	_ =	task [dreg:s8], $0x5FFFF  }
0xad: {  	[dreg:$0x1] =	wrdreg $0xFFFFFFFF  }
0xae: {  	[dreg:$0x0] =	wrdreg $0x60  }
0xaf: {  	[dreg:$0x2] =	wrdreg s24  }
0xb0: {  	[dreg:$0x3] =	wrdreg s2  }
0xb1: {  	[dreg:$0x4] =	wrdreg s18  }
0xb2: {  	[dreg:$0x5] =	wrdreg $0x9  }
0xb3: {  	_ =	task.clear_ibuf [dreg:s8], $0x6FFFF;
	_ =	strace $0x90000046  }
0xb4: {  	s29 =	simm.s32 $0x9;
	_ =	strace $0x80000048  }
0xb5: {  	_ =	swait.ge [sflag:s29], $0x1  }
0xb6: {  	[sflag:s29] =	ssyncadd.s32 $0xFFFFFFFF  }
0xb7: {  	_ =	strace $0x90000048  }
0xb8: {  	_ =	sfence  }
0xb9: {  	s30 =	sld [smem:$0x0];
	_ =	sdelay $0x2  }
0xba: {  	s31 =	sshll.u32 s1, $0xD;
	s1 =	sshrl.u32 s1, $0x2  }
0xbb: {  	s3 =	sand.u32 $0x4000, s31;
	s1 =	sadd.s32 s1, s30  }
0xbc: {  	s0 =	sor.u32 s3, s0;
	s1 =	sshll.u32 s1, $0x11  }
0xbd: {  	s0 =	sor.u32 s1, s0  }
0xbe: {  	s0 =	sadd.s32 $0x8F2B, s0  }
0xbf: {  	[sflag:s0] =	ssyncadd.remote.s32 $0x1  }
0xc0: {  	_ =	sfence.sel $0xFFFF  }
0xc1: {  	[dreg:$0x0] =	wrdreg $0xFFFFFFFF;
	(pc) =	sbr.abs _section_cstart, $3  }
0xc2: {  	[dreg:$0x1] =	wrdreg $0xFFFFFFFF  }
0xc3: {  	_ =	task.clear_ibuf [dreg:s8], $0x2FFFF;
	_ =	strace $0x9FFFFFFF  }
0xc4: {  	(tm) =	ssettm $0x7FFFFFFF  }
0xc5: {  	_ =	shalt  }
tec
execute0_lowered:
.L_overlay_start_1:
0x0: {  	(tag) =	ssettag $0x1  }
0x1: {  	s4 =	rddreg [dreg:$0x0]  }
0x2: {  	vm0 =	vcmask $0xB08;
	vm1 =	vcmask $0x300;
	s0 =	rddreg [dreg:$0x1]  }
0x3: {  	s6 =	rddreg [dreg:$0x2];
	s3 =	srdreg.scid;
	vm0 =	vmor vm1, vm0;
	vm1 =	vcmask $0x1310  }
0x4: {  	s1 =	rddreg [dreg:$0x3];
	s2 =	stileid.u32;
	s10 =	simm.s32 $0x80;
	vm0 =	vmor vm0, vm1;
	vm1 =	vcmask $0x1B18  }
0x5: {  	s11 =	simm.s32 $0x400;
	s12 =	simm.s32 $0x4400;
	s13 =	simm.s32 $0x10400;
	vm0 =	vmor vm0, vm1;
	vm1 =	vcmask $0x2320  }
0x6: {  	vm2 =	vcmask $0x700;
	s14 =	simm.s32 $0x0;
	s5 =	sand.u32 $0x1, s3;
	s3 =	simm.s32 $0x0;
	vm0 =	vmor vm0, vm1;
	vm1 =	vcmask $0x2B28  }
0x7: {  	vm3 =	vcmask $0x3B38;
	s7 =	sshll.u32 s2, $0x7;
	s8 =	sshll.u32 s5, $0x6;
	s5 =	ssub.s32 $0x2, s5;
	vm0 =	vmor vm0, vm1;
	vm1 =	vcmask $0x3330  }
0x8: {  	vm4 =	vcmask $0xF00;
	[smem:$0x7FF] =	sst s3;
	s7 =	sor.u32 s8, s7;
	s31 =	sshrl.u32 s5, $0x1;
	vm0 =	vmor vm0, vm1;
	vm1 =	vcmask $0x1710  }
0x9: {  	_ =	strace $0x80000047;
	s8 =	sadd.s32 s7, s4;
	s9 =	ssub.s32 s5, s31;
	vm1 =	vmor vm2, vm1;
	vm2 =	vcmask $0x2720;
	vm0 =	vmor vm0, vm3  }
0xa: {  	s6 =	sadd.s32 s6, s7;
	s4 =	sadd.s32 $0xE00, s8;
	s5 =	sadd.s32 $0x600, s8;
	vm3 =	vcmask $0x2F20;
	vm1 =	vmor vm1, vm2;
	vm2 =	vcmask $0x3730  }
0xb: {  	s7 =	smax.u32 s9, $0x1;
	s8 =	simm.s32 $0x3;
	s9 =	simm.s32 $0x200;
	vm1 =	vmor vm1, vm2;
	vm2 =	vmor vm4, vm3;
	vm3 =	vmmov $0xff  }
.LBB2_1:
0xc: {  	[tilespmem:s3], [sflag:$0x3] =	stream.linear.gather [hbm4b:s4+s3], $0x200, $0x38;
	[tilespmem:$0x12400] =	vst v63  }
0xd: {  	_ =	swait.ge [sflag:s8], $0x200  }
0xe: {  	[sflag:s8] =	ssyncset.done $0x0  }
0xf: {  	[sflag:s8] =	ssyncadd.s32 $0xFFFFFE00  }
0x10: {  	[tilespmem:s9], [sflag:$0x3] =	stream.linear.gather [hbm4b:s5+s3], $0x200, $0x38;
	[tilespmem:$0x12400] =	vst v63  }
0x11: {  	_ =	swait.ge [sflag:s8], $0x200  }
0x12: {  	[sflag:s8] =	ssyncset.done $0x0  }
0x13: {  	[sflag:s8] =	ssyncadd.s32 $0xFFFFFE00  }
0x14: {  	[tilespmem:s11], [sflag:$0x1] =	stream.indirect.gather [hbm4b:s0+s10], $0x80, s3, s10, $0xb8;
	[tilespmem:$0x12400] =	vst v63  }
0x15: {  	s15 =	simm.s32 $0x0  }
0x16: {  	[tilespmem:s12], [sflag:$0x1] =	stream.indirect.gather [hbm4b:s0+s10], $0x80, s9, s10, $0xb8;
	[tilespmem:$0x12400] =	vst v63  }
.LBB2_3:
0x17: {  	s17 =	sand.u32 $0x1, s15  }
0x18: {  	p0 =	seq.s32 s17, $0x0  }
0x19: {  	s16 =	smov.u32 s15;
	s15 =	simm.s32 @p0 $0x1  }
0x1a: {  	_ =	swait.ge @p0 [sflag:s15], $0x4000  }
0x1b: {  	[sflag:s15] =	ssyncset.done @p0 $0x0  }
0x1c: {  	[sflag:s15] =	ssyncadd.s32 @p0 $0xFFFFC000  }
0x1d: {  	_ =	swait.ge @p0 [sflag:s15], $0x4000  }
0x1e: {  	s18 =	sor.u32 @p0 $0x1, s16;
	s19 =	simm.s32 @p0 $0x80;
	[sflag:s15] =	ssyncset.done @p0 $0x0  }
0x1f: {  	s20 =	simm.s32 @p0 $0x8400;
	[sflag:s15] =	ssyncadd.s32 @p0 $0xFFFFC000;
	s15 =	sshll.u32 @p0 s18, $0x7  }
0x20: {  	[tilespmem:s20], [sflag:$0x2] =	stream.indirect.gather @p0 [hbm4b:s0+s19], $0x80, s15, s19, $0xb8;
	[tilespmem:$0x12400] =	vst v63  }
0x21: {  	s15 =	sadd.s32 @p0 $0x200, s15;
	s20 =	simm.s32 @p0 $0xC400  }
0x22: {  	[tilespmem:s20], [sflag:$0x2] =	stream.indirect.gather @p0 [hbm4b:s0+s19], $0x80, s15, s19, $0xb8;
	[tilespmem:$0x12400] =	vst v63  }
0x23: {  	s19 =	simm.s32 @!p0 $0x2  }
0x24: {  	_ =	swait.ge @!p0 [sflag:s19], $0x4000  }
0x25: {  	p1 =	por @p0 $0x1, $0x1;
	p2 =	sne.s32 @!p0 s16, $0x3;
	[sflag:s19] =	ssyncset.done @!p0 $0x0  }
0x26: {  	s15 =	sadd.s32 @!p0 $0x1, s16;
	s16 =	sshll.u32 s16, $0x7;
	[sflag:s19] =	ssyncadd.s32 @!p0 $0xFFFFC000  }
0x27: {  	p1 =	por @!p0 p2, p2;
	s16 =	sand.u32 $0x3FFFFF80, s16;
	_ =	swait.ge @!p0 [sflag:s19], $0x4000  }
0x28: {  	s15 =	smov.u32 @p0 s18;
	s31 =	sadd.s32 $0x10400, s16;
	[sflag:s19] =	ssyncset.done @!p0 $0x0  }
0x29: {  	s16 =	sshll.u32 s17, $0x8;
	[sflag:s19] =	ssyncadd.s32 @!p0 $0xFFFFC000;
	p0 =	por !p1, p0  }
0x2a: {  	s18 =	sshll.u32 @!p0 s15, $0x7;
	s19 =	simm.s32 @!p0 $0x80;
	s20 =	simm.s32 @!p0 $0x400  }
0x2b: {  	v0 =	vmov s31;
	[tilespmem:s20], [sflag:$0x1] =	stream.indirect.gather @!p0 [hbm4b:s0+s19], $0x80, s18, s19, $0xb8;
	[tilespmem:$0x12400] =	vst v63  }
0x2c: {  	s17 =	simm.s32 $0x0;
	[tilespmem:$0x1FFF0] =	vst v0;
	s18 =	sadd.s32 @!p0 $0x200, s18;
	s20 =	simm.s32 @!p0 $0x4400  }
0x2d: {  	[tilespmem:s20], [sflag:$0x1] =	stream.indirect.gather @!p0 [hbm4b:s0+s19], $0x80, s18, s19, $0xb8;
	[tilespmem:$0x12400] =	vst v63  }
.LBB2_4:
0x2e: {  	s18 =	sshll.u32 s17, $0x4  }
0x2f: {  	s19 =	sadd.s32 s16, s18  }
0x30: {  	s19 =	sshll.u32 s19, $0x7  }
0x31: {  	s20 =	sand.u32 $0x3FFFFF80, s19  }
0x32: {  	v62 =	vld [tilespmem:s20+$0x45F0];
	_ =	sdelay $0x4  }
0x33: {  	[tilespmem:$0x1EA20] =	vst v62;
	v62 =	vld [tilespmem:s20+$0x6D0];
	_ =	sdelay $0x4  }
0x34: {  	[tilespmem:$0x1EAF0] =	vst v62;
	v62 =	vld [tilespmem:s20+$0x4720];
	_ =	sdelay $0x4  }
0x35: {  	[tilespmem:$0x1EB60] =	vst v62;
	v62 =	vld [tilespmem:s20+$0x7A0];
	_ =	sdelay $0x4  }
0x36: {  	[tilespmem:$0x1EB90] =	vst v62;
	v62 =	vld [tilespmem:s20+$0x47D0];
	_ =	sdelay $0x4  }
0x37: {  	[tilespmem:$0x1EC60] =	vst v62;
	v62 =	vld [tilespmem:s20+$0x810];
	_ =	sdelay $0x4  }
0x38: {  	[tilespmem:$0x1ED90] =	vst v62;
	v62 =	vld [tilespmem:s20+$0x4840];
	_ =	sdelay $0x4  }
0x39: {  	[tilespmem:$0x1EE40] =	vst v62;
	v62 =	vld [tilespmem:s20+$0x8D0];
	_ =	sdelay $0x4  }
0x3a: {  	[tilespmem:$0x1ECB0] =	vst v62;
	v62 =	vld [tilespmem:s20+$0x48D0];
	_ =	sdelay $0x4  }
0x3b: {  	[tilespmem:$0x1ECC0] =	vst v62;
	v62 =	vld [tilespmem:s20+$0x8E0];
	_ =	sdelay $0x4  }
0x3c: {  	[tilespmem:$0x1ED10] =	vst v62;
	v62 =	vld [tilespmem:s20+$0x48E0];
	_ =	sdelay $0x4  }
0x3d: {  	[tilespmem:$0x1ED20] =	vst v62;
	v62 =	vld [tilespmem:s20+$0x8F0];
	_ =	sdelay $0x4  }
0x3e: {  	[tilespmem:$0x1ED50] =	vst v62;
	v62 =	vld [tilespmem:s20+$0x48F0];
	_ =	sdelay $0x4  }
0x3f: {  	[tilespmem:$0x1ED60] =	vst v62;
	v62 =	vld [tilespmem:s20+$0x900];
	_ =	sdelay $0x4  }
0x40: {  	[tilespmem:$0x1EDF0] =	vst v62;
	v62 =	vld [tilespmem:s20+$0x4900];
	_ =	sdelay $0x4  }
0x41: {  	[tilespmem:$0x1EE00] =	vst v62;
	v62 =	vld [tilespmem:s20+$0x910];
	_ =	sdelay $0x4  }
0x42: {  	[tilespmem:$0x1EE10] =	vst v62;
	v62 =	vld [tilespmem:s20+$0x4910];
	_ =	sdelay $0x4  }
0x43: {  	[tilespmem:$0x1EE20] =	vst v62;
	v62 =	vld [tilespmem:s20+$0x920];
	_ =	sdelay $0x4  }
0x44: {  	[tilespmem:$0x1EE70] =	vst v62;
	v62 =	vld [tilespmem:s20+$0x4920];
	_ =	sdelay $0x4  }
0x45: {  	[tilespmem:$0x1EE80] =	vst v62;
	v62 =	vld [tilespmem:s20+$0x930];
	_ =	sdelay $0x4  }
0x46: {  	[tilespmem:$0x1EED0] =	vst v62;
	v62 =	vld [tilespmem:s20+$0x4930];
	_ =	sdelay $0x4  }
0x47: {  	[tilespmem:$0x1EEE0] =	vst v62;
	v62 =	vld [tilespmem:s20+$0x940];
	_ =	sdelay $0x4  }
0x48: {  	[tilespmem:$0x1EF30] =	vst v62;
	v62 =	vld [tilespmem:s20+$0x4940];
	_ =	sdelay $0x4  }
0x49: {  	[tilespmem:$0x1EF40] =	vst v62;
	v62 =	vld [tilespmem:s20+$0x950];
	_ =	sdelay $0x3  }
0x4a: {  	v27 =	vld [tilespmem:s20+$0x400]  }
0x4b: {  	[tilespmem:$0x1EF70] =	vst v62;
	v62 =	vld [tilespmem:s20+$0x4950]  }
0x4c: {  	v24 =	vld [tilespmem:s20+$0x4400]  }
0x4d: {  	v21 =	vld [tilespmem:s20+$0x410]  }
0x4e: {  	v20 =	vld [tilespmem:s20+$0x4410]  }
0x4f: {  	v30 =	vld [tilespmem:s20+$0x420]  }
0x50: {  	[tilespmem:$0x1EF80] =	vst v62;
	v62 =	vld [tilespmem:s20+$0x960]  }
0x51: {  	v25 =	vld [tilespmem:s20+$0x4420]  }
0x52: {  	v36 =	vld [tilespmem:s20+$0x430]  }
0x53: {  	v32 =	vld [tilespmem:s20+$0x4430]  }
0x54: {  	v42 =	vld [tilespmem:s20+$0x440]  }
0x55: {  	[tilespmem:$0x1F010] =	vst v62;
	v62 =	vld [tilespmem:s20+$0x4960]  }
0x56: {  	v40 =	vld [tilespmem:s20+$0x4440]  }
0x57: {  	v60 =	vld [tilespmem:s20+$0x450]  }
0x58: {  	v54 =	vld [tilespmem:s20+$0x4450]  }
0x59: {  	v0 =	vld [tilespmem:s20+$0x460]  }
0x5a: {  	[tilespmem:$0x1F020] =	vst v62;
	v62 =	vld [tilespmem:s20+$0x970]  }
0x5b: {  	v23 =	vld [tilespmem:s20+$0x4460]  }
0x5c: {  	v26 =	vld [tilespmem:s20+$0x470]  }
0x5d: {  	v28 =	vld [tilespmem:s20+$0x4470]  }
0x5e: {  	v22 =	vld [tilespmem:s20+$0x480]  }
0x5f: {  	[tilespmem:$0x1F090] =	vst v62;
	v62 =	vld [tilespmem:s20+$0x4970]  }
0x60: {  	v17 =	vld [tilespmem:s20+$0x4480]  }
0x61: {  	v18 =	vld [tilespmem:s20+$0x490]  }
0x62: {  	v16 =	vld [tilespmem:s20+$0x4490]  }
0x63: {  	v33 =	vld [tilespmem:s20+$0x4A0]  }
0x64: {  	[tilespmem:$0x1F0A0] =	vst v62;
	v62 =	vld [tilespmem:s20+$0x980]  }
0x65: {  	v55 =	vld [tilespmem:s20+$0x4B0]  }
0x66: {  	v48 =	vld [tilespmem:s20+$0x44B0]  }
0x67: {  	v29 =	vld [tilespmem:s20+$0x4C0]  }
0x68: {  	v31 =	vld [tilespmem:s20+$0x44C0]  }
0x69: {  	[tilespmem:$0x1EE90] =	vst v62;
	v62 =	vld [tilespmem:s20+$0x4980]  }
0x6a: {  	v34 =	vld [tilespmem:s20+$0x4D0]  }
0x6b: {  	v35 =	vld [tilespmem:s20+$0x44D0]  }
0x6c: {  	v37 =	vld [tilespmem:s20+$0x4E0]  }
0x6d: {  	v38 =	vld [tilespmem:s20+$0x44E0]  }
0x6e: {  	[tilespmem:$0x1EEA0] =	vst v62;
	v62 =	vld [tilespmem:s20+$0x990]  }
0x6f: {  	v39 =	vld [tilespmem:s20+$0x4F0]  }
0x70: {  	v41 =	vld [tilespmem:s20+$0x44F0]  }
0x71: {  	v8 =	vld [tilespmem:s20+$0x500]  }
0x72: {  	v6 =	vld [tilespmem:s20+$0x4500]  }
0x73: {  	[tilespmem:$0x1EEB0] =	vst v62;
	v62 =	vld [tilespmem:s20+$0x4990]  }
0x74: {  	v7 =	vld [tilespmem:s20+$0x510]  }
0x75: {  	v4 =	vld [tilespmem:s20+$0x4510]  }
0x76: {  	v15 =	vld [tilespmem:s20+$0x520]  }
0x77: {  	v14 =	vld [tilespmem:s20+$0x4520]  }
0x78: {  	[tilespmem:$0x1EEC0] =	vst v62;
	v62 =	vld [tilespmem:s20+$0x9A0]  }
0x79: {  	v61 =	vld [tilespmem:s20+$0x540]  }
0x7a: {  	v56 =	vld [tilespmem:s20+$0x4540]  }
0x7b: {  	v43 =	vld [tilespmem:s20+$0x550]  }
0x7c: {  	v44 =	vld [tilespmem:s20+$0x4550]  }
0x7d: {  	[tilespmem:$0x1EEF0] =	vst v62;
	v62 =	vld [tilespmem:s20+$0x49A0]  }
0x7e: {  	v45 =	vld [tilespmem:s20+$0x560]  }
0x7f: {  	v46 =	vld [tilespmem:s20+$0x4560]  }
0x80: {  	v47 =	vld [tilespmem:s20+$0x570]  }
0x81: {  	v49 =	vld [tilespmem:s20+$0x4570]  }
0x82: {  	[tilespmem:$0x1EF00] =	vst v62;
	v62 =	vld [tilespmem:s20+$0x9B0]  }
0x83: {  	v13 =	vld [tilespmem:s20+$0x580]  }
0x84: {  	v12 =	vld [tilespmem:s20+$0x4580]  }
0x85: {  	v11 =	vld [tilespmem:s20+$0x590]  }
0x86: {  	v10 =	vld [tilespmem:s20+$0x4590]  }
0x87: {  	[tilespmem:$0x1EF50] =	vst v62;
	v62 =	vld [tilespmem:s20+$0x49B0]  }
0x88: {  	v50 =	vld [tilespmem:s20+$0x5C0]  }
0x89: {  	v51 =	vld [tilespmem:s20+$0x45C0]  }
0x8a: {  	v52 =	vld [tilespmem:s20+$0x5D0]  }
0x8b: {  	v53 =	vld [tilespmem:s20+$0x45D0]  }
0x8c: {  	[tilespmem:$0x1EF60] =	vst v62;
	v62 =	vld [tilespmem:s20+$0x9C0]  }
0x8d: {  	v57 =	vld [tilespmem:s20+$0x5E0]  }
0x8e: {  	v58 =	vld [tilespmem:s20+$0x45E0]  }
0x8f: {  	v59 =	vld [tilespmem:s20+$0x5F0]  }
0x90: {  	v63 =	vld [tilespmem:s20+$0x620]  }
0x91: {  	[tilespmem:$0x1EFB0] =	vst v62;
	v62 =	vld [tilespmem:s20+$0x49C0]  }
0x92: {  	v5 =	vld [tilespmem:s20+$0x630]  }
0x93: {  	v9 =	vld [tilespmem:s20+$0x4630]  }
0x94: {  	v19 =	vld [tilespmem:s20+$0x640]  }
0x95: {  	v3 =	vld [tilespmem:s20+$0x880]  }
0x96: {  	[tilespmem:$0x1EFC0] =	vst v62;
	v62 =	vld [tilespmem:s20+$0x9D0]  }
0x97: {  	v2 =	vld [tilespmem:s20+$0x4880]  }
0x98: {  	v1 =	vld [tilespmem:s20+$0x890]  }
0x99: {  	[tilespmem:$0x1E8D0] =	vst v28;
	v28 =	vld [tilespmem:s20+$0x44A0]  }
0x9a: {  	[tilespmem:$0x1E8E0] =	vst v37;
	v37 =	vld [tilespmem:s20+$0x530]  }
0x9b: {  	[tilespmem:$0x1F030] =	vst v62;
	v62 =	vld [tilespmem:s20+$0x49D0]  }
0x9c: {  	[tilespmem:$0x1E8A0] =	vst v34;
	v34 =	vld [tilespmem:s20+$0x4530]  }
0x9d: {  	[tilespmem:$0x1E880] =	vst v29;
	v29 =	vld [tilespmem:s20+$0x5A0]  }
0x9e: {  	[tilespmem:$0x1E8C0] =	vst v26;
	v26 =	vld [tilespmem:s20+$0x45A0]  }
0x9f: {  	[tilespmem:$0x1E9E0] =	vst v49;
	v49 =	vld [tilespmem:s20+$0x5B0]  }
0xa0: {  	[tilespmem:$0x1F040] =	vst v62;
	v62 =	vld [tilespmem:s20+$0x9E0]  }
0xa1: {  	[tilespmem:$0x1E910] =	vst v44;
	v44 =	vld [tilespmem:s20+$0x45B0]  }
0xa2: {  	[tilespmem:$0x1E9A0] =	vst v57;
	v57 =	vld [tilespmem:s20+$0x600]  }
0xa3: {  	[tilespmem:$0x1E960] =	vst v50;
	v50 =	vld [tilespmem:s20+$0x4600]  }
0xa4: {  	[tilespmem:$0x1E970] =	vst v51;
	v51 =	vld [tilespmem:s20+$0x610]  }
0xa5: {  	[tilespmem:$0x1F070] =	vst v62;
	v62 =	vld [tilespmem:s20+$0x49E0]  }
0xa6: {  	[tilespmem:$0x1E940] =	vst v45;
	v45 =	vld [tilespmem:s20+$0x4610]  }
0xa7: {  	[tilespmem:$0x1E9C0] =	vst v63;
	v63 =	vld [tilespmem:s20+$0x4620]  }
0xa8: {  	[tilespmem:$0x1E870] =	vst v23;
	v23 =	vld [tilespmem:s20+$0x4640]  }
0xa9: {  	[tilespmem:$0x1E890] =	vst v31;
	v31 =	vld [tilespmem:s20+$0x650]  }
0xaa: {  	[tilespmem:$0x1F080] =	vst v62;
	v62 =	vld [tilespmem:s20+$0x9F0]  }
0xab: {  	[tilespmem:$0x1E8B0] =	vst v35;
	v35 =	vld [tilespmem:s20+$0x4650]  }
0xac: {  	[tilespmem:$0x1E8F0] =	vst v38;
	v38 =	vld [tilespmem:s20+$0x660]  }
0xad: {  	[tilespmem:$0x1E920] =	vst v39;
	v39 =	vld [tilespmem:s20+$0x4660]  }
0xae: {  	[tilespmem:$0x1E930] =	vst v41;
	v41 =	vld [tilespmem:s20+$0x670]  }
0xaf: {  	[tilespmem:$0x1F110] =	vst v62;
	v62 =	vld [tilespmem:s20+$0x49F0]  }
0xb0: {  	[tilespmem:$0x1E900] =	vst v43;
	v43 =	vld [tilespmem:s20+$0x4670]  }
0xb1: {  	[tilespmem:$0x1EA10] =	vst v59;
	v59 =	vld [tilespmem:s20+$0x6A0]  }
0xb2: {  	[tilespmem:$0x1E9B0] =	vst v58;
	v58 =	vld [tilespmem:s20+$0x46A0]  }
0xb3: {  	[tilespmem:$0x1E950] =	vst v46;
	v46 =	vld [tilespmem:s20+$0x6B0]  }
0xb4: {  	[tilespmem:$0x1F120] =	vst v62;
	v62 =	vld [tilespmem:s20+$0xA00]  }
0xb5: {  	[tilespmem:$0x1E9D0] =	vst v47;
	v47 =	vld [tilespmem:s20+$0x46B0]  }
0xb6: {  	[tilespmem:$0x1E980] =	vst v52;
	v52 =	vld [tilespmem:s20+$0x6C0]  }
0xb7: {  	[tilespmem:$0x1E990] =	vst v53;
	v53 =	vld [tilespmem:s20+$0x46C0]  }
0xb8: {  	[tilespmem:$0x1E9F0] =	vst v5;
	v5 =	vld [tilespmem:s20+$0x46D0]  }
0xb9: {  	[tilespmem:$0x1EFD0] =	vst v62;
	v62 =	vld [tilespmem:s20+$0x4A00]  }
0xba: {  	[tilespmem:$0x1EA00] =	vst v9;
	v9 =	vld [tilespmem:s20+$0x6E0]  }
0xbb: {  	[tilespmem:$0x1EA30] =	vst v19;
	v19 =	vld [tilespmem:s20+$0x46E0]  }
0xbc: {  	[tilespmem:$0x1E860] =	vst v0;
	v0 =	vld [tilespmem:s20+$0x4890]  }
0xbd: {  	v24 =	vmul.f32 v24, v27;
	v27 =	vld [tilespmem:s20+$0xAA0]  }
0xbe: {  	[tilespmem:$0x1EFE0] =	vst v62;
	v62 =	vld [tilespmem:s20+$0xA10]  }
0xbf: {  	v20 =	vmul.f32 v20, v21;
	v21 =	vmul.f32 v25, v30;
	v30 =	vld [tilespmem:s20+$0xAB0]  }
0xc0: {  	v25 =	vld [tilespmem:s20+$0x4AE0]  }
0xc1: {  	v20 =	vadd.f32 v20, v24;
	v24 =	vld [tilespmem:s20+$0xAE0]  }
0xc2: {  	[tilespmem:$0x1EAA0] =	vst v39;
	v39 =	vld [tilespmem:s20+$0x680]  }
0xc3: {  	[tilespmem:$0x1EFF0] =	vst v62;
	v62 =	vld [tilespmem:s20+$0x4A10]  }
0xc4: {  	[tilespmem:$0x1EA90] =	vst v38;
	v38 =	vld [tilespmem:s20+$0x4680]  }
0xc5: {  	[tilespmem:$0x1EA80] =	vst v35;
	v35 =	vld [tilespmem:s20+$0x690]  }
0xc6: {  	[tilespmem:$0x1EA70] =	vst v31;
	v31 =	vld [tilespmem:s20+$0x4690]  }
0xc7: {  	[tilespmem:$0x1EA40] =	vst v23;
	v23 =	vld [tilespmem:s20+$0x6F0]  }
0xc8: {  	[tilespmem:$0x1F000] =	vst v62;
	v62 =	vld [tilespmem:s20+$0xA20]  }
0xc9: {  	[tilespmem:$0x1EAD0] =	vst v41;
	v41 =	vld [tilespmem:s20+$0x46F0]  }
0xca: {  	[tilespmem:$0x1EAE0] =	vst v43;
	v43 =	vld [tilespmem:s20+$0x700]  }
0xcb: {  	[tilespmem:$0x1EA50] =	vst v46;
	v46 =	vld [tilespmem:s20+$0x4700]  }
0xcc: {  	[tilespmem:$0x1EA60] =	vst v47;
	v47 =	vld [tilespmem:s20+$0x710]  }
0xcd: {  	[tilespmem:$0x1F050] =	vst v62;
	v62 =	vld [tilespmem:s20+$0x4A20]  }
0xce: {  	[tilespmem:$0x1EAB0] =	vst v52;
	v52 =	vld [tilespmem:s20+$0x4710]  }
0xcf: {  	[tilespmem:$0x1EAC0] =	vst v53;
	v53 =	vld [tilespmem:s20+$0x720]  }
0xd0: {  	[tilespmem:$0x1EB00] =	vst v5;
	v5 =	vld [tilespmem:s20+$0x730]  }
0xd1: {  	[tilespmem:$0x1EB70] =	vst v9;
	v9 =	vld [tilespmem:s20+$0x4730]  }
0xd2: {  	[tilespmem:$0x1F060] =	vst v62;
	v62 =	vld [tilespmem:s20+$0xA30]  }
0xd3: {  	[tilespmem:$0x1EB80] =	vst v19;
	v19 =	vld [tilespmem:s20+$0x740]  }
0xd4: {  	[tilespmem:$0x1F180] =	vst v30;
	v30 =	vmul.f32 v32, v36;
	v32 =	vld [tilespmem:s20+$0x4AB0]  }
0xd5: {  	v20 =	vadd.f32 v21, v20;
	v36 =	vld [tilespmem:s20+$0xAC0]  }
0xd6: {  	v17 =	vmul.f32 v17, v22;
	v16 =	vmul.f32 v16, v18;
	[tilespmem:$0x1F150] =	vst v27;
	v27 =	vld [tilespmem:$0x1E860]  }
0xd7: {  	v20 =	vadd.f32 v30, v20;
	v30 =	vmul.f32 v40, v42;
	[tilespmem:$0x1F0B0] =	vst v62;
	v62 =	vld [tilespmem:s20+$0x4A30]  }
0xd8: {  	v16 =	vadd.f32 v16, v17;
	v42 =	vmul.f32 v54, v60;
	v54 =	vld [tilespmem:s20+$0x4AD0];
	v60 =	vmul.f32 v28, v33  }
0xd9: {  	v28 =	vld [tilespmem:$0x1E870]  }
0xda: {  	v40 =	vadd.f32 v30, v20;
	v30 =	vadd.f32 v60, v16;
	v60 =	vld [tilespmem:$0x1E8B0]  }
0xdb: {  	[tilespmem:$0x1EC30] =	vst v23;
	v23 =	vld [tilespmem:s20+$0x4740]  }
0xdc: {  	[tilespmem:$0x1F0C0] =	vst v62;
	v62 =	vld [tilespmem:s20+$0xA40]  }
0xdd: {  	[tilespmem:$0x1EC40] =	vst v41;
	v41 =	vld [tilespmem:s20+$0x750]  }
0xde: {  	[tilespmem:$0x1EB10] =	vst v43;
	v43 =	vld [tilespmem:s20+$0x4750]  }
0xdf: {  	[tilespmem:$0x1EB20] =	vst v46;
	v46 =	vld [tilespmem:s20+$0x760]  }
0xe0: {  	[tilespmem:$0x1EB30] =	vst v47;
	v47 =	vld [tilespmem:s20+$0x4760]  }
0xe1: {  	[tilespmem:$0x1F130] =	vst v62;
	v62 =	vld [tilespmem:s20+$0x4A40]  }
0xe2: {  	[tilespmem:$0x1EB40] =	vst v52;
	v52 =	vld [tilespmem:s20+$0x770]  }
0xe3: {  	[tilespmem:$0x1EB50] =	vst v53;
	v53 =	vld [tilespmem:s20+$0x4770]  }
0xe4: {  	[tilespmem:$0x1EBB0] =	vst v5;
	v5 =	vld [tilespmem:s20+$0x47A0]  }
0xe5: {  	[tilespmem:$0x1EBC0] =	vst v9;
	v9 =	vld [tilespmem:s20+$0x7B0]  }
0xe6: {  	[tilespmem:$0x1F140] =	vst v62;
	v62 =	vld [tilespmem:s20+$0xA50]  }
0xe7: {  	[tilespmem:$0x1EC10] =	vst v19;
	v19 =	vld [tilespmem:s20+$0x47B0]  }
0xe8: {  	[tilespmem:$0x1F190] =	vst v32;
	v32 =	vld [tilespmem:s20+$0x4AC0]  }
0xe9: {  	[tilespmem:$0x1F1A0] =	vst v36;
	v36 =	vld [tilespmem:s20+$0xAD0]  }
0xea: {  	v18 =	vadd.f32 v42, v40;
	v40 =	vld [tilespmem:s20+$0x4AF0]  }
0xeb: {  	[tilespmem:$0x1F160] =	vst v62;
	v62 =	vld [tilespmem:s20+$0x4A50]  }
0xec: {  	[tilespmem:$0x1F260] =	vst v54;
	v54 =	vld [tilespmem:$0x1E890]  }
0xed: {  	v4 =	vmul.f32 v4, v7;
	[tilespmem:$0x1F2C0] =	vst v25;
	v7 =	vmul.f32 v28, v27;
	v28 =	vld [tilespmem:s20+$0xB00]  }
0xee: {  	[tilespmem:$0x1ED40] =	vst v53;
	v53 =	vld [tilespmem:s20+$0x780]  }
0xef: {  	[tilespmem:$0x1ED30] =	vst v52;
	v52 =	vld [tilespmem:s20+$0x4780]  }
0xf0: {  	[tilespmem:$0x1F170] =	vst v62;
	v62 =	vld [tilespmem:s20+$0xA60]  }
0xf1: {  	[tilespmem:$0x1ECE0] =	vst v47;
	v47 =	vld [tilespmem:s20+$0x790]  }
0xf2: {  	[tilespmem:$0x1ECD0] =	vst v46;
	v46 =	vld [tilespmem:s20+$0x4790]  }
0xf3: {  	[tilespmem:$0x1EC20] =	vst v23;
	v23 =	vld [tilespmem:s20+$0x7C0]  }
0xf4: {  	[tilespmem:$0x1EC70] =	vst v41;
	v41 =	vld [tilespmem:s20+$0x47C0]  }
0xf5: {  	[tilespmem:$0x1F200] =	vst v62;
	v62 =	vld [tilespmem:s20+$0x4A60]  }
0xf6: {  	[tilespmem:$0x1EC80] =	vst v43;
	v43 =	vld [tilespmem:s20+$0x7D0]  }
0xf7: {  	[tilespmem:$0x1EBA0] =	vst v5;
	v5 =	vld [tilespmem:s20+$0x7E0]  }
0xf8: {  	[tilespmem:$0x1EBD0] =	vst v9;
	v9 =	vld [tilespmem:s20+$0x47E0]  }
0xf9: {  	[tilespmem:$0x1EBE0] =	vst v19;
	v19 =	vld [tilespmem:s20+$0x7F0]  }
0xfa: {  	[tilespmem:$0x1F210] =	vst v62;
	v62 =	vld [tilespmem:s20+$0xA70]  }
0xfb: {  	[tilespmem:$0x1F250] =	vst v36;
	v36 =	vld [tilespmem:s20+$0xAF0]  }
0xfc: {  	[tilespmem:$0x1F1B0] =	vst v32;
	v32 =	vmul.f32 v48, v55;
	v48 =	vld [tilespmem:$0x1E880]  }
0xfd: {  	[tilespmem:$0x1F2B0] =	vst v24;
	v55 =	vld [tilespmem:$0x1E8A0]  }
0xfe: {  	[tilespmem:$0x1EBF0] =	vst v23;
	v23 =	vld [tilespmem:s20+$0x47F0]  }
0xff: {  	[tilespmem:$0x1F2F0] =	vst v62;
	v62 =	vld [tilespmem:s20+$0x4A70]  }
0x100: {  	[tilespmem:$0x1EC00] =	vst v41;
	v41 =	vld [tilespmem:s20+$0x800]  }
0x101: {  	[tilespmem:$0x1EC50] =	vst v43;
	v43 =	vld [tilespmem:s20+$0x4800]  }
0x102: {  	[tilespmem:$0x1EC90] =	vst v5;
	v5 =	vld [tilespmem:s20+$0x4810]  }
0x103: {  	[tilespmem:$0x1ECA0] =	vst v9;
	v9 =	vld [tilespmem:s20+$0x820]  }
0x104: {  	[tilespmem:$0x1F300] =	vst v62;
	v62 =	vld [tilespmem:s20+$0xA80]  }
0x105: {  	[tilespmem:$0x1ECF0] =	vst v19;
	v19 =	vld [tilespmem:s20+$0x4820]  }
0x106: {  	[tilespmem:$0x1ED00] =	vst v23;
	v23 =	vld [tilespmem:s20+$0x830]  }
0x107: {  	[tilespmem:$0x1ED70] =	vst v41;
	v41 =	vld [tilespmem:s20+$0x4830]  }
0x108: {  	[tilespmem:$0x1ED80] =	vst v43;
	v43 =	vld [tilespmem:s20+$0x840]  }
0x109: {  	[tilespmem:$0x1F0D0] =	vst v62;
	v62 =	vld [tilespmem:s20+$0x4A80]  }
0x10a: {  	[tilespmem:$0x1EDA0] =	vst v5;
	v5 =	vld [tilespmem:s20+$0x850]  }
0x10b: {  	[tilespmem:$0x1EDB0] =	vst v9;
	v9 =	vld [tilespmem:s20+$0x4850]  }
0x10c: {  	[tilespmem:$0x1EDC0] =	vst v19;
	v19 =	vld [tilespmem:s20+$0x860]  }
0x10d: {  	[tilespmem:$0x1EDD0] =	vst v23;
	v23 =	vld [tilespmem:s20+$0x4860]  }
0x10e: {  	[tilespmem:$0x1F0E0] =	vst v62;
	v62 =	vld [tilespmem:s20+$0xA90]  }
0x10f: {  	[tilespmem:$0x1EDE0] =	vst v41;
	v41 =	vld [tilespmem:s20+$0x870]  }
0x110: {  	[tilespmem:$0x1EE30] =	vst v43;
	v43 =	vld [tilespmem:s20+$0x4870]  }
0x111: {  	[tilespmem:$0x1EE60] =	vst v9;
	v9 =	vld [tilespmem:s20+$0x8A0]  }
0x112: {  	[tilespmem:$0x1EE50] =	vst v5;
	v5 =	vld [tilespmem:s20+$0x48A0]  }
0x113: {  	[tilespmem:$0x1F0F0] =	vst v62;
	v62 =	vld [tilespmem:s20+$0x4A90]  }
0x114: {  	[tilespmem:$0x1EF10] =	vst v19;
	v19 =	vld [tilespmem:s20+$0x48B0]  }
0x115: {  	[tilespmem:$0x1EF20] =	vst v23;
	v23 =	vld [tilespmem:s20+$0x8B0]  }
0x116: {  	[tilespmem:$0x1EFA0] =	vst v43;
	v43 =	vld [tilespmem:s20+$0x8C0]  }
0x117: {  	[tilespmem:$0x1EF90] =	vst v41;
	v41 =	vld [tilespmem:s20+$0x48C0]  }
0x118: {  	[tilespmem:$0x1F100] =	vst v62;
	v62 =	vld [tilespmem:s20+$0x4AA0]  }
0x119: {  	v20 =	vmul.f32 v34, v37;
	v37 =	vld [tilespmem:s20+$0x4B00]  }
0x11a: {  	v33 =	vmul.f32 v14, v15;
	v14 =	vmul.f32 v54, v48;
	v48 =	vld [tilespmem:s20+$0xB10]  }
0x11b: {  	v21 =	vld [tilespmem:$0x1E8C0]  }
0x11c: {  	v22 =	vld [tilespmem:$0x1E8D0]  }
0x11d: {  	v25 =	vld [tilespmem:s20+$0x4B10]  }
0x11e: {  	v24 =	vmul.f32 v56, v61;
	v61 =	vld [tilespmem:s20+$0xB20]  }
0x11f: {  	v6 =	vmul.f32 v6, v8;
	v27 =	vld [tilespmem:$0x1E8E0]  }
0x120: {  	v26 =	vmul.f32 v26, v29;
	v29 =	vld [tilespmem:$0x1E8F0]  }
0x121: {  	v4 =	vadd.f32 v4, v6;
	v8 =	vadd.f32 v32, v30;
	v30 =	vld [tilespmem:$0x1E900]  }
0x122: {  	v32 =	vld [tilespmem:$0x1E910]  }
0x123: {  	v4 =	vadd.f32 v33, v4;
	v33 =	vld [tilespmem:s20+$0x4B20]  }
0x124: {  	v49 =	vmul.f32 v44, v49;
	v44 =	vld [tilespmem:s20+$0xB30]  }
0x125: {  	v54 =	vld [tilespmem:$0x1E920]  }
0x126: {  	v15 =	vmul.f32 v60, v55;
	v55 =	vld [tilespmem:$0x1E930]  }
0x127: {  	v56 =	vld [tilespmem:s20+$0x4B30]  }
0x128: {  	v60 =	vld [tilespmem:$0x1E940]  }
0x129: {  	v16 =	vld [tilespmem:$0x1E950]  }
0x12a: {  	v12 =	vmul.f32 v12, v13;
	v10 =	vmul.f32 v10, v11;
	v17 =	vld [tilespmem:$0x1E960]  }
0x12b: {  	v4 =	vadd.f32 v20, v4;
	v7 =	vadd.f32 v7, v18;
	v18 =	vld [tilespmem:$0x1E970]  }
0x12c: {  	v12 =	vadd.f32 v10, v12;
	v20 =	vld [tilespmem:s20+$0xB40]  }
0x12d: {  	v4 =	vadd.f32 v24, v4;
	v24 =	vld [tilespmem:s20+$0x4B40]  }
0x12e: {  	v34 =	vadd.f32 v26, v12;
	v26 =	vld [tilespmem:$0x1E990]  }
0x12f: {  	v42 =	vld [tilespmem:$0x1EA00]  }
0x130: {  	[tilespmem:$0x1F1C0] =	vst v25;
	v25 =	vld [tilespmem:$0x1E980]  }
0x131: {  	v11 =	vmul.f32 v22, v21;
	v22 =	vmul.f32 v45, v51;
	v45 =	vld [tilespmem:s20+$0xB50]  }
0x132: {  	v8 =	vadd.f32 v14, v8;
	v14 =	vmul.f32 v29, v27;
	v27 =	vld [tilespmem:$0x1E9A0]  }
0x133: {  	v29 =	vld [tilespmem:$0x1E9B0]  }
0x134: {  	v6 =	vmul.f32 v32, v30;
	v30 =	vld [tilespmem:$0x1E9C0]  }
0x135: {  	v32 =	vld [tilespmem:s20+$0x4B50]  }
0x136: {  	v51 =	vld [tilespmem:s20+$0xB60]  }
0x137: {  	[tilespmem:$0x1F220] =	vst v33;
	v33 =	vmul.f32 v38, v39;
	v38 =	vld [tilespmem:$0x1E9E0]  }
0x138: {  	v39 =	vld [tilespmem:$0x1E9F0]  }
0x139: {  	v21 =	vmul.f32 v50, v57;
	v50 =	vmul.f32 v58, v59;
	v59 =	vld [tilespmem:$0x1EA10]  }
0x13a: {  	v13 =	vmul.f32 v16, v60;
	v60 =	vld [tilespmem:$0x1EA20]  }
0x13b: {  	[tilespmem:$0x1F290] =	vst v20;
	v20 =	vld [tilespmem:$0x1EA40]  }
0x13c: {  	[tilespmem:$0x1F2A0] =	vst v24;
	v24 =	vld [tilespmem:$0x1EA60]  }
0x13d: {  	v12 =	vmul.f32 v55, v54;
	v54 =	vld [tilespmem:s20+$0x4B90]  }
0x13e: {  	v55 =	vld [tilespmem:$0x1EB10]  }
0x13f: {  	v57 =	vld [tilespmem:$0x1EB20]  }
0x140: {  	v8 =	vadd.f32 v15, v8;
	v58 =	vld [tilespmem:$0x1EB30]  }
0x141: {  	v10 =	vadd.f32 v11, v7;
	v7 =	vadd.f32 v49, v34;
	v34 =	vmul.f32 v31, v35;
	v35 =	vld [tilespmem:$0x1E9D0]  }
0x142: {  	v49 =	vld [tilespmem:s20+$0x4B60]  }
0x143: {  	v8 =	vadd.f32 v14, v8;
	v31 =	vld [tilespmem:$0x1EAA0]  }
0x144: {  	v4 =	vadd.f32 v6, v4;
	v11 =	vmul.f32 v18, v17;
	v18 =	vmul.f32 v41, v43;
	v41 =	vld [tilespmem:$0x1ED30]  }
0x145: {  	v6 =	vadd.f32 v12, v8;
	v8 =	vadd.f32 v22, v21;
	v22 =	vld [tilespmem:$0x1EA50]  }
0x146: {  	v12 =	vmul.f32 v63, v30;
	v63 =	vld [tilespmem:$0x1EA30]  }
0x147: {  	v7 =	vadd.f32 v11, v7;
	v11 =	vmul.f32 v26, v25;
	v26 =	vld [tilespmem:$0x1EA70]  }
0x148: {  	v4 =	vadd.f32 v13, v4;
	v13 =	vmul.f32 v29, v27;
	v27 =	vld [tilespmem:$0x1EA80]  }
0x149: {  	v29 =	vld [tilespmem:s20+$0x4B80]  }
0x14a: {  	v30 =	vld [tilespmem:$0x1EA90]  }
0x14b: {  	[tilespmem:$0x1F310] =	vst v32;
	v32 =	vld [tilespmem:$0x1EAB0]  }
0x14c: {  	v14 =	vmul.f32 v60, v59;
	v59 =	vld [tilespmem:$0x1EB40]  }
0x14d: {  	v60 =	vld [tilespmem:s20+$0xBA0]  }
0x14e: {  	[tilespmem:$0x1F1F0] =	vst v54;
	v54 =	vld [tilespmem:s20+$0x4BD0]  }
0x14f: {  	v8 =	vadd.f32 v12, v8;
	v12 =	vmul.f32 v42, v39;
	v39 =	vld [tilespmem:s20+$0xB70]  }
0x150: {  	v15 =	vmul.f32 v38, v35;
	v35 =	vld [tilespmem:s20+$0xB80]  }
0x151: {  	v7 =	vadd.f32 v11, v7;
	v11 =	vadd.f32 v34, v33;
	v33 =	vld [tilespmem:$0x1EAC0]  }
0x152: {  	v34 =	vld [tilespmem:s20+$0xB90]  }
0x153: {  	v38 =	vld [tilespmem:$0x1EAD0]  }
0x154: {  	v42 =	vld [tilespmem:$0x1EAE0]  }
0x155: {  	[tilespmem:$0x1F340] =	vst v49;
	v49 =	vld [tilespmem:$0x1EAF0]  }
0x156: {  	v21 =	vadd.f32 v50, v11;
	v50 =	vld [tilespmem:$0x1EB00]  }
0x157: {  	v11 =	vmul.f32 v24, v22;
	v22 =	vld [tilespmem:s20+$0x4BA0]  }
0x158: {  	v24 =	vld [tilespmem:$0x1EB50]  }
0x159: {  	v8 =	vadd.f32 v12, v8;
	v12 =	vmul.f32 v20, v63;
	v63 =	vld [tilespmem:s20+$0x4B70]  }
0x15a: {  	[tilespmem:$0x1F1D0] =	vst v29;
	v29 =	vld [tilespmem:$0x1EB80]  }
0x15b: {  	v20 =	vmul.f32 v52, v53;
	v52 =	vld [tilespmem:$0x1EBF0]  }
0x15c: {  	v53 =	vld [tilespmem:$0x1EC00]  }
0x15d: {  	v7 =	vadd.f32 v13, v7;
	[tilespmem:$0x1F230] =	vst v60;
	v60 =	vld [tilespmem:$0x1EC30]  }
0x15e: {  	[tilespmem:$0x1F270] =	vst v56;
	v56 =	vadd.f32 v15, v4;
	v4 =	vadd.f32 v11, v21;
	v21 =	vmul.f32 v46, v47;
	v46 =	vld [tilespmem:$0x1EBE0]  }
0x15f: {  	v47 =	vld [tilespmem:s20+$0x4BC0]  }
0x160: {  	v15 =	vadd.f32 v14, v7;
	v14 =	vmul.f32 v59, v58;
	v59 =	vld [tilespmem:s20+$0xBE0]  }
0x161: {  	v58 =	vmul.f32 v19, v23;
	v19 =	vld [tilespmem:s20+$0xBF0]  }
0x162: {  	v23 =	vld [tilespmem:$0x1ECA0]  }
0x163: {  	v25 =	vadd.f32 v12, v8;
	v8 =	vmul.f32 v27, v26;
	v26 =	vld [tilespmem:s20+$0xBB0]  }
0x164: {  	v27 =	vld [tilespmem:$0x1EB70]  }
0x165: {  	v12 =	vmul.f32 v31, v30;
	v30 =	vld [tilespmem:$0x1EB90]  }
0x166: {  	v31 =	vld [tilespmem:$0x1EBA0]  }
0x167: {  	v11 =	vmul.f32 v33, v32;
	v32 =	vld [tilespmem:s20+$0xBC0]  }
0x168: {  	v33 =	vld [tilespmem:$0x1EBB0]  }
0x169: {  	[tilespmem:$0x1F1E0] =	vst v34;
	v34 =	vld [tilespmem:$0x1EBC0]  }
0x16a: {  	v7 =	vadd.f32 v8, v25;
	v25 =	vld [tilespmem:$0x1EB60]  }
0x16b: {  	v8 =	vmul.f32 v42, v38;
	v42 =	vld [tilespmem:$0x1EBD0]  }
0x16c: {  	v13 =	vmul.f32 v50, v49;
	v50 =	vld [tilespmem:s20+$0xBD0]  }
0x16d: {  	v4 =	vadd.f32 v11, v4;
	v11 =	vmul.f32 v57, v55;
	v55 =	vld [tilespmem:$0x1EC10]  }
0x16e: {  	v57 =	vld [tilespmem:$0x1EC20]  }
0x16f: {  	[tilespmem:$0x1F240] =	vst v22;
	v22 =	vld [tilespmem:$0x1EC90]  }
0x170: {  	s21 =	sor.u32 $0x1, s17;
	v2 =	vmul.f32 v2, v3;
	v0 =	vmul.f32 v0, v1;
	v16 =	vadd.f32 v12, v7;
	v12 =	vld [tilespmem:s20+$0x4BB0]  }
0x171: {  	s24 =	sshll.u32 s21, $0x4;
	v7 =	vadd.f32 v21, v20;
	v20 =	vld [tilespmem:$0x1EC70]  }
0x172: {  	s22 =	sadd.s32 s16, s24;
	v0 =	vadd.f32 v0, v2;
	v49 =	vmul.f32 v5, v9;
	v21 =	vld [tilespmem:$0x1EC80]  }
0x173: {  	s22 =	sshll.u32 s22, $0x7;
	[tilespmem:$0x1F2E0] =	vst v47;
	v47 =	vld [tilespmem:$0x1ED50]  }
0x174: {  	s22 =	sand.u32 $0x3FFFFF80, s22;
	v0 =	vadd.f32 v49, v0;
	v49 =	vld [tilespmem:$0x1ED60]  }
0x175: {  	[tilespmem:$0x1F350] =	vst v59;
	v59 =	vld [tilespmem:s22+$0x430]  }
0x176: {  	v4 =	vadd.f32 v13, v4;
	v11 =	vadd.f32 v14, v11;
	[tilespmem:$0x1F280] =	vst v26;
	v26 =	vld [tilespmem:$0x1ECC0];
	v13 =	vmul.f32 v25, v24  }
0x177: {  	v25 =	vld [tilespmem:$0x1ECB0]  }
0x178: {  	v11 =	vadd.f32 v13, v11;
	v13 =	vld [tilespmem:$0x1EC40]  }
0x179: {  	[tilespmem:$0x1F370] =	vst v19;
	v19 =	vld [tilespmem:s22+$0x4460]  }
0x17a: {  	v14 =	vmul.f32 v29, v27;
	v27 =	vld [tilespmem:$0x1ECD0]  }
0x17b: {  	v1 =	vmul.f32 v34, v33;
	v29 =	vld [tilespmem:$0x1ECE0]  }
0x17c: {  	v9 =	vmul.f32 v57, v55;
	v2 =	vmul.f32 v26, v25;
	v25 =	vld [tilespmem:s22+$0x4D0]  }
0x17d: {  	v1 =	vadd.f32 v1, v11;
	v11 =	vmul.f32 v13, v60;
	v13 =	vmul.f32 v23, v22;
	v23 =	vld [tilespmem:s22+$0x44C0]  }
0x17e: {  	v4 =	vadd.f32 v14, v4;
	v14 =	vld [tilespmem:$0x1EC50]  }
0x17f: {  	v1 =	vadd.f32 v9, v1;
	v9 =	vmul.f32 v21, v20;
	v21 =	vld [tilespmem:s22+$0x4470]  }
0x180: {  	v22 =	vld [tilespmem:s22+$0x4C0]  }
0x181: {  	v17 =	vmul.f32 v31, v30;
	[tilespmem:$0x1F490] =	vst v25;
	v25 =	vld [tilespmem:s22+$0x45D0]  }
0x182: {  	[tilespmem:$0x1F480] =	vst v23;
	v23 =	vld [tilespmem:s22+$0x5D0]  }
0x183: {  	v38 =	vadd.f32 v17, v7;
	v17 =	vld [tilespmem:$0x1EC60]  }
0x184: {  	v7 =	vmul.f32 v46, v42;
	[tilespmem:$0x1F510] =	vst v21;
	v21 =	vld [tilespmem:s22+$0x5C0]  }
0x185: {  	[tilespmem:$0x1F470] =	vst v22;
	v22 =	vld [tilespmem:s22+$0x45C0]  }
0x186: {  	v5 =	vmul.f32 v53, v52;
	v3 =	vadd.f32 v7, v38;
	[tilespmem:$0x1F5B0] =	vst v25;
	v25 =	vld [tilespmem:s22+$0x620]  }
0x187: {  	[tilespmem:$0x1F5A0] =	vst v23;
	v23 =	vld [tilespmem:s22+$0x4610]  }
0x188: {  	v3 =	vadd.f32 v5, v3;
	v5 =	vmul.f32 v17, v14;
	v17 =	vld [tilespmem:s22+$0x4450]  }
0x189: {  	[tilespmem:$0x1F560] =	vst v21;
	v21 =	vld [tilespmem:s22+$0x4600]  }
0x18a: {  	[tilespmem:$0x1F570] =	vst v22;
	v22 =	vld [tilespmem:s22+$0x610]  }
0x18b: {  	[tilespmem:$0x1F660] =	vst v25;
	v25 =	vld [tilespmem:s22+$0x4660]  }
0x18c: {  	[tilespmem:$0x1F5F0] =	vst v23;
	v23 =	vld [tilespmem:s22+$0x660]  }
0x18d: {  	v20 =	vld [tilespmem:s22+$0x470]  }
0x18e: {  	v0 =	vadd.f32 v58, v0;
	[tilespmem:$0x1F5D0] =	vst v21;
	v21 =	vld [tilespmem:s22+$0x650]  }
0x18f: {  	[tilespmem:$0x1F5E0] =	vst v22;
	v22 =	vld [tilespmem:s22+$0x4650]  }
0x190: {  	v0 =	vadd.f32 v18, v0;
	[tilespmem:$0x1F780] =	vst v25;
	v25 =	vld [tilespmem:s22+$0x46B0]  }
0x191: {  	[tilespmem:$0x1F770] =	vst v23;
	v23 =	vld [tilespmem:s22+$0x6B0]  }
0x192: {  	v0 =	vadd.f32 v2, v0;
	v2 =	vadd.f32 v8, v16;
	v16 =	vld [tilespmem:s22+$0x450]  }
0x193: {  	[tilespmem:$0x1F750] =	vst v21;
	v21 =	vld [tilespmem:s22+$0x6A0]  }
0x194: {  	[tilespmem:$0x1F760] =	vst v22;
	v22 =	vld [tilespmem:s22+$0x46A0]  }
0x195: {  	[tilespmem:$0x1F740] =	vst v25;
	v25 =	vld [tilespmem:s22+$0x46E0]  }
0x196: {  	[tilespmem:$0x1F730] =	vst v23;
	v23 =	vld [tilespmem:s22+$0x6E0]  }
0x197: {  	[tilespmem:$0x1F440] =	vst v17;
	v17 =	vld [tilespmem:s22+$0x560]  }
0x198: {  	[tilespmem:$0x1F6F0] =	vst v21;
	v21 =	vld [tilespmem:s22+$0x6D0]  }
0x199: {  	[tilespmem:$0x1F700] =	vst v22;
	v22 =	vld [tilespmem:s22+$0x46D0]  }
0x19a: {  	[tilespmem:$0x1F890] =	vst v25;
	v25 =	vld [tilespmem:s22+$0x4710]  }
0x19b: {  	[tilespmem:$0x1F880] =	vst v23;
	v23 =	vld [tilespmem:s22+$0x710]  }
0x19c: {  	[tilespmem:$0x1F500] =	vst v20;
	v20 =	vld [tilespmem:s22+$0x4570]  }
0x19d: {  	[tilespmem:$0x1F7B0] =	vst v21;
	v21 =	vld [tilespmem:s22+$0x700]  }
0x19e: {  	[tilespmem:$0x1F7C0] =	vst v22;
	v22 =	vld [tilespmem:s22+$0x4700]  }
0x19f: {  	[tilespmem:$0x1F800] =	vst v25;
	v25 =	vld [tilespmem:s22+$0x4740]  }
0x1a0: {  	[tilespmem:$0x1F7F0] =	vst v23;
	v23 =	vld [tilespmem:s22+$0x740]  }
0x1a1: {  	[tilespmem:$0x1F630] =	vst v20;
	v20 =	vld [tilespmem:s22+$0x600]  }
0x1a2: {  	[tilespmem:$0x1F7D0] =	vst v21;
	v21 =	vld [tilespmem:s22+$0x730]  }
0x1a3: {  	[tilespmem:$0x1F7E0] =	vst v22;
	v22 =	vld [tilespmem:s22+$0x4730]  }
0x1a4: {  	[tilespmem:$0x1F8F0] =	vst v25;
	v25 =	vld [tilespmem:s22+$0x4770]  }
0x1a5: {  	[tilespmem:$0x1F8E0] =	vst v23;
	v23 =	vld [tilespmem:s22+$0x770]  }
0x1a6: {  	[tilespmem:$0x1F5C0] =	vst v20;
	v20 =	vld [tilespmem:s22+$0x4640]  }
0x1a7: {  	[tilespmem:$0x1F8A0] =	vst v21;
	v21 =	vld [tilespmem:s22+$0x760]  }
0x1a8: {  	[tilespmem:$0x1F8B0] =	vst v22;
	v22 =	vld [tilespmem:s22+$0x4760]  }
0x1a9: {  	[tilespmem:$0x1F9F0] =	vst v25;
	v25 =	vld [tilespmem:s22+$0x7B0]  }
0x1aa: {  	[tilespmem:$0x1F9E0] =	vst v23;
	v23 =	vld [tilespmem:s22+$0x47A0]  }
0x1ab: {  	[tilespmem:$0x1F720] =	vst v20;
	v20 =	vld [tilespmem:s22+$0x690]  }
0x1ac: {  	[tilespmem:$0x1F9C0] =	vst v21;
	v21 =	vld [tilespmem:s22+$0x790]  }
0x1ad: {  	[tilespmem:$0x1F9D0] =	vst v22;
	v22 =	vld [tilespmem:s22+$0x7A0]  }
0x1ae: {  	[tilespmem:$0x1F8C0] =	vst v25;
	v25 =	vld [tilespmem:s22+$0x47D0]  }
0x1af: {  	[tilespmem:$0x1F870] =	vst v23;
	v23 =	vld [tilespmem:s22+$0x7D0]  }
0x1b0: {  	[tilespmem:$0x1F6A0] =	vst v20;
	v20 =	vld [tilespmem:s22+$0x46C0]  }
0x1b1: {  	[tilespmem:$0x1F830] =	vst v21;
	v21 =	vld [tilespmem:s22+$0x7C0]  }
0x1b2: {  	[tilespmem:$0x1F860] =	vst v22;
	v22 =	vld [tilespmem:s22+$0x47C0]  }
0x1b3: {  	[tilespmem:$0x1F970] =	vst v25;
	v25 =	vld [tilespmem:s22+$0x800]  }
0x1b4: {  	[tilespmem:$0x1F960] =	vst v23;
	v23 =	vld [tilespmem:s22+$0x47F0]  }
0x1b5: {  	[tilespmem:$0x1F7A0] =	vst v20;
	v20 =	vld [tilespmem:s22+$0x46F0]  }
0x1b6: {  	[tilespmem:$0x1F920] =	vst v21;
	v21 =	vld [tilespmem:s22+$0x47E0]  }
0x1b7: {  	[tilespmem:$0x1F930] =	vst v22;
	v22 =	vld [tilespmem:s22+$0x7F0]  }
0x1b8: {  	[tilespmem:$0x1F980] =	vst v25;
	v25 =	vld [tilespmem:s22+$0x4820]  }
0x1b9: {  	[tilespmem:$0x1FAB0] =	vst v23;
	v23 =	vld [tilespmem:s22+$0x820]  }
0x1ba: {  	[tilespmem:$0x1F910] =	vst v20;
	v20 =	vld [tilespmem:s22+$0x4720]  }
0x1bb: {  	[tilespmem:$0x1FA10] =	vst v21;
	v21 =	vld [tilespmem:s22+$0x810]  }
0x1bc: {  	[tilespmem:$0x1FAA0] =	vst v22;
	v22 =	vld [tilespmem:s22+$0x4810]  }
0x1bd: {  	[tilespmem:$0x1FA30] =	vst v25;
	v25 =	vld [tilespmem:s22+$0x850]  }
0x1be: {  	[tilespmem:$0x1FA20] =	vst v23;
	v23 =	vld [tilespmem:s22+$0x4840]  }
0x1bf: {  	[tilespmem:$0x1F850] =	vst v20;
	v20 =	vld [tilespmem:s22+$0x4750]  }
0x1c0: {  	[tilespmem:$0x1F9A0] =	vst v21;
	v21 =	vld [tilespmem:s22+$0x4830]  }
0x1c1: {  	[tilespmem:$0x1F9B0] =	vst v22;
	v22 =	vld [tilespmem:s22+$0x840]  }
0x1c2: {  	[tilespmem:$0x1FB20] =	vst v25;
	v25 =	vld [tilespmem:s22+$0x4870]  }
0x1c3: {  	[tilespmem:$0x1FAF0] =	vst v23;
	v23 =	vld [tilespmem:s22+$0x870]  }
0x1c4: {  	[tilespmem:$0x1F950] =	vst v20;
	v20 =	vld [tilespmem:s22+$0x4780]  }
0x1c5: {  	[tilespmem:$0x1FA90] =	vst v21;
	v21 =	vld [tilespmem:s22+$0x860]  }
0x1c6: {  	[tilespmem:$0x1FAE0] =	vst v22;
	v22 =	vld [tilespmem:s22+$0x4860]  }
0x1c7: {  	[tilespmem:$0x1FCA0] =	vst v25;
	v25 =	vld [tilespmem:s22+$0x8A0]  }
0x1c8: {  	[tilespmem:$0x1FC90] =	vst v23;
	v23 =	vld [tilespmem:s22+$0x4890]  }
0x1c9: {  	[tilespmem:$0x1F820] =	vst v20;
	v20 =	vld [tilespmem:s22+$0x47B0]  }
0x1ca: {  	[tilespmem:$0x1FB40] =	vst v21;
	v21 =	vld [tilespmem:s22+$0x4880]  }
0x1cb: {  	[tilespmem:$0x1FB50] =	vst v22;
	v22 =	vld [tilespmem:s22+$0x890]  }
0x1cc: {  	[tilespmem:$0x1FAC0] =	vst v25;
	v25 =	vld [tilespmem:s22+$0x48C0]  }
0x1cd: {  	[tilespmem:$0x1FA70] =	vst v23;
	v23 =	vld [tilespmem:s22+$0x8C0]  }
0x1ce: {  	[tilespmem:$0x1F8D0] =	vst v20;
	v20 =	vld [tilespmem:s22+$0x7E0]  }
0x1cf: {  	[tilespmem:$0x1FA50] =	vst v21;
	v21 =	vld [tilespmem:s22+$0x8B0]  }
0x1d0: {  	[tilespmem:$0x1FA60] =	vst v22;
	v22 =	vld [tilespmem:s22+$0x48B0]  }
0x1d1: {  	[tilespmem:$0x1FB70] =	vst v25;
	v25 =	vld [tilespmem:$0x1EDA0]  }
0x1d2: {  	[tilespmem:$0x1FB60] =	vst v23;
	v23 =	vld [tilespmem:$0x1ED90]  }
0x1d3: {  	[tilespmem:$0x1F430] =	vst v16;
	v16 =	vld [tilespmem:s22+$0x4550]  }
0x1d4: {  	[tilespmem:$0x1FA00] =	vst v20;
	v20 =	vld [tilespmem:s22+$0x4800]  }
0x1d5: {  	[tilespmem:$0x1FB00] =	vst v21;
	v21 =	vld [tilespmem:$0x1ED70]  }
0x1d6: {  	[tilespmem:$0x1FB10] =	vst v22;
	v22 =	vld [tilespmem:$0x1ED80]  }
0x1d7: {  	[tilespmem:$0x1F600] =	vst v17;
	v17 =	vmul.f32 v25, v23;
	v23 =	vld [tilespmem:$0x1EDB0]  }
0x1d8: {  	v25 =	vld [tilespmem:$0x1EDC0]  }
0x1d9: {  	[tilespmem:$0x1F2D0] =	vst v32;
	v31 =	vld [tilespmem:$0x1ECF0]  }
0x1da: {  	v32 =	vld [tilespmem:$0x1ED00];
	[tilespmem:$0x1F460] =	vst v19  }
0x1db: {  	v19 =	vld [tilespmem:s22+$0x570];
	[tilespmem:$0x1F590] =	vst v16;
	v16 =	vmul.f32 v22, v21  }
0x1dc: {  	[tilespmem:$0x1F990] =	vst v20;
	v20 =	vld [tilespmem:s22+$0x830]  }
0x1dd: {  	v16 =	vadd.f32 v17, v16;
	v17 =	vmul.f32 v25, v23;
	v23 =	vld [tilespmem:$0x1EDD0]  }
0x1de: {  	v25 =	vld [tilespmem:$0x1EDE0]  }
0x1df: {  	v33 =	vld [tilespmem:$0x1ED10]  }
0x1e0: {  	v34 =	vld [tilespmem:$0x1ED20]  }
0x1e1: {  	[tilespmem:$0x1FA80] =	vst v20;
	v20 =	vld [tilespmem:s22+$0x4850]  }
0x1e2: {  	[tilespmem:$0x1F620] =	vst v19;
	v19 =	vld [tilespmem:$0x1EE10]  }
0x1e3: {  	v16 =	vadd.f32 v17, v16;
	v17 =	vmul.f32 v25, v23;
	v25 =	vld [tilespmem:$0x1EE20]  }
0x1e4: {  	v24 =	vld [tilespmem:s20+$0x4BF0]  }
0x1e5: {  	v42 =	vld [tilespmem:$0x1ED40]  }
0x1e6: {  	[tilespmem:$0x1FB30] =	vst v20;
	v20 =	vld [tilespmem:s22+$0x880]  }
0x1e7: {  	v18 =	vld [tilespmem:s22+$0x460]  }
0x1e8: {  	v19 =	vmul.f32 v25, v19;
	v25 =	vld [tilespmem:s22+$0x900]  }
0x1e9: {  	v22 =	vld [tilespmem:s22+$0x8E0]  }
0x1ea: {  	v7 =	vld [tilespmem:s20+$0x4BE0]  }
0x1eb: {  	[tilespmem:$0x1FA40] =	vst v20;
	v20 =	vld [tilespmem:s22+$0x48A0]  }
0x1ec: {  	v16 =	vadd.f32 v17, v16;
	v17 =	vld [tilespmem:$0x1EE30]  }
0x1ed: {  	[tilespmem:$0x1FBA0] =	vst v25;
	v25 =	vld [tilespmem:$0x1EE40]  }
0x1ee: {  	[tilespmem:$0x1FC50] =	vst v22;
	v22 =	vld [tilespmem:s22+$0x8F0]  }
0x1ef: {  	[tilespmem:$0x1F3E0] =	vst v59;
	v59 =	vld [tilespmem:s22+$0x550]  }
0x1f0: {  	[tilespmem:$0x1F450] =	vst v18;
	v18 =	vld [tilespmem:s22+$0x4560]  }
0x1f1: {  	s23 =	smul.u32 $0xF00, s17;
	[tilespmem:$0x1FAD0] =	vst v20;
	v20 =	vld [tilespmem:s22+$0x8D0]  }
0x1f2: {  	v17 =	vmul.f32 v25, v17;
	v25 =	vld [tilespmem:s22+$0x4900]  }
0x1f3: {  	s19 =	sshra.s32 s23, $0x2;
	[tilespmem:$0x1FCE0] =	vst v22;
	v22 =	vld [tilespmem:$0x1EDF0]  }
0x1f4: {  	[tilespmem:s19+$0x10610] =	vst v6;
	v23 =	vld [tilespmem:$0x1EE00]  }
0x1f5: {  	[tilespmem:s19+$0x10628] =	vst v10;
	v30 =	vld [tilespmem:s19+$0x1060F]  }
0x1f6: {  	[tilespmem:$0x1FB80] =	vst v20;
	v20 =	vld [tilespmem:$0x1EE50]  }
0x1f7: {  	[tilespmem:$0x1FBB0] =	vst v25;
	v25 =	vld [tilespmem:$0x1EE60]  }
0x1f8: {  	[tilespmem:s19+$0x10650] =	vst v15;
	v38 =	vld [tilespmem:s19+$0x10629]  }
0x1f9: {  	v43 =	vld [tilespmem:s19+$0x1064F];
	[tilespmem:$0x1F610] =	vst v18;
	v18 =	vmul.f32 v23, v22  }
0x1fa: {  	v21 =	vld [tilespmem:s22+$0x48D0]  }
0x1fb: {  	v18 =	vadd.f32 v19, v18;
	v19 =	vld [tilespmem:$0x1EE70]  }
0x1fc: {  	[tilespmem:s19+$0x10668] =	vst v56;
	v20 =	vmul.f32 v25, v20;
	v25 =	vld [tilespmem:$0x1EE80]  }
0x1fd: {  	[tilespmem:$0x1F320] =	vst v50;
	v50 =	vld [tilespmem:s19+$0x10669]  }
0x1fe: {  	v14 =	vld [tilespmem:s22+$0x4440]  }
0x1ff: {  	[tilespmem:$0x1FB90] =	vst v21;
	v21 =	vld [tilespmem:s22+$0x48E0]  }
0x200: {  	[tilespmem:$0x1F380] =	vst v24;
	v24 =	vld [tilespmem:s22+$0x490]  }
0x201: {  	v19 =	vmul.f32 v25, v19;
	v25 =	vld [tilespmem:s22+$0x910]  }
0x202: {  	v26 =	vld [tilespmem:s22+$0x4E0]  }
0x203: {  	v60 =	vld [tilespmem:s22+$0x440]  }
0x204: {  	[tilespmem:$0x1FC60] =	vst v21;
	v21 =	vld [tilespmem:s22+$0x48F0]  }
0x205: {  	v16 =	vadd.f32 v17, v16;
	v17 =	vld [tilespmem:$0x1EE90]  }
0x206: {  	[tilespmem:$0x1FBC0] =	vst v25;
	v25 =	vld [tilespmem:$0x1EEA0]  }
0x207: {  	v8 =	vmul.f32 v42, v41;
	v41 =	vld [tilespmem:s22+$0x4F0]  }
0x208: {  	v42 =	vld [tilespmem:s22+$0x44F0]  }
0x209: {  	[tilespmem:$0x1F580] =	vst v59;
	v59 =	vld [tilespmem:s22+$0x4580]  }
0x20a: {  	[tilespmem:$0x1FCF0] =	vst v21;
	v21 =	vld [tilespmem:$0x1EEB0]  }
0x20b: {  	v17 =	vmul.f32 v25, v17;
	v25 =	vld [tilespmem:$0x1EEC0]  }
0x20c: {  	[tilespmem:$0x1F390] =	vst v38;
	v38 =	vld [tilespmem:s22+$0x4400]  }
0x20d: {  	v1 =	vadd.f32 v9, v1;
	v9 =	vmul.f32 v32, v31;
	v32 =	vld [tilespmem:s22+$0x420]  }
0x20e: {  	v31 =	vld [tilespmem:s22+$0x4420]  }
0x20f: {  	[tilespmem:$0x1F360] =	vst v30;
	v30 =	vld [tilespmem:s22+$0x44B0]  }
0x210: {  	v21 =	vmul.f32 v25, v21;
	v25 =	vld [tilespmem:s22+$0x4910]  }
0x211: {  	v5 =	vadd.f32 v5, v3;
	[tilespmem:$0x1F3A0] =	vst v43;
	v43 =	vld [tilespmem:s22+$0x520]  }
0x212: {  	[tilespmem:$0x1F3B0] =	vst v50;
	v50 =	vld [tilespmem:s22+$0x4530]  }
0x213: {  	v5 =	vadd.f32 v13, v5;
	v13 =	vld [tilespmem:s22+$0x410]  }
0x214: {  	v18 =	vadd.f32 v19, v18;
	v19 =	vld [tilespmem:$0x1EED0]  }
0x215: {  	[tilespmem:$0x1FBD0] =	vst v25;
	v25 =	vld [tilespmem:$0x1EEE0]  }
0x216: {  	v3 =	vadd.f32 v11, v4;
	v4 =	vmul.f32 v29, v27;
	v27 =	vld [tilespmem:s22+$0x480]  }
0x217: {  	v11 =	vmul.f32 v34, v33;
	v33 =	vld [tilespmem:s22+$0x4480]  }
0x218: {  	v29 =	vld [tilespmem:s22+$0x44A0]  }
0x219: {  	v34 =	vld [tilespmem:s22+$0x44E0]  }
0x21a: {  	[tilespmem:s19+$0x106A8] =	vst v2;
	v19 =	vmul.f32 v25, v19;
	v25 =	vld [tilespmem:s22+$0x920]  }
0x21b: {  	[tilespmem:$0x1F330] =	vst v54;
	v54 =	vld [tilespmem:s19+$0x106A9]  }
0x21c: {  	[tilespmem:$0x1F420] =	vst v14;
	v14 =	vld [tilespmem:s22+$0x4A0]  }
0x21d: {  	[tilespmem:$0x1F4C0] =	vst v26;
	v26 =	vld [tilespmem:s22+$0x4590]  }
0x21e: {  	v16 =	vadd.f32 v20, v16;
	v20 =	vld [tilespmem:$0x1EEF0]  }
0x21f: {  	[tilespmem:$0x1FC20] =	vst v25;
	v25 =	vld [tilespmem:$0x1EF00]  }
0x220: {  	v46 =	vadd.f32 v11, v0;
	v11 =	vld [tilespmem:s22+$0x4410]  }
0x221: {  	v4 =	vadd.f32 v4, v1;
	v1 =	vadd.f32 v9, v5;
	v9 =	vmul.f32 v49, v47;
	v49 =	vld [tilespmem:s22+$0x4510]  }
0x222: {  	v47 =	vld [tilespmem:s22+$0x530]  }
0x223: {  	v5 =	vld [tilespmem:s22+$0x590]  }
0x224: {  	[tilespmem:s19+$0x10690] =	vst v3;
	v53 =	vadd.f32 v9, v46;
	v20 =	vmul.f32 v25, v20;
	v25 =	vld [tilespmem:s22+$0x4920]  }
0x225: {  	v52 =	vld [tilespmem:s19+$0x1068F];
	[tilespmem:$0x1F410] =	vst v60  }
0x226: {  	v60 =	vld [tilespmem:s22+$0x44D0];
	[tilespmem:s19+$0x10710] =	vst v53  }
0x227: {  	v58 =	vld [tilespmem:s19+$0x1070F]  }
0x228: {  	v17 =	vadd.f32 v21, v17;
	v21 =	vld [tilespmem:$0x1EF10]  }
0x229: {  	[tilespmem:$0x1FC30] =	vst v25;
	v25 =	vld [tilespmem:$0x1EF20]  }
0x22a: {  	[tilespmem:$0x1F550] =	vst v42;
	v42 =	vld [tilespmem:s22+$0x580]  }
0x22b: {  	[tilespmem:$0x1F540] =	vst v41;
	v41 =	vld [tilespmem:s22+$0x45E0]  }
0x22c: {  	[tilespmem:$0x1FFE0] =	vst v58;
	v58 =	vld [tilespmem:s22+$0x4540]  }
0x22d: {  	v18 =	vadd.f32 v19, v18;
	v19 =	vld [tilespmem:$0x1EF30]  }
0x22e: {  	v21 =	vmul.f32 v25, v21;
	v25 =	vld [tilespmem:$0x1EF40]  }
0x22f: {  	v9 =	vld [tilespmem:s22+$0x400]  }
0x230: {  	v0 =	vadd.f32 v8, v4;
	v8 =	vld [tilespmem:s22+$0x4430]  }
0x231: {  	[tilespmem:$0x1F530] =	vst v58;
	v58 =	vld [tilespmem:s22+$0x45F0]  }
0x232: {  	v4 =	vld [tilespmem:s22+$0x4490]  }
0x233: {  	v19 =	vmul.f32 v25, v19;
	v25 =	vld [tilespmem:s22+$0x930]  }
0x234: {  	v46 =	vld [tilespmem:s22+$0x4520]  }
0x235: {  	[tilespmem:$0x1F4A0] =	vst v43;
	v43 =	vld [tilespmem:s22+$0x45A0]  }
0x236: {  	[tilespmem:$0x1F6E0] =	vst v58;
	v58 =	vld [tilespmem:s22+$0x640]  }
0x237: {  	[tilespmem:s19+$0x106D0] =	vst v1;
	v17 =	vadd.f32 v20, v17;
	v20 =	vld [tilespmem:$0x1EF50]  }
0x238: {  	[tilespmem:$0x1FC70] =	vst v25;
	v25 =	vld [tilespmem:$0x1EF60]  }
0x239: {  	[tilespmem:$0x1F4F0] =	vst v50;
	v50 =	vld [tilespmem:s22+$0x45B0]  }
0x23a: {  	v55 =	vld [tilespmem:s19+$0x106CF]  }
0x23b: {  	[tilespmem:$0x1F710] =	vst v58;
	v58 =	vld [tilespmem:s22+$0x4680]  }
0x23c: {  	[tilespmem:$0x1F4D0] =	vst v34;
	v34 =	vld [tilespmem:s22+$0x5E0]  }
0x23d: {  	v20 =	vmul.f32 v25, v20;
	v25 =	vld [tilespmem:s22+$0x4930]  }
0x23e: {  	[tilespmem:$0x1FFD0] =	vst v53;
	v53 =	vld [tilespmem:s22+$0x510]  }
0x23f: {  	[tilespmem:$0x1F400] =	vst v54;
	v54 =	vld [tilespmem:s22+$0x540]  }
0x240: {  	[tilespmem:$0x1F690] =	vst v58;
	v58 =	vld [tilespmem:s22+$0x6C0]  }
0x241: {  	[tilespmem:s19+$0x106E8] =	vst v0;
	v18 =	vadd.f32 v19, v18;
	v19 =	vld [tilespmem:$0x1EF70]  }
0x242: {  	[tilespmem:$0x1FC80] =	vst v25;
	v25 =	vld [tilespmem:$0x1EF80]  }
0x243: {  	v57 =	vld [tilespmem:s19+$0x106E9]  }
0x244: {  	[tilespmem:$0x1F4E0] =	vst v47;
	v47 =	vld [tilespmem:s22+$0x5A0]  }
0x245: {  	[tilespmem:$0x1F790] =	vst v58;
	v58 =	vld [tilespmem:s22+$0x6F0]  }
0x246: {  	[tilespmem:$0x1F3C0] =	vst v52;
	v52 =	vld [tilespmem:s22+$0x4500]  }
0x247: {  	v19 =	vmul.f32 v25, v19;
	v25 =	vld [tilespmem:s22+$0x940]  }
0x248: {  	[tilespmem:$0x1F650] =	vst v41;
	v41 =	vld [tilespmem:s22+$0x630]  }
0x249: {  	[tilespmem:$0x1F4B0] =	vst v46;
	v46 =	vld [tilespmem:s22+$0x5F0]  }
0x24a: {  	[tilespmem:$0x1F900] =	vst v58;
	v58 =	vld [tilespmem:s22+$0x720]  }
0x24b: {  	v16 =	vadd.f32 v21, v16;
	v21 =	vld [tilespmem:$0x1EF90]  }
0x24c: {  	[tilespmem:$0x1FCC0] =	vst v25;
	v25 =	vld [tilespmem:$0x1EFA0]  }
0x24d: {  	[tilespmem:$0x1F3D0] =	vst v55;
	v55 =	vld [tilespmem:s22+$0x4B0]  }
0x24e: {  	[tilespmem:$0x1F640] =	vst v34;
	v34 =	vld [tilespmem:s22+$0x4620]  }
0x24f: {  	[tilespmem:$0x1F840] =	vst v58;
	v58 =	vld [tilespmem:s22+$0x750]  }
0x250: {  	v17 =	vadd.f32 v20, v17;
	v20 =	vld [tilespmem:$0x1EFB0]  }
0x251: {  	v21 =	vmul.f32 v25, v21;
	v25 =	vld [tilespmem:$0x1EFC0]  }
0x252: {  	[tilespmem:$0x1F520] =	vst v54;
	v54 =	vld [tilespmem:s22+$0x5B0]  }
0x253: {  	[tilespmem:$0x1F6D0] =	vst v46;
	v46 =	vld [tilespmem:s22+$0x4630]  }
0x254: {  	[tilespmem:$0x1F670] =	vst v34;
	v34 =	vld [tilespmem:s22+$0x680]  }
0x255: {  	[tilespmem:$0x1F940] =	vst v58;
	v58 =	vld [tilespmem:s22+$0x780]  }
0x256: {  	[tilespmem:$0x1F3F0] =	vst v57;
	v20 =	vmul.f32 v25, v20;
	v25 =	vld [tilespmem:s22+$0x4940]  }
0x257: {  	v57 =	vld [tilespmem:s22+$0x500];
	[tilespmem:$0x1F6B0] =	vst v41  }
0x258: {  	v41 =	vld [tilespmem:s22+$0x670];
	[tilespmem:$0x1F6C0] =	vst v46  }
0x259: {  	v46 =	vld [tilespmem:s22+$0x4670];
	[tilespmem:$0x1F680] =	vst v34  }
0x25a: {  	v34 =	vld [tilespmem:s22+$0x4690];
	[tilespmem:$0x1F810] =	vst v58  }
0x25b: {  	v58 =	vld [tilespmem:s22+$0x4790];
	[tilespmem:$0x1FCD0] =	vst v25  }
0x25c: {  	v18 =	vadd.f32 v19, v18;
	v19 =	vld [tilespmem:$0x1EFD0]  }
0x25d: {  	v25 =	vld [tilespmem:$0x1EFE0];
	_ =	sdelay $0x3  }
0x25e: {  	v22 =	vld [tilespmem:$0x1EFF0]  }
0x25f: {  	v19 =	vmul.f32 v25, v19;
	v25 =	vld [tilespmem:$0x1F000];
	_ =	sdelay $0x4  }
0x260: {  	v22 =	vmul.f32 v25, v22;
	v25 =	vld [tilespmem:s22+$0x950];
	_ =	sdelay $0x3  }
0x261: {  	v23 =	vld [tilespmem:$0x1F010]  }
0x262: {  	[tilespmem:$0x1FD20] =	vst v25;
	v25 =	vld [tilespmem:$0x1F020];
	_ =	sdelay $0x3  }
0x263: {  	v17 =	vadd.f32 v20, v17;
	v20 =	vld [tilespmem:$0x1F030]  }
0x264: {  	v23 =	vmul.f32 v25, v23;
	v25 =	vld [tilespmem:$0x1F040];
	_ =	sdelay $0x4  }
0x265: {  	v20 =	vmul.f32 v25, v20;
	v25 =	vld [tilespmem:s22+$0x4950];
	_ =	sdelay $0x1  }
0x266: {  	v16 =	vadd.f32 v21, v16;
	_ =	sdelay $0x1  }
0x267: {  	[tilespmem:$0x1FD70] =	vst v16;
	v16 =	vadd.f32 v22, v19;
	v19 =	vld [tilespmem:$0x1F050]  }
0x268: {  	[tilespmem:$0x1FD30] =	vst v25;
	v25 =	vld [tilespmem:$0x1F060];
	_ =	sdelay $0x4  }
0x269: {  	v19 =	vmul.f32 v25, v19;
	v25 =	vld [tilespmem:s22+$0x960];
	_ =	sdelay $0x3  }
0x26a: {  	v17 =	vadd.f32 v20, v17;
	v20 =	vld [tilespmem:$0x1F070]  }
0x26b: {  	[tilespmem:$0x1FD80] =	vst v25;
	v25 =	vld [tilespmem:$0x1F080];
	_ =	sdelay $0x4  }
0x26c: {  	v20 =	vmul.f32 v25, v20;
	v25 =	vld [tilespmem:s22+$0x4960];
	_ =	sdelay $0x3  }
0x26d: {  	v21 =	vld [tilespmem:$0x1F090]  }
0x26e: {  	[tilespmem:$0x1FD90] =	vst v25;
	v25 =	vld [tilespmem:$0x1F0A0];
	_ =	sdelay $0x3  }
0x26f: {  	v16 =	vadd.f32 v19, v16;
	v19 =	vld [tilespmem:$0x1F0B0]  }
0x270: {  	v21 =	vmul.f32 v25, v21;
	v25 =	vld [tilespmem:$0x1F0C0];
	_ =	sdelay $0x4  }
0x271: {  	v19 =	vmul.f32 v25, v19;
	v25 =	vld [tilespmem:s22+$0x970];
	_ =	sdelay $0x3  }
0x272: {  	v17 =	vadd.f32 v20, v17;
	v20 =	vld [tilespmem:$0x1F0D0]  }
0x273: {  	[tilespmem:$0x1FDA0] =	vst v25;
	v25 =	vld [tilespmem:$0x1F0E0];
	_ =	sdelay $0x3  }
0x274: {  	v22 =	vld [tilespmem:$0x1F0F0]  }
0x275: {  	v20 =	vmul.f32 v25, v20;
	v25 =	vld [tilespmem:$0x1F100];
	_ =	sdelay $0x4  }
0x276: {  	v22 =	vmul.f32 v25, v22;
	v25 =	vld [tilespmem:s22+$0x4970];
	_ =	sdelay $0x3  }
0x277: {  	v18 =	vadd.f32 v23, v18;
	v23 =	vld [tilespmem:$0x1F110]  }
0x278: {  	[tilespmem:$0x1FDB0] =	vst v25;
	v25 =	vld [tilespmem:$0x1F120];
	_ =	sdelay $0x3  }
0x279: {  	v16 =	vadd.f32 v19, v16;
	v19 =	vld [tilespmem:$0x1F130]  }
0x27a: {  	v23 =	vmul.f32 v25, v23;
	v25 =	vld [tilespmem:$0x1F140];
	_ =	sdelay $0x4  }
0x27b: {  	v19 =	vmul.f32 v25, v19;
	v25 =	vld [tilespmem:s22+$0x980];
	_ =	sdelay $0x4  }
0x27c: {  	[tilespmem:$0x1FBE0] =	vst v25;
	v25 =	vld [tilespmem:$0x1F150]  }
0x27d: {  	v11 =	vmul.f32 v11, v13;
	v13 =	vld [tilespmem:s22+$0xA50]  }
0x27e: {  	v4 =	vmul.f32 v4, v24;
	v24 =	vld [tilespmem:s22+$0xA60]  }
0x27f: {  	v9 =	vmul.f32 v38, v9;
	v38 =	vmul.f32 v33, v27;
	v33 =	vld [tilespmem:$0x1F4A0];
	v18 =	vadd.f32 v21, v18  }
0x280: {  	v32 =	vmul.f32 v31, v32;
	v31 =	vmul.f32 v59, v42;
	v42 =	vld [tilespmem:$0x1F4E0]  }
0x281: {  	[tilespmem:$0x1FE10] =	vst v18;
	v18 =	vadd.f32 v22, v20;
	v20 =	vmul.f32 v62, v25;
	v62 =	vld [tilespmem:s22+$0x4980]  }
0x282: {  	v21 =	vld [tilespmem:$0x1F160]  }
0x283: {  	v22 =	vld [tilespmem:$0x1F170]  }
0x284: {  	v59 =	vld [tilespmem:s22+$0x4A80]  }
0x285: {  	v25 =	vld [tilespmem:$0x1F180]  }
0x286: {  	v17 =	vadd.f32 v23, v17;
	[tilespmem:$0x1FBF0] =	vst v62;
	v62 =	vld [tilespmem:$0x1F190]  }
0x287: {  	v27 =	vmul.f32 v52, v57;
	v52 =	vld [tilespmem:s22+$0xA90]  }
0x288: {  	v5 =	vmul.f32 v26, v5;
	v26 =	vld [tilespmem:$0x1F650];
	[tilespmem:$0x1FDC0] =	vst v17;
	v17 =	vmul.f32 v22, v21;
	v16 =	vadd.f32 v19, v16  }
0x289: {  	[tilespmem:$0x1FEA0] =	vst v13;
	v13 =	vld [tilespmem:s22+$0xAB0]  }
0x28a: {  	v16 =	vadd.f32 v17, v16;
	v17 =	vmul.f32 v37, v28;
	v28 =	vld [tilespmem:$0x1F1D0]  }
0x28b: {  	v19 =	vmul.f32 v62, v25;
	v25 =	vld [tilespmem:$0x1F1A0]  }
0x28c: {  	v62 =	vld [tilespmem:$0x1F1B0]  }
0x28d: {  	[tilespmem:$0x1FF00] =	vst v24;
	v24 =	vld [tilespmem:$0x1F640]  }
0x28e: {  	[tilespmem:$0x1FE90] =	vst v13;
	v13 =	vld [tilespmem:$0x1F750];
	v18 =	vadd.f32 v20, v18  }
0x28f: {  	v37 =	vld [tilespmem:$0x1F1F0]  }
0x290: {  	v18 =	vadd.f32 v19, v18;
	v19 =	vmul.f32 v28, v35;
	v35 =	vld [tilespmem:$0x1F1E0]  }
0x291: {  	v20 =	vmul.f32 v62, v25;
	v62 =	vld [tilespmem:$0x1F1C0]  }
0x292: {  	v23 =	vld [tilespmem:s22+$0x990]  }
0x293: {  	v28 =	vld [tilespmem:s22+$0x49A0]  }
0x294: {  	v25 =	vld [tilespmem:s22+$0x4990]  }
0x295: {  	v22 =	vmul.f32 v37, v35;
	v35 =	vld [tilespmem:$0x1F220]  }
0x296: {  	v21 =	vmul.f32 v62, v48;
	v48 =	vld [tilespmem:$0x1F200]  }
0x297: {  	v62 =	vld [tilespmem:$0x1F210]  }
0x298: {  	v37 =	vld [tilespmem:s22+$0x9B0]  }
0x299: {  	[tilespmem:$0x1FC10] =	vst v25;
	v25 =	vld [tilespmem:s22+$0x9A0]  }
0x29a: {  	v17 =	vadd.f32 v21, v17;
	v21 =	vmul.f32 v35, v61;
	v61 =	vld [tilespmem:$0x1F240]  }
0x29b: {  	v35 =	vld [tilespmem:s22+$0x49B0]  }
0x29c: {  	[tilespmem:$0x1FC00] =	vst v23;
	v23 =	vmul.f32 v62, v48;
	v48 =	vld [tilespmem:$0x1F230]  }
0x29d: {  	[tilespmem:$0x1FCB0] =	vst v37;
	v37 =	vld [tilespmem:$0x1F260]  }
0x29e: {  	v62 =	vld [tilespmem:$0x1F250]  }
0x29f: {  	[tilespmem:$0x1FC40] =	vst v25;
	v25 =	vld [tilespmem:s22+$0x49C0]  }
0x2a0: {  	v16 =	vadd.f32 v23, v16;
	v23 =	vld [tilespmem:$0x1F350]  }
0x2a1: {  	v18 =	vadd.f32 v20, v18;
	v20 =	vmul.f32 v61, v48;
	v48 =	vld [tilespmem:$0x1F270]  }
0x2a2: {  	v61 =	vld [tilespmem:s22+$0x9C0]  }
0x2a3: {  	v19 =	vadd.f32 v22, v19;
	v22 =	vmul.f32 v37, v62;
	v62 =	vld [tilespmem:$0x1F280]  }
0x2a4: {  	v37 =	vld [tilespmem:$0x1F290]  }
0x2a5: {  	[tilespmem:$0x1FD10] =	vst v25;
	v25 =	vld [tilespmem:$0x1F2D0]  }
0x2a6: {  	v17 =	vadd.f32 v21, v17;
	v21 =	vmul.f32 v48, v44;
	v44 =	vld [tilespmem:$0x1F2A0]  }
0x2a7: {  	v48 =	vld [tilespmem:s22+$0x9D0]  }
0x2a8: {  	[tilespmem:$0x1FD00] =	vst v61;
	v61 =	vld [tilespmem:$0x1F2B0]  }
0x2a9: {  	v12 =	vmul.f32 v12, v62;
	v62 =	vld [tilespmem:$0x1F2C0]  }
0x2aa: {  	v7 =	vmul.f32 v7, v23;
	v23 =	vld [tilespmem:s22+$0x4A00]  }
0x2ab: {  	v19 =	vadd.f32 v20, v19;
	v20 =	vmul.f32 v44, v37;
	v37 =	vld [tilespmem:$0x1F2E0]  }
0x2ac: {  	v44 =	vld [tilespmem:s22+$0x49D0]  }
0x2ad: {  	[tilespmem:$0x1FD40] =	vst v48;
	v48 =	vld [tilespmem:$0x1F2F0]  }
0x2ae: {  	v18 =	vadd.f32 v22, v18;
	v17 =	vadd.f32 v21, v17;
	v21 =	vmul.f32 v62, v61;
	v61 =	vld [tilespmem:$0x1F300]  }
0x2af: {  	v62 =	vld [tilespmem:$0x1F310]  }
0x2b0: {  	v18 =	vadd.f32 v21, v18;
	v21 =	vadd.f32 v11, v9;
	v9 =	vld [tilespmem:$0x1F420]  }
0x2b1: {  	v12 =	vadd.f32 v12, v19;
	v19 =	vmul.f32 v37, v25;
	v25 =	vld [tilespmem:s22+$0x9E0]  }
0x2b2: {  	v37 =	vld [tilespmem:$0x1F320]  }
0x2b3: {  	[tilespmem:$0x1FD50] =	vst v44;
	v44 =	vld [tilespmem:$0x1F330]  }
0x2b4: {  	v17 =	vadd.f32 v20, v17;
	v20 =	vmul.f32 v62, v45;
	v45 =	vld [tilespmem:s22+$0x49E0]  }
0x2b5: {  	v22 =	vmul.f32 v61, v48;
	v61 =	vld [tilespmem:$0x1F340]  }
0x2b6: {  	v62 =	vld [tilespmem:s22+$0x9F0]  }
0x2b7: {  	v48 =	vmul.f32 v40, v36;
	v40 =	vmul.f32 v63, v39;
	v63 =	vld [tilespmem:$0x1F3B0]  }
0x2b8: {  	v39 =	vld [tilespmem:$0x1F3D0]  }
0x2b9: {  	v16 =	vadd.f32 v22, v16;
	v36 =	vadd.f32 v48, v18;
	v22 =	vld [tilespmem:s22+$0xA00]  }
0x2ba: {  	v48 =	vld [tilespmem:$0x1F380]  }
0x2bb: {  	[tilespmem:$0x1FE30] =	vst v36;
	v36 =	vld [tilespmem:s22+$0x4A20]  }
0x2bc: {  	[tilespmem:$0x1FE80] =	vst v16;
	v16 =	vld [tilespmem:$0x1F450]  }
0x2bd: {  	[tilespmem:$0x1FDD0] =	vst v25;
	v25 =	vld [tilespmem:s22+$0x49F0]  }
0x2be: {  	v12 =	vadd.f32 v19, v12;
	v19 =	vmul.f32 v44, v37;
	v44 =	vld [tilespmem:$0x1F360]  }
0x2bf: {  	[tilespmem:$0x1FDE0] =	vst v45;
	v45 =	vld [tilespmem:$0x1F370]  }
0x2c0: {  	v17 =	vadd.f32 v20, v17;
	v20 =	vmul.f32 v61, v51;
	v51 =	vld [tilespmem:$0x1F390]  }
0x2c1: {  	v61 =	vld [tilespmem:$0x1F3A0]  }
0x2c2: {  	[tilespmem:$0x1FE40] =	vst v62;
	v62 =	vld [tilespmem:s22+$0xA10]  }
0x2c3: {  	v18 =	vadd.f32 v63, v56;
	v63 =	vld [tilespmem:s22+$0xA30]  }
0x2c4: {  	v56 =	vld [tilespmem:$0x1F400]  }
0x2c5: {  	v1 =	vadd.f32 v39, v1;
	v39 =	vld [tilespmem:$0x1F4C0];
	v37 =	vadd.f32 v20, v17  }
0x2c6: {  	v12 =	vadd.f32 v19, v12;
	v19 =	vld [tilespmem:s22+$0xA20]  }
0x2c7: {  	v17 =	vadd.f32 v40, v37;
	v37 =	vld [tilespmem:$0x1F3C0]  }
0x2c8: {  	v40 =	vld [tilespmem:$0x1F3E0]  }
0x2c9: {  	[tilespmem:$0x1FE00] =	vst v36;
	v36 =	vld [tilespmem:$0x1F4B0]  }
0x2ca: {  	[tilespmem:$0x1FE50] =	vst v25;
	v25 =	vld [tilespmem:s22+$0x4A10]  }
0x2cb: {  	v6 =	vadd.f32 v44, v6;
	v44 =	vld [tilespmem:s22+$0x4A30]  }
0x2cc: {  	v7 =	vadd.f32 v7, v12;
	v12 =	vmul.f32 v48, v45;
	v45 =	vld [tilespmem:$0x1F3F0]  }
0x2cd: {  	v10 =	vadd.f32 v51, v10;
	v51 =	vld [tilespmem:s22+$0xA40]  }
0x2ce: {  	[tilespmem:$0x1FD60] =	vst v62;
	v62 =	vld [tilespmem:$0x1F410]  }
0x2cf: {  	v48 =	vmul.f32 v29, v14;
	v14 =	vld [tilespmem:$0x1F430]  }
0x2d0: {  	v29 =	vmul.f32 v49, v53;
	v49 =	vld [tilespmem:$0x1F520]  }
0x2d1: {  	v53 =	vld [tilespmem:$0x1F550]  }
0x2d2: {  	v2 =	vadd.f32 v56, v2;
	v56 =	vld [tilespmem:$0x1F570]  }
0x2d3: {  	v15 =	vadd.f32 v61, v15;
	[tilespmem:$0x1FEF0] =	vst v17;
	v17 =	vld [tilespmem:$0x1F460]  }
0x2d4: {  	v6 =	vsel vm0, v10, v6;
	v10 =	vld [tilespmem:s22+$0x4A40]  }
0x2d5: {  	v20 =	vsel vm0, v18, v15;
	v15 =	vld [tilespmem:$0x1F440]  }
0x2d6: {  	v18 =	vld [tilespmem:s22+$0x4A50]  }
0x2d7: {  	[tilespmem:$0x1FDF0] =	vst v19;
	v19 =	vld [tilespmem:$0x1F470]  }
0x2d8: {  	v7 =	vadd.f32 v12, v7;
	v12 =	vmul.f32 v30, v55;
	v30 =	vld [tilespmem:s22+$0x4A60]  }
0x2d9: {  	v55 =	vld [tilespmem:s22+$0xA80]  }
0x2da: {  	[tilespmem:$0x1FF40] =	vst v20;
	v20 =	vld [tilespmem:$0x1F480]  }
0x2db: {  	[tilespmem:$0x1FF70] =	vst v6;
	v6 =	vadd.f32 v32, v21;
	v21 =	vld [tilespmem:$0x1F490]  }
0x2dc: {  	v32 =	vld [tilespmem:s22+$0xA70]  }
0x2dd: {  	v3 =	vadd.f32 v37, v3;
	v37 =	vld [tilespmem:s22+$0x4A70]  }
0x2de: {  	[tilespmem:$0x1FEC0] =	vst v7;
	v7 =	vmul.f32 v8, v40;
	v40 =	vld [tilespmem:$0x1F4D0]  }
0x2df: {  	v8 =	vld [tilespmem:$0x1F580]  }
0x2e0: {  	[tilespmem:$0x1FE20] =	vst v44;
	v44 =	vld [tilespmem:$0x1F500]  }
0x2e1: {  	v0 =	vadd.f32 v45, v0;
	v45 =	vld [tilespmem:$0x1F510]  }
0x2e2: {  	[tilespmem:$0x1FE60] =	vst v51;
	v51 =	vld [tilespmem:$0x1F540]  }
0x2e3: {  	[tilespmem:$0x1FFB0] =	vst v3;
	v3 =	vadd.f32 v4, v38;
	v38 =	vmul.f32 v43, v47;
	v43 =	vld [tilespmem:$0x1F4F0]  }
0x2e4: {  	v47 =	vmul.f32 v50, v54;
	v50 =	vld [tilespmem:$0x1F530]  }
0x2e5: {  	v54 =	vld [tilespmem:$0x1F560]  }
0x2e6: {  	v61 =	vadd.f32 v7, v6;
	v6 =	vmul.f32 v9, v62;
	v9 =	vld [tilespmem:$0x1F590]  }
0x2e7: {  	v4 =	vmul.f32 v17, v16;
	v16 =	vld [tilespmem:$0x1F5E0]  }
0x2e8: {  	v17 =	vld [tilespmem:$0x1F5F0]  }
0x2e9: {  	[tilespmem:$0x1FEB0] =	vst v18;
	v18 =	vld [tilespmem:$0x1F600]  }
0x2ea: {  	[tilespmem:$0x1FF10] =	vst v30;
	v30 =	vld [tilespmem:$0x1F680]  }
0x2eb: {  	v11 =	vadd.f32 v48, v3;
	v48 =	vld [tilespmem:s22+$0x4A90]  }
0x2ec: {  	[tilespmem:$0x1FFC0] =	vst v2;
	v2 =	vadd.f32 v6, v61;
	v61 =	vld [tilespmem:s22+$0xAA0]  }
0x2ed: {  	v3 =	vmul.f32 v15, v14;
	v14 =	vld [tilespmem:$0x1F5C0]  }
0x2ee: {  	v15 =	vld [tilespmem:$0x1F5D0]  }
0x2ef: {  	v0 =	vsel vm0, v0, v1;
	v1 =	vmul.f32 v20, v19;
	v19 =	vld [tilespmem:$0x1F610]  }
0x2f0: {  	v20 =	vld [tilespmem:$0x1F620]  }
0x2f1: {  	v6 =	vmul.f32 v60, v21;
	v21 =	vld [tilespmem:$0x1F630]  }
0x2f2: {  	[tilespmem:$0x1FF80] =	vst v32;
	v32 =	vld [tilespmem:$0x1F6A0]  }
0x2f3: {  	[tilespmem:$0x1FF90] =	vst v37;
	v37 =	vld [tilespmem:s22+$0x4B00]  }
0x2f4: {  	[tilespmem:$0x1FFA0] =	vst v0;
	v0 =	vadd.f32 v12, v11;
	v11 =	vld [tilespmem:$0x1F5A0]  }
0x2f5: {  	v12 =	vld [tilespmem:$0x1F5B0]  }
0x2f6: {  	v2 =	vadd.f32 v3, v2;
	v3 =	vadd.f32 v29, v27;
	v27 =	vld [tilespmem:$0x1F660]  }
0x2f7: {  	v29 =	vld [tilespmem:$0x1F670]  }
0x2f8: {  	v7 =	vmul.f32 v45, v44;
	v44 =	vld [tilespmem:$0x1F6D0]  }
0x2f9: {  	v45 =	vld [tilespmem:$0x1F6E0]  }
0x2fa: {  	v0 =	vadd.f32 v1, v0;
	v1 =	vadd.f32 v5, v31;
	v5 =	vmul.f32 v56, v54;
	v54 =	vld [tilespmem:s22+$0xAC0]  }
0x2fb: {  	v31 =	vld [tilespmem:$0x1F690]  }
0x2fc: {  	v2 =	vadd.f32 v4, v2;
	v4 =	vmul.f32 v36, v33;
	v33 =	vld [tilespmem:s22+$0xAD0]  }
0x2fd: {  	v56 =	vld [tilespmem:s22+$0xAE0]  }
0x2fe: {  	v36 =	vld [tilespmem:s22+$0x4B40]  }
0x2ff: {  	v0 =	vadd.f32 v6, v0;
	v6 =	vmul.f32 v40, v39;
	v40 =	vld [tilespmem:$0x1F6B0]  }
0x300: {  	v3 =	vadd.f32 v4, v3;
	v4 =	vmul.f32 v43, v42;
	v42 =	vld [tilespmem:$0x1F6C0]  }
0x301: {  	v43 =	vld [tilespmem:s22+$0x4AD0]  }
0x302: {  	v62 =	vadd.f32 v7, v2;
	v7 =	vmul.f32 v34, v32;
	v32 =	vld [tilespmem:$0x1F7F0]  }
0x303: {  	v39 =	vld [tilespmem:$0x1F810]  }
0x304: {  	v0 =	vadd.f32 v6, v0;
	v6 =	vmul.f32 v53, v51;
	v51 =	vld [tilespmem:s22+$0x4AA0]  }
0x305: {  	v1 =	vadd.f32 v38, v1;
	v53 =	vld [tilespmem:s22+$0x4AB0]  }
0x306: {  	v3 =	vadd.f32 v4, v3;
	v4 =	vmul.f32 v50, v49;
	v50 =	vld [tilespmem:s22+$0x4AC0]  }
0x307: {  	v1 =	vadd.f32 v47, v1;
	v47 =	vld [tilespmem:$0x1F6F0]  }
0x308: {  	v49 =	vld [tilespmem:$0x1F700]  }
0x309: {  	[tilespmem:$0x1FED0] =	vst v33;
	v33 =	vld [tilespmem:$0x1F800]  }
0x30a: {  	[tilespmem:$0x1FF20] =	vst v56;
	v56 =	vld [tilespmem:$0x1F850]  }
0x30b: {  	v57 =	vadd.f32 v4, v3;
	v3 =	vmul.f32 v9, v8;
	v8 =	vld [tilespmem:s22+$0x4AE0]  }
0x30c: {  	[tilespmem:$0x1FE70] =	vst v10;
	v10 =	vadd.f32 v5, v1;
	v1 =	vmul.f32 v12, v11;
	v11 =	vld [tilespmem:$0x1F740]  }
0x30d: {  	v12 =	vld [tilespmem:s22+$0xAF0]  }
0x30e: {  	v4 =	vmul.f32 v17, v16;
	v16 =	vld [tilespmem:$0x1F780]  }
0x30f: {  	v17 =	vld [tilespmem:s22+$0x4AF0]  }
0x310: {  	v5 =	vmul.f32 v19, v18;
	v18 =	vld [tilespmem:$0x1F790]  }
0x311: {  	v19 =	vld [tilespmem:$0x1F7A0]  }
0x312: {  	v60 =	vadd.f32 v6, v0;
	v6 =	vmul.f32 v21, v20;
	v20 =	vld [tilespmem:$0x1F7B0]  }
0x313: {  	v21 =	vld [tilespmem:$0x1F7C0]  }
0x314: {  	[tilespmem:$0x1FEE0] =	vst v43;
	v43 =	vld [tilespmem:$0x1F830]  }
0x315: {  	v2 =	vadd.f32 v3, v57;
	v57 =	vld [tilespmem:$0x1F710]  }
0x316: {  	v0 =	vadd.f32 v1, v10;
	v10 =	vld [tilespmem:$0x1F730]  }
0x317: {  	v3 =	vmul.f32 v15, v14;
	v14 =	vld [tilespmem:$0x1F760]  }
0x318: {  	v15 =	vld [tilespmem:$0x1F770]  }
0x319: {  	v1 =	vmul.f32 v26, v24;
	v24 =	vld [tilespmem:$0x1F7D0]  }
0x31a: {  	v26 =	vld [tilespmem:$0x1F7E0]  }
0x31b: {  	v2 =	vadd.f32 v5, v2;
	v5 =	vmul.f32 v31, v30;
	v30 =	vld [tilespmem:s22+$0xB10]  }
0x31c: {  	v3 =	vadd.f32 v4, v3;
	v4 =	vmul.f32 v29, v27;
	v29 =	vld [tilespmem:$0x1F8B0]  }
0x31d: {  	[tilespmem:$0x1FF50] =	vst v12;
	v12 =	vld [tilespmem:$0x1F910]  }
0x31e: {  	v38 =	vadd.f32 v6, v2;
	v6 =	vld [tilespmem:$0x1F720]  }
0x31f: {  	v34 =	vadd.f32 v4, v3;
	v4 =	vmul.f32 v45, v44;
	v45 =	vld [tilespmem:s22+$0xB00]  }
0x320: {  	v3 =	vmul.f32 v42, v40;
	v40 =	vld [tilespmem:$0x1F820]  }
0x321: {  	v5 =	vadd.f32 v7, v5;
	v7 =	vmul.f32 v49, v47;
	v49 =	vld [tilespmem:$0x1F840]  }
0x322: {  	v0 =	vadd.f32 v1, v0;
	v27 =	vmul.f32 v26, v24;
	v24 =	vld [tilespmem:s22+$0x4B10]  }
0x323: {  	v26 =	vld [tilespmem:$0x1F950]  }
0x324: {  	v31 =	vadd.f32 v4, v0;
	v4 =	vmul.f32 v16, v15;
	v15 =	vld [tilespmem:$0x1F860]  }
0x325: {  	v16 =	vld [tilespmem:$0x1F870]  }
0x326: {  	v1 =	vadd.f32 v3, v34;
	v3 =	vmul.f32 v11, v10;
	v10 =	vld [tilespmem:$0x1F900]  }
0x327: {  	v34 =	vmul.f32 v33, v32;
	v33 =	vmul.f32 v46, v41;
	v46 =	vld [tilespmem:$0x1F960]  }
0x328: {  	v9 =	vadd.f32 v7, v5;
	v7 =	vld [tilespmem:$0x1F9A0]  }
0x329: {  	v41 =	vld [tilespmem:s22+$0x4B60]  }
0x32a: {  	v47 =	vadd.f32 v34, v27;
	v34 =	vld [tilespmem:s22+$0xB20]  }
0x32b: {  	v0 =	vadd.f32 v3, v9;
	v3 =	vmul.f32 v19, v18;
	v18 =	vld [tilespmem:$0x1F880]  }
0x32c: {  	v19 =	vld [tilespmem:$0x1F890]  }
0x32d: {  	v27 =	vld [tilespmem:$0x1F8A0]  }
0x32e: {  	v2 =	vmul.f32 v6, v57;
	v57 =	vmul.f32 v56, v49;
	v49 =	vld [tilespmem:$0x1F8D0]  }
0x32f: {  	v42 =	vmul.f32 v40, v39;
	v39 =	vld [tilespmem:s22+$0xB30]  }
0x330: {  	v40 =	vld [tilespmem:s22+$0x4B50]  }
0x331: {  	v44 =	vmul.f32 v58, v43;
	v5 =	vmul.f32 v21, v20;
	v21 =	vadd.f32 v57, v47;
	v47 =	vld [tilespmem:$0x1F8C0]  }
0x332: {  	v57 =	vld [tilespmem:$0x1F8E0]  }
0x333: {  	v58 =	vadd.f32 v44, v42;
	v44 =	vld [tilespmem:s22+$0xB40]  }
0x334: {  	[tilespmem:$0x1FF60] =	vst v17;
	v17 =	vmul.f32 v16, v15;
	v16 =	vmul.f32 v12, v10;
	v12 =	vld [tilespmem:$0x1F9C0]  }
0x335: {  	v3 =	vadd.f32 v3, v0;
	v1 =	vadd.f32 v2, v1;
	v2 =	vmul.f32 v14, v13;
	v14 =	vld [tilespmem:$0x1F9E0]  }
0x336: {  	v32 =	vmul.f32 v29, v27;
	v27 =	vld [tilespmem:s22+$0x4B20]  }
0x337: {  	v3 =	vadd.f32 v5, v3;
	v5 =	vadd.f32 v17, v58;
	v58 =	vld [tilespmem:$0x1F8F0]  }
0x338: {  	v29 =	vld [tilespmem:s22+$0x4B30]  }
0x339: {  	v20 =	vmul.f32 v19, v18;
	v17 =	vld [tilespmem:$0x1F920]  }
0x33a: {  	v18 =	vld [tilespmem:$0x1F930]  }
0x33b: {  	v9 =	vadd.f32 v20, v3;
	v13 =	vadd.f32 v32, v21;
	v21 =	vld [tilespmem:$0x1F940]  }
0x33c: {  	v56 =	vmul.f32 v49, v47;
	v47 =	vld [tilespmem:$0x1F970]  }
0x33d: {  	v43 =	vadd.f32 v16, v9;
	v16 =	vld [tilespmem:$0x1F9F0]  }
0x33e: {  	v9 =	vld [tilespmem:s22+$0x4BA0]  }
0x33f: {  	[tilespmem:$0x1FF30] =	vst v8;
	v1 =	vadd.f32 v2, v1;
	v8 =	vadd.f32 v56, v5;
	v5 =	vld [tilespmem:$0x1F990]  }
0x340: {  	v19 =	vmul.f32 v18, v17;
	v17 =	vld [tilespmem:$0x1FA00]  }
0x341: {  	v11 =	vadd.f32 v4, v1;
	v4 =	vmul.f32 v58, v57;
	v18 =	vld [tilespmem:$0x1FA10]  }
0x342: {  	v56 =	vld [tilespmem:s22+$0xB70]  }
0x343: {  	v20 =	vadd.f32 v4, v13;
	v4 =	vld [tilespmem:$0x1F980]  }
0x344: {  	v42 =	vadd.f32 v33, v11;
	v33 =	vadd.f32 v19, v8;
	v8 =	vld [tilespmem:$0x1F9B0]  }
0x345: {  	v13 =	vld [tilespmem:$0x1F9D0]  }
0x346: {  	v19 =	vld [tilespmem:$0x1FA20]  }
0x347: {  	v32 =	vmul.f32 v26, v21;
	v26 =	vld [tilespmem:$0x1FA40]  }
0x348: {  	v49 =	vmul.f32 v47, v46;
	v47 =	vld [tilespmem:s22+$0xB50]  }
0x349: {  	v46 =	vld [tilespmem:s22+$0x4B70]  }
0x34a: {  	v11 =	vadd.f32 v32, v20;
	v20 =	vld [tilespmem:$0x1FA30]  }
0x34b: {  	v32 =	vld [tilespmem:$0x1FA50]  }
0x34c: {  	v3 =	vmul.f32 v16, v14;
	v16 =	vld [tilespmem:$0x1FA60]  }
0x34d: {  	v14 =	vld [tilespmem:$0x1FB90]  }
0x34e: {  	v15 =	vadd.f32 v49, v33;
	v49 =	vld [tilespmem:s22+$0xB60]  }
0x34f: {  	v1 =	vmul.f32 v18, v17;
	v17 =	vld [tilespmem:$0x1FA70]  }
0x350: {  	v18 =	vld [tilespmem:$0x1FA80]  }
0x351: {  	v0 =	vmul.f32 v13, v12;
	v13 =	vld [tilespmem:s22+$0x4B80]  }
0x352: {  	v10 =	vmul.f32 v8, v7;
	v8 =	vld [tilespmem:s22+$0x4B90]  }
0x353: {  	v12 =	vld [tilespmem:$0x1FB80]  }
0x354: {  	v7 =	vld [tilespmem:$0x1FD60]  }
0x355: {  	v6 =	vmul.f32 v5, v4;
	v21 =	vmul.f32 v20, v19;
	v19 =	vld [tilespmem:$0x1FA90]  }
0x356: {  	v20 =	vld [tilespmem:$0x1FAA0]  }
0x357: {  	v57 =	vadd.f32 v10, v6;
	v10 =	vld [tilespmem:s22+$0x4BC0]  }
0x358: {  	v2 =	vadd.f32 v0, v11;
	v0 =	vmul.f32 v17, v16;
	v17 =	vld [tilespmem:$0x1FAC0]  }
0x359: {  	v16 =	vld [tilespmem:$0x1FB20]  }
0x35a: {  	v58 =	vadd.f32 v21, v57;
	v21 =	vld [tilespmem:$0x1FAB0]  }
0x35b: {  	v5 =	vmul.f32 v14, v12;
	v12 =	vld [tilespmem:s22+$0xBA0]  }
0x35c: {  	v14 =	vld [tilespmem:s22+$0xBB0]  }
0x35d: {  	v15 =	vadd.f32 v1, v15;
	v1 =	vmul.f32 v19, v18;
	v18 =	vld [tilespmem:$0x1FAD0]  }
0x35e: {  	v19 =	vld [tilespmem:$0x1FAE0]  }
0x35f: {  	v33 =	vmul.f32 v32, v26;
	v26 =	vmul.f32 v21, v20;
	v20 =	vld [tilespmem:$0x1FAF0]  }
0x360: {  	v21 =	vld [tilespmem:$0x1FB00]  }
0x361: {  	v1 =	vadd.f32 v1, v58;
	v58 =	vadd.f32 v26, v15;
	v26 =	vld [tilespmem:$0x1FB10]  }
0x362: {  	v15 =	vld [tilespmem:s22+$0xB90]  }
0x363: {  	v11 =	vadd.f32 v0, v33;
	v0 =	vmul.f32 v18, v17;
	v18 =	vld [tilespmem:s22+$0xB80]  }
0x364: {  	v17 =	vld [tilespmem:$0x1FB30]  }
0x365: {  	v32 =	vadd.f32 v3, v2;
	v3 =	vmul.f32 v20, v19;
	v19 =	vld [tilespmem:$0x1FB40]  }
0x366: {  	v20 =	vld [tilespmem:$0x1FB50]  }
0x367: {  	v0 =	vadd.f32 v0, v11;
	v11 =	vld [tilespmem:s22+$0x4BD0]  }
0x368: {  	v33 =	vmul.f32 v26, v21;
	v21 =	vld [tilespmem:$0x1FB60]  }
0x369: {  	v26 =	vld [tilespmem:$0x1FB70]  }
0x36a: {  	v1 =	vadd.f32 v3, v1;
	v3 =	vmul.f32 v17, v16;
	v16 =	vld [tilespmem:$0x1FBA0]  }
0x36b: {  	v17 =	vld [tilespmem:$0x1FBB0]  }
0x36c: {  	v57 =	vmul.f32 v20, v19;
	v19 =	vld [tilespmem:$0x1FBC0]  }
0x36d: {  	v20 =	vld [tilespmem:$0x1FBD0]  }
0x36e: {  	v2 =	vadd.f32 v33, v0;
	v4 =	vadd.f32 v3, v1;
	v33 =	vmul.f32 v26, v21;
	v21 =	vld [tilespmem:$0x1FBE0]  }
0x36f: {  	v26 =	vld [tilespmem:$0x1FBF0]  }
0x370: {  	v6 =	vadd.f32 v57, v4;
	v57 =	vld [tilespmem:s22+$0x4BB0]  }
0x371: {  	v3 =	vmul.f32 v17, v16;
	v16 =	vld [tilespmem:$0x1FC00]  }
0x372: {  	v17 =	vld [tilespmem:$0x1FC10]  }
0x373: {  	v8 =	vmul.f32 v8, v15;
	v0 =	vmul.f32 v20, v19;
	v19 =	vld [tilespmem:$0x1FC20]  }
0x374: {  	v13 =	vmul.f32 v13, v18;
	v2 =	vadd.f32 v33, v2;
	v33 =	vmul.f32 v26, v21;
	v21 =	vld [tilespmem:$0x1FC40]  }
0x375: {  	v20 =	vld [tilespmem:$0x1FC30]  }
0x376: {  	v9 =	vmul.f32 v9, v12;
	v8 =	vadd.f32 v8, v13;
	v26 =	vld [tilespmem:$0x1FC50]  }
0x377: {  	v1 =	vmul.f32 v17, v16;
	v16 =	vld [tilespmem:$0x1FC70]  }
0x378: {  	v8 =	vadd.f32 v9, v8;
	v57 =	vmul.f32 v57, v14;
	v17 =	vld [tilespmem:$0x1FC80]  }
0x379: {  	v2 =	vadd.f32 v5, v2;
	v5 =	vmul.f32 v28, v21;
	v28 =	vld [tilespmem:$0x1FC60]  }
0x37a: {  	v8 =	vadd.f32 v57, v8;
	v57 =	vmul.f32 v36, v44;
	v36 =	vld [tilespmem:$0x1FF60]  }
0x37b: {  	v44 =	vld [tilespmem:$0x1FF90]  }
0x37c: {  	v0 =	vadd.f32 v0, v3;
	v3 =	vmul.f32 v20, v19;
	v20 =	vld [tilespmem:$0x1FC90]  }
0x37d: {  	v21 =	vld [tilespmem:$0x1FCA0]  }
0x37e: {  	v1 =	vadd.f32 v1, v33;
	v33 =	vmul.f32 v28, v26;
	v26 =	vld [tilespmem:$0x1FCB0]  }
0x37f: {  	v28 =	vld [tilespmem:$0x1FCC0]  }
0x380: {  	v2 =	vadd.f32 v33, v2;
	v33 =	vld [tilespmem:$0x1FCD0]  }
0x381: {  	v0 =	vadd.f32 v3, v0;
	v3 =	vmul.f32 v17, v16;
	v16 =	vld [tilespmem:$0x1FD20]  }
0x382: {  	v17 =	vld [tilespmem:$0x1FD30]  }
0x383: {  	v4 =	vmul.f32 v21, v20;
	v21 =	vld [tilespmem:$0x1FCF0]  }
0x384: {  	v1 =	vadd.f32 v5, v1;
	v5 =	vmul.f32 v35, v26;
	v35 =	vld [tilespmem:$0x1FCE0]  }
0x385: {  	v0 =	vadd.f32 v3, v0;
	v3 =	vmul.f32 v33, v28;
	v28 =	vld [tilespmem:$0x1FD00]  }
0x386: {  	v33 =	vld [tilespmem:$0x1FD10]  }
0x387: {  	v19 =	vld [tilespmem:s22+$0xBC0]  }
0x388: {  	v20 =	vld [tilespmem:s22+$0xBD0]  }
0x389: {  	v0 =	vadd.f32 v3, v0;
	v3 =	vmul.f32 v17, v16;
	v17 =	vld [tilespmem:s22+$0x4BE0]  }
0x38a: {  	v16 =	vld [tilespmem:$0x1FD80];
	v26 =	vmul.f32 v21, v35  }
0x38b: {  	v1 =	vadd.f32 v5, v1;
	v21 =	vld [tilespmem:s22+$0xBE0];
	v5 =	vmul.f32 v33, v28  }
0x38c: {  	v35 =	vadd.f32 v26, v2;
	v26 =	vld [tilespmem:$0x1FD40]  }
0x38d: {  	v1 =	vadd.f32 v5, v1;
	v5 =	vadd.f32 v3, v0;
	v3 =	vmul.f32 v23, v22;
	v22 =	vld [tilespmem:$0x1FD90]  }
0x38e: {  	v33 =	vld [tilespmem:$0x1FD50]  }
0x38f: {  	v28 =	vadd.f32 v4, v6;
	v6 =	vmul.f32 v25, v7;
	v25 =	vld [tilespmem:s22+$0x4BF0]  }
0x390: {  	v23 =	vld [tilespmem:$0x1FD70]  }
0x391: {  	v0 =	vld [tilespmem:$0x1FDD0]  }
0x392: {  	s21 =	smul.u32 $0x3C0, s21;
	v4 =	vmul.f32 v22, v16;
	v22 =	vld [tilespmem:$0x1FDE0]  }
0x393: {  	v3 =	vadd.f32 v6, v3;
	v6 =	vld [tilespmem:$0x1FDF0]  }
0x394: {  	s25 =	sor.u32 $0x50, s21;
	v2 =	vmul.f32 v33, v26;
	v26 =	vld [tilespmem:s22+$0xBF0]  }
0x395: {  	s26 =	sor.u32 $0x4F, s21;
	v33 =	vld [tilespmem:$0x1FDA0];
	[tilespmem:s25+$0x10600] =	vst v60  }
0x396: {  	v48 =	vmul.f32 v48, v52;
	v52 =	vld [tilespmem:s26+$0x10600]  }
0x397: {  	v0 =	vmul.f32 v22, v0;
	v22 =	vld [tilespmem:$0x1FE00]  }
0x398: {  	v16 =	vld [tilespmem:$0x1FDB0]  }
0x399: {  	v4 =	vadd.f32 v4, v5;
	v5 =	vmul.f32 v59, v55;
	v55 =	vld [tilespmem:$0x1FE20]  }
0x39a: {  	v2 =	vadd.f32 v2, v1;
	v1 =	vld [tilespmem:$0x1FDC0]  }
0x39b: {  	v59 =	vld [tilespmem:$0x1FE10]  }
0x39c: {  	[tilespmem:s19+$0x10728] =	vst v23;
	v5 =	vadd.f32 v48, v5;
	v48 =	vmul.f32 v51, v61;
	v61 =	vld [tilespmem:$0x1FE60];
	v6 =	vmul.f32 v22, v6  }
0x39d: {  	v7 =	vmul.f32 v16, v33;
	v33 =	vld [tilespmem:s19+$0x10729]  }
0x39e: {  	v0 =	vadd.f32 v0, v2;
	v2 =	vadd.f32 v6, v3;
	v3 =	vmul.f32 v55, v63;
	v55 =	vld [tilespmem:$0x1FE40]  }
0x39f: {  	s28 =	sor.u32 $0x68, s21;
	v63 =	vld [tilespmem:$0x1FE50]  }
0x3a0: {  	s29 =	sor.u32 $0x69, s21;
	[tilespmem:s28+$0x10600] =	vst v62;
	v16 =	vld [tilespmem:$0x1FE30]  }
0x3a1: {  	v4 =	vadd.f32 v7, v4;
	v7 =	vld [tilespmem:s29+$0x10600];
	[tilespmem:s21+$0x10650] =	vst v31  }
0x3a2: {  	v50 =	vmul.f32 v50, v54;
	[tilespmem:s21+$0x10668] =	vst v38;
	v54 =	vld [tilespmem:s21+$0x1064F]  }
0x3a3: {  	s30 =	sand.u32 $0x1F80, s21;
	v15 =	vld [tilespmem:s21+$0x10669]  }
0x3a4: {  	[tilespmem:s30+$0x106D0] =	vst v43;
	v55 =	vmul.f32 v63, v55;
	v63 =	vld [tilespmem:$0x1FE70]  }
0x3a5: {  	[tilespmem:s19+$0x10750] =	vst v1;
	v12 =	vld [tilespmem:s30+$0x106CF]  }
0x3a6: {  	v22 =	vld [tilespmem:s19+$0x1074F]  }
0x3a7: {  	[tilespmem:s19+$0x10790] =	vst v16;
	v0 =	vadd.f32 v55, v0;
	v55 =	vld [tilespmem:$0x1FE90]  }
0x3a8: {  	v51 =	vld [tilespmem:s19+$0x1078F]  }
0x3a9: {  	v2 =	vadd.f32 v3, v2;
	v3 =	vmul.f32 v63, v61;
	v61 =	vld [tilespmem:$0x1FE80]  }
0x3aa: {  	v63 =	vld [tilespmem:$0x1FEB0]  }
0x3ab: {  	[tilespmem:s19+$0x10768] =	vst v59;
	v2 =	vadd.f32 v3, v2;
	v3 =	vld [tilespmem:$0x1FEA0]  }
0x3ac: {  	v5 =	vadd.f32 v48, v5;
	v6 =	vld [tilespmem:s19+$0x10769];
	v48 =	vmul.f32 v53, v55  }
0x3ad: {  	v55 =	vld [tilespmem:$0x1FED0]  }
0x3ae: {  	v5 =	vadd.f32 v48, v5;
	v48 =	vld [tilespmem:$0x1FEC0];
	[tilespmem:s19+$0x107A8] =	vst v61  }
0x3af: {  	v37 =	vmul.f32 v37, v45;
	v53 =	vld [tilespmem:s19+$0x107A9]  }
0x3b0: {  	v45 =	vmul.f32 v24, v30;
	v5 =	vadd.f32 v50, v5;
	v50 =	vld [tilespmem:$0x1FF00];
	v3 =	vmul.f32 v63, v3  }
0x3b1: {  	v63 =	vld [tilespmem:$0x1FEE0]  }
0x3b2: {  	[tilespmem:s30+$0x106E8] =	vst v42;
	v2 =	vadd.f32 v3, v2;
	v3 =	vadd.f32 v45, v37;
	v45 =	vld [tilespmem:$0x1FEF0]  }
0x3b3: {  	[tilespmem:s19+$0x107D0] =	vst v48;
	v37 =	vmul.f32 v27, v34;
	v27 =	vld [tilespmem:s30+$0x106E9]  }
0x3b4: {  	[tilespmem:s21+$0x106D0] =	vst v58;
	v24 =	vld [tilespmem:s19+$0x107CF]  }
0x3b5: {  	v1 =	vadd.f32 v22, v1;
	v6 =	vadd.f32 v6, v59;
	v18 =	vld [tilespmem:s21+$0x106CF]  }
0x3b6: {  	v3 =	vadd.f32 v37, v3;
	v37 =	vld [tilespmem:$0x1FF40];
	v13 =	vmul.f32 v63, v55;
	v63 =	vmul.f32 v29, v39  }
0x3b7: {  	v55 =	vld [tilespmem:$0x1FF10]  }
0x3b8: {  	v1 =	vsel vm0, v6, v1;
	v39 =	vld [tilespmem:$0x1FF20];
	[tilespmem:s19+$0x107E8] =	vst v45;
	v3 =	vadd.f32 v63, v3  }
0x3b9: {  	[tilespmem:s19+$0x10890] =	vst v1;
	v14 =	vld [tilespmem:s19+$0x107E9]  }
0x3ba: {  	v3 =	vadd.f32 v57, v3;
	v57 =	vmul.f32 v46, v56;
	v46 =	vadd.f32 v52, v60;
	v52 =	vld [tilespmem:s19+$0x1088E]  }
0x3bb: {  	v56 =	vadd.f32 v51, v16;
	v16 =	vld [tilespmem:$0x1FFE0]  }
0x3bc: {  	[tilespmem:s21+$0x106E8] =	vst v32;
	v30 =	vmul.f32 v55, v50;
	v50 =	vld [tilespmem:$0x1FF30]  }
0x3bd: {  	v55 =	vmul.f32 v10, v19;
	v10 =	vld [tilespmem:s21+$0x106E9]  }
0x3be: {  	[tilespmem:s19+$0x10810] =	vst v37;
	v2 =	vadd.f32 v30, v2;
	v30 =	vld [tilespmem:$0x1FF50]  }
0x3bf: {  	v63 =	vmul.f32 v11, v20;
	[tilespmem:s30+$0x10750] =	vst v35;
	v34 =	vld [tilespmem:s19+$0x1080E];
	v8 =	vadd.f32 v55, v8  }
0x3c0: {  	v5 =	vadd.f32 v13, v5;
	v11 =	vld [tilespmem:s30+$0x1074F]  }
0x3c1: {  	v24 =	vadd.f32 v24, v48;
	v8 =	vadd.f32 v63, v8;
	v63 =	vld [tilespmem:$0x1FFB0]  }
0x3c2: {  	v14 =	vadd.f32 v14, v45;
	v29 =	vmul.f32 v50, v39;
	v39 =	vmul.f32 v40, v47;
	v40 =	vld [tilespmem:$0x1FF80]  }
0x3c3: {  	[tilespmem:s30+$0x10768] =	vst v28;
	v19 =	vmul.f32 v36, v30;
	v36 =	vld [tilespmem:$0x1FF70]  }
0x3c4: {  	v14 =	vsel vm0, v14, v24;
	v5 =	vadd.f32 v29, v5;
	v29 =	vld [tilespmem:s30+$0x10769]  }
0x3c5: {  	[tilespmem:s19+$0x108D0] =	vst v14;
	v3 =	vadd.f32 v39, v3;
	v39 =	vld [tilespmem:$0x1FFA0]  }
0x3c6: {  	v50 =	vmul.f32 v41, v49;
	[tilespmem:s21+$0x10768] =	vst v4;
	v59 =	vld [tilespmem:s19+$0x108CE]  }
0x3c7: {  	v47 =	vmul.f32 v17, v21;
	[tilespmem:s21+$0x10750] =	vst v0;
	v20 =	vld [tilespmem:s21+$0x10769];
	v5 =	vadd.f32 v19, v5;
	v30 =	vmul.f32 v44, v40  }
0x3c8: {  	v19 =	vld [tilespmem:s21+$0x1074F];
	v3 =	vadd.f32 v50, v3  }
0x3c9: {  	v8 =	vadd.f32 v47, v8;
	[tilespmem:s30+$0x107D0] =	vst v5;
	v2 =	vadd.f32 v30, v2;
	v30 =	vld [tilespmem:$0x1FFC0]  }
0x3ca: {  	v55 =	vmul.f32 v25, v26;
	v3 =	vadd.f32 v57, v3;
	v57 =	vadd.f32 v53, v61;
	[tilespmem:s19+$0x10828] =	vst v36;
	v9 =	vld [tilespmem:s30+$0x107CF]  }
0x3cb: {  	[tilespmem:s19+$0x10850] =	vst v39;
	v17 =	vld [tilespmem:s19+$0x1082A]  }
0x3cc: {  	v8 =	vadd.f32 v55, v8;
	v21 =	vld [tilespmem:s19+$0x1084E];
	v60 =	vsel vm0, v57, v56;
	[tilespmem:s30+$0x107E8] =	vst v2  }
0x3cd: {  	v15 =	vadd.f32 v15, v38;
	v41 =	vadd.f32 v54, v31;
	[tilespmem:s19+$0x108E8] =	vst v60;
	v40 =	vld [tilespmem:s30+$0x107E9]  }
0x3ce: {  	v10 =	vadd.f32 v10, v32;
	[tilespmem:s21+$0x107D0] =	vst v8;
	v32 =	vld [tilespmem:s19+$0x108EA]  }
0x3cf: {  	v7 =	vadd.f32 v7, v62;
	v15 =	vsel vm0, v15, v41;
	[tilespmem:s21+$0x107E8] =	vst v3;
	v47 =	vld [tilespmem:s21+$0x107CF]  }
0x3d0: {  	v49 =	vld [tilespmem:s21+$0x107E9];
	[tilespmem:s30+$0x10850] =	vst v15  }
0x3d1: {  	v6 =	vsel vm0, v7, v46;
	v50 =	vadd.f32 v18, v58;
	v55 =	vld [tilespmem:s30+$0x1084E]  }
0x3d2: {  	v12 =	vadd.f32 v12, v43;
	v54 =	vadd.f32 v27, v42;
	[tilespmem:s30+$0x10868] =	vst v6;
	v25 =	vsel vm0, v30, v63;
	v63 =	vld [tilespmem:$0x1FFD0]  }
0x3d3: {  	v7 =	vsel vm0, v10, v50;
	v4 =	vadd.f32 v20, v4;
	v0 =	vadd.f32 v19, v0;
	v58 =	vld [tilespmem:s30+$0x1086A];
	[tilespmem:s19+$0x10868] =	vst v25  }
0x3d4: {  	v11 =	vadd.f32 v11, v35;
	v12 =	vsel vm0, v54, v12;
	v61 =	vadd.f32 v29, v28;
	[tilespmem:s21+$0x10850] =	vst v7;
	v44 =	vld [tilespmem:s19+$0x1086A]  }
0x3d5: {  	v0 =	vsel vm0, v4, v0;
	[tilespmem:s21+$0x10868] =	vst v12;
	v5 =	vadd.f32 v9, v5;
	v62 =	vld [tilespmem:s21+$0x1084E];
	v2 =	vadd.f32 v40, v2  }
0x3d6: {  	v11 =	vsel vm0, v61, v11;
	v29 =	vld [tilespmem:s21+$0x1086A];
	[tilespmem:s30+$0x108D0] =	vst v0;
	v8 =	vadd.f32 v47, v8;
	v3 =	vadd.f32 v49, v3  }
0x3d7: {  	v23 =	vadd.f32 v33, v23;
	[tilespmem:s30+$0x108E8] =	vst v11;
	v33 =	vld [tilespmem:s30+$0x108CE];
	v28 =	vadd.f32 v16, v63;
	v2 =	vsel vm0, v2, v5  }
0x3d8: {  	v43 =	vadd.f32 v34, v37;
	v35 =	vld [tilespmem:s30+$0x108EA];
	v3 =	vsel vm0, v3, v8;
	[tilespmem:s21+$0x108E8] =	vst v2  }
0x3d9: {  	v17 =	vadd.f32 v17, v36;
	v23 =	vsel vm0, v23, v28;
	[tilespmem:s21+$0x108D0] =	vst v3;
	v41 =	vadd.f32 v44, v25;
	v44 =	vld [tilespmem:s21+$0x108EA]  }
0x3da: {  	v14 =	vadd.f32 v59, v14;
	v45 =	vadd.f32 v32, v60;
	[tilespmem:s19+$0x108A8] =	vst v23;
	v42 =	vld [tilespmem:s21+$0x108CE]  }
0x3db: {  	v16 =	vsel vm1, v17, v43;
	v47 =	vadd.f32 v55, v15;
	v6 =	vadd.f32 v58, v6;
	v38 =	vld [tilespmem:s19+$0x108AA]  }
0x3dc: {  	v46 =	vsel vm1, v45, v14;
	v7 =	vadd.f32 v62, v7;
	v4 =	vadd.f32 v29, v12;
	[tilespmem:s19+$0x10928] =	vst v16  }
0x3dd: {  	v40 =	vadd.f32 v21, v39;
	[tilespmem:s19+$0x10950] =	vst v46;
	v49 =	vld [tilespmem:s19+$0x1092C];
	v6 =	vsel vm1, v6, v47  }
0x3de: {  	v50 =	vld [tilespmem:s19+$0x1094C];
	v0 =	vadd.f32 v33, v0;
	v51 =	vadd.f32 v35, v11;
	v4 =	vsel vm1, v4, v7;
	[tilespmem:s30+$0x10968] =	vst v6  }
0x3df: {  	v13 =	vsel vm1, v41, v40;
	[tilespmem:s30+$0x10950] =	vst v4;
	v53 =	vld [tilespmem:s30+$0x1096C];
	v2 =	vadd.f32 v44, v2;
	v3 =	vadd.f32 v42, v3  }
0x3e0: {  	v1 =	vadd.f32 v52, v1;
	v0 =	vsel vm1, v51, v0;
	[tilespmem:s19+$0x10910] =	vst v13;
	v52 =	vld [tilespmem:s30+$0x1094C];
	v5 =	vadd.f32 v38, v23  }
0x3e1: {  	[tilespmem:s21+$0x10968] =	vst v0;
	v48 =	vld [tilespmem:s19+$0x1090C];
	v2 =	vsel vm1, v2, v3  }
0x3e2: {  	v56 =	vld [tilespmem:s21+$0x1096C];
	v1 =	vsel vm1, v5, v1;
	[tilespmem:s21+$0x10950] =	vst v2  }
0x3e3: {  	[tilespmem:s19+$0x10968] =	vst v1;
	v55 =	vld [tilespmem:s21+$0x1094C]  }
0x3e4: {  	v54 =	vld [tilespmem:s19+$0x1096C];
	_ =	sdelay $0x1  }
0x3e5: {  	v4 =	vadd.f32 v52, v4;
	v3 =	vadd.f32 v53, v6  }
0x3e6: {  	v7 =	vadd.f32 v49, v16;
	v57 =	vadd.f32 v48, v13  }
0x3e7: {  	v0 =	vadd.f32 v56, v0;
	v3 =	vsel vm2, v3, v4;
	v2 =	vadd.f32 v55, v2  }
0x3e8: {  	v63 =	vld [tilespmem:$0x1FFF0];
	v12 =	vadd.f32 v50, v46;
	v58 =	vsel vm2, v7, v57;
	[tilespmem:s30+$0x109E8] =	vst v3;
	v1 =	vadd.f32 v54, v1  }
0x3e9: {  	[tilespmem:s19+$0x109A8] =	vst v58;
	v62 =	vld [tilespmem:s30+$0x109F0];
	v0 =	vsel vm2, v0, v2  }
0x3ea: {  	v60 =	vld [tilespmem:s19+$0x109B0];
	v1 =	vsel vm2, v1, v12;
	[tilespmem:s30+$0x109D0] =	vst v0  }
0x3eb: {  	[tilespmem:s19+$0x10990] =	vst v1;
	v61 =	vld [tilespmem:s30+$0x109C8]  }
0x3ec: {  	v59 =	vld [tilespmem:s19+$0x10988];
	_ =	sdelay $0x2  }
0x3ed: {  	p0 =	slt.u32 s17, $0x6  }
.Ltmp0:
0x3ee: {  	v3 =	vadd.f32 v62, v3;
	v0 =	vadd.f32 v61, v0;
	(pc) =	sbr.rel @p0 .LBB2_4-.Ltmp0, $4  }
0x3ef: {  	v2 =	vadd.f32 v60, v58;
	v1 =	vadd.f32 v59, v1  }
0x3f0: {  	v0 =	vsel vm3, v3, v0  }
0x3f1: {  	s31 =	sadd.s32 $0x2, s17;
	v1 =	vsel vm3, v2, v1;
	[tilespmem:v63+s24+$0x0 ss:$0x1] =	vst.idx.msk $0xffff, v0  }
0x3f2: {  	s17 =	smov.u32 s31;
	[tilespmem:v63+s18+$0x0 ss:$0x1] =	vst.idx.msk $0xffff, v1  }
0x3f3: {  	p0 =	sgt.u32 s15, $0x3  }
.Ltmp1:
0x3f4: {  	_ = 	snop;
	(pc) =	sbr.rel @!p0 .LBB2_3-.Ltmp1, $2  }
0x3f5: {  	_ =	sdelay $0x2  }
0x3f6: {  	s16 =	simm.s32 $0x10420  }
0x3f7: {  	v0 =	vld [tilespmem:s16+$0x10]  }
0x3f8: {  	v1 =	vld [tilespmem:s16+$0xFFFFFFF0]  }
0x3f9: {  	v2 =	vld [tilespmem:s16+$0x0]  }
0x3fa: {  	v3 =	vld [tilespmem:s16+$0xFFFFFFE0];
	_ =	sdelay $0x1  }
0x3fb: {  	v0 =	vsub.f32 $0.0e+00, v0  }
0x3fc: {  	s15 =	simm.s32 $0x10460;
	v1 =	vsub.f32 $0.0e+00, v1  }
0x3fd: {  	v5 =	vld [tilespmem:s15+$0xFFFFFFF0];
	v2 =	vsub.f32 $0.0e+00, v2;
	v0 =	vmul.f32 $1.442695020e+00, v0  }
0x3fe: {  	v4 =	vld [tilespmem:s15+$0x10];
	v3 =	vsub.f32 $0.0e+00, v3;
	v1 =	vmul.f32 $1.442695020e+00, v1  }
0x3ff: {  	v2 =	vmul.f32 $1.442695020e+00, v2;
	(erf) = vpow2.f32 v0  }
0x400: {  	v3 =	vmul.f32 $1.442695020e+00, v3;
	v0 =	vld [tilespmem:s15+$0x0];
	(erf) = vpow2.f32 v1  }
0x401: {  	v1 =	vld [tilespmem:s15+$0xFFFFFFE0];
	(erf) = vpow2.f32 v2  }
0x402: {  	(erf) = vpow2.f32 v3;
	v3 =	vsub.f32 $0.0e+00, v5  }
0x403: {  	v2 =	vsub.f32 $0.0e+00, v4  }
0x404: {  	v3 =	vmul.f32 $1.442695020e+00, v3  }
0x405: {  	s17 =	simm.s32 $0x104A0;
	v2 =	vmul.f32 $1.442695020e+00, v2;
	v0 =	vsub.f32 $0.0e+00, v0  }
0x406: {  	v4 =	vld [tilespmem:s17+$0x10];
	v1 =	vsub.f32 $0.0e+00, v1  }
0x407: {  	v5 =	vld [tilespmem:s17+$0xFFFFFFF0];
	(erf) = vpow2.f32 v2;
	v0 =	vmul.f32 $1.442695020e+00, v0  }
0x408: {  	v2 =	vld [tilespmem:s17+$0x0];
	(erf) = vpow2.f32 v3;
	v1 =	vmul.f32 $1.442695020e+00, v1;
	v3 =	vpop (erf)  }
0x409: {  	v6 =	vld [tilespmem:s17+$0xFFFFFFE0];
	(erf) = vpow2.f32 v0;
	v0 =	vadd.f32 $1.000000000e+00, v3;
	v3 =	vpop (erf)  }
0x40a: {  	(erf) = vpow2.f32 v1;
	v1 =	vadd.f32 $1.000000000e+00, v3;
	v3 =	vpop (erf)  }
0x40b: {  	v4 =	vsub.f32 $0.0e+00, v4;
	v3 =	vadd.f32 $1.000000000e+00, v3;
	v7 =	vpop (erf)  }
0x40c: {  	(erf) = vrcp.f32 v0;
	v0 =	vsub.f32 $0.0e+00, v5;
	v5 =	vadd.f32 $1.000000000e+00, v7  }
0x40d: {  	(erf) = vrcp.f32 v1;
	v1 =	vsub.f32 $0.0e+00, v2;
	v2 =	vmul.f32 $1.442695020e+00, v4  }
0x40e: {  	v4 =	vsub.f32 $0.0e+00, v6;
	(erf) = vrcp.f32 v3;
	v0 =	vmul.f32 $1.442695020e+00, v0  }
0x40f: {  	s18 =	simm.s32 $0x104E0;
	(erf) = vrcp.f32 v5;
	v1 =	vmul.f32 $1.442695020e+00, v1  }
0x410: {  	v3 =	vld [tilespmem:s18+$0x10];
	(erf) = vpow2.f32 v2;
	v2 =	vmul.f32 $1.442695020e+00, v4;
	_ =	sdelay $0x1  }
0x411: {  	(erf) = vpow2.f32 v0;
	v0 =	vpop (erf)  }
0x412: {  	(erf) = vpow2.f32 v1;
	v0 =	vadd.f32 $1.000000000e+00, v0;
	v1 =	vpop (erf)  }
0x413: {  	v5 =	vld [tilespmem:s18+$0xFFFFFFF0];
	(erf) = vpow2.f32 v2;
	v1 =	vadd.f32 $1.000000000e+00, v1;
	v2 =	vpop (erf)  }
0x414: {  	v6 =	vld [tilespmem:s18+$0x0];
	v7 =	vsub.f32 $0.0e+00, v3;
	v3 =	vpop (erf);
	(erf) = vrcp.f32 v0  }
0x415: {  	(erf) = vrcp.f32 v1;
	v1 =	vld [tilespmem:s18+$0xFFFFFFE0]  }
0x416: {  	v8 =	vadd.f32 $1.000000000e+00, v2;
	_ =	sdelay $0x1  }
0x417: {  	v2 =	vsub.f32 $0.0e+00, v5;
	v3 =	vadd.f32 $1.000000000e+00, v3;
	v0 =	vpop (erf);
	(erf) = vrcp.f32 v8  }
0x418: {  	s19 =	simm.s32 $0xC;
	s20 =	simm.s32 $0x10520;
	v4 =	vsub.f32 $0.0e+00, v6;
	v5 =	vmul.f32 $1.442695020e+00, v7;
	[tilespmem:s16+$0x10] =	vst v0;
	v0 =	vpop (erf)  }
.LBB2_6:
0x419: {  	v6 =	vld [tilespmem:s20+$0x10];
	s19 =	sadd.s32 $0x4, s19;
	v1 =	vsub.f32 $0.0e+00, v1;
	v8 =	vmul.f32 $1.442695020e+00, v2;
	(erf) = vrcp.f32 v3;
	[tilespmem:s16+$0xFFFFFFF0] =	vst v0;
	v0 =	vpop (erf)  }
0x41a: {  	v3 =	vld [tilespmem:s20+$0xFFFFFFF0];
	p0 =	slt.u32 s19, $0x1C;
	v4 =	vmul.f32 $1.442695020e+00, v4;
	(erf) = vpow2.f32 v5;
	[tilespmem:s16+$0x0] =	vst v0;
	v0 =	vpop (erf)  }
0x41b: {  	v5 =	vld [tilespmem:s20+$0x0];
	v7 =	vmul.f32 $1.442695020e+00, v1;
	(erf) = vpow2.f32 v8;
	v2 =	vpop (erf);
	[tilespmem:s16+$0xFFFFFFE0] =	vst v0;
	s16 =	smov.u32 s15;
	s15 =	smov.u32 s17;
	s17 =	smov.u32 s18  }
.Ltmp2:
0x41c: {  	s18 =	smov.u32 s20;
	v1 =	vld [tilespmem:s20+$0xFFFFFFE0];
	(erf) = vpow2.f32 v4;
	v9 =	vadd.f32 $1.000000000e+00, v2;
	v2 =	vpop (erf);
	(pc) =	sbr.rel @p0 .LBB2_6-.Ltmp2, $4  }
0x41d: {  	(erf) = vpow2.f32 v7;
	v4 =	vadd.f32 $1.000000000e+00, v2;
	v2 =	vpop (erf)  }
0x41e: {  	v6 =	vsub.f32 $0.0e+00, v6;
	v7 =	vadd.f32 $1.000000000e+00, v2;
	v8 =	vpop (erf);
	(erf) = vrcp.f32 v9  }
0x41f: {  	v2 =	vsub.f32 $0.0e+00, v3;
	v3 =	vadd.f32 $1.000000000e+00, v8;
	(erf) = vrcp.f32 v4;
	v0 =	vpop (erf)  }
0x420: {  	s20 =	sadd.s32 $0x40, s20;
	v4 =	vsub.f32 $0.0e+00, v5;
	v5 =	vmul.f32 $1.442695020e+00, v6;
	(erf) = vrcp.f32 v7;
	[tilespmem:s16+$0x10] =	vst v0;
	v0 =	vpop (erf)  }
0x421: {  	v1 =	vsub.f32 $0.0e+00, v1;
	v2 =	vmul.f32 $1.442695020e+00, v2;
	(erf) = vrcp.f32 v3;
	v42 =	vpop (erf)  }
0x422: {  	v4 =	vmul.f32 $1.442695020e+00, v4;
	(erf) = vpow2.f32 v5;
	v43 =	vpop (erf)  }
0x423: {  	v1 =	vmul.f32 $1.442695020e+00, v1;
	(erf) = vpow2.f32 v2;
	v44 =	vpop (erf)  }
0x424: {  	(erf) = vpow2.f32 v4;
	v45 =	vpop (erf)  }
0x425: {  	(erf) = vpow2.f32 v1;
	v46 =	vpop (erf)  }
0x426: {  	v6 =	vpop (erf)  }
0x427: {  	v7 =	vpop (erf)  }
0x428: {  	v2 =	vadd.f32 $1.000000000e+00, v44;
	v8 =	vpop (erf)  }
0x429: {  	v4 =	vadd.f32 $1.000000000e+00, v45;
	v9 =	vpop (erf)  }
0x42a: {  	v1 =	vadd.f32 $1.000000000e+00, v46;
	(erf) = vrcp.f32 v2;
	v47 =	vpop (erf)  }
0x42b: {  	v6 =	vadd.f32 $1.000000000e+00, v6;
	(erf) = vrcp.f32 v4;
	v48 =	vpop (erf)  }
0x42c: {  	(erf) = vrcp.f32 v1;
	v49 =	vadd.f32 $1.000000000e+00, v48;
	v50 =	vpop (erf)  }
0x42d: {  	[tilespmem:s16+$0xFFFFFFF0] =	vst v0;
	(erf) = vrcp.f32 v6;
	v51 =	vadd.f32 $1.000000000e+00, v50;
	v52 =	vpop (erf)  }
0x42e: {  	[tilespmem:s16+$0x0] =	vst v42;
	v53 =	vadd.f32 $1.000000000e+00, v52;
	(erf) = vrcp.f32 v49;
	v54 =	vpop (erf)  }
0x42f: {  	[tilespmem:s16+$0xFFFFFFE0] =	vst v43;
	(erf) = vrcp.f32 v51;
	v55 =	vadd.f32 $1.000000000e+00, v54  }
0x430: {  	[tilespmem:s15+$0x10] =	vst v7;
	(erf) = vrcp.f32 v53  }
0x431: {  	[tilespmem:s15+$0xFFFFFFF0] =	vst v8;
	(erf) = vrcp.f32 v55  }
0x432: {  	[tilespmem:s15+$0x0] =	vst v9  }
0x433: {  	[tilespmem:s15+$0xFFFFFFE0] =	vst v47;
	v56 =	vpop (erf)  }
0x434: {  	[tilespmem:s17+$0x10] =	vst v56;
	v57 =	vpop (erf)  }
0x435: {  	[tilespmem:s17+$0xFFFFFFF0] =	vst v57;
	v58 =	vpop (erf)  }
0x436: {  	[tilespmem:s17+$0x0] =	vst v58;
	v59 =	vpop (erf)  }
0x437: {  	[tilespmem:s17+$0xFFFFFFE0] =	vst v59;
	v60 =	vpop (erf)  }
0x438: {  	[tilespmem:s18+$0x10] =	vst v60;
	v61 =	vpop (erf)  }
0x439: {  	s14 =	sadd.s32 $0x1, s14;
	[tilespmem:s18+$0xFFFFFFF0] =	vst v61;
	v62 =	vpop (erf)  }
0x43a: {  	p0 =	sne.s32 s14, s7;
	[tilespmem:s18+$0x0] =	vst v62;
	v63 =	vpop (erf)  }
.Ltmp3:
0x43b: {  	[tilespmem:s18+$0xFFFFFFE0] =	vst v63;
	(pc) =	sbr.rel @p0 .LBB2_1-.Ltmp3, $4  }
0x43c: {  	[hbm4b:s6+s3] =	stream.linear.scatter [tilespmem:s13], [sflag:$0x3], $0x200, $0x38;
	[tilespmem:$0x12400] =	vst v63  }
0x43d: {  	_ =	swait.ge [sflag:s8], $0x200  }
0x43e: {  	[sflag:s8] =	ssyncset.done $0x0  }
0x43f: {  	[sflag:s8] =	ssyncadd.s32 $0xFFFFFE00  }
0x440: {  	_ =	sfence.sel $0x180000  }
0x441: {  	[bflag:$0x0] =	sbarrier.arrive $0xFFFF  }
0x442: {  	p0 =	sne.s32 s2, $0x0;
	_ =	strace $0x90000047  }
0x443: {  	s0 =	sadd.s32 @!p0 $0x100000, s1;
	[bflag:$0x2] =	sbarrier.arrive $0xFFFF  }
0x444: {  	[sflag:s0] =	ssyncadd.tile.s32 @!p0 $0x1;
	_ =	shalt  }
.Lfunc_end2:
_tile_overlayer_lowered:
.L_overlay_start_2:
0x445: {  	(tag) =	ssettag $0x2  }
0x446: {  	s0 =	rddreg [dreg:$0x0];
	s2 =	stileid.u32  }
0x447: {  	s1 =	rddreg [dreg:$0x1];
	p0 =	sne.s32 s2, $0x0  }
0x448: {  	s3 =	rddreg [dreg:$0x2];
	[bflag:$0x3] =	sbarrier.arrive $0xFFFF;
	s2 =	simm.s32 @!p0 $0x1C03  }
0x449: {  	[timem:s3], [sflag:s2] =	dma.local @!p0 [hbm:s0], s1  }
0x44a: {  	s0 =	simm.s32 @!p0 $0x3  }
0x44b: {  	_ =	swait.ge @!p0 [sflag:s0], s1  }
0x44c: {  	s1 =	ssub.s32 @!p0 $0x0, s1;
	[sflag:s0] =	ssyncset.done @!p0 $0x0  }
0x44d: {  	[sflag:s0] =	ssyncadd.s32 @!p0 s1  }
0x44e: {  	[bflag:$0x3] =	sbarrier.arrive $0xFFFF  }
0x44f: {  	_ =	shalt  }

</sc_bundles>
